<compile_context>
chip_gen: v7x
topology: tpu7x:2x2x1
jax: 0.10.2.dev20260603
libtpu: 0.0.44.dev20260713+nightly
codegen_flags: <defaults>
</compile_context>

<pallas_src>
import functools
import math

import jax
import jax.numpy as jnp
from jax import lax
from jax.experimental import pallas as pl
from jax.experimental.pallas import tpu as pltpu
from jax.experimental.pallas import tpu_sc as plsc

_V = 1024
_D = 256
_NF = 10
_W = _D + 2 * _NF
_B = 16384
_F = 3
_NW = 32
_ROWS_W = _B // _NW
_R = 64
_NCHUNK = _ROWS_W // _R
_NBUF = 2
_RT = 4 * _NF


def _fourier(rows):
    d = lax.broadcasted_iota(jnp.int32, (rows, 2 * _NF), 0).astype(jnp.float32)
    k = lax.broadcasted_iota(jnp.int32, (rows, 2 * _NF), 1)
    kk = k % _NF
    coef = (jnp.float32(math.pi) / jnp.float32(_V)) * (
        lax.shift_left(jnp.int32(1), kk).astype(jnp.float32))
    raw = coef * d
    return jnp.where(k < _NF, jnp.sin(raw), jnp.cos(raw))


def _tables_body(emb_ref, tb_ref, four_ref):
    tb_ref[...] = jnp.concatenate(
        [jnp.zeros((_V, 2 * _NF), jnp.float32), emb_ref[:, :_D - 2 * _NF]],
        axis=1)
    four_ref[...] = _fourier(_V)


def _build_tables(embed_table):
    return pl.pallas_call(
        _tables_body,
        out_shape=(
            jax.ShapeDtypeStruct((_V, _D), jnp.float32),
            jax.ShapeDtypeStruct((_V, 2 * _NF), jnp.float32),
        ),
    )(embed_table)


def _sc_body(emb, tb, rtab, t_T, out, t_v, idx_e, idx_o, rtab_v,
             obufs, sas, sbs, sos):
    wid = lax.axis_index("s") * 2 + lax.axis_index("c")
    pltpu.sync_copy(t_T.at[:, pl.ds(wid * _ROWS_W, _ROWS_W)], t_v)
    pltpu.sync_copy(rtab, rtab_v)

    lane = lax.iota(jnp.int32, 16)
    zero = lane * 0
    for u in range(_ROWS_W // 16):
        off16 = u * 16
        t0 = t_v[0, pl.ds(off16, 16)]
        t1 = t_v[1, pl.ds(off16, 16)]
        t2 = t_v[2, pl.ds(off16, 16)]
        cc = u // (_R // 16)
        off = (u % (_R // 16)) * 16
        idx_e[cc, pl.ds(off, 16)] = t1 - t0
        idx_o[cc, pl.ds(off, 16)] = t2 - t1

    orow_base = wid * _ROWS_W

    def _fire(c):
        p = c % _NBUF
        ga = pltpu.async_copy(
            emb.at[idx_e.at[c]], obufs[p].at[:, pl.ds(0, _D)], sas[p])
        gb = pltpu.async_copy(
            tb.at[idx_o.at[c]], obufs[p].at[:, pl.ds(_D, _D)], sbs[p])
        return (ga, gb)

    def _repair(c):
        p = c % _NBUF
        obuf = obufs[p]
        for s in range(_R // 16):
            rows = lane + (s * 16)
            f0 = idx_e[c, pl.ds(s * 16, 16)] * _RT + (2 * _NF)
            f1 = idx_o[c, pl.ds(s * 16, 16)] * _RT

            def f_fix(k, _):
                fl = f0 + k
                vals = plsc.load_gather(rtab_v, [fl >> 7, fl & 127])
                plsc.store_scatter(obuf, [rows, zero + (_D + k)], vals)
                return 0

            def t_fix(k, _):
                fl = f1 + k
                vals = plsc.load_gather(rtab_v, [fl >> 7, fl & 127])
                plsc.store_scatter(obuf, [rows, zero + (2 * _D + k)], vals)
                return 0

            lax.fori_loop(0, 2 * _NF, f_fix, 0)
            lax.fori_loop(0, _RT, t_fix, 0)

    gh = [None] * _NCHUNK
    oh = [None] * _NCHUNK
    for c in range(_NBUF - 1):
        gh[c] = _fire(c)
    for c in range(_NCHUNK):
        if c + _NBUF - 1 < _NCHUNK:
            if c >= 1:
                oh[c - 1].wait()
            gh[c + _NBUF - 1] = _fire(c + _NBUF - 1)
        for h in gh[c]:
            h.wait()
        _repair(c)
        p = c % _NBUF
        oh[c] = pltpu.make_async_copy(
            obufs[p], out.at[pl.ds(orow_base + c * _R, _R)], sos[p])
        oh[c].start()
    oh[_NCHUNK - 2].wait()
    oh[_NCHUNK - 1].wait()


@functools.partial(
    pl.kernel,
    out_type=jax.ShapeDtypeStruct((_B, 2 * _W), jnp.float32),
    mesh=plsc.VectorSubcoreMesh(core_axis_name="c", subcore_axis_name="s"),
    compiler_params=pltpu.CompilerParams(needs_layout_passes=False),
    scratch_types=[
        pltpu.VMEM((_F, _ROWS_W), jnp.int32),
        pltpu.VMEM((_NCHUNK, _R), jnp.int32),
        pltpu.VMEM((_NCHUNK, _R), jnp.int32),
        pltpu.VMEM((_V * _RT // 128, 128), jnp.float32),
        pltpu.VMEM((_R, 2 * _W), jnp.float32),
        pltpu.VMEM((_R, 2 * _W), jnp.float32),
        pltpu.SemaphoreType.DMA,
        pltpu.SemaphoreType.DMA,
        pltpu.SemaphoreType.DMA,
        pltpu.SemaphoreType.DMA,
        pltpu.SemaphoreType.DMA,
        pltpu.SemaphoreType.DMA,
    ],
)
def _sc_gather(emb, tb, rtab, t_T, out, t_v, idx_e, idx_o, rtab_v,
               ob0, ob1, a0, a1, b0, b1, o0, o1):
    _sc_body(emb, tb, rtab, t_T, out, t_v, idx_e, idx_o, rtab_v,
             (ob0, ob1), (a0, a1), (b0, b1), (o0, o1))


def kernel(t, embed_table):
    tb, four = _build_tables(embed_table)
    rtab = jnp.concatenate(
        [embed_table[:, _D - 2 * _NF:], four], axis=1).reshape(
            _V * _RT // 128, 128)
    return _sc_gather(embed_table, tb, rtab, t.T)

# --- scband reference (transcript-rebuilt; emitter-appended) ---
"""Pipeline reference for scband-temporal-difference-encoder-7370163879948 (READ-ONLY COPY).

The authoritative reference and input builder live on the scoring server;
editing this copy changes nothing except your own understanding.
"""

import jax, jax.numpy as jnp
import numpy as np

MAX_NUM_FRAMES = 1024
D = 256
BATCH = 16384
NUM_FRAMES = 3

def _fourier_coefs():
    time_resolution = 2 ** np.ceil(np.log2(MAX_NUM_FRAMES))
    num_feats = int(np.ceil(np.log2(time_resolution)))
    powers = (2.0 ** np.arange(num_feats)).astype(np.float32)
    return jnp.asarray(powers[None, :] * np.pi / time_resolution, dtype=jnp.float32)


def setup_inputs(seed: int = 0) -> dict:
    key = jax.random.key(seed)
    k1, k2 = jax.random.split(key)
    t = jnp.sort(jax.random.randint(k1, (BATCH, NUM_FRAMES), 0, MAX_NUM_FRAMES, dtype=jnp.int32), axis=1)
    embed_table = jax.random.normal(k2, (MAX_NUM_FRAMES, D), dtype=jnp.float32)
    return {"t": t, "embed_table": embed_table}


def reference(t, embed_table):
    # cfg.sampling.type != 'uniform' -> use all (num_frames-1) consecutive diffs
    B = t.shape[0]
    t_diffs = (t[:, 1:] - t[:, :-1]).reshape(-1)
    idx = jnp.round(t_diffs.astype(jnp.float32)).astype(jnp.int32)
    const_embs = jnp.take(embed_table, idx, axis=0)  # [B*(F-1), 256]
    coefs = _fourier_coefs()  # [1, 10]
    raw = coefs * t_diffs.astype(jnp.float32)[:, None]  # [B*(F-1), 10]
    fourier_embs = jnp.concatenate([jnp.sin(raw), jnp.cos(raw)], axis=1)  # [B*(F-1), 20]
    out = jnp.concatenate([const_embs, fourier_embs], axis=1)  # [B*(F-1), 276]
    out = out.reshape(B, -1)  # [B, (F-1)*276] = [16384, 552]
    return out

if __name__ == "__main__":
    import jax
    _d = setup_inputs()
    print(jax.jit(kernel)(*tuple(_d.values())))

</pallas_src>

<mosaic_0001>
#map = affine_map<(d0, d1) -> (0, 0)>
module attributes {stable_mosaic.version = 14 : i64} {
  func.func @_sc_gather(%arg0: i32, %arg1: i32, %arg2: memref<1024x256xf32, #tpu.memory_space<hbm>>, %arg3: memref<1024x256xf32, #tpu.memory_space<hbm>>, %arg4: memref<320x128xf32, #tpu.memory_space<hbm>>, %arg5: memref<3x16384xi32, #tpu.memory_space<hbm>>, %arg6: memref<16384x552xf32, #tpu.memory_space<hbm>>, %arg7: memref<3x512xi32, #tpu.memory_space<vmem>>, %arg8: memref<8x64xi32, #tpu.memory_space<vmem>>, %arg9: memref<8x64xi32, #tpu.memory_space<vmem>>, %arg10: memref<320x128xf32, #tpu.memory_space<vmem>>, %arg11: memref<64x552xf32, #tpu.memory_space<vmem>>, %arg12: memref<64x552xf32, #tpu.memory_space<vmem>>, %arg13: memref<!tpu.dma_semaphore, #tpu.memory_space<semaphore_mem>>, %arg14: memref<!tpu.dma_semaphore, #tpu.memory_space<semaphore_mem>>, %arg15: memref<!tpu.dma_semaphore, #tpu.memory_space<semaphore_mem>>, %arg16: memref<!tpu.dma_semaphore, #tpu.memory_space<semaphore_mem>>, %arg17: memref<!tpu.dma_semaphore, #tpu.memory_space<semaphore_mem>>, %arg18: memref<!tpu.dma_semaphore, #tpu.memory_space<semaphore_mem>>) attributes {dimension_semantics = [#tpu.dimension_semantics<core_parallel>, #tpu.dimension_semantics<subcore_parallel>], iteration_bounds = array<i64: 2, 16>, scalar_prefetch = 0 : i64, scratch_operands = 12 : i64, tpu.core_type = #tpu.core_type<sc_vector_subcore>, window_params = [{transform_indices = #map}, {transform_indices = #map}, {transform_indices = #map}, {transform_indices = #map}, {transform_indices = #map}]} {
    %mul3A = arith.constant 2 : i32
    %mul3A_0 = arith.muli %arg1, %mul3A : i32
    %add3A = arith.addi %mul3A_0, %arg0 : i32
    %mul3A_1 = arith.constant 512 : i32
    %mul3A_2 = arith.muli %add3A, %mul3A_1 : i32
    "tpu.region"() ({
      %run_scoped3A = tpu.sem_alloc : memref<!tpu.dma_semaphore, #tpu.memory_space<semaphore_mem>>
      %dma_start3A_2194 = arith.constant 0 : i32
      %dma_start3A_2195 = tpu.memref_slice %arg5[%dma_start3A_2194, %mul3A_2] : memref<3x16384xi32, #tpu.memory_space<hbm>> -> memref<3x512xi32, #tpu.memory_space<hbm>>
      %dma_start3A_2196 = arith.constant 0 : i32
      %dma_start3A_2197 = tpu.memref_slice %arg5[%dma_start3A_2196, %mul3A_2] : memref<3x16384xi32, #tpu.memory_space<hbm>> -> memref<3x512xi32, #tpu.memory_space<hbm>>
      tpu.enqueue_dma source(%dma_start3A_2197 : memref<3x512xi32, #tpu.memory_space<hbm>>) target(%arg7 : memref<3x512xi32, #tpu.memory_space<vmem>>) target_semaphore(%run_scoped3A : memref<!tpu.dma_semaphore, #tpu.memory_space<semaphore_mem>>)
      %dma_wait3A_2198 = arith.constant 0 : i32
      %dma_wait3A_2199 = tpu.memref_slice %arg5[%dma_wait3A_2198, %mul3A_2] : memref<3x16384xi32, #tpu.memory_space<hbm>> -> memref<3x512xi32, #tpu.memory_space<hbm>>
      %dma_wait3A_2200 = arith.constant 0 : i32
      %dma_wait3A_2201 = tpu.memref_slice %arg5[%dma_wait3A_2200, %mul3A_2] : memref<3x16384xi32, #tpu.memory_space<hbm>> -> memref<3x512xi32, #tpu.memory_space<hbm>>
      tpu.wait_dma2 semaphore(%run_scoped3A : memref<!tpu.dma_semaphore, #tpu.memory_space<semaphore_mem>>) src(%dma_wait3A_2201 : memref<3x512xi32, #tpu.memory_space<hbm>>) dst(%arg7 : memref<3x512xi32, #tpu.memory_space<vmem>>)
      tpu.yield
    }) : () -> ()
    "tpu.region"() ({
      %run_scoped3A = tpu.sem_alloc : memref<!tpu.dma_semaphore, #tpu.memory_space<semaphore_mem>>
      tpu.enqueue_dma source(%arg4 : memref<320x128xf32, #tpu.memory_space<hbm>>) target(%arg10 : memref<320x128xf32, #tpu.memory_space<vmem>>) target_semaphore(%run_scoped3A : memref<!tpu.dma_semaphore, #tpu.memory_space<semaphore_mem>>)
      tpu.wait_dma2 semaphore(%run_scoped3A : memref<!tpu.dma_semaphore, #tpu.memory_space<semaphore_mem>>) src(%arg4 : memref<320x128xf32, #tpu.memory_space<hbm>>) dst(%arg10 : memref<320x128xf32, #tpu.memory_space<vmem>>)
      tpu.yield
    }) : () -> ()
    %iota3A = tpu.iota {dimensions = array<i32: 0>} : vector<16xi32>
    %mul3A_3 = arith.constant 0 : i32
    %mul3A_4 = vector.broadcast %mul3A_3 : i32 to vector<16xi32>
    %mul3A_5 = arith.muli %iota3A, %mul3A_4 : vector<16xi32>
    %get3A = arith.constant 0 : i32
    %get3A_6 = arith.index_cast %get3A : i32 to index
    %get3A_7 = arith.constant 0 : index
    %get3A_8 = tpu.vector_load %arg7[%get3A_6, %get3A_7] {strides = array<i32>} : memref<3x512xi32, #tpu.memory_space<vmem>>, vector<16xi32>,
    %get3A_9 = arith.constant 1 : i32
    %get3A_10 = arith.index_cast %get3A_9 : i32 to index
    %get3A_11 = arith.constant 0 : index
    %get3A_12 = tpu.vector_load %arg7[%get3A_10, %get3A_11] {strides = array<i32>} : memref<3x512xi32, #tpu.memory_space<vmem>>, vector<16xi32>,
    %get3A_13 = arith.constant 2 : i32
    %get3A_14 = arith.index_cast %get3A_13 : i32 to index
    %get3A_15 = arith.constant 0 : index
    %get3A_16 = tpu.vector_load %arg7[%get3A_14, %get3A_15] {strides = array<i32>} : memref<3x512xi32, #tpu.memory_space<vmem>>, vector<16xi32>,
    %sub3A = arith.subi %get3A_12, %get3A_8 : vector<16xi32>
    %swap3A = arith.constant 0 : i32
    %swap3A_17 = arith.index_cast %swap3A : i32 to index
    %swap3A_18 = arith.constant 0 : index
    %swap3A_19 = tpu.vector_load %arg8[%swap3A_17, %swap3A_18] {strides = array<i32>} : memref<8x64xi32, #tpu.memory_space<vmem>>, vector<16xi32>,
    tpu.vector_store %arg8[%swap3A_17, %swap3A_18], %sub3A {strides = array<i32>} : memref<8x64xi32, #tpu.memory_space<vmem>>, vector<16xi32>,
    %sub3A_20 = arith.subi %get3A_16, %get3A_12 : vector<16xi32>
    %swap3A_21 = arith.constant 0 : i32
    %swap3A_22 = arith.index_cast %swap3A_21 : i32 to index
    %swap3A_23 = arith.constant 0 : index
    %swap3A_24 = tpu.vector_load %arg9[%swap3A_22, %swap3A_23] {strides = array<i32>} : memref<8x64xi32, #tpu.memory_space<vmem>>, vector<16xi32>,
    tpu.vector_store %arg9[%swap3A_22, %swap3A_23], %sub3A_20 {strides = array<i32>} : memref<8x64xi32, #tpu.memory_space<vmem>>, vector<16xi32>,
    %get3A_25 = arith.constant 0 : i32
    %get3A_26 = arith.index_cast %get3A_25 : i32 to index
    %get3A_27 = arith.constant 16 : index
    %get3A_28 = tpu.vector_load %arg7[%get3A_26, %get3A_27] {strides = array<i32>} : memref<3x512xi32, #tpu.memory_space<vmem>>, vector<16xi32>,
    %get3A_29 = arith.constant 1 : i32
    %get3A_30 = arith.index_cast %get3A_29 : i32 to index
    %get3A_31 = arith.constant 16 : index
    %get3A_32 = tpu.vector_load %arg7[%get3A_30, %get3A_31] {strides = array<i32>} : memref<3x512xi32, #tpu.memory_space<vmem>>, vector<16xi32>,
    %get3A_33 = arith.constant 2 : i32
    %get3A_34 = arith.index_cast %get3A_33 : i32 to index
    %get3A_35 = arith.constant 16 : index
    %get3A_36 = tpu.vector_load %arg7[%get3A_34, %get3A_35] {strides = array<i32>} : memref<3x512xi32, #tpu.memory_space<vmem>>, vector<16xi32>,
    %sub3A_37 = arith.subi %get3A_32, %get3A_28 : vector<16xi32>
    %swap3A_38 = arith.constant 0 : i32
    %swap3A_39 = arith.index_cast %swap3A_38 : i32 to index
    %swap3A_40 = arith.constant 16 : index
    %swap3A_41 = tpu.vector_load %arg8[%swap3A_39, %swap3A_40] {strides = array<i32>} : memref<8x64xi32, #tpu.memory_space<vmem>>, vector<16xi32>,
    tpu.vector_store %arg8[%swap3A_39, %swap3A_40], %sub3A_37 {strides = array<i32>} : memref<8x64xi32, #tpu.memory_space<vmem>>, vector<16xi32>,
    %sub3A_42 = arith.subi %get3A_36, %get3A_32 : vector<16xi32>
    %swap3A_43 = arith.constant 0 : i32
    %swap3A_44 = arith.index_cast %swap3A_43 : i32 to index
    %swap3A_45 = arith.constant 16 : index
    %swap3A_46 = tpu.vector_load %arg9[%swap3A_44, %swap3A_45] {strides = array<i32>} : memref<8x64xi32, #tpu.memory_space<vmem>>, vector<16xi32>,
    tpu.vector_store %arg9[%swap3A_44, %swap3A_45], %sub3A_42 {strides = array<i32>} : memref<8x64xi32, #tpu.memory_space<vmem>>, vector<16xi32>,
    %get3A_47 = arith.constant 0 : i32
    %get3A_48 = arith.index_cast %get3A_47 : i32 to index
    %get3A_49 = arith.constant 32 : index
    %get3A_50 = tpu.vector_load %arg7[%get3A_48, %get3A_49] {strides = array<i32>} : memref<3x512xi32, #tpu.memory_space<vmem>>, vector<16xi32>,
    %get3A_51 = arith.constant 1 : i32
    %get3A_52 = arith.index_cast %get3A_51 : i32 to index
    %get3A_53 = arith.constant 32 : index
    %get3A_54 = tpu.vector_load %arg7[%get3A_52, %get3A_53] {strides = array<i32>} : memref<3x512xi32, #tpu.memory_space<vmem>>, vector<16xi32>,
    %get3A_55 = arith.constant 2 : i32
    %get3A_56 = arith.index_cast %get3A_55 : i32 to index
    %get3A_57 = arith.constant 32 : index
    %get3A_58 = tpu.vector_load %arg7[%get3A_56, %get3A_57] {strides = array<i32>} : memref<3x512xi32, #tpu.memory_space<vmem>>, vector<16xi32>,
    %sub3A_59 = arith.subi %get3A_54, %get3A_50 : vector<16xi32>
    %swap3A_60 = arith.constant 0 : i32
    %swap3A_61 = arith.index_cast %swap3A_60 : i32 to index
    %swap3A_62 = arith.constant 32 : index
    %swap3A_63 = tpu.vector_load %arg8[%swap3A_61, %swap3A_62] {strides = array<i32>} : memref<8x64xi32, #tpu.memory_space<vmem>>, vector<16xi32>,
    tpu.vector_store %arg8[%swap3A_61, %swap3A_62], %sub3A_59 {strides = array<i32>} : memref<8x64xi32, #tpu.memory_space<vmem>>, vector<16xi32>,
    %sub3A_64 = arith.subi %get3A_58, %get3A_54 : vector<16xi32>
    %swap3A_65 = arith.constant 0 : i32
    %swap3A_66 = arith.index_cast %swap3A_65 : i32 to index
    %swap3A_67 = arith.constant 32 : index
    %swap3A_68 = tpu.vector_load %arg9[%swap3A_66, %swap3A_67] {strides = array<i32>} : memref<8x64xi32, #tpu.memory_space<vmem>>, vector<16xi32>,
    tpu.vector_store %arg9[%swap3A_66, %swap3A_67], %sub3A_64 {strides = array<i32>} : memref<8x64xi32, #tpu.memory_space<vmem>>, vector<16xi32>,
    %get3A_69 = arith.constant 0 : i32
    %get3A_70 = arith.index_cast %get3A_69 : i32 to index
    %get3A_71 = arith.constant 48 : index
    %get3A_72 = tpu.vector_load %arg7[%get3A_70, %get3A_71] {strides = array<i32>} : memref<3x512xi32, #tpu.memory_space<vmem>>, vector<16xi32>,
    %get3A_73 = arith.constant 1 : i32
    %get3A_74 = arith.index_cast %get3A_73 : i32 to index
    %get3A_75 = arith.constant 48 : index
    %get3A_76 = tpu.vector_load %arg7[%get3A_74, %get3A_75] {strides = array<i32>} : memref<3x512xi32, #tpu.memory_space<vmem>>, vector<16xi32>,
    %get3A_77 = arith.constant 2 : i32
    %get3A_78 = arith.index_cast %get3A_77 : i32 to index
    %get3A_79 = arith.constant 48 : index
    %get3A_80 = tpu.vector_load %arg7[%get3A_78, %get3A_79] {strides = array<i32>} : memref<3x512xi32, #tpu.memory_space<vmem>>, vector<16xi32>,
    %sub3A_81 = arith.subi %get3A_76, %get3A_72 : vector<16xi32>
    %swap3A_82 = arith.constant 0 : i32
    %swap3A_83 = arith.index_cast %swap3A_82 : i32 to index
    %swap3A_84 = arith.constant 48 : index
    %swap3A_85 = tpu.vector_load %arg8[%swap3A_83, %swap3A_84] {strides = array<i32>} : memref<8x64xi32, #tpu.memory_space<vmem>>, vector<16xi32>,
    tpu.vector_store %arg8[%swap3A_83, %swap3A_84], %sub3A_81 {strides = array<i32>} : memref<8x64xi32, #tpu.memory_space<vmem>>, vector<16xi32>,
    %sub3A_86 = arith.subi %get3A_80, %get3A_76 : vector<16xi32>
    %swap3A_87 = arith.constant 0 : i32
    %swap3A_88 = arith.index_cast %swap3A_87 : i32 to index
    %swap3A_89 = arith.constant 48 : index
    %swap3A_90 = tpu.vector_load %arg9[%swap3A_88, %swap3A_89] {strides = array<i32>} : memref<8x64xi32, #tpu.memory_space<vmem>>, vector<16xi32>,
    tpu.vector_store %arg9[%swap3A_88, %swap3A_89], %sub3A_86 {strides = array<i32>} : memref<8x64xi32, #tpu.memory_space<vmem>>, vector<16xi32>,
    %get3A_91 = arith.constant 0 : i32
    %get3A_92 = arith.index_cast %get3A_91 : i32 to index
    %get3A_93 = arith.constant 64 : index
    %get3A_94 = tpu.vector_load %arg7[%get3A_92, %get3A_93] {strides = array<i32>} : memref<3x512xi32, #tpu.memory_space<vmem>>, vector<16xi32>,
    %get3A_95 = arith.constant 1 : i32
    %get3A_96 = arith.index_cast %get3A_95 : i32 to index
    %get3A_97 = arith.constant 64 : index
    %get3A_98 = tpu.vector_load %arg7[%get3A_96, %get3A_97] {strides = array<i32>} : memref<3x512xi32, #tpu.memory_space<vmem>>, vector<16xi32>,
    %get3A_99 = arith.constant 2 : i32
    %get3A_100 = arith.index_cast %get3A_99 : i32 to index
    %get3A_101 = arith.constant 64 : index
    %get3A_102 = tpu.vector_load %arg7[%get3A_100, %get3A_101] {strides = array<i32>} : memref<3x512xi32, #tpu.memory_space<vmem>>, vector<16xi32>,
    %sub3A_103 = arith.subi %get3A_98, %get3A_94 : vector<16xi32>
    %swap3A_104 = arith.constant 1 : i32
    %swap3A_105 = arith.index_cast %swap3A_104 : i32 to index
    %swap3A_106 = arith.constant 0 : index
    %swap3A_107 = tpu.vector_load %arg8[%swap3A_105, %swap3A_106] {strides = array<i32>} : memref<8x64xi32, #tpu.memory_space<vmem>>, vector<16xi32>,
    tpu.vector_store %arg8[%swap3A_105, %swap3A_106], %sub3A_103 {strides = array<i32>} : memref<8x64xi32, #tpu.memory_space<vmem>>, vector<16xi32>,
    %sub3A_108 = arith.subi %get3A_102, %get3A_98 : vector<16xi32>
    %swap3A_109 = arith.constant 1 : i32
    %swap3A_110 = arith.index_cast %swap3A_109 : i32 to index
    %swap3A_111 = arith.constant 0 : index
    %swap3A_112 = tpu.vector_load %arg9[%swap3A_110, %swap3A_111] {strides = array<i32>} : memref<8x64xi32, #tpu.memory_space<vmem>>, vector<16xi32>,
    tpu.vector_store %arg9[%swap3A_110, %swap3A_111], %sub3A_108 {strides = array<i32>} : memref<8x64xi32, #tpu.memory_space<vmem>>, vector<16xi32>,
    %get3A_113 = arith.constant 0 : i32
    %get3A_114 = arith.index_cast %get3A_113 : i32 to index
    %get3A_115 = arith.constant 80 : index
    %get3A_116 = tpu.vector_load %arg7[%get3A_114, %get3A_115] {strides = array<i32>} : memref<3x512xi32, #tpu.memory_space<vmem>>, vector<16xi32>,
    %get3A_117 = arith.constant 1 : i32
    %get3A_118 = arith.index_cast %get3A_117 : i32 to index
    %get3A_119 = arith.constant 80 : index
    %get3A_120 = tpu.vector_load %arg7[%get3A_118, %get3A_119] {strides = array<i32>} : memref<3x512xi32, #tpu.memory_space<vmem>>, vector<16xi32>,
    %get3A_121 = arith.constant 2 : i32
    %get3A_122 = arith.index_cast %get3A_121 : i32 to index
    %get3A_123 = arith.constant 80 : index
    %get3A_124 = tpu.vector_load %arg7[%get3A_122, %get3A_123] {strides = array<i32>} : memref<3x512xi32, #tpu.memory_space<vmem>>, vector<16xi32>,
    %sub3A_125 = arith.subi %get3A_120, %get3A_116 : vector<16xi32>
    %swap3A_126 = arith.constant 1 : i32
    %swap3A_127 = arith.index_cast %swap3A_126 : i32 to index
    %swap3A_128 = arith.constant 16 : index
    %swap3A_129 = tpu.vector_load %arg8[%swap3A_127, %swap3A_128] {strides = array<i32>} : memref<8x64xi32, #tpu.memory_space<vmem>>, vector<16xi32>,
    tpu.vector_store %arg8[%swap3A_127, %swap3A_128], %sub3A_125 {strides = array<i32>} : memref<8x64xi32, #tpu.memory_space<vmem>>, vector<16xi32>,
    %sub3A_130 = arith.subi %get3A_124, %get3A_120 : vector<16xi32>
    %swap3A_131 = arith.constant 1 : i32
    %swap3A_132 = arith.index_cast %swap3A_131 : i32 to index
    %swap3A_133 = arith.constant 16 : index
    %swap3A_134 = tpu.vector_load %arg9[%swap3A_132, %swap3A_133] {strides = array<i32>} : memref<8x64xi32, #tpu.memory_space<vmem>>, vector<16xi32>,
    tpu.vector_store %arg9[%swap3A_132, %swap3A_133], %sub3A_130 {strides = array<i32>} : memref<8x64xi32, #tpu.memory_space<vmem>>, vector<16xi32>,
    %get3A_135 = arith.constant 0 : i32
    %get3A_136 = arith.index_cast %get3A_135 : i32 to index
    %get3A_137 = arith.constant 96 : index
    %get3A_138 = tpu.vector_load %arg7[%get3A_136, %get3A_137] {strides = array<i32>} : memref<3x512xi32, #tpu.memory_space<vmem>>, vector<16xi32>,
    %get3A_139 = arith.constant 1 : i32
    %get3A_140 = arith.index_cast %get3A_139 : i32 to index
    %get3A_141 = arith.constant 96 : index
    %get3A_142 = tpu.vector_load %arg7[%get3A_140, %get3A_141] {strides = array<i32>} : memref<3x512xi32, #tpu.memory_space<vmem>>, vector<16xi32>,
    %get3A_143 = arith.constant 2 : i32
    %get3A_144 = arith.index_cast %get3A_143 : i32 to index
    %get3A_145 = arith.constant 96 : index
    %get3A_146 = tpu.vector_load %arg7[%get3A_144, %get3A_145] {strides = array<i32>} : memref<3x512xi32, #tpu.memory_space<vmem>>, vector<16xi32>,
    %sub3A_147 = arith.subi %get3A_142, %get3A_138 : vector<16xi32>
    %swap3A_148 = arith.constant 1 : i32
    %swap3A_149 = arith.index_cast %swap3A_148 : i32 to index
    %swap3A_150 = arith.constant 32 : index
    %swap3A_151 = tpu.vector_load %arg8[%swap3A_149, %swap3A_150] {strides = array<i32>} : memref<8x64xi32, #tpu.memory_space<vmem>>, vector<16xi32>,
    tpu.vector_store %arg8[%swap3A_149, %swap3A_150], %sub3A_147 {strides = array<i32>} : memref<8x64xi32, #tpu.memory_space<vmem>>, vector<16xi32>,
    %sub3A_152 = arith.subi %get3A_146, %get3A_142 : vector<16xi32>
    %swap3A_153 = arith.constant 1 : i32
    %swap3A_154 = arith.index_cast %swap3A_153 : i32 to index
    %swap3A_155 = arith.constant 32 : index
    %swap3A_156 = tpu.vector_load %arg9[%swap3A_154, %swap3A_155] {strides = array<i32>} : memref<8x64xi32, #tpu.memory_space<vmem>>, vector<16xi32>,
    tpu.vector_store %arg9[%swap3A_154, %swap3A_155], %sub3A_152 {strides = array<i32>} : memref<8x64xi32, #tpu.memory_space<vmem>>, vector<16xi32>,
    %get3A_157 = arith.constant 0 : i32
    %get3A_158 = arith.index_cast %get3A_157 : i32 to index
    %get3A_159 = arith.constant 112 : index
    %get3A_160 = tpu.vector_load %arg7[%get3A_158, %get3A_159] {strides = array<i32>} : memref<3x512xi32, #tpu.memory_space<vmem>>, vector<16xi32>,
    %get3A_161 = arith.constant 1 : i32
    %get3A_162 = arith.index_cast %get3A_161 : i32 to index
    %get3A_163 = arith.constant 112 : index
    %get3A_164 = tpu.vector_load %arg7[%get3A_162, %get3A_163] {strides = array<i32>} : memref<3x512xi32, #tpu.memory_space<vmem>>, vector<16xi32>,
    %get3A_165 = arith.constant 2 : i32
    %get3A_166 = arith.index_cast %get3A_165 : i32 to index
    %get3A_167 = arith.constant 112 : index
    %get3A_168 = tpu.vector_load %arg7[%get3A_166, %get3A_167] {strides = array<i32>} : memref<3x512xi32, #tpu.memory_space<vmem>>, vector<16xi32>,
    %sub3A_169 = arith.subi %get3A_164, %get3A_160 : vector<16xi32>
    %swap3A_170 = arith.constant 1 : i32
    %swap3A_171 = arith.index_cast %swap3A_170 : i32 to index
    %swap3A_172 = arith.constant 48 : index
    %swap3A_173 = tpu.vector_load %arg8[%swap3A_171, %swap3A_172] {strides = array<i32>} : memref<8x64xi32, #tpu.memory_space<vmem>>, vector<16xi32>,
    tpu.vector_store %arg8[%swap3A_171, %swap3A_172], %sub3A_169 {strides = array<i32>} : memref<8x64xi32, #tpu.memory_space<vmem>>, vector<16xi32>,
    %sub3A_174 = arith.subi %get3A_168, %get3A_164 : vector<16xi32>
    %swap3A_175 = arith.constant 1 : i32
    %swap3A_176 = arith.index_cast %swap3A_175 : i32 to index
    %swap3A_177 = arith.constant 48 : index
    %swap3A_178 = tpu.vector_load %arg9[%swap3A_176, %swap3A_177] {strides = array<i32>} : memref<8x64xi32, #tpu.memory_space<vmem>>, vector<16xi32>,
    tpu.vector_store %arg9[%swap3A_176, %swap3A_177], %sub3A_174 {strides = array<i32>} : memref<8x64xi32, #tpu.memory_space<vmem>>, vector<16xi32>,
    %get3A_179 = arith.constant 0 : i32
    %get3A_180 = arith.index_cast %get3A_179 : i32 to index
    %get3A_181 = arith.constant 128 : index
    %get3A_182 = tpu.vector_load %arg7[%get3A_180, %get3A_181] {strides = array<i32>} : memref<3x512xi32, #tpu.memory_space<vmem>>, vector<16xi32>,
    %get3A_183 = arith.constant 1 : i32
    %get3A_184 = arith.index_cast %get3A_183 : i32 to index
    %get3A_185 = arith.constant 128 : index
    %get3A_186 = tpu.vector_load %arg7[%get3A_184, %get3A_185] {strides = array<i32>} : memref<3x512xi32, #tpu.memory_space<vmem>>, vector<16xi32>,
    %get3A_187 = arith.constant 2 : i32
    %get3A_188 = arith.index_cast %get3A_187 : i32 to index
    %get3A_189 = arith.constant 128 : index
    %get3A_190 = tpu.vector_load %arg7[%get3A_188, %get3A_189] {strides = array<i32>} : memref<3x512xi32, #tpu.memory_space<vmem>>, vector<16xi32>,
    %sub3A_191 = arith.subi %get3A_186, %get3A_182 : vector<16xi32>
    %swap3A_192 = arith.constant 2 : i32
    %swap3A_193 = arith.index_cast %swap3A_192 : i32 to index
    %swap3A_194 = arith.constant 0 : index
    %swap3A_195 = tpu.vector_load %arg8[%swap3A_193, %swap3A_194] {strides = array<i32>} : memref<8x64xi32, #tpu.memory_space<vmem>>, vector<16xi32>,
    tpu.vector_store %arg8[%swap3A_193, %swap3A_194], %sub3A_191 {strides = array<i32>} : memref<8x64xi32, #tpu.memory_space<vmem>>, vector<16xi32>,
    %sub3A_196 = arith.subi %get3A_190, %get3A_186 : vector<16xi32>
    %swap3A_197 = arith.constant 2 : i32
    %swap3A_198 = arith.index_cast %swap3A_197 : i32 to index
    %swap3A_199 = arith.constant 0 : index
    %swap3A_200 = tpu.vector_load %arg9[%swap3A_198, %swap3A_199] {strides = array<i32>} : memref<8x64xi32, #tpu.memory_space<vmem>>, vector<16xi32>,
    tpu.vector_store %arg9[%swap3A_198, %swap3A_199], %sub3A_196 {strides = array<i32>} : memref<8x64xi32, #tpu.memory_space<vmem>>, vector<16xi32>,
    %get3A_201 = arith.constant 0 : i32
    %get3A_202 = arith.index_cast %get3A_201 : i32 to index
    %get3A_203 = arith.constant 144 : index
    %get3A_204 = tpu.vector_load %arg7[%get3A_202, %get3A_203] {strides = array<i32>} : memref<3x512xi32, #tpu.memory_space<vmem>>, vector<16xi32>,
    %get3A_205 = arith.constant 1 : i32
    %get3A_206 = arith.index_cast %get3A_205 : i32 to index
    %get3A_207 = arith.constant 144 : index
    %get3A_208 = tpu.vector_load %arg7[%get3A_206, %get3A_207] {strides = array<i32>} : memref<3x512xi32, #tpu.memory_space<vmem>>, vector<16xi32>,
    %get3A_209 = arith.constant 2 : i32
    %get3A_210 = arith.index_cast %get3A_209 : i32 to index
    %get3A_211 = arith.constant 144 : index
    %get3A_212 = tpu.vector_load %arg7[%get3A_210, %get3A_211] {strides = array<i32>} : memref<3x512xi32, #tpu.memory_space<vmem>>, vector<16xi32>,
    %sub3A_213 = arith.subi %get3A_208, %get3A_204 : vector<16xi32>
    %swap3A_214 = arith.constant 2 : i32
    %swap3A_215 = arith.index_cast %swap3A_214 : i32 to index
    %swap3A_216 = arith.constant 16 : index
    %swap3A_217 = tpu.vector_load %arg8[%swap3A_215, %swap3A_216] {strides = array<i32>} : memref<8x64xi32, #tpu.memory_space<vmem>>, vector<16xi32>,
    tpu.vector_store %arg8[%swap3A_215, %swap3A_216], %sub3A_213 {strides = array<i32>} : memref<8x64xi32, #tpu.memory_space<vmem>>, vector<16xi32>,
    %sub3A_218 = arith.subi %get3A_212, %get3A_208 : vector<16xi32>
    %swap3A_219 = arith.constant 2 : i32
    %swap3A_220 = arith.index_cast %swap3A_219 : i32 to index
    %swap3A_221 = arith.constant 16 : index
    %swap3A_222 = tpu.vector_load %arg9[%swap3A_220, %swap3A_221] {strides = array<i32>} : memref<8x64xi32, #tpu.memory_space<vmem>>, vector<16xi32>,
    tpu.vector_store %arg9[%swap3A_220, %swap3A_221], %sub3A_218 {strides = array<i32>} : memref<8x64xi32, #tpu.memory_space<vmem>>, vector<16xi32>,
    %get3A_223 = arith.constant 0 : i32
    %get3A_224 = arith.index_cast %get3A_223 : i32 to index
    %get3A_225 = arith.constant 160 : index
    %get3A_226 = tpu.vector_load %arg7[%get3A_224, %get3A_225] {strides = array<i32>} : memref<3x512xi32, #tpu.memory_space<vmem>>, vector<16xi32>,
    %get3A_227 = arith.constant 1 : i32
    %get3A_228 = arith.index_cast %get3A_227 : i32 to index
    %get3A_229 = arith.constant 160 : index
    %get3A_230 = tpu.vector_load %arg7[%get3A_228, %get3A_229] {strides = array<i32>} : memref<3x512xi32, #tpu.memory_space<vmem>>, vector<16xi32>,
    %get3A_231 = arith.constant 2 : i32
    %get3A_232 = arith.index_cast %get3A_231 : i32 to index
    %get3A_233 = arith.constant 160 : index
    %get3A_234 = tpu.vector_load %arg7[%get3A_232, %get3A_233] {strides = array<i32>} : memref<3x512xi32, #tpu.memory_space<vmem>>, vector<16xi32>,
    %sub3A_235 = arith.subi %get3A_230, %get3A_226 : vector<16xi32>
    %swap3A_236 = arith.constant 2 : i32
    %swap3A_237 = arith.index_cast %swap3A_236 : i32 to index
    %swap3A_238 = arith.constant 32 : index
    %swap3A_239 = tpu.vector_load %arg8[%swap3A_237, %swap3A_238] {strides = array<i32>} : memref<8x64xi32, #tpu.memory_space<vmem>>, vector<16xi32>,
    tpu.vector_store %arg8[%swap3A_237, %swap3A_238], %sub3A_235 {strides = array<i32>} : memref<8x64xi32, #tpu.memory_space<vmem>>, vector<16xi32>,
    %sub3A_240 = arith.subi %get3A_234, %get3A_230 : vector<16xi32>
    %swap3A_241 = arith.constant 2 : i32
    %swap3A_242 = arith.index_cast %swap3A_241 : i32 to index
    %swap3A_243 = arith.constant 32 : index
    %swap3A_244 = tpu.vector_load %arg9[%swap3A_242, %swap3A_243] {strides = array<i32>} : memref<8x64xi32, #tpu.memory_space<vmem>>, vector<16xi32>,
    tpu.vector_store %arg9[%swap3A_242, %swap3A_243], %sub3A_240 {strides = array<i32>} : memref<8x64xi32, #tpu.memory_space<vmem>>, vector<16xi32>,
    %get3A_245 = arith.constant 0 : i32
    %get3A_246 = arith.index_cast %get3A_245 : i32 to index
    %get3A_247 = arith.constant 176 : index
    %get3A_248 = tpu.vector_load %arg7[%get3A_246, %get3A_247] {strides = array<i32>} : memref<3x512xi32, #tpu.memory_space<vmem>>, vector<16xi32>,
    %get3A_249 = arith.constant 1 : i32
    %get3A_250 = arith.index_cast %get3A_249 : i32 to index
    %get3A_251 = arith.constant 176 : index
    %get3A_252 = tpu.vector_load %arg7[%get3A_250, %get3A_251] {strides = array<i32>} : memref<3x512xi32, #tpu.memory_space<vmem>>, vector<16xi32>,
    %get3A_253 = arith.constant 2 : i32
    %get3A_254 = arith.index_cast %get3A_253 : i32 to index
    %get3A_255 = arith.constant 176 : index
    %get3A_256 = tpu.vector_load %arg7[%get3A_254, %get3A_255] {strides = array<i32>} : memref<3x512xi32, #tpu.memory_space<vmem>>, vector<16xi32>,
    %sub3A_257 = arith.subi %get3A_252, %get3A_248 : vector<16xi32>
    %swap3A_258 = arith.constant 2 : i32
    %swap3A_259 = arith.index_cast %swap3A_258 : i32 to index
    %swap3A_260 = arith.constant 48 : index
    %swap3A_261 = tpu.vector_load %arg8[%swap3A_259, %swap3A_260] {strides = array<i32>} : memref<8x64xi32, #tpu.memory_space<vmem>>, vector<16xi32>,
    tpu.vector_store %arg8[%swap3A_259, %swap3A_260], %sub3A_257 {strides = array<i32>} : memref<8x64xi32, #tpu.memory_space<vmem>>, vector<16xi32>,
    %sub3A_262 = arith.subi %get3A_256, %get3A_252 : vector<16xi32>
    %swap3A_263 = arith.constant 2 : i32
    %swap3A_264 = arith.index_cast %swap3A_263 : i32 to index
    %swap3A_265 = arith.constant 48 : index
    %swap3A_266 = tpu.vector_load %arg9[%swap3A_264, %swap3A_265] {strides = array<i32>} : memref<8x64xi32, #tpu.memory_space<vmem>>, vector<16xi32>,
    tpu.vector_store %arg9[%swap3A_264, %swap3A_265], %sub3A_262 {strides = array<i32>} : memref<8x64xi32, #tpu.memory_space<vmem>>, vector<16xi32>,
    %get3A_267 = arith.constant 0 : i32
    %get3A_268 = arith.index_cast %get3A_267 : i32 to index
    %get3A_269 = arith.constant 192 : index
    %get3A_270 = tpu.vector_load %arg7[%get3A_268, %get3A_269] {strides = array<i32>} : memref<3x512xi32, #tpu.memory_space<vmem>>, vector<16xi32>,
    %get3A_271 = arith.constant 1 : i32
    %get3A_272 = arith.index_cast %get3A_271 : i32 to index
    %get3A_273 = arith.constant 192 : index
    %get3A_274 = tpu.vector_load %arg7[%get3A_272, %get3A_273] {strides = array<i32>} : memref<3x512xi32, #tpu.memory_space<vmem>>, vector<16xi32>,
    %get3A_275 = arith.constant 2 : i32
    %get3A_276 = arith.index_cast %get3A_275 : i32 to index
    %get3A_277 = arith.constant 192 : index
    %get3A_278 = tpu.vector_load %arg7[%get3A_276, %get3A_277] {strides = array<i32>} : memref<3x512xi32, #tpu.memory_space<vmem>>, vector<16xi32>,
    %sub3A_279 = arith.subi %get3A_274, %get3A_270 : vector<16xi32>
    %swap3A_280 = arith.constant 3 : i32
    %swap3A_281 = arith.index_cast %swap3A_280 : i32 to index
    %swap3A_282 = arith.constant 0 : index
    %swap3A_283 = tpu.vector_load %arg8[%swap3A_281, %swap3A_282] {strides = array<i32>} : memref<8x64xi32, #tpu.memory_space<vmem>>, vector<16xi32>,
    tpu.vector_store %arg8[%swap3A_281, %swap3A_282], %sub3A_279 {strides = array<i32>} : memref<8x64xi32, #tpu.memory_space<vmem>>, vector<16xi32>,
    %sub3A_284 = arith.subi %get3A_278, %get3A_274 : vector<16xi32>
    %swap3A_285 = arith.constant 3 : i32
    %swap3A_286 = arith.index_cast %swap3A_285 : i32 to index
    %swap3A_287 = arith.constant 0 : index
    %swap3A_288 = tpu.vector_load %arg9[%swap3A_286, %swap3A_287] {strides = array<i32>} : memref<8x64xi32, #tpu.memory_space<vmem>>, vector<16xi32>,
    tpu.vector_store %arg9[%swap3A_286, %swap3A_287], %sub3A_284 {strides = array<i32>} : memref<8x64xi32, #tpu.memory_space<vmem>>, vector<16xi32>,
    %get3A_289 = arith.constant 0 : i32
    %get3A_290 = arith.index_cast %get3A_289 : i32 to index
    %get3A_291 = arith.constant 208 : index
    %get3A_292 = tpu.vector_load %arg7[%get3A_290, %get3A_291] {strides = array<i32>} : memref<3x512xi32, #tpu.memory_space<vmem>>, vector<16xi32>,
    %get3A_293 = arith.constant 1 : i32
    %get3A_294 = arith.index_cast %get3A_293 : i32 to index
    %get3A_295 = arith.constant 208 : index
    %get3A_296 = tpu.vector_load %arg7[%get3A_294, %get3A_295] {strides = array<i32>} : memref<3x512xi32, #tpu.memory_space<vmem>>, vector<16xi32>,
    %get3A_297 = arith.constant 2 : i32
    %get3A_298 = arith.index_cast %get3A_297 : i32 to index
    %get3A_299 = arith.constant 208 : index
    %get3A_300 = tpu.vector_load %arg7[%get3A_298, %get3A_299] {strides = array<i32>} : memref<3x512xi32, #tpu.memory_space<vmem>>, vector<16xi32>,
    %sub3A_301 = arith.subi %get3A_296, %get3A_292 : vector<16xi32>
    %swap3A_302 = arith.constant 3 : i32
    %swap3A_303 = arith.index_cast %swap3A_302 : i32 to index
    %swap3A_304 = arith.constant 16 : index
    %swap3A_305 = tpu.vector_load %arg8[%swap3A_303, %swap3A_304] {strides = array<i32>} : memref<8x64xi32, #tpu.memory_space<vmem>>, vector<16xi32>,
    tpu.vector_store %arg8[%swap3A_303, %swap3A_304], %sub3A_301 {strides = array<i32>} : memref<8x64xi32, #tpu.memory_space<vmem>>, vector<16xi32>,
    %sub3A_306 = arith.subi %get3A_300, %get3A_296 : vector<16xi32>
    %swap3A_307 = arith.constant 3 : i32
    %swap3A_308 = arith.index_cast %swap3A_307 : i32 to index
    %swap3A_309 = arith.constant 16 : index
    %swap3A_310 = tpu.vector_load %arg9[%swap3A_308, %swap3A_309] {strides = array<i32>} : memref<8x64xi32, #tpu.memory_space<vmem>>, vector<16xi32>,
    tpu.vector_store %arg9[%swap3A_308, %swap3A_309], %sub3A_306 {strides = array<i32>} : memref<8x64xi32, #tpu.memory_space<vmem>>, vector<16xi32>,
    %get3A_311 = arith.constant 0 : i32
    %get3A_312 = arith.index_cast %get3A_311 : i32 to index
    %get3A_313 = arith.constant 224 : index
    %get3A_314 = tpu.vector_load %arg7[%get3A_312, %get3A_313] {strides = array<i32>} : memref<3x512xi32, #tpu.memory_space<vmem>>, vector<16xi32>,
    %get3A_315 = arith.constant 1 : i32
    %get3A_316 = arith.index_cast %get3A_315 : i32 to index
    %get3A_317 = arith.constant 224 : index
    %get3A_318 = tpu.vector_load %arg7[%get3A_316, %get3A_317] {strides = array<i32>} : memref<3x512xi32, #tpu.memory_space<vmem>>, vector<16xi32>,
    %get3A_319 = arith.constant 2 : i32
    %get3A_320 = arith.index_cast %get3A_319 : i32 to index
    %get3A_321 = arith.constant 224 : index
    %get3A_322 = tpu.vector_load %arg7[%get3A_320, %get3A_321] {strides = array<i32>} : memref<3x512xi32, #tpu.memory_space<vmem>>, vector<16xi32>,
    %sub3A_323 = arith.subi %get3A_318, %get3A_314 : vector<16xi32>
    %swap3A_324 = arith.constant 3 : i32
    %swap3A_325 = arith.index_cast %swap3A_324 : i32 to index
    %swap3A_326 = arith.constant 32 : index
    %swap3A_327 = tpu.vector_load %arg8[%swap3A_325, %swap3A_326] {strides = array<i32>} : memref<8x64xi32, #tpu.memory_space<vmem>>, vector<16xi32>,
    tpu.vector_store %arg8[%swap3A_325, %swap3A_326], %sub3A_323 {strides = array<i32>} : memref<8x64xi32, #tpu.memory_space<vmem>>, vector<16xi32>,
    %sub3A_328 = arith.subi %get3A_322, %get3A_318 : vector<16xi32>
    %swap3A_329 = arith.constant 3 : i32
    %swap3A_330 = arith.index_cast %swap3A_329 : i32 to index
    %swap3A_331 = arith.constant 32 : index
    %swap3A_332 = tpu.vector_load %arg9[%swap3A_330, %swap3A_331] {strides = array<i32>} : memref<8x64xi32, #tpu.memory_space<vmem>>, vector<16xi32>,
    tpu.vector_store %arg9[%swap3A_330, %swap3A_331], %sub3A_328 {strides = array<i32>} : memref<8x64xi32, #tpu.memory_space<vmem>>, vector<16xi32>,
    %get3A_333 = arith.constant 0 : i32
    %get3A_334 = arith.index_cast %get3A_333 : i32 to index
    %get3A_335 = arith.constant 240 : index
    %get3A_336 = tpu.vector_load %arg7[%get3A_334, %get3A_335] {strides = array<i32>} : memref<3x512xi32, #tpu.memory_space<vmem>>, vector<16xi32>,
    %get3A_337 = arith.constant 1 : i32
    %get3A_338 = arith.index_cast %get3A_337 : i32 to index
    %get3A_339 = arith.constant 240 : index
    %get3A_340 = tpu.vector_load %arg7[%get3A_338, %get3A_339] {strides = array<i32>} : memref<3x512xi32, #tpu.memory_space<vmem>>, vector<16xi32>,
    %get3A_341 = arith.constant 2 : i32
    %get3A_342 = arith.index_cast %get3A_341 : i32 to index
    %get3A_343 = arith.constant 240 : index
    %get3A_344 = tpu.vector_load %arg7[%get3A_342, %get3A_343] {strides = array<i32>} : memref<3x512xi32, #tpu.memory_space<vmem>>, vector<16xi32>,
    %sub3A_345 = arith.subi %get3A_340, %get3A_336 : vector<16xi32>
    %swap3A_346 = arith.constant 3 : i32
    %swap3A_347 = arith.index_cast %swap3A_346 : i32 to index
    %swap3A_348 = arith.constant 48 : index
    %swap3A_349 = tpu.vector_load %arg8[%swap3A_347, %swap3A_348] {strides = array<i32>} : memref<8x64xi32, #tpu.memory_space<vmem>>, vector<16xi32>,
    tpu.vector_store %arg8[%swap3A_347, %swap3A_348], %sub3A_345 {strides = array<i32>} : memref<8x64xi32, #tpu.memory_space<vmem>>, vector<16xi32>,
    %sub3A_350 = arith.subi %get3A_344, %get3A_340 : vector<16xi32>
    %swap3A_351 = arith.constant 3 : i32
    %swap3A_352 = arith.index_cast %swap3A_351 : i32 to index
    %swap3A_353 = arith.constant 48 : index
    %swap3A_354 = tpu.vector_load %arg9[%swap3A_352, %swap3A_353] {strides = array<i32>} : memref<8x64xi32, #tpu.memory_space<vmem>>, vector<16xi32>,
    tpu.vector_store %arg9[%swap3A_352, %swap3A_353], %sub3A_350 {strides = array<i32>} : memref<8x64xi32, #tpu.memory_space<vmem>>, vector<16xi32>,
    %get3A_355 = arith.constant 0 : i32
    %get3A_356 = arith.index_cast %get3A_355 : i32 to index
    %get3A_357 = arith.constant 256 : index
    %get3A_358 = tpu.vector_load %arg7[%get3A_356, %get3A_357] {strides = array<i32>} : memref<3x512xi32, #tpu.memory_space<vmem>>, vector<16xi32>,
    %get3A_359 = arith.constant 1 : i32
    %get3A_360 = arith.index_cast %get3A_359 : i32 to index
    %get3A_361 = arith.constant 256 : index
    %get3A_362 = tpu.vector_load %arg7[%get3A_360, %get3A_361] {strides = array<i32>} : memref<3x512xi32, #tpu.memory_space<vmem>>, vector<16xi32>,
    %get3A_363 = arith.constant 2 : i32
    %get3A_364 = arith.index_cast %get3A_363 : i32 to index
    %get3A_365 = arith.constant 256 : index
    %get3A_366 = tpu.vector_load %arg7[%get3A_364, %get3A_365] {strides = array<i32>} : memref<3x512xi32, #tpu.memory_space<vmem>>, vector<16xi32>,
    %sub3A_367 = arith.subi %get3A_362, %get3A_358 : vector<16xi32>
    %swap3A_368 = arith.constant 4 : i32
    %swap3A_369 = arith.index_cast %swap3A_368 : i32 to index
    %swap3A_370 = arith.constant 0 : index
    %swap3A_371 = tpu.vector_load %arg8[%swap3A_369, %swap3A_370] {strides = array<i32>} : memref<8x64xi32, #tpu.memory_space<vmem>>, vector<16xi32>,
    tpu.vector_store %arg8[%swap3A_369, %swap3A_370], %sub3A_367 {strides = array<i32>} : memref<8x64xi32, #tpu.memory_space<vmem>>, vector<16xi32>,
    %sub3A_372 = arith.subi %get3A_366, %get3A_362 : vector<16xi32>
    %swap3A_373 = arith.constant 4 : i32
    %swap3A_374 = arith.index_cast %swap3A_373 : i32 to index
    %swap3A_375 = arith.constant 0 : index
    %swap3A_376 = tpu.vector_load %arg9[%swap3A_374, %swap3A_375] {strides = array<i32>} : memref<8x64xi32, #tpu.memory_space<vmem>>, vector<16xi32>,
    tpu.vector_store %arg9[%swap3A_374, %swap3A_375], %sub3A_372 {strides = array<i32>} : memref<8x64xi32, #tpu.memory_space<vmem>>, vector<16xi32>,
    %get3A_377 = arith.constant 0 : i32
    %get3A_378 = arith.index_cast %get3A_377 : i32 to index
    %get3A_379 = arith.constant 272 : index
    %get3A_380 = tpu.vector_load %arg7[%get3A_378, %get3A_379] {strides = array<i32>} : memref<3x512xi32, #tpu.memory_space<vmem>>, vector<16xi32>,
    %get3A_381 = arith.constant 1 : i32
    %get3A_382 = arith.index_cast %get3A_381 : i32 to index
    %get3A_383 = arith.constant 272 : index
    %get3A_384 = tpu.vector_load %arg7[%get3A_382, %get3A_383] {strides = array<i32>} : memref<3x512xi32, #tpu.memory_space<vmem>>, vector<16xi32>,
    %get3A_385 = arith.constant 2 : i32
    %get3A_386 = arith.index_cast %get3A_385 : i32 to index
    %get3A_387 = arith.constant 272 : index
    %get3A_388 = tpu.vector_load %arg7[%get3A_386, %get3A_387] {strides = array<i32>} : memref<3x512xi32, #tpu.memory_space<vmem>>, vector<16xi32>,
    %sub3A_389 = arith.subi %get3A_384, %get3A_380 : vector<16xi32>
    %swap3A_390 = arith.constant 4 : i32
    %swap3A_391 = arith.index_cast %swap3A_390 : i32 to index
    %swap3A_392 = arith.constant 16 : index
    %swap3A_393 = tpu.vector_load %arg8[%swap3A_391, %swap3A_392] {strides = array<i32>} : memref<8x64xi32, #tpu.memory_space<vmem>>, vector<16xi32>,
    tpu.vector_store %arg8[%swap3A_391, %swap3A_392], %sub3A_389 {strides = array<i32>} : memref<8x64xi32, #tpu.memory_space<vmem>>, vector<16xi32>,
    %sub3A_394 = arith.subi %get3A_388, %get3A_384 : vector<16xi32>
    %swap3A_395 = arith.constant 4 : i32
    %swap3A_396 = arith.index_cast %swap3A_395 : i32 to index
    %swap3A_397 = arith.constant 16 : index
    %swap3A_398 = tpu.vector_load %arg9[%swap3A_396, %swap3A_397] {strides = array<i32>} : memref<8x64xi32, #tpu.memory_space<vmem>>, vector<16xi32>,
    tpu.vector_store %arg9[%swap3A_396, %swap3A_397], %sub3A_394 {strides = array<i32>} : memref<8x64xi32, #tpu.memory_space<vmem>>, vector<16xi32>,
    %get3A_399 = arith.constant 0 : i32
    %get3A_400 = arith.index_cast %get3A_399 : i32 to index
    %get3A_401 = arith.constant 288 : index
    %get3A_402 = tpu.vector_load %arg7[%get3A_400, %get3A_401] {strides = array<i32>} : memref<3x512xi32, #tpu.memory_space<vmem>>, vector<16xi32>,
    %get3A_403 = arith.constant 1 : i32
    %get3A_404 = arith.index_cast %get3A_403 : i32 to index
    %get3A_405 = arith.constant 288 : index
    %get3A_406 = tpu.vector_load %arg7[%get3A_404, %get3A_405] {strides = array<i32>} : memref<3x512xi32, #tpu.memory_space<vmem>>, vector<16xi32>,
    %get3A_407 = arith.constant 2 : i32
    %get3A_408 = arith.index_cast %get3A_407 : i32 to index
    %get3A_409 = arith.constant 288 : index
    %get3A_410 = tpu.vector_load %arg7[%get3A_408, %get3A_409] {strides = array<i32>} : memref<3x512xi32, #tpu.memory_space<vmem>>, vector<16xi32>,
    %sub3A_411 = arith.subi %get3A_406, %get3A_402 : vector<16xi32>
    %swap3A_412 = arith.constant 4 : i32
    %swap3A_413 = arith.index_cast %swap3A_412 : i32 to index
    %swap3A_414 = arith.constant 32 : index
    %swap3A_415 = tpu.vector_load %arg8[%swap3A_413, %swap3A_414] {strides = array<i32>} : memref<8x64xi32, #tpu.memory_space<vmem>>, vector<16xi32>,
    tpu.vector_store %arg8[%swap3A_413, %swap3A_414], %sub3A_411 {strides = array<i32>} : memref<8x64xi32, #tpu.memory_space<vmem>>, vector<16xi32>,
    %sub3A_416 = arith.subi %get3A_410, %get3A_406 : vector<16xi32>
    %swap3A_417 = arith.constant 4 : i32
    %swap3A_418 = arith.index_cast %swap3A_417 : i32 to index
    %swap3A_419 = arith.constant 32 : index
    %swap3A_420 = tpu.vector_load %arg9[%swap3A_418, %swap3A_419] {strides = array<i32>} : memref<8x64xi32, #tpu.memory_space<vmem>>, vector<16xi32>,
    tpu.vector_store %arg9[%swap3A_418, %swap3A_419], %sub3A_416 {strides = array<i32>} : memref<8x64xi32, #tpu.memory_space<vmem>>, vector<16xi32>,
    %get3A_421 = arith.constant 0 : i32
    %get3A_422 = arith.index_cast %get3A_421 : i32 to index
    %get3A_423 = arith.constant 304 : index
    %get3A_424 = tpu.vector_load %arg7[%get3A_422, %get3A_423] {strides = array<i32>} : memref<3x512xi32, #tpu.memory_space<vmem>>, vector<16xi32>,
    %get3A_425 = arith.constant 1 : i32
    %get3A_426 = arith.index_cast %get3A_425 : i32 to index
    %get3A_427 = arith.constant 304 : index
    %get3A_428 = tpu.vector_load %arg7[%get3A_426, %get3A_427] {strides = array<i32>} : memref<3x512xi32, #tpu.memory_space<vmem>>, vector<16xi32>,
    %get3A_429 = arith.constant 2 : i32
    %get3A_430 = arith.index_cast %get3A_429 : i32 to index
    %get3A_431 = arith.constant 304 : index
    %get3A_432 = tpu.vector_load %arg7[%get3A_430, %get3A_431] {strides = array<i32>} : memref<3x512xi32, #tpu.memory_space<vmem>>, vector<16xi32>,
    %sub3A_433 = arith.subi %get3A_428, %get3A_424 : vector<16xi32>
    %swap3A_434 = arith.constant 4 : i32
    %swap3A_435 = arith.index_cast %swap3A_434 : i32 to index
    %swap3A_436 = arith.constant 48 : index
    %swap3A_437 = tpu.vector_load %arg8[%swap3A_435, %swap3A_436] {strides = array<i32>} : memref<8x64xi32, #tpu.memory_space<vmem>>, vector<16xi32>,
    tpu.vector_store %arg8[%swap3A_435, %swap3A_436], %sub3A_433 {strides = array<i32>} : memref<8x64xi32, #tpu.memory_space<vmem>>, vector<16xi32>,
    %sub3A_438 = arith.subi %get3A_432, %get3A_428 : vector<16xi32>
    %swap3A_439 = arith.constant 4 : i32
    %swap3A_440 = arith.index_cast %swap3A_439 : i32 to index
    %swap3A_441 = arith.constant 48 : index
    %swap3A_442 = tpu.vector_load %arg9[%swap3A_440, %swap3A_441] {strides = array<i32>} : memref<8x64xi32, #tpu.memory_space<vmem>>, vector<16xi32>,
    tpu.vector_store %arg9[%swap3A_440, %swap3A_441], %sub3A_438 {strides = array<i32>} : memref<8x64xi32, #tpu.memory_space<vmem>>, vector<16xi32>,
    %get3A_443 = arith.constant 0 : i32
    %get3A_444 = arith.index_cast %get3A_443 : i32 to index
    %get3A_445 = arith.constant 320 : index
    %get3A_446 = tpu.vector_load %arg7[%get3A_444, %get3A_445] {strides = array<i32>} : memref<3x512xi32, #tpu.memory_space<vmem>>, vector<16xi32>,
    %get3A_447 = arith.constant 1 : i32
    %get3A_448 = arith.index_cast %get3A_447 : i32 to index
    %get3A_449 = arith.constant 320 : index
    %get3A_450 = tpu.vector_load %arg7[%get3A_448, %get3A_449] {strides = array<i32>} : memref<3x512xi32, #tpu.memory_space<vmem>>, vector<16xi32>,
    %get3A_451 = arith.constant 2 : i32
    %get3A_452 = arith.index_cast %get3A_451 : i32 to index
    %get3A_453 = arith.constant 320 : index
    %get3A_454 = tpu.vector_load %arg7[%get3A_452, %get3A_453] {strides = array<i32>} : memref<3x512xi32, #tpu.memory_space<vmem>>, vector<16xi32>,
    %sub3A_455 = arith.subi %get3A_450, %get3A_446 : vector<16xi32>
    %swap3A_456 = arith.constant 5 : i32
    %swap3A_457 = arith.index_cast %swap3A_456 : i32 to index
    %swap3A_458 = arith.constant 0 : index
    %swap3A_459 = tpu.vector_load %arg8[%swap3A_457, %swap3A_458] {strides = array<i32>} : memref<8x64xi32, #tpu.memory_space<vmem>>, vector<16xi32>,
    tpu.vector_store %arg8[%swap3A_457, %swap3A_458], %sub3A_455 {strides = array<i32>} : memref<8x64xi32, #tpu.memory_space<vmem>>, vector<16xi32>,
    %sub3A_460 = arith.subi %get3A_454, %get3A_450 : vector<16xi32>
    %swap3A_461 = arith.constant 5 : i32
    %swap3A_462 = arith.index_cast %swap3A_461 : i32 to index
    %swap3A_463 = arith.constant 0 : index
    %swap3A_464 = tpu.vector_load %arg9[%swap3A_462, %swap3A_463] {strides = array<i32>} : memref<8x64xi32, #tpu.memory_space<vmem>>, vector<16xi32>,
    tpu.vector_store %arg9[%swap3A_462, %swap3A_463], %sub3A_460 {strides = array<i32>} : memref<8x64xi32, #tpu.memory_space<vmem>>, vector<16xi32>,
    %get3A_465 = arith.constant 0 : i32
    %get3A_466 = arith.index_cast %get3A_465 : i32 to index
    %get3A_467 = arith.constant 336 : index
    %get3A_468 = tpu.vector_load %arg7[%get3A_466, %get3A_467] {strides = array<i32>} : memref<3x512xi32, #tpu.memory_space<vmem>>, vector<16xi32>,
    %get3A_469 = arith.constant 1 : i32
    %get3A_470 = arith.index_cast %get3A_469 : i32 to index
    %get3A_471 = arith.constant 336 : index
    %get3A_472 = tpu.vector_load %arg7[%get3A_470, %get3A_471] {strides = array<i32>} : memref<3x512xi32, #tpu.memory_space<vmem>>, vector<16xi32>,
    %get3A_473 = arith.constant 2 : i32
    %get3A_474 = arith.index_cast %get3A_473 : i32 to index
    %get3A_475 = arith.constant 336 : index
    %get3A_476 = tpu.vector_load %arg7[%get3A_474, %get3A_475] {strides = array<i32>} : memref<3x512xi32, #tpu.memory_space<vmem>>, vector<16xi32>,
    %sub3A_477 = arith.subi %get3A_472, %get3A_468 : vector<16xi32>
    %swap3A_478 = arith.constant 5 : i32
    %swap3A_479 = arith.index_cast %swap3A_478 : i32 to index
    %swap3A_480 = arith.constant 16 : index
    %swap3A_481 = tpu.vector_load %arg8[%swap3A_479, %swap3A_480] {strides = array<i32>} : memref<8x64xi32, #tpu.memory_space<vmem>>, vector<16xi32>,
    tpu.vector_store %arg8[%swap3A_479, %swap3A_480], %sub3A_477 {strides = array<i32>} : memref<8x64xi32, #tpu.memory_space<vmem>>, vector<16xi32>,
    %sub3A_482 = arith.subi %get3A_476, %get3A_472 : vector<16xi32>
    %swap3A_483 = arith.constant 5 : i32
    %swap3A_484 = arith.index_cast %swap3A_483 : i32 to index
    %swap3A_485 = arith.constant 16 : index
    %swap3A_486 = tpu.vector_load %arg9[%swap3A_484, %swap3A_485] {strides = array<i32>} : memref<8x64xi32, #tpu.memory_space<vmem>>, vector<16xi32>,
    tpu.vector_store %arg9[%swap3A_484, %swap3A_485], %sub3A_482 {strides = array<i32>} : memref<8x64xi32, #tpu.memory_space<vmem>>, vector<16xi32>,
    %get3A_487 = arith.constant 0 : i32
    %get3A_488 = arith.index_cast %get3A_487 : i32 to index
    %get3A_489 = arith.constant 352 : index
    %get3A_490 = tpu.vector_load %arg7[%get3A_488, %get3A_489] {strides = array<i32>} : memref<3x512xi32, #tpu.memory_space<vmem>>, vector<16xi32>,
    %get3A_491 = arith.constant 1 : i32
    %get3A_492 = arith.index_cast %get3A_491 : i32 to index
    %get3A_493 = arith.constant 352 : index
    %get3A_494 = tpu.vector_load %arg7[%get3A_492, %get3A_493] {strides = array<i32>} : memref<3x512xi32, #tpu.memory_space<vmem>>, vector<16xi32>,
    %get3A_495 = arith.constant 2 : i32
    %get3A_496 = arith.index_cast %get3A_495 : i32 to index
    %get3A_497 = arith.constant 352 : index
    %get3A_498 = tpu.vector_load %arg7[%get3A_496, %get3A_497] {strides = array<i32>} : memref<3x512xi32, #tpu.memory_space<vmem>>, vector<16xi32>,
    %sub3A_499 = arith.subi %get3A_494, %get3A_490 : vector<16xi32>
    %swap3A_500 = arith.constant 5 : i32
    %swap3A_501 = arith.index_cast %swap3A_500 : i32 to index
    %swap3A_502 = arith.constant 32 : index
    %swap3A_503 = tpu.vector_load %arg8[%swap3A_501, %swap3A_502] {strides = array<i32>} : memref<8x64xi32, #tpu.memory_space<vmem>>, vector<16xi32>,
    tpu.vector_store %arg8[%swap3A_501, %swap3A_502], %sub3A_499 {strides = array<i32>} : memref<8x64xi32, #tpu.memory_space<vmem>>, vector<16xi32>,
    %sub3A_504 = arith.subi %get3A_498, %get3A_494 : vector<16xi32>
    %swap3A_505 = arith.constant 5 : i32
    %swap3A_506 = arith.index_cast %swap3A_505 : i32 to index
    %swap3A_507 = arith.constant 32 : index
    %swap3A_508 = tpu.vector_load %arg9[%swap3A_506, %swap3A_507] {strides = array<i32>} : memref<8x64xi32, #tpu.memory_space<vmem>>, vector<16xi32>,
    tpu.vector_store %arg9[%swap3A_506, %swap3A_507], %sub3A_504 {strides = array<i32>} : memref<8x64xi32, #tpu.memory_space<vmem>>, vector<16xi32>,
    %get3A_509 = arith.constant 0 : i32
    %get3A_510 = arith.index_cast %get3A_509 : i32 to index
    %get3A_511 = arith.constant 368 : index
    %get3A_512 = tpu.vector_load %arg7[%get3A_510, %get3A_511] {strides = array<i32>} : memref<3x512xi32, #tpu.memory_space<vmem>>, vector<16xi32>,
    %get3A_513 = arith.constant 1 : i32
    %get3A_514 = arith.index_cast %get3A_513 : i32 to index
    %get3A_515 = arith.constant 368 : index
    %get3A_516 = tpu.vector_load %arg7[%get3A_514, %get3A_515] {strides = array<i32>} : memref<3x512xi32, #tpu.memory_space<vmem>>, vector<16xi32>,
    %get3A_517 = arith.constant 2 : i32
    %get3A_518 = arith.index_cast %get3A_517 : i32 to index
    %get3A_519 = arith.constant 368 : index
    %get3A_520 = tpu.vector_load %arg7[%get3A_518, %get3A_519] {strides = array<i32>} : memref<3x512xi32, #tpu.memory_space<vmem>>, vector<16xi32>,
    %sub3A_521 = arith.subi %get3A_516, %get3A_512 : vector<16xi32>
    %swap3A_522 = arith.constant 5 : i32
    %swap3A_523 = arith.index_cast %swap3A_522 : i32 to index
    %swap3A_524 = arith.constant 48 : index
    %swap3A_525 = tpu.vector_load %arg8[%swap3A_523, %swap3A_524] {strides = array<i32>} : memref<8x64xi32, #tpu.memory_space<vmem>>, vector<16xi32>,
    tpu.vector_store %arg8[%swap3A_523, %swap3A_524], %sub3A_521 {strides = array<i32>} : memref<8x64xi32, #tpu.memory_space<vmem>>, vector<16xi32>,
    %sub3A_526 = arith.subi %get3A_520, %get3A_516 : vector<16xi32>
    %swap3A_527 = arith.constant 5 : i32
    %swap3A_528 = arith.index_cast %swap3A_527 : i32 to index
    %swap3A_529 = arith.constant 48 : index
    %swap3A_530 = tpu.vector_load %arg9[%swap3A_528, %swap3A_529] {strides = array<i32>} : memref<8x64xi32, #tpu.memory_space<vmem>>, vector<16xi32>,
    tpu.vector_store %arg9[%swap3A_528, %swap3A_529], %sub3A_526 {strides = array<i32>} : memref<8x64xi32, #tpu.memory_space<vmem>>, vector<16xi32>,
    %get3A_531 = arith.constant 0 : i32
    %get3A_532 = arith.index_cast %get3A_531 : i32 to index
    %get3A_533 = arith.constant 384 : index
    %get3A_534 = tpu.vector_load %arg7[%get3A_532, %get3A_533] {strides = array<i32>} : memref<3x512xi32, #tpu.memory_space<vmem>>, vector<16xi32>,
    %get3A_535 = arith.constant 1 : i32
    %get3A_536 = arith.index_cast %get3A_535 : i32 to index
    %get3A_537 = arith.constant 384 : index
    %get3A_538 = tpu.vector_load %arg7[%get3A_536, %get3A_537] {strides = array<i32>} : memref<3x512xi32, #tpu.memory_space<vmem>>, vector<16xi32>,
    %get3A_539 = arith.constant 2 : i32
    %get3A_540 = arith.index_cast %get3A_539 : i32 to index
    %get3A_541 = arith.constant 384 : index
    %get3A_542 = tpu.vector_load %arg7[%get3A_540, %get3A_541] {strides = array<i32>} : memref<3x512xi32, #tpu.memory_space<vmem>>, vector<16xi32>,
    %sub3A_543 = arith.subi %get3A_538, %get3A_534 : vector<16xi32>
    %swap3A_544 = arith.constant 6 : i32
    %swap3A_545 = arith.index_cast %swap3A_544 : i32 to index
    %swap3A_546 = arith.constant 0 : index
    %swap3A_547 = tpu.vector_load %arg8[%swap3A_545, %swap3A_546] {strides = array<i32>} : memref<8x64xi32, #tpu.memory_space<vmem>>, vector<16xi32>,
    tpu.vector_store %arg8[%swap3A_545, %swap3A_546], %sub3A_543 {strides = array<i32>} : memref<8x64xi32, #tpu.memory_space<vmem>>, vector<16xi32>,
    %sub3A_548 = arith.subi %get3A_542, %get3A_538 : vector<16xi32>
    %swap3A_549 = arith.constant 6 : i32
    %swap3A_550 = arith.index_cast %swap3A_549 : i32 to index
    %swap3A_551 = arith.constant 0 : index
    %swap3A_552 = tpu.vector_load %arg9[%swap3A_550, %swap3A_551] {strides = array<i32>} : memref<8x64xi32, #tpu.memory_space<vmem>>, vector<16xi32>,
    tpu.vector_store %arg9[%swap3A_550, %swap3A_551], %sub3A_548 {strides = array<i32>} : memref<8x64xi32, #tpu.memory_space<vmem>>, vector<16xi32>,
    %get3A_553 = arith.constant 0 : i32
    %get3A_554 = arith.index_cast %get3A_553 : i32 to index
    %get3A_555 = arith.constant 400 : index
    %get3A_556 = tpu.vector_load %arg7[%get3A_554, %get3A_555] {strides = array<i32>} : memref<3x512xi32, #tpu.memory_space<vmem>>, vector<16xi32>,
    %get3A_557 = arith.constant 1 : i32
    %get3A_558 = arith.index_cast %get3A_557 : i32 to index
    %get3A_559 = arith.constant 400 : index
    %get3A_560 = tpu.vector_load %arg7[%get3A_558, %get3A_559] {strides = array<i32>} : memref<3x512xi32, #tpu.memory_space<vmem>>, vector<16xi32>,
    %get3A_561 = arith.constant 2 : i32
    %get3A_562 = arith.index_cast %get3A_561 : i32 to index
    %get3A_563 = arith.constant 400 : index
    %get3A_564 = tpu.vector_load %arg7[%get3A_562, %get3A_563] {strides = array<i32>} : memref<3x512xi32, #tpu.memory_space<vmem>>, vector<16xi32>,
    %sub3A_565 = arith.subi %get3A_560, %get3A_556 : vector<16xi32>
    %swap3A_566 = arith.constant 6 : i32
    %swap3A_567 = arith.index_cast %swap3A_566 : i32 to index
    %swap3A_568 = arith.constant 16 : index
    %swap3A_569 = tpu.vector_load %arg8[%swap3A_567, %swap3A_568] {strides = array<i32>} : memref<8x64xi32, #tpu.memory_space<vmem>>, vector<16xi32>,
    tpu.vector_store %arg8[%swap3A_567, %swap3A_568], %sub3A_565 {strides = array<i32>} : memref<8x64xi32, #tpu.memory_space<vmem>>, vector<16xi32>,
    %sub3A_570 = arith.subi %get3A_564, %get3A_560 : vector<16xi32>
    %swap3A_571 = arith.constant 6 : i32
    %swap3A_572 = arith.index_cast %swap3A_571 : i32 to index
    %swap3A_573 = arith.constant 16 : index
    %swap3A_574 = tpu.vector_load %arg9[%swap3A_572, %swap3A_573] {strides = array<i32>} : memref<8x64xi32, #tpu.memory_space<vmem>>, vector<16xi32>,
    tpu.vector_store %arg9[%swap3A_572, %swap3A_573], %sub3A_570 {strides = array<i32>} : memref<8x64xi32, #tpu.memory_space<vmem>>, vector<16xi32>,
    %get3A_575 = arith.constant 0 : i32
    %get3A_576 = arith.index_cast %get3A_575 : i32 to index
    %get3A_577 = arith.constant 416 : index
    %get3A_578 = tpu.vector_load %arg7[%get3A_576, %get3A_577] {strides = array<i32>} : memref<3x512xi32, #tpu.memory_space<vmem>>, vector<16xi32>,
    %get3A_579 = arith.constant 1 : i32
    %get3A_580 = arith.index_cast %get3A_579 : i32 to index
    %get3A_581 = arith.constant 416 : index
    %get3A_582 = tpu.vector_load %arg7[%get3A_580, %get3A_581] {strides = array<i32>} : memref<3x512xi32, #tpu.memory_space<vmem>>, vector<16xi32>,
    %get3A_583 = arith.constant 2 : i32
    %get3A_584 = arith.index_cast %get3A_583 : i32 to index
    %get3A_585 = arith.constant 416 : index
    %get3A_586 = tpu.vector_load %arg7[%get3A_584, %get3A_585] {strides = array<i32>} : memref<3x512xi32, #tpu.memory_space<vmem>>, vector<16xi32>,
    %sub3A_587 = arith.subi %get3A_582, %get3A_578 : vector<16xi32>
    %swap3A_588 = arith.constant 6 : i32
    %swap3A_589 = arith.index_cast %swap3A_588 : i32 to index
    %swap3A_590 = arith.constant 32 : index
    %swap3A_591 = tpu.vector_load %arg8[%swap3A_589, %swap3A_590] {strides = array<i32>} : memref<8x64xi32, #tpu.memory_space<vmem>>, vector<16xi32>,
    tpu.vector_store %arg8[%swap3A_589, %swap3A_590], %sub3A_587 {strides = array<i32>} : memref<8x64xi32, #tpu.memory_space<vmem>>, vector<16xi32>,
    %sub3A_592 = arith.subi %get3A_586, %get3A_582 : vector<16xi32>
    %swap3A_593 = arith.constant 6 : i32
    %swap3A_594 = arith.index_cast %swap3A_593 : i32 to index
    %swap3A_595 = arith.constant 32 : index
    %swap3A_596 = tpu.vector_load %arg9[%swap3A_594, %swap3A_595] {strides = array<i32>} : memref<8x64xi32, #tpu.memory_space<vmem>>, vector<16xi32>,
    tpu.vector_store %arg9[%swap3A_594, %swap3A_595], %sub3A_592 {strides = array<i32>} : memref<8x64xi32, #tpu.memory_space<vmem>>, vector<16xi32>,
    %get3A_597 = arith.constant 0 : i32
    %get3A_598 = arith.index_cast %get3A_597 : i32 to index
    %get3A_599 = arith.constant 432 : index
    %get3A_600 = tpu.vector_load %arg7[%get3A_598, %get3A_599] {strides = array<i32>} : memref<3x512xi32, #tpu.memory_space<vmem>>, vector<16xi32>,
    %get3A_601 = arith.constant 1 : i32
    %get3A_602 = arith.index_cast %get3A_601 : i32 to index
    %get3A_603 = arith.constant 432 : index
    %get3A_604 = tpu.vector_load %arg7[%get3A_602, %get3A_603] {strides = array<i32>} : memref<3x512xi32, #tpu.memory_space<vmem>>, vector<16xi32>,
    %get3A_605 = arith.constant 2 : i32
    %get3A_606 = arith.index_cast %get3A_605 : i32 to index
    %get3A_607 = arith.constant 432 : index
    %get3A_608 = tpu.vector_load %arg7[%get3A_606, %get3A_607] {strides = array<i32>} : memref<3x512xi32, #tpu.memory_space<vmem>>, vector<16xi32>,
    %sub3A_609 = arith.subi %get3A_604, %get3A_600 : vector<16xi32>
    %swap3A_610 = arith.constant 6 : i32
    %swap3A_611 = arith.index_cast %swap3A_610 : i32 to index
    %swap3A_612 = arith.constant 48 : index
    %swap3A_613 = tpu.vector_load %arg8[%swap3A_611, %swap3A_612] {strides = array<i32>} : memref<8x64xi32, #tpu.memory_space<vmem>>, vector<16xi32>,
    tpu.vector_store %arg8[%swap3A_611, %swap3A_612], %sub3A_609 {strides = array<i32>} : memref<8x64xi32, #tpu.memory_space<vmem>>, vector<16xi32>,
    %sub3A_614 = arith.subi %get3A_608, %get3A_604 : vector<16xi32>
    %swap3A_615 = arith.constant 6 : i32
    %swap3A_616 = arith.index_cast %swap3A_615 : i32 to index
    %swap3A_617 = arith.constant 48 : index
    %swap3A_618 = tpu.vector_load %arg9[%swap3A_616, %swap3A_617] {strides = array<i32>} : memref<8x64xi32, #tpu.memory_space<vmem>>, vector<16xi32>,
    tpu.vector_store %arg9[%swap3A_616, %swap3A_617], %sub3A_614 {strides = array<i32>} : memref<8x64xi32, #tpu.memory_space<vmem>>, vector<16xi32>,
    %get3A_619 = arith.constant 0 : i32
    %get3A_620 = arith.index_cast %get3A_619 : i32 to index
    %get3A_621 = arith.constant 448 : index
    %get3A_622 = tpu.vector_load %arg7[%get3A_620, %get3A_621] {strides = array<i32>} : memref<3x512xi32, #tpu.memory_space<vmem>>, vector<16xi32>,
    %get3A_623 = arith.constant 1 : i32
    %get3A_624 = arith.index_cast %get3A_623 : i32 to index
    %get3A_625 = arith.constant 448 : index
    %get3A_626 = tpu.vector_load %arg7[%get3A_624, %get3A_625] {strides = array<i32>} : memref<3x512xi32, #tpu.memory_space<vmem>>, vector<16xi32>,
    %get3A_627 = arith.constant 2 : i32
    %get3A_628 = arith.index_cast %get3A_627 : i32 to index
    %get3A_629 = arith.constant 448 : index
    %get3A_630 = tpu.vector_load %arg7[%get3A_628, %get3A_629] {strides = array<i32>} : memref<3x512xi32, #tpu.memory_space<vmem>>, vector<16xi32>,
    %sub3A_631 = arith.subi %get3A_626, %get3A_622 : vector<16xi32>
    %swap3A_632 = arith.constant 7 : i32
    %swap3A_633 = arith.index_cast %swap3A_632 : i32 to index
    %swap3A_634 = arith.constant 0 : index
    %swap3A_635 = tpu.vector_load %arg8[%swap3A_633, %swap3A_634] {strides = array<i32>} : memref<8x64xi32, #tpu.memory_space<vmem>>, vector<16xi32>,
    tpu.vector_store %arg8[%swap3A_633, %swap3A_634], %sub3A_631 {strides = array<i32>} : memref<8x64xi32, #tpu.memory_space<vmem>>, vector<16xi32>,
    %sub3A_636 = arith.subi %get3A_630, %get3A_626 : vector<16xi32>
    %swap3A_637 = arith.constant 7 : i32
    %swap3A_638 = arith.index_cast %swap3A_637 : i32 to index
    %swap3A_639 = arith.constant 0 : index
    %swap3A_640 = tpu.vector_load %arg9[%swap3A_638, %swap3A_639] {strides = array<i32>} : memref<8x64xi32, #tpu.memory_space<vmem>>, vector<16xi32>,
    tpu.vector_store %arg9[%swap3A_638, %swap3A_639], %sub3A_636 {strides = array<i32>} : memref<8x64xi32, #tpu.memory_space<vmem>>, vector<16xi32>,
    %get3A_641 = arith.constant 0 : i32
    %get3A_642 = arith.index_cast %get3A_641 : i32 to index
    %get3A_643 = arith.constant 464 : index
    %get3A_644 = tpu.vector_load %arg7[%get3A_642, %get3A_643] {strides = array<i32>} : memref<3x512xi32, #tpu.memory_space<vmem>>, vector<16xi32>,
    %get3A_645 = arith.constant 1 : i32
    %get3A_646 = arith.index_cast %get3A_645 : i32 to index
    %get3A_647 = arith.constant 464 : index
    %get3A_648 = tpu.vector_load %arg7[%get3A_646, %get3A_647] {strides = array<i32>} : memref<3x512xi32, #tpu.memory_space<vmem>>, vector<16xi32>,
    %get3A_649 = arith.constant 2 : i32
    %get3A_650 = arith.index_cast %get3A_649 : i32 to index
    %get3A_651 = arith.constant 464 : index
    %get3A_652 = tpu.vector_load %arg7[%get3A_650, %get3A_651] {strides = array<i32>} : memref<3x512xi32, #tpu.memory_space<vmem>>, vector<16xi32>,
    %sub3A_653 = arith.subi %get3A_648, %get3A_644 : vector<16xi32>
    %swap3A_654 = arith.constant 7 : i32
    %swap3A_655 = arith.index_cast %swap3A_654 : i32 to index
    %swap3A_656 = arith.constant 16 : index
    %swap3A_657 = tpu.vector_load %arg8[%swap3A_655, %swap3A_656] {strides = array<i32>} : memref<8x64xi32, #tpu.memory_space<vmem>>, vector<16xi32>,
    tpu.vector_store %arg8[%swap3A_655, %swap3A_656], %sub3A_653 {strides = array<i32>} : memref<8x64xi32, #tpu.memory_space<vmem>>, vector<16xi32>,
    %sub3A_658 = arith.subi %get3A_652, %get3A_648 : vector<16xi32>
    %swap3A_659 = arith.constant 7 : i32
    %swap3A_660 = arith.index_cast %swap3A_659 : i32 to index
    %swap3A_661 = arith.constant 16 : index
    %swap3A_662 = tpu.vector_load %arg9[%swap3A_660, %swap3A_661] {strides = array<i32>} : memref<8x64xi32, #tpu.memory_space<vmem>>, vector<16xi32>,
    tpu.vector_store %arg9[%swap3A_660, %swap3A_661], %sub3A_658 {strides = array<i32>} : memref<8x64xi32, #tpu.memory_space<vmem>>, vector<16xi32>,
    %get3A_663 = arith.constant 0 : i32
    %get3A_664 = arith.index_cast %get3A_663 : i32 to index
    %get3A_665 = arith.constant 480 : index
    %get3A_666 = tpu.vector_load %arg7[%get3A_664, %get3A_665] {strides = array<i32>} : memref<3x512xi32, #tpu.memory_space<vmem>>, vector<16xi32>,
    %get3A_667 = arith.constant 1 : i32
    %get3A_668 = arith.index_cast %get3A_667 : i32 to index
    %get3A_669 = arith.constant 480 : index
    %get3A_670 = tpu.vector_load %arg7[%get3A_668, %get3A_669] {strides = array<i32>} : memref<3x512xi32, #tpu.memory_space<vmem>>, vector<16xi32>,
    %get3A_671 = arith.constant 2 : i32
    %get3A_672 = arith.index_cast %get3A_671 : i32 to index
    %get3A_673 = arith.constant 480 : index
    %get3A_674 = tpu.vector_load %arg7[%get3A_672, %get3A_673] {strides = array<i32>} : memref<3x512xi32, #tpu.memory_space<vmem>>, vector<16xi32>,
    %sub3A_675 = arith.subi %get3A_670, %get3A_666 : vector<16xi32>
    %swap3A_676 = arith.constant 7 : i32
    %swap3A_677 = arith.index_cast %swap3A_676 : i32 to index
    %swap3A_678 = arith.constant 32 : index
    %swap3A_679 = tpu.vector_load %arg8[%swap3A_677, %swap3A_678] {strides = array<i32>} : memref<8x64xi32, #tpu.memory_space<vmem>>, vector<16xi32>,
    tpu.vector_store %arg8[%swap3A_677, %swap3A_678], %sub3A_675 {strides = array<i32>} : memref<8x64xi32, #tpu.memory_space<vmem>>, vector<16xi32>,
    %sub3A_680 = arith.subi %get3A_674, %get3A_670 : vector<16xi32>
    %swap3A_681 = arith.constant 7 : i32
    %swap3A_682 = arith.index_cast %swap3A_681 : i32 to index
    %swap3A_683 = arith.constant 32 : index
    %swap3A_684 = tpu.vector_load %arg9[%swap3A_682, %swap3A_683] {strides = array<i32>} : memref<8x64xi32, #tpu.memory_space<vmem>>, vector<16xi32>,
    tpu.vector_store %arg9[%swap3A_682, %swap3A_683], %sub3A_680 {strides = array<i32>} : memref<8x64xi32, #tpu.memory_space<vmem>>, vector<16xi32>,
    %get3A_685 = arith.constant 0 : i32
    %get3A_686 = arith.index_cast %get3A_685 : i32 to index
    %get3A_687 = arith.constant 496 : index
    %get3A_688 = tpu.vector_load %arg7[%get3A_686, %get3A_687] {strides = array<i32>} : memref<3x512xi32, #tpu.memory_space<vmem>>, vector<16xi32>,
    %get3A_689 = arith.constant 1 : i32
    %get3A_690 = arith.index_cast %get3A_689 : i32 to index
    %get3A_691 = arith.constant 496 : index
    %get3A_692 = tpu.vector_load %arg7[%get3A_690, %get3A_691] {strides = array<i32>} : memref<3x512xi32, #tpu.memory_space<vmem>>, vector<16xi32>,
    %get3A_693 = arith.constant 2 : i32
    %get3A_694 = arith.index_cast %get3A_693 : i32 to index
    %get3A_695 = arith.constant 496 : index
    %get3A_696 = tpu.vector_load %arg7[%get3A_694, %get3A_695] {strides = array<i32>} : memref<3x512xi32, #tpu.memory_space<vmem>>, vector<16xi32>,
    %sub3A_697 = arith.subi %get3A_692, %get3A_688 : vector<16xi32>
    %swap3A_698 = arith.constant 7 : i32
    %swap3A_699 = arith.index_cast %swap3A_698 : i32 to index
    %swap3A_700 = arith.constant 48 : index
    %swap3A_701 = tpu.vector_load %arg8[%swap3A_699, %swap3A_700] {strides = array<i32>} : memref<8x64xi32, #tpu.memory_space<vmem>>, vector<16xi32>,
    tpu.vector_store %arg8[%swap3A_699, %swap3A_700], %sub3A_697 {strides = array<i32>} : memref<8x64xi32, #tpu.memory_space<vmem>>, vector<16xi32>,
    %sub3A_702 = arith.subi %get3A_696, %get3A_692 : vector<16xi32>
    %swap3A_703 = arith.constant 7 : i32
    %swap3A_704 = arith.index_cast %swap3A_703 : i32 to index
    %swap3A_705 = arith.constant 48 : index
    %swap3A_706 = tpu.vector_load %arg9[%swap3A_704, %swap3A_705] {strides = array<i32>} : memref<8x64xi32, #tpu.memory_space<vmem>>, vector<16xi32>,
    tpu.vector_store %arg9[%swap3A_704, %swap3A_705], %sub3A_702 {strides = array<i32>} : memref<8x64xi32, #tpu.memory_space<vmem>>, vector<16xi32>,
    %mul3A_707 = arith.constant 512 : i32
    %mul3A_708 = arith.muli %add3A, %mul3A_707 : i32
    %dma_start3A = arith.constant 0 : i32
    %dma_start3A_709 = arith.constant 0 : i32
    %dma_start3A_710 = arith.constant 0 : i32
    %dma_start3A_711 = tpu.memref_slice %arg11[%dma_start3A_709, %dma_start3A_710] : memref<64x552xf32, #tpu.memory_space<vmem>> -> memref<64x256xf32, #tpu.memory_space<vmem>>
    %dma_start3A_712 = arith.constant 0 : i32
    %dma_start3A_713 = tpu.memref_slice %arg8[%dma_start3A, %dma_start3A_712] : memref<8x64xi32, #tpu.memory_space<vmem>> -> memref<1x64xi32, #tpu.memory_space<vmem>>
    %dma_start3A_714 = tpu.memref_squeeze %dma_start3A_713 : memref<1x64xi32, #tpu.memory_space<vmem>> -> memref<64xi32, #tpu.memory_space<vmem>>
    %dma_start3A_715 = arith.constant 0 : i32
    %dma_start3A_716 = arith.constant 0 : i32
    %dma_start3A_717 = tpu.memref_slice %arg2[%dma_start3A_715, %dma_start3A_716] : memref<1024x256xf32, #tpu.memory_space<hbm>> -> memref<1024x256xf32, #tpu.memory_space<hbm>>
    tpu.enqueue_indirect_dma source(%dma_start3A_717 : memref<1024x256xf32, #tpu.memory_space<hbm>>) target(%dma_start3A_711 : memref<64x256xf32, #tpu.memory_space<vmem>>) offsets(%dma_start3A_714 : memref<64xi32, #tpu.memory_space<vmem>>) semaphore(%arg13 : memref<!tpu.dma_semaphore, #tpu.memory_space<semaphore_mem>>)
    %dma_start3A_718 = arith.constant 0 : i32
    %dma_start3A_719 = arith.constant 0 : i32
    %dma_start3A_720 = arith.constant 256 : i32
    %dma_start3A_721 = tpu.memref_slice %arg11[%dma_start3A_719, %dma_start3A_720] : memref<64x552xf32, #tpu.memory_space<vmem>> -> memref<64x256xf32, #tpu.memory_space<vmem>>
    %dma_start3A_722 = arith.constant 0 : i32
    %dma_start3A_723 = tpu.memref_slice %arg9[%dma_start3A_718, %dma_start3A_722] : memref<8x64xi32, #tpu.memory_space<vmem>> -> memref<1x64xi32, #tpu.memory_space<vmem>>
    %dma_start3A_724 = tpu.memref_squeeze %dma_start3A_723 : memref<1x64xi32, #tpu.memory_space<vmem>> -> memref<64xi32, #tpu.memory_space<vmem>>
    %dma_start3A_725 = arith.constant 0 : i32
    %dma_start3A_726 = arith.constant 0 : i32
    %dma_start3A_727 = tpu.memref_slice %arg3[%dma_start3A_725, %dma_start3A_726] : memref<1024x256xf32, #tpu.memory_space<hbm>> -> memref<1024x256xf32, #tpu.memory_space<hbm>>
    tpu.enqueue_indirect_dma source(%dma_start3A_727 : memref<1024x256xf32, #tpu.memory_space<hbm>>) target(%dma_start3A_721 : memref<64x256xf32, #tpu.memory_space<vmem>>) offsets(%dma_start3A_724 : memref<64xi32, #tpu.memory_space<vmem>>) semaphore(%arg15 : memref<!tpu.dma_semaphore, #tpu.memory_space<semaphore_mem>>)
    %dma_start3A_728 = arith.constant 1 : i32
    %dma_start3A_729 = arith.constant 0 : i32
    %dma_start3A_730 = arith.constant 0 : i32
    %dma_start3A_731 = tpu.memref_slice %arg12[%dma_start3A_729, %dma_start3A_730] : memref<64x552xf32, #tpu.memory_space<vmem>> -> memref<64x256xf32, #tpu.memory_space<vmem>>
    %dma_start3A_732 = arith.constant 0 : i32
    %dma_start3A_733 = tpu.memref_slice %arg8[%dma_start3A_728, %dma_start3A_732] : memref<8x64xi32, #tpu.memory_space<vmem>> -> memref<1x64xi32, #tpu.memory_space<vmem>>
    %dma_start3A_734 = tpu.memref_squeeze %dma_start3A_733 : memref<1x64xi32, #tpu.memory_space<vmem>> -> memref<64xi32, #tpu.memory_space<vmem>>
    %dma_start3A_735 = arith.constant 0 : i32
    %dma_start3A_736 = arith.constant 0 : i32
    %dma_start3A_737 = tpu.memref_slice %arg2[%dma_start3A_735, %dma_start3A_736] : memref<1024x256xf32, #tpu.memory_space<hbm>> -> memref<1024x256xf32, #tpu.memory_space<hbm>>
    tpu.enqueue_indirect_dma source(%dma_start3A_737 : memref<1024x256xf32, #tpu.memory_space<hbm>>) target(%dma_start3A_731 : memref<64x256xf32, #tpu.memory_space<vmem>>) offsets(%dma_start3A_734 : memref<64xi32, #tpu.memory_space<vmem>>) semaphore(%arg14 : memref<!tpu.dma_semaphore, #tpu.memory_space<semaphore_mem>>)
    %dma_start3A_738 = arith.constant 1 : i32
    %dma_start3A_739 = arith.constant 0 : i32
    %dma_start3A_740 = arith.constant 256 : i32
    %dma_start3A_741 = tpu.memref_slice %arg12[%dma_start3A_739, %dma_start3A_740] : memref<64x552xf32, #tpu.memory_space<vmem>> -> memref<64x256xf32, #tpu.memory_space<vmem>>
    %dma_start3A_742 = arith.constant 0 : i32
    %dma_start3A_743 = tpu.memref_slice %arg9[%dma_start3A_738, %dma_start3A_742] : memref<8x64xi32, #tpu.memory_space<vmem>> -> memref<1x64xi32, #tpu.memory_space<vmem>>
    %dma_start3A_744 = tpu.memref_squeeze %dma_start3A_743 : memref<1x64xi32, #tpu.memory_space<vmem>> -> memref<64xi32, #tpu.memory_space<vmem>>
    %dma_start3A_745 = arith.constant 0 : i32
    %dma_start3A_746 = arith.constant 0 : i32
    %dma_start3A_747 = tpu.memref_slice %arg3[%dma_start3A_745, %dma_start3A_746] : memref<1024x256xf32, #tpu.memory_space<hbm>> -> memref<1024x256xf32, #tpu.memory_space<hbm>>
    tpu.enqueue_indirect_dma source(%dma_start3A_747 : memref<1024x256xf32, #tpu.memory_space<hbm>>) target(%dma_start3A_741 : memref<64x256xf32, #tpu.memory_space<vmem>>) offsets(%dma_start3A_744 : memref<64xi32, #tpu.memory_space<vmem>>) semaphore(%arg16 : memref<!tpu.dma_semaphore, #tpu.memory_space<semaphore_mem>>)
    %dma_wait3A = arith.constant 0 : i32
    %dma_wait3A_748 = arith.constant 0 : i32
    %dma_wait3A_749 = arith.constant 0 : i32
    %dma_wait3A_750 = tpu.memref_slice %arg11[%dma_wait3A_748, %dma_wait3A_749] : memref<64x552xf32, #tpu.memory_space<vmem>> -> memref<64x256xf32, #tpu.memory_space<vmem>>
    %dma_wait3A_751 = arith.constant 0 : i32
    %dma_wait3A_752 = tpu.memref_slice %arg8[%dma_wait3A, %dma_wait3A_751] : memref<8x64xi32, #tpu.memory_space<vmem>> -> memref<1x64xi32, #tpu.memory_space<vmem>>
    %dma_wait3A_753 = tpu.memref_squeeze %dma_wait3A_752 : memref<1x64xi32, #tpu.memory_space<vmem>> -> memref<64xi32, #tpu.memory_space<vmem>>
    %dma_wait3A_754 = arith.constant 0 : i32
    %dma_wait3A_755 = arith.constant 0 : i32
    %dma_wait3A_756 = tpu.memref_slice %arg2[%dma_wait3A_754, %dma_wait3A_755] : memref<1024x256xf32, #tpu.memory_space<hbm>> -> memref<1024x256xf32, #tpu.memory_space<hbm>>
    tpu.wait_indirect_dma semaphore(%arg13 : memref<!tpu.dma_semaphore, #tpu.memory_space<semaphore_mem>>) src(%dma_wait3A_756 : memref<1024x256xf32, #tpu.memory_space<hbm>>) dst(%dma_wait3A_750 : memref<64x256xf32, #tpu.memory_space<vmem>>)
    %dma_wait3A_757 = arith.constant 0 : i32
    %dma_wait3A_758 = arith.constant 0 : i32
    %dma_wait3A_759 = arith.constant 256 : i32
    %dma_wait3A_760 = tpu.memref_slice %arg11[%dma_wait3A_758, %dma_wait3A_759] : memref<64x552xf32, #tpu.memory_space<vmem>> -> memref<64x256xf32, #tpu.memory_space<vmem>>
    %dma_wait3A_761 = arith.constant 0 : i32
    %dma_wait3A_762 = tpu.memref_slice %arg9[%dma_wait3A_757, %dma_wait3A_761] : memref<8x64xi32, #tpu.memory_space<vmem>> -> memref<1x64xi32, #tpu.memory_space<vmem>>
    %dma_wait3A_763 = tpu.memref_squeeze %dma_wait3A_762 : memref<1x64xi32, #tpu.memory_space<vmem>> -> memref<64xi32, #tpu.memory_space<vmem>>
    %dma_wait3A_764 = arith.constant 0 : i32
    %dma_wait3A_765 = arith.constant 0 : i32
    %dma_wait3A_766 = tpu.memref_slice %arg3[%dma_wait3A_764, %dma_wait3A_765] : memref<1024x256xf32, #tpu.memory_space<hbm>> -> memref<1024x256xf32, #tpu.memory_space<hbm>>
    tpu.wait_indirect_dma semaphore(%arg15 : memref<!tpu.dma_semaphore, #tpu.memory_space<semaphore_mem>>) src(%dma_wait3A_766 : memref<1024x256xf32, #tpu.memory_space<hbm>>) dst(%dma_wait3A_760 : memref<64x256xf32, #tpu.memory_space<vmem>>)
    %add3A_767 = arith.constant 0 : i32
    %add3A_768 = vector.broadcast %add3A_767 : i32 to vector<16xi32>
    %add3A_769 = arith.addi %iota3A, %add3A_768 : vector<16xi32>
    %get3A_770 = arith.constant 0 : i32
    %get3A_771 = arith.index_cast %get3A_770 : i32 to index
    %get3A_772 = arith.constant 0 : index
    %get3A_773 = tpu.vector_load %arg8[%get3A_771, %get3A_772] {strides = array<i32>} : memref<8x64xi32, #tpu.memory_space<vmem>>, vector<16xi32>,
    %mul3A_774 = arith.constant 40 : i32
    %mul3A_775 = vector.broadcast %mul3A_774 : i32 to vector<16xi32>
    %mul3A_776 = arith.muli %get3A_773, %mul3A_775 : vector<16xi32>
    %add3A_777 = arith.constant 20 : i32
    %add3A_778 = vector.broadcast %add3A_777 : i32 to vector<16xi32>
    %add3A_779 = arith.addi %mul3A_776, %add3A_778 : vector<16xi32>
    %get3A_780 = arith.constant 0 : i32
    %get3A_781 = arith.index_cast %get3A_780 : i32 to index
    %get3A_782 = arith.constant 0 : index
    %get3A_783 = tpu.vector_load %arg9[%get3A_781, %get3A_782] {strides = array<i32>} : memref<8x64xi32, #tpu.memory_space<vmem>>, vector<16xi32>,
    %mul3A_784 = arith.constant 40 : i32
    %mul3A_785 = vector.broadcast %mul3A_784 : i32 to vector<16xi32>
    %mul3A_786 = arith.muli %get3A_783, %mul3A_785 : vector<16xi32>
    %scan3A = arith.constant 0 : i32
    %scan3A_787 = arith.constant 0 : i32
    %scan3A_788 = arith.constant 20 : i32
    %scan3A_789 = arith.addi %scan3A_787, %scan3A_788 : i32
    %scan3A_790 = arith.constant 1 : i32
    %scan3A_791 = scf.for %scan3A_2194 = %scan3A_787 to %scan3A_789 step %scan3A_790 iter_args(%scan3A_2195 = %scan3A) -> (i32)  : i32 {
      %add3A_2196 = vector.broadcast %scan3A_2194 : i32 to vector<16xi32>
      %add3A_2197 = arith.addi %add3A_779, %add3A_2196 : vector<16xi32>
      %shift_right_arithmetic3A = arith.constant 7 : i32
      %shift_right_arithmetic3A_2198 = vector.broadcast %shift_right_arithmetic3A : i32 to vector<16xi32>
      %shift_right_arithmetic3A_2199 = arith.shrsi %add3A_2197, %shift_right_arithmetic3A_2198 : vector<16xi32>
      %and3A = arith.constant 127 : i32
      %and3A_2200 = vector.broadcast %and3A : i32 to vector<16xi32>
      %and3A_2201 = arith.andi %add3A_2197, %and3A_2200 : vector<16xi32>
      %gather3A = tpu.vector_load_idx %arg10[%shift_right_arithmetic3A_2199, %and3A_2201] : memref<320x128xf32, #tpu.memory_space<vmem>>[vector<16xi32>, vector<16xi32>], vector<16xf32>,
      %add3A_2202 = arith.constant 256 : i32
      %add3A_2203 = arith.addi %add3A_2202, %scan3A_2194 : i32
      %add3A_2204 = vector.broadcast %add3A_2203 : i32 to vector<16xi32>
      %add3A_2205 = arith.addi %mul3A_5, %add3A_2204 : vector<16xi32>
      tpu.vector_store_idx %arg11[%add3A_769, %add3A_2205], %gather3A : memref<64x552xf32, #tpu.memory_space<vmem>>[vector<16xi32>, vector<16xi32>], vector<16xf32>,
      %scan3A_2206 = arith.constant 0 : i32
      scf.yield %scan3A_2206 : i32
    }
    %scan3A_792 = arith.constant 20 : i32
    %scan3A_793 = arith.constant 0 : i32
    %scan3A_794 = arith.constant 0 : i32
    %scan3A_795 = arith.constant 40 : i32
    %scan3A_796 = arith.addi %scan3A_794, %scan3A_795 : i32
    %scan3A_797 = arith.constant 1 : i32
    %scan3A_798 = scf.for %scan3A_2194 = %scan3A_794 to %scan3A_796 step %scan3A_797 iter_args(%scan3A_2195 = %scan3A_793) -> (i32)  : i32 {
      %add3A_2196 = vector.broadcast %scan3A_2194 : i32 to vector<16xi32>
      %add3A_2197 = arith.addi %mul3A_786, %add3A_2196 : vector<16xi32>
      %shift_right_arithmetic3A = arith.constant 7 : i32
      %shift_right_arithmetic3A_2198 = vector.broadcast %shift_right_arithmetic3A : i32 to vector<16xi32>
      %shift_right_arithmetic3A_2199 = arith.shrsi %add3A_2197, %shift_right_arithmetic3A_2198 : vector<16xi32>
      %and3A = arith.constant 127 : i32
      %and3A_2200 = vector.broadcast %and3A : i32 to vector<16xi32>
      %and3A_2201 = arith.andi %add3A_2197, %and3A_2200 : vector<16xi32>
      %gather3A = tpu.vector_load_idx %arg10[%shift_right_arithmetic3A_2199, %and3A_2201] : memref<320x128xf32, #tpu.memory_space<vmem>>[vector<16xi32>, vector<16xi32>], vector<16xf32>,
      %add3A_2202 = arith.constant 512 : i32
      %add3A_2203 = arith.addi %add3A_2202, %scan3A_2194 : i32
      %add3A_2204 = vector.broadcast %add3A_2203 : i32 to vector<16xi32>
      %add3A_2205 = arith.addi %mul3A_5, %add3A_2204 : vector<16xi32>
      tpu.vector_store_idx %arg11[%add3A_769, %add3A_2205], %gather3A : memref<64x552xf32, #tpu.memory_space<vmem>>[vector<16xi32>, vector<16xi32>], vector<16xf32>,
      %scan3A_2206 = arith.constant 0 : i32
      scf.yield %scan3A_2206 : i32
    }
    %scan3A_799 = arith.constant 40 : i32
    %add3A_800 = arith.constant 16 : i32
    %add3A_801 = vector.broadcast %add3A_800 : i32 to vector<16xi32>
    %add3A_802 = arith.addi %iota3A, %add3A_801 : vector<16xi32>
    %get3A_803 = arith.constant 0 : i32
    %get3A_804 = arith.index_cast %get3A_803 : i32 to index
    %get3A_805 = arith.constant 16 : index
    %get3A_806 = tpu.vector_load %arg8[%get3A_804, %get3A_805] {strides = array<i32>} : memref<8x64xi32, #tpu.memory_space<vmem>>, vector<16xi32>,
    %mul3A_807 = arith.constant 40 : i32
    %mul3A_808 = vector.broadcast %mul3A_807 : i32 to vector<16xi32>
    %mul3A_809 = arith.muli %get3A_806, %mul3A_808 : vector<16xi32>
    %add3A_810 = arith.constant 20 : i32
    %add3A_811 = vector.broadcast %add3A_810 : i32 to vector<16xi32>
    %add3A_812 = arith.addi %mul3A_809, %add3A_811 : vector<16xi32>
    %get3A_813 = arith.constant 0 : i32
    %get3A_814 = arith.index_cast %get3A_813 : i32 to index
    %get3A_815 = arith.constant 16 : index
    %get3A_816 = tpu.vector_load %arg9[%get3A_814, %get3A_815] {strides = array<i32>} : memref<8x64xi32, #tpu.memory_space<vmem>>, vector<16xi32>,
    %mul3A_817 = arith.constant 40 : i32
    %mul3A_818 = vector.broadcast %mul3A_817 : i32 to vector<16xi32>
    %mul3A_819 = arith.muli %get3A_816, %mul3A_818 : vector<16xi32>
    %scan3A_820 = arith.constant 0 : i32
    %scan3A_821 = arith.constant 0 : i32
    %scan3A_822 = arith.constant 20 : i32
    %scan3A_823 = arith.addi %scan3A_821, %scan3A_822 : i32
    %scan3A_824 = arith.constant 1 : i32
    %scan3A_825 = scf.for %scan3A_2194 = %scan3A_821 to %scan3A_823 step %scan3A_824 iter_args(%scan3A_2195 = %scan3A_820) -> (i32)  : i32 {
      %add3A_2196 = vector.broadcast %scan3A_2194 : i32 to vector<16xi32>
      %add3A_2197 = arith.addi %add3A_812, %add3A_2196 : vector<16xi32>
      %shift_right_arithmetic3A = arith.constant 7 : i32
      %shift_right_arithmetic3A_2198 = vector.broadcast %shift_right_arithmetic3A : i32 to vector<16xi32>
      %shift_right_arithmetic3A_2199 = arith.shrsi %add3A_2197, %shift_right_arithmetic3A_2198 : vector<16xi32>
      %and3A = arith.constant 127 : i32
      %and3A_2200 = vector.broadcast %and3A : i32 to vector<16xi32>
      %and3A_2201 = arith.andi %add3A_2197, %and3A_2200 : vector<16xi32>
      %gather3A = tpu.vector_load_idx %arg10[%shift_right_arithmetic3A_2199, %and3A_2201] : memref<320x128xf32, #tpu.memory_space<vmem>>[vector<16xi32>, vector<16xi32>], vector<16xf32>,
      %add3A_2202 = arith.constant 256 : i32
      %add3A_2203 = arith.addi %add3A_2202, %scan3A_2194 : i32
      %add3A_2204 = vector.broadcast %add3A_2203 : i32 to vector<16xi32>
      %add3A_2205 = arith.addi %mul3A_5, %add3A_2204 : vector<16xi32>
      tpu.vector_store_idx %arg11[%add3A_802, %add3A_2205], %gather3A : memref<64x552xf32, #tpu.memory_space<vmem>>[vector<16xi32>, vector<16xi32>], vector<16xf32>,
      %scan3A_2206 = arith.constant 0 : i32
      scf.yield %scan3A_2206 : i32
    }
    %scan3A_826 = arith.constant 20 : i32
    %scan3A_827 = arith.constant 0 : i32
    %scan3A_828 = arith.constant 0 : i32
    %scan3A_829 = arith.constant 40 : i32
    %scan3A_830 = arith.addi %scan3A_828, %scan3A_829 : i32
    %scan3A_831 = arith.constant 1 : i32
    %scan3A_832 = scf.for %scan3A_2194 = %scan3A_828 to %scan3A_830 step %scan3A_831 iter_args(%scan3A_2195 = %scan3A_827) -> (i32)  : i32 {
      %add3A_2196 = vector.broadcast %scan3A_2194 : i32 to vector<16xi32>
      %add3A_2197 = arith.addi %mul3A_819, %add3A_2196 : vector<16xi32>
      %shift_right_arithmetic3A = arith.constant 7 : i32
      %shift_right_arithmetic3A_2198 = vector.broadcast %shift_right_arithmetic3A : i32 to vector<16xi32>
      %shift_right_arithmetic3A_2199 = arith.shrsi %add3A_2197, %shift_right_arithmetic3A_2198 : vector<16xi32>
      %and3A = arith.constant 127 : i32
      %and3A_2200 = vector.broadcast %and3A : i32 to vector<16xi32>
      %and3A_2201 = arith.andi %add3A_2197, %and3A_2200 : vector<16xi32>
      %gather3A = tpu.vector_load_idx %arg10[%shift_right_arithmetic3A_2199, %and3A_2201] : memref<320x128xf32, #tpu.memory_space<vmem>>[vector<16xi32>, vector<16xi32>], vector<16xf32>,
      %add3A_2202 = arith.constant 512 : i32
      %add3A_2203 = arith.addi %add3A_2202, %scan3A_2194 : i32
      %add3A_2204 = vector.broadcast %add3A_2203 : i32 to vector<16xi32>
      %add3A_2205 = arith.addi %mul3A_5, %add3A_2204 : vector<16xi32>
      tpu.vector_store_idx %arg11[%add3A_802, %add3A_2205], %gather3A : memref<64x552xf32, #tpu.memory_space<vmem>>[vector<16xi32>, vector<16xi32>], vector<16xf32>,
      %scan3A_2206 = arith.constant 0 : i32
      scf.yield %scan3A_2206 : i32
    }
    %scan3A_833 = arith.constant 40 : i32
    %add3A_834 = arith.constant 32 : i32
    %add3A_835 = vector.broadcast %add3A_834 : i32 to vector<16xi32>
    %add3A_836 = arith.addi %iota3A, %add3A_835 : vector<16xi32>
    %get3A_837 = arith.constant 0 : i32
    %get3A_838 = arith.index_cast %get3A_837 : i32 to index
    %get3A_839 = arith.constant 32 : index
    %get3A_840 = tpu.vector_load %arg8[%get3A_838, %get3A_839] {strides = array<i32>} : memref<8x64xi32, #tpu.memory_space<vmem>>, vector<16xi32>,
    %mul3A_841 = arith.constant 40 : i32
    %mul3A_842 = vector.broadcast %mul3A_841 : i32 to vector<16xi32>
    %mul3A_843 = arith.muli %get3A_840, %mul3A_842 : vector<16xi32>
    %add3A_844 = arith.constant 20 : i32
    %add3A_845 = vector.broadcast %add3A_844 : i32 to vector<16xi32>
    %add3A_846 = arith.addi %mul3A_843, %add3A_845 : vector<16xi32>
    %get3A_847 = arith.constant 0 : i32
    %get3A_848 = arith.index_cast %get3A_847 : i32 to index
    %get3A_849 = arith.constant 32 : index
    %get3A_850 = tpu.vector_load %arg9[%get3A_848, %get3A_849] {strides = array<i32>} : memref<8x64xi32, #tpu.memory_space<vmem>>, vector<16xi32>,
    %mul3A_851 = arith.constant 40 : i32
    %mul3A_852 = vector.broadcast %mul3A_851 : i32 to vector<16xi32>
    %mul3A_853 = arith.muli %get3A_850, %mul3A_852 : vector<16xi32>
    %scan3A_854 = arith.constant 0 : i32
    %scan3A_855 = arith.constant 0 : i32
    %scan3A_856 = arith.constant 20 : i32
    %scan3A_857 = arith.addi %scan3A_855, %scan3A_856 : i32
    %scan3A_858 = arith.constant 1 : i32
    %scan3A_859 = scf.for %scan3A_2194 = %scan3A_855 to %scan3A_857 step %scan3A_858 iter_args(%scan3A_2195 = %scan3A_854) -> (i32)  : i32 {
      %add3A_2196 = vector.broadcast %scan3A_2194 : i32 to vector<16xi32>
      %add3A_2197 = arith.addi %add3A_846, %add3A_2196 : vector<16xi32>
      %shift_right_arithmetic3A = arith.constant 7 : i32
      %shift_right_arithmetic3A_2198 = vector.broadcast %shift_right_arithmetic3A : i32 to vector<16xi32>
      %shift_right_arithmetic3A_2199 = arith.shrsi %add3A_2197, %shift_right_arithmetic3A_2198 : vector<16xi32>
      %and3A = arith.constant 127 : i32
      %and3A_2200 = vector.broadcast %and3A : i32 to vector<16xi32>
      %and3A_2201 = arith.andi %add3A_2197, %and3A_2200 : vector<16xi32>
      %gather3A = tpu.vector_load_idx %arg10[%shift_right_arithmetic3A_2199, %and3A_2201] : memref<320x128xf32, #tpu.memory_space<vmem>>[vector<16xi32>, vector<16xi32>], vector<16xf32>,
      %add3A_2202 = arith.constant 256 : i32
      %add3A_2203 = arith.addi %add3A_2202, %scan3A_2194 : i32
      %add3A_2204 = vector.broadcast %add3A_2203 : i32 to vector<16xi32>
      %add3A_2205 = arith.addi %mul3A_5, %add3A_2204 : vector<16xi32>
      tpu.vector_store_idx %arg11[%add3A_836, %add3A_2205], %gather3A : memref<64x552xf32, #tpu.memory_space<vmem>>[vector<16xi32>, vector<16xi32>], vector<16xf32>,
      %scan3A_2206 = arith.constant 0 : i32
      scf.yield %scan3A_2206 : i32
    }
    %scan3A_860 = arith.constant 20 : i32
    %scan3A_861 = arith.constant 0 : i32
    %scan3A_862 = arith.constant 0 : i32
    %scan3A_863 = arith.constant 40 : i32
    %scan3A_864 = arith.addi %scan3A_862, %scan3A_863 : i32
    %scan3A_865 = arith.constant 1 : i32
    %scan3A_866 = scf.for %scan3A_2194 = %scan3A_862 to %scan3A_864 step %scan3A_865 iter_args(%scan3A_2195 = %scan3A_861) -> (i32)  : i32 {
      %add3A_2196 = vector.broadcast %scan3A_2194 : i32 to vector<16xi32>
      %add3A_2197 = arith.addi %mul3A_853, %add3A_2196 : vector<16xi32>
      %shift_right_arithmetic3A = arith.constant 7 : i32
      %shift_right_arithmetic3A_2198 = vector.broadcast %shift_right_arithmetic3A : i32 to vector<16xi32>
      %shift_right_arithmetic3A_2199 = arith.shrsi %add3A_2197, %shift_right_arithmetic3A_2198 : vector<16xi32>
      %and3A = arith.constant 127 : i32
      %and3A_2200 = vector.broadcast %and3A : i32 to vector<16xi32>
      %and3A_2201 = arith.andi %add3A_2197, %and3A_2200 : vector<16xi32>
      %gather3A = tpu.vector_load_idx %arg10[%shift_right_arithmetic3A_2199, %and3A_2201] : memref<320x128xf32, #tpu.memory_space<vmem>>[vector<16xi32>, vector<16xi32>], vector<16xf32>,
      %add3A_2202 = arith.constant 512 : i32
      %add3A_2203 = arith.addi %add3A_2202, %scan3A_2194 : i32
      %add3A_2204 = vector.broadcast %add3A_2203 : i32 to vector<16xi32>
      %add3A_2205 = arith.addi %mul3A_5, %add3A_2204 : vector<16xi32>
      tpu.vector_store_idx %arg11[%add3A_836, %add3A_2205], %gather3A : memref<64x552xf32, #tpu.memory_space<vmem>>[vector<16xi32>, vector<16xi32>], vector<16xf32>,
      %scan3A_2206 = arith.constant 0 : i32
      scf.yield %scan3A_2206 : i32
    }
    %scan3A_867 = arith.constant 40 : i32
    %add3A_868 = arith.constant 48 : i32
    %add3A_869 = vector.broadcast %add3A_868 : i32 to vector<16xi32>
    %add3A_870 = arith.addi %iota3A, %add3A_869 : vector<16xi32>
    %get3A_871 = arith.constant 0 : i32
    %get3A_872 = arith.index_cast %get3A_871 : i32 to index
    %get3A_873 = arith.constant 48 : index
    %get3A_874 = tpu.vector_load %arg8[%get3A_872, %get3A_873] {strides = array<i32>} : memref<8x64xi32, #tpu.memory_space<vmem>>, vector<16xi32>,
    %mul3A_875 = arith.constant 40 : i32
    %mul3A_876 = vector.broadcast %mul3A_875 : i32 to vector<16xi32>
    %mul3A_877 = arith.muli %get3A_874, %mul3A_876 : vector<16xi32>
    %add3A_878 = arith.constant 20 : i32
    %add3A_879 = vector.broadcast %add3A_878 : i32 to vector<16xi32>
    %add3A_880 = arith.addi %mul3A_877, %add3A_879 : vector<16xi32>
    %get3A_881 = arith.constant 0 : i32
    %get3A_882 = arith.index_cast %get3A_881 : i32 to index
    %get3A_883 = arith.constant 48 : index
    %get3A_884 = tpu.vector_load %arg9[%get3A_882, %get3A_883] {strides = array<i32>} : memref<8x64xi32, #tpu.memory_space<vmem>>, vector<16xi32>,
    %mul3A_885 = arith.constant 40 : i32
    %mul3A_886 = vector.broadcast %mul3A_885 : i32 to vector<16xi32>
    %mul3A_887 = arith.muli %get3A_884, %mul3A_886 : vector<16xi32>
    %scan3A_888 = arith.constant 0 : i32
    %scan3A_889 = arith.constant 0 : i32
    %scan3A_890 = arith.constant 20 : i32
    %scan3A_891 = arith.addi %scan3A_889, %scan3A_890 : i32
    %scan3A_892 = arith.constant 1 : i32
    %scan3A_893 = scf.for %scan3A_2194 = %scan3A_889 to %scan3A_891 step %scan3A_892 iter_args(%scan3A_2195 = %scan3A_888) -> (i32)  : i32 {
      %add3A_2196 = vector.broadcast %scan3A_2194 : i32 to vector<16xi32>
      %add3A_2197 = arith.addi %add3A_880, %add3A_2196 : vector<16xi32>
      %shift_right_arithmetic3A = arith.constant 7 : i32
      %shift_right_arithmetic3A_2198 = vector.broadcast %shift_right_arithmetic3A : i32 to vector<16xi32>
      %shift_right_arithmetic3A_2199 = arith.shrsi %add3A_2197, %shift_right_arithmetic3A_2198 : vector<16xi32>
      %and3A = arith.constant 127 : i32
      %and3A_2200 = vector.broadcast %and3A : i32 to vector<16xi32>
      %and3A_2201 = arith.andi %add3A_2197, %and3A_2200 : vector<16xi32>
      %gather3A = tpu.vector_load_idx %arg10[%shift_right_arithmetic3A_2199, %and3A_2201] : memref<320x128xf32, #tpu.memory_space<vmem>>[vector<16xi32>, vector<16xi32>], vector<16xf32>,
      %add3A_2202 = arith.constant 256 : i32
      %add3A_2203 = arith.addi %add3A_2202, %scan3A_2194 : i32
      %add3A_2204 = vector.broadcast %add3A_2203 : i32 to vector<16xi32>
      %add3A_2205 = arith.addi %mul3A_5, %add3A_2204 : vector<16xi32>
      tpu.vector_store_idx %arg11[%add3A_870, %add3A_2205], %gather3A : memref<64x552xf32, #tpu.memory_space<vmem>>[vector<16xi32>, vector<16xi32>], vector<16xf32>,
      %scan3A_2206 = arith.constant 0 : i32
      scf.yield %scan3A_2206 : i32
    }
    %scan3A_894 = arith.constant 20 : i32
    %scan3A_895 = arith.constant 0 : i32
    %scan3A_896 = arith.constant 0 : i32
    %scan3A_897 = arith.constant 40 : i32
    %scan3A_898 = arith.addi %scan3A_896, %scan3A_897 : i32
    %scan3A_899 = arith.constant 1 : i32
    %scan3A_900 = scf.for %scan3A_2194 = %scan3A_896 to %scan3A_898 step %scan3A_899 iter_args(%scan3A_2195 = %scan3A_895) -> (i32)  : i32 {
      %add3A_2196 = vector.broadcast %scan3A_2194 : i32 to vector<16xi32>
      %add3A_2197 = arith.addi %mul3A_887, %add3A_2196 : vector<16xi32>
      %shift_right_arithmetic3A = arith.constant 7 : i32
      %shift_right_arithmetic3A_2198 = vector.broadcast %shift_right_arithmetic3A : i32 to vector<16xi32>
      %shift_right_arithmetic3A_2199 = arith.shrsi %add3A_2197, %shift_right_arithmetic3A_2198 : vector<16xi32>
      %and3A = arith.constant 127 : i32
      %and3A_2200 = vector.broadcast %and3A : i32 to vector<16xi32>
      %and3A_2201 = arith.andi %add3A_2197, %and3A_2200 : vector<16xi32>
      %gather3A = tpu.vector_load_idx %arg10[%shift_right_arithmetic3A_2199, %and3A_2201] : memref<320x128xf32, #tpu.memory_space<vmem>>[vector<16xi32>, vector<16xi32>], vector<16xf32>,
      %add3A_2202 = arith.constant 512 : i32
      %add3A_2203 = arith.addi %add3A_2202, %scan3A_2194 : i32
      %add3A_2204 = vector.broadcast %add3A_2203 : i32 to vector<16xi32>
      %add3A_2205 = arith.addi %mul3A_5, %add3A_2204 : vector<16xi32>
      tpu.vector_store_idx %arg11[%add3A_870, %add3A_2205], %gather3A : memref<64x552xf32, #tpu.memory_space<vmem>>[vector<16xi32>, vector<16xi32>], vector<16xf32>,
      %scan3A_2206 = arith.constant 0 : i32
      scf.yield %scan3A_2206 : i32
    }
    %scan3A_901 = arith.constant 40 : i32
    %add3A_902 = arith.constant 0 : i32
    %add3A_903 = arith.addi %mul3A_708, %add3A_902 : i32
    %dma_start3A_904 = arith.constant 0 : i32
    %dma_start3A_905 = tpu.memref_slice %arg6[%add3A_903, %dma_start3A_904] : memref<16384x552xf32, #tpu.memory_space<hbm>> -> memref<64x552xf32, #tpu.memory_space<hbm>>
    %dma_start3A_906 = arith.constant 0 : i32
    %dma_start3A_907 = tpu.memref_slice %arg6[%add3A_903, %dma_start3A_906] : memref<16384x552xf32, #tpu.memory_space<hbm>> -> memref<64x552xf32, #tpu.memory_space<hbm>>
    tpu.enqueue_dma source(%arg11 : memref<64x552xf32, #tpu.memory_space<vmem>>) target(%dma_start3A_907 : memref<64x552xf32, #tpu.memory_space<hbm>>) target_semaphore(%arg17 : memref<!tpu.dma_semaphore, #tpu.memory_space<semaphore_mem>>)
    %dma_wait3A_908 = arith.constant 0 : i32
    %dma_wait3A_909 = tpu.memref_slice %arg6[%add3A_903, %dma_wait3A_908] : memref<16384x552xf32, #tpu.memory_space<hbm>> -> memref<64x552xf32, #tpu.memory_space<hbm>>
    %dma_wait3A_910 = arith.constant 0 : i32
    %dma_wait3A_911 = tpu.memref_slice %arg6[%add3A_903, %dma_wait3A_910] : memref<16384x552xf32, #tpu.memory_space<hbm>> -> memref<64x552xf32, #tpu.memory_space<hbm>>
    tpu.wait_dma2 semaphore(%arg17 : memref<!tpu.dma_semaphore, #tpu.memory_space<semaphore_mem>>) src(%arg11 : memref<64x552xf32, #tpu.memory_space<vmem>>) dst(%dma_wait3A_911 : memref<64x552xf32, #tpu.memory_space<hbm>>)
    %dma_start3A_912 = arith.constant 2 : i32
    %dma_start3A_913 = arith.constant 0 : i32
    %dma_start3A_914 = arith.constant 0 : i32
    %dma_start3A_915 = tpu.memref_slice %arg11[%dma_start3A_913, %dma_start3A_914] : memref<64x552xf32, #tpu.memory_space<vmem>> -> memref<64x256xf32, #tpu.memory_space<vmem>>
    %dma_start3A_916 = arith.constant 0 : i32
    %dma_start3A_917 = tpu.memref_slice %arg8[%dma_start3A_912, %dma_start3A_916] : memref<8x64xi32, #tpu.memory_space<vmem>> -> memref<1x64xi32, #tpu.memory_space<vmem>>
    %dma_start3A_918 = tpu.memref_squeeze %dma_start3A_917 : memref<1x64xi32, #tpu.memory_space<vmem>> -> memref<64xi32, #tpu.memory_space<vmem>>
    %dma_start3A_919 = arith.constant 0 : i32
    %dma_start3A_920 = arith.constant 0 : i32
    %dma_start3A_921 = tpu.memref_slice %arg2[%dma_start3A_919, %dma_start3A_920] : memref<1024x256xf32, #tpu.memory_space<hbm>> -> memref<1024x256xf32, #tpu.memory_space<hbm>>
    tpu.enqueue_indirect_dma source(%dma_start3A_921 : memref<1024x256xf32, #tpu.memory_space<hbm>>) target(%dma_start3A_915 : memref<64x256xf32, #tpu.memory_space<vmem>>) offsets(%dma_start3A_918 : memref<64xi32, #tpu.memory_space<vmem>>) semaphore(%arg13 : memref<!tpu.dma_semaphore, #tpu.memory_space<semaphore_mem>>)
    %dma_start3A_922 = arith.constant 2 : i32
    %dma_start3A_923 = arith.constant 0 : i32
    %dma_start3A_924 = arith.constant 256 : i32
    %dma_start3A_925 = tpu.memref_slice %arg11[%dma_start3A_923, %dma_start3A_924] : memref<64x552xf32, #tpu.memory_space<vmem>> -> memref<64x256xf32, #tpu.memory_space<vmem>>
    %dma_start3A_926 = arith.constant 0 : i32
    %dma_start3A_927 = tpu.memref_slice %arg9[%dma_start3A_922, %dma_start3A_926] : memref<8x64xi32, #tpu.memory_space<vmem>> -> memref<1x64xi32, #tpu.memory_space<vmem>>
    %dma_start3A_928 = tpu.memref_squeeze %dma_start3A_927 : memref<1x64xi32, #tpu.memory_space<vmem>> -> memref<64xi32, #tpu.memory_space<vmem>>
    %dma_start3A_929 = arith.constant 0 : i32
    %dma_start3A_930 = arith.constant 0 : i32
    %dma_start3A_931 = tpu.memref_slice %arg3[%dma_start3A_929, %dma_start3A_930] : memref<1024x256xf32, #tpu.memory_space<hbm>> -> memref<1024x256xf32, #tpu.memory_space<hbm>>
    tpu.enqueue_indirect_dma source(%dma_start3A_931 : memref<1024x256xf32, #tpu.memory_space<hbm>>) target(%dma_start3A_925 : memref<64x256xf32, #tpu.memory_space<vmem>>) offsets(%dma_start3A_928 : memref<64xi32, #tpu.memory_space<vmem>>) semaphore(%arg15 : memref<!tpu.dma_semaphore, #tpu.memory_space<semaphore_mem>>)
    %dma_wait3A_932 = arith.constant 1 : i32
    %dma_wait3A_933 = arith.constant 0 : i32
    %dma_wait3A_934 = arith.constant 0 : i32
    %dma_wait3A_935 = tpu.memref_slice %arg12[%dma_wait3A_933, %dma_wait3A_934] : memref<64x552xf32, #tpu.memory_space<vmem>> -> memref<64x256xf32, #tpu.memory_space<vmem>>
    %dma_wait3A_936 = arith.constant 0 : i32
    %dma_wait3A_937 = tpu.memref_slice %arg8[%dma_wait3A_932, %dma_wait3A_936] : memref<8x64xi32, #tpu.memory_space<vmem>> -> memref<1x64xi32, #tpu.memory_space<vmem>>
    %dma_wait3A_938 = tpu.memref_squeeze %dma_wait3A_937 : memref<1x64xi32, #tpu.memory_space<vmem>> -> memref<64xi32, #tpu.memory_space<vmem>>
    %dma_wait3A_939 = arith.constant 0 : i32
    %dma_wait3A_940 = arith.constant 0 : i32
    %dma_wait3A_941 = tpu.memref_slice %arg2[%dma_wait3A_939, %dma_wait3A_940] : memref<1024x256xf32, #tpu.memory_space<hbm>> -> memref<1024x256xf32, #tpu.memory_space<hbm>>
    tpu.wait_indirect_dma semaphore(%arg14 : memref<!tpu.dma_semaphore, #tpu.memory_space<semaphore_mem>>) src(%dma_wait3A_941 : memref<1024x256xf32, #tpu.memory_space<hbm>>) dst(%dma_wait3A_935 : memref<64x256xf32, #tpu.memory_space<vmem>>)
    %dma_wait3A_942 = arith.constant 1 : i32
    %dma_wait3A_943 = arith.constant 0 : i32
    %dma_wait3A_944 = arith.constant 256 : i32
    %dma_wait3A_945 = tpu.memref_slice %arg12[%dma_wait3A_943, %dma_wait3A_944] : memref<64x552xf32, #tpu.memory_space<vmem>> -> memref<64x256xf32, #tpu.memory_space<vmem>>
    %dma_wait3A_946 = arith.constant 0 : i32
    %dma_wait3A_947 = tpu.memref_slice %arg9[%dma_wait3A_942, %dma_wait3A_946] : memref<8x64xi32, #tpu.memory_space<vmem>> -> memref<1x64xi32, #tpu.memory_space<vmem>>
    %dma_wait3A_948 = tpu.memref_squeeze %dma_wait3A_947 : memref<1x64xi32, #tpu.memory_space<vmem>> -> memref<64xi32, #tpu.memory_space<vmem>>
    %dma_wait3A_949 = arith.constant 0 : i32
    %dma_wait3A_950 = arith.constant 0 : i32
    %dma_wait3A_951 = tpu.memref_slice %arg3[%dma_wait3A_949, %dma_wait3A_950] : memref<1024x256xf32, #tpu.memory_space<hbm>> -> memref<1024x256xf32, #tpu.memory_space<hbm>>
    tpu.wait_indirect_dma semaphore(%arg16 : memref<!tpu.dma_semaphore, #tpu.memory_space<semaphore_mem>>) src(%dma_wait3A_951 : memref<1024x256xf32, #tpu.memory_space<hbm>>) dst(%dma_wait3A_945 : memref<64x256xf32, #tpu.memory_space<vmem>>)
    %add3A_952 = arith.constant 0 : i32
    %add3A_953 = vector.broadcast %add3A_952 : i32 to vector<16xi32>
    %add3A_954 = arith.addi %iota3A, %add3A_953 : vector<16xi32>
    %get3A_955 = arith.constant 1 : i32
    %get3A_956 = arith.index_cast %get3A_955 : i32 to index
    %get3A_957 = arith.constant 0 : index
    %get3A_958 = tpu.vector_load %arg8[%get3A_956, %get3A_957] {strides = array<i32>} : memref<8x64xi32, #tpu.memory_space<vmem>>, vector<16xi32>,
    %mul3A_959 = arith.constant 40 : i32
    %mul3A_960 = vector.broadcast %mul3A_959 : i32 to vector<16xi32>
    %mul3A_961 = arith.muli %get3A_958, %mul3A_960 : vector<16xi32>
    %add3A_962 = arith.constant 20 : i32
    %add3A_963 = vector.broadcast %add3A_962 : i32 to vector<16xi32>
    %add3A_964 = arith.addi %mul3A_961, %add3A_963 : vector<16xi32>
    %get3A_965 = arith.constant 1 : i32
    %get3A_966 = arith.index_cast %get3A_965 : i32 to index
    %get3A_967 = arith.constant 0 : index
    %get3A_968 = tpu.vector_load %arg9[%get3A_966, %get3A_967] {strides = array<i32>} : memref<8x64xi32, #tpu.memory_space<vmem>>, vector<16xi32>,
    %mul3A_969 = arith.constant 40 : i32
    %mul3A_970 = vector.broadcast %mul3A_969 : i32 to vector<16xi32>
    %mul3A_971 = arith.muli %get3A_968, %mul3A_970 : vector<16xi32>
    %scan3A_972 = arith.constant 0 : i32
    %scan3A_973 = arith.constant 0 : i32
    %scan3A_974 = arith.constant 20 : i32
    %scan3A_975 = arith.addi %scan3A_973, %scan3A_974 : i32
    %scan3A_976 = arith.constant 1 : i32
    %scan3A_977 = scf.for %scan3A_2194 = %scan3A_973 to %scan3A_975 step %scan3A_976 iter_args(%scan3A_2195 = %scan3A_972) -> (i32)  : i32 {
      %add3A_2196 = vector.broadcast %scan3A_2194 : i32 to vector<16xi32>
      %add3A_2197 = arith.addi %add3A_964, %add3A_2196 : vector<16xi32>
      %shift_right_arithmetic3A = arith.constant 7 : i32
      %shift_right_arithmetic3A_2198 = vector.broadcast %shift_right_arithmetic3A : i32 to vector<16xi32>
      %shift_right_arithmetic3A_2199 = arith.shrsi %add3A_2197, %shift_right_arithmetic3A_2198 : vector<16xi32>
      %and3A = arith.constant 127 : i32
      %and3A_2200 = vector.broadcast %and3A : i32 to vector<16xi32>
      %and3A_2201 = arith.andi %add3A_2197, %and3A_2200 : vector<16xi32>
      %gather3A = tpu.vector_load_idx %arg10[%shift_right_arithmetic3A_2199, %and3A_2201] : memref<320x128xf32, #tpu.memory_space<vmem>>[vector<16xi32>, vector<16xi32>], vector<16xf32>,
      %add3A_2202 = arith.constant 256 : i32
      %add3A_2203 = arith.addi %add3A_2202, %scan3A_2194 : i32
      %add3A_2204 = vector.broadcast %add3A_2203 : i32 to vector<16xi32>
      %add3A_2205 = arith.addi %mul3A_5, %add3A_2204 : vector<16xi32>
      tpu.vector_store_idx %arg12[%add3A_954, %add3A_2205], %gather3A : memref<64x552xf32, #tpu.memory_space<vmem>>[vector<16xi32>, vector<16xi32>], vector<16xf32>,
      %scan3A_2206 = arith.constant 0 : i32
      scf.yield %scan3A_2206 : i32
    }
    %scan3A_978 = arith.constant 20 : i32
    %scan3A_979 = arith.constant 0 : i32
    %scan3A_980 = arith.constant 0 : i32
    %scan3A_981 = arith.constant 40 : i32
    %scan3A_982 = arith.addi %scan3A_980, %scan3A_981 : i32
    %scan3A_983 = arith.constant 1 : i32
    %scan3A_984 = scf.for %scan3A_2194 = %scan3A_980 to %scan3A_982 step %scan3A_983 iter_args(%scan3A_2195 = %scan3A_979) -> (i32)  : i32 {
      %add3A_2196 = vector.broadcast %scan3A_2194 : i32 to vector<16xi32>
      %add3A_2197 = arith.addi %mul3A_971, %add3A_2196 : vector<16xi32>
      %shift_right_arithmetic3A = arith.constant 7 : i32
      %shift_right_arithmetic3A_2198 = vector.broadcast %shift_right_arithmetic3A : i32 to vector<16xi32>
      %shift_right_arithmetic3A_2199 = arith.shrsi %add3A_2197, %shift_right_arithmetic3A_2198 : vector<16xi32>
      %and3A = arith.constant 127 : i32
      %and3A_2200 = vector.broadcast %and3A : i32 to vector<16xi32>
      %and3A_2201 = arith.andi %add3A_2197, %and3A_2200 : vector<16xi32>
      %gather3A = tpu.vector_load_idx %arg10[%shift_right_arithmetic3A_2199, %and3A_2201] : memref<320x128xf32, #tpu.memory_space<vmem>>[vector<16xi32>, vector<16xi32>], vector<16xf32>,
      %add3A_2202 = arith.constant 512 : i32
      %add3A_2203 = arith.addi %add3A_2202, %scan3A_2194 : i32
      %add3A_2204 = vector.broadcast %add3A_2203 : i32 to vector<16xi32>
      %add3A_2205 = arith.addi %mul3A_5, %add3A_2204 : vector<16xi32>
      tpu.vector_store_idx %arg12[%add3A_954, %add3A_2205], %gather3A : memref<64x552xf32, #tpu.memory_space<vmem>>[vector<16xi32>, vector<16xi32>], vector<16xf32>,
      %scan3A_2206 = arith.constant 0 : i32
      scf.yield %scan3A_2206 : i32
    }
    %scan3A_985 = arith.constant 40 : i32
    %add3A_986 = arith.constant 16 : i32
    %add3A_987 = vector.broadcast %add3A_986 : i32 to vector<16xi32>
    %add3A_988 = arith.addi %iota3A, %add3A_987 : vector<16xi32>
    %get3A_989 = arith.constant 1 : i32
    %get3A_990 = arith.index_cast %get3A_989 : i32 to index
    %get3A_991 = arith.constant 16 : index
    %get3A_992 = tpu.vector_load %arg8[%get3A_990, %get3A_991] {strides = array<i32>} : memref<8x64xi32, #tpu.memory_space<vmem>>, vector<16xi32>,
    %mul3A_993 = arith.constant 40 : i32
    %mul3A_994 = vector.broadcast %mul3A_993 : i32 to vector<16xi32>
    %mul3A_995 = arith.muli %get3A_992, %mul3A_994 : vector<16xi32>
    %add3A_996 = arith.constant 20 : i32
    %add3A_997 = vector.broadcast %add3A_996 : i32 to vector<16xi32>
    %add3A_998 = arith.addi %mul3A_995, %add3A_997 : vector<16xi32>
    %get3A_999 = arith.constant 1 : i32
    %get3A_1000 = arith.index_cast %get3A_999 : i32 to index
    %get3A_1001 = arith.constant 16 : index
    %get3A_1002 = tpu.vector_load %arg9[%get3A_1000, %get3A_1001] {strides = array<i32>} : memref<8x64xi32, #tpu.memory_space<vmem>>, vector<16xi32>,
    %mul3A_1003 = arith.constant 40 : i32
    %mul3A_1004 = vector.broadcast %mul3A_1003 : i32 to vector<16xi32>
    %mul3A_1005 = arith.muli %get3A_1002, %mul3A_1004 : vector<16xi32>
    %scan3A_1006 = arith.constant 0 : i32
    %scan3A_1007 = arith.constant 0 : i32
    %scan3A_1008 = arith.constant 20 : i32
    %scan3A_1009 = arith.addi %scan3A_1007, %scan3A_1008 : i32
    %scan3A_1010 = arith.constant 1 : i32
    %scan3A_1011 = scf.for %scan3A_2194 = %scan3A_1007 to %scan3A_1009 step %scan3A_1010 iter_args(%scan3A_2195 = %scan3A_1006) -> (i32)  : i32 {
      %add3A_2196 = vector.broadcast %scan3A_2194 : i32 to vector<16xi32>
      %add3A_2197 = arith.addi %add3A_998, %add3A_2196 : vector<16xi32>
      %shift_right_arithmetic3A = arith.constant 7 : i32
      %shift_right_arithmetic3A_2198 = vector.broadcast %shift_right_arithmetic3A : i32 to vector<16xi32>
      %shift_right_arithmetic3A_2199 = arith.shrsi %add3A_2197, %shift_right_arithmetic3A_2198 : vector<16xi32>
      %and3A = arith.constant 127 : i32
      %and3A_2200 = vector.broadcast %and3A : i32 to vector<16xi32>
      %and3A_2201 = arith.andi %add3A_2197, %and3A_2200 : vector<16xi32>
      %gather3A = tpu.vector_load_idx %arg10[%shift_right_arithmetic3A_2199, %and3A_2201] : memref<320x128xf32, #tpu.memory_space<vmem>>[vector<16xi32>, vector<16xi32>], vector<16xf32>,
      %add3A_2202 = arith.constant 256 : i32
      %add3A_2203 = arith.addi %add3A_2202, %scan3A_2194 : i32
      %add3A_2204 = vector.broadcast %add3A_2203 : i32 to vector<16xi32>
      %add3A_2205 = arith.addi %mul3A_5, %add3A_2204 : vector<16xi32>
      tpu.vector_store_idx %arg12[%add3A_988, %add3A_2205], %gather3A : memref<64x552xf32, #tpu.memory_space<vmem>>[vector<16xi32>, vector<16xi32>], vector<16xf32>,
      %scan3A_2206 = arith.constant 0 : i32
      scf.yield %scan3A_2206 : i32
    }
    %scan3A_1012 = arith.constant 20 : i32
    %scan3A_1013 = arith.constant 0 : i32
    %scan3A_1014 = arith.constant 0 : i32
    %scan3A_1015 = arith.constant 40 : i32
    %scan3A_1016 = arith.addi %scan3A_1014, %scan3A_1015 : i32
    %scan3A_1017 = arith.constant 1 : i32
    %scan3A_1018 = scf.for %scan3A_2194 = %scan3A_1014 to %scan3A_1016 step %scan3A_1017 iter_args(%scan3A_2195 = %scan3A_1013) -> (i32)  : i32 {
      %add3A_2196 = vector.broadcast %scan3A_2194 : i32 to vector<16xi32>
      %add3A_2197 = arith.addi %mul3A_1005, %add3A_2196 : vector<16xi32>
      %shift_right_arithmetic3A = arith.constant 7 : i32
      %shift_right_arithmetic3A_2198 = vector.broadcast %shift_right_arithmetic3A : i32 to vector<16xi32>
      %shift_right_arithmetic3A_2199 = arith.shrsi %add3A_2197, %shift_right_arithmetic3A_2198 : vector<16xi32>
      %and3A = arith.constant 127 : i32
      %and3A_2200 = vector.broadcast %and3A : i32 to vector<16xi32>
      %and3A_2201 = arith.andi %add3A_2197, %and3A_2200 : vector<16xi32>
      %gather3A = tpu.vector_load_idx %arg10[%shift_right_arithmetic3A_2199, %and3A_2201] : memref<320x128xf32, #tpu.memory_space<vmem>>[vector<16xi32>, vector<16xi32>], vector<16xf32>,
      %add3A_2202 = arith.constant 512 : i32
      %add3A_2203 = arith.addi %add3A_2202, %scan3A_2194 : i32
      %add3A_2204 = vector.broadcast %add3A_2203 : i32 to vector<16xi32>
      %add3A_2205 = arith.addi %mul3A_5, %add3A_2204 : vector<16xi32>
      tpu.vector_store_idx %arg12[%add3A_988, %add3A_2205], %gather3A : memref<64x552xf32, #tpu.memory_space<vmem>>[vector<16xi32>, vector<16xi32>], vector<16xf32>,
      %scan3A_2206 = arith.constant 0 : i32
      scf.yield %scan3A_2206 : i32
    }
    %scan3A_1019 = arith.constant 40 : i32
    %add3A_1020 = arith.constant 32 : i32
    %add3A_1021 = vector.broadcast %add3A_1020 : i32 to vector<16xi32>
    %add3A_1022 = arith.addi %iota3A, %add3A_1021 : vector<16xi32>
    %get3A_1023 = arith.constant 1 : i32
    %get3A_1024 = arith.index_cast %get3A_1023 : i32 to index
    %get3A_1025 = arith.constant 32 : index
    %get3A_1026 = tpu.vector_load %arg8[%get3A_1024, %get3A_1025] {strides = array<i32>} : memref<8x64xi32, #tpu.memory_space<vmem>>, vector<16xi32>,
    %mul3A_1027 = arith.constant 40 : i32
    %mul3A_1028 = vector.broadcast %mul3A_1027 : i32 to vector<16xi32>
    %mul3A_1029 = arith.muli %get3A_1026, %mul3A_1028 : vector<16xi32>
    %add3A_1030 = arith.constant 20 : i32
    %add3A_1031 = vector.broadcast %add3A_1030 : i32 to vector<16xi32>
    %add3A_1032 = arith.addi %mul3A_1029, %add3A_1031 : vector<16xi32>
    %get3A_1033 = arith.constant 1 : i32
    %get3A_1034 = arith.index_cast %get3A_1033 : i32 to index
    %get3A_1035 = arith.constant 32 : index
    %get3A_1036 = tpu.vector_load %arg9[%get3A_1034, %get3A_1035] {strides = array<i32>} : memref<8x64xi32, #tpu.memory_space<vmem>>, vector<16xi32>,
    %mul3A_1037 = arith.constant 40 : i32
    %mul3A_1038 = vector.broadcast %mul3A_1037 : i32 to vector<16xi32>
    %mul3A_1039 = arith.muli %get3A_1036, %mul3A_1038 : vector<16xi32>
    %scan3A_1040 = arith.constant 0 : i32
    %scan3A_1041 = arith.constant 0 : i32
    %scan3A_1042 = arith.constant 20 : i32
    %scan3A_1043 = arith.addi %scan3A_1041, %scan3A_1042 : i32
    %scan3A_1044 = arith.constant 1 : i32
    %scan3A_1045 = scf.for %scan3A_2194 = %scan3A_1041 to %scan3A_1043 step %scan3A_1044 iter_args(%scan3A_2195 = %scan3A_1040) -> (i32)  : i32 {
      %add3A_2196 = vector.broadcast %scan3A_2194 : i32 to vector<16xi32>
      %add3A_2197 = arith.addi %add3A_1032, %add3A_2196 : vector<16xi32>
      %shift_right_arithmetic3A = arith.constant 7 : i32
      %shift_right_arithmetic3A_2198 = vector.broadcast %shift_right_arithmetic3A : i32 to vector<16xi32>
      %shift_right_arithmetic3A_2199 = arith.shrsi %add3A_2197, %shift_right_arithmetic3A_2198 : vector<16xi32>
      %and3A = arith.constant 127 : i32
      %and3A_2200 = vector.broadcast %and3A : i32 to vector<16xi32>
      %and3A_2201 = arith.andi %add3A_2197, %and3A_2200 : vector<16xi32>
      %gather3A = tpu.vector_load_idx %arg10[%shift_right_arithmetic3A_2199, %and3A_2201] : memref<320x128xf32, #tpu.memory_space<vmem>>[vector<16xi32>, vector<16xi32>], vector<16xf32>,
      %add3A_2202 = arith.constant 256 : i32
      %add3A_2203 = arith.addi %add3A_2202, %scan3A_2194 : i32
      %add3A_2204 = vector.broadcast %add3A_2203 : i32 to vector<16xi32>
      %add3A_2205 = arith.addi %mul3A_5, %add3A_2204 : vector<16xi32>
      tpu.vector_store_idx %arg12[%add3A_1022, %add3A_2205], %gather3A : memref<64x552xf32, #tpu.memory_space<vmem>>[vector<16xi32>, vector<16xi32>], vector<16xf32>,
      %scan3A_2206 = arith.constant 0 : i32
      scf.yield %scan3A_2206 : i32
    }
    %scan3A_1046 = arith.constant 20 : i32
    %scan3A_1047 = arith.constant 0 : i32
    %scan3A_1048 = arith.constant 0 : i32
    %scan3A_1049 = arith.constant 40 : i32
    %scan3A_1050 = arith.addi %scan3A_1048, %scan3A_1049 : i32
    %scan3A_1051 = arith.constant 1 : i32
    %scan3A_1052 = scf.for %scan3A_2194 = %scan3A_1048 to %scan3A_1050 step %scan3A_1051 iter_args(%scan3A_2195 = %scan3A_1047) -> (i32)  : i32 {
      %add3A_2196 = vector.broadcast %scan3A_2194 : i32 to vector<16xi32>
      %add3A_2197 = arith.addi %mul3A_1039, %add3A_2196 : vector<16xi32>
      %shift_right_arithmetic3A = arith.constant 7 : i32
      %shift_right_arithmetic3A_2198 = vector.broadcast %shift_right_arithmetic3A : i32 to vector<16xi32>
      %shift_right_arithmetic3A_2199 = arith.shrsi %add3A_2197, %shift_right_arithmetic3A_2198 : vector<16xi32>
      %and3A = arith.constant 127 : i32
      %and3A_2200 = vector.broadcast %and3A : i32 to vector<16xi32>
      %and3A_2201 = arith.andi %add3A_2197, %and3A_2200 : vector<16xi32>
      %gather3A = tpu.vector_load_idx %arg10[%shift_right_arithmetic3A_2199, %and3A_2201] : memref<320x128xf32, #tpu.memory_space<vmem>>[vector<16xi32>, vector<16xi32>], vector<16xf32>,
      %add3A_2202 = arith.constant 512 : i32
      %add3A_2203 = arith.addi %add3A_2202, %scan3A_2194 : i32
      %add3A_2204 = vector.broadcast %add3A_2203 : i32 to vector<16xi32>
      %add3A_2205 = arith.addi %mul3A_5, %add3A_2204 : vector<16xi32>
      tpu.vector_store_idx %arg12[%add3A_1022, %add3A_2205], %gather3A : memref<64x552xf32, #tpu.memory_space<vmem>>[vector<16xi32>, vector<16xi32>], vector<16xf32>,
      %scan3A_2206 = arith.constant 0 : i32
      scf.yield %scan3A_2206 : i32
    }
    %scan3A_1053 = arith.constant 40 : i32
    %add3A_1054 = arith.constant 48 : i32
    %add3A_1055 = vector.broadcast %add3A_1054 : i32 to vector<16xi32>
    %add3A_1056 = arith.addi %iota3A, %add3A_1055 : vector<16xi32>
    %get3A_1057 = arith.constant 1 : i32
    %get3A_1058 = arith.index_cast %get3A_1057 : i32 to index
    %get3A_1059 = arith.constant 48 : index
    %get3A_1060 = tpu.vector_load %arg8[%get3A_1058, %get3A_1059] {strides = array<i32>} : memref<8x64xi32, #tpu.memory_space<vmem>>, vector<16xi32>,
    %mul3A_1061 = arith.constant 40 : i32
    %mul3A_1062 = vector.broadcast %mul3A_1061 : i32 to vector<16xi32>
    %mul3A_1063 = arith.muli %get3A_1060, %mul3A_1062 : vector<16xi32>
    %add3A_1064 = arith.constant 20 : i32
    %add3A_1065 = vector.broadcast %add3A_1064 : i32 to vector<16xi32>
    %add3A_1066 = arith.addi %mul3A_1063, %add3A_1065 : vector<16xi32>
    %get3A_1067 = arith.constant 1 : i32
    %get3A_1068 = arith.index_cast %get3A_1067 : i32 to index
    %get3A_1069 = arith.constant 48 : index
    %get3A_1070 = tpu.vector_load %arg9[%get3A_1068, %get3A_1069] {strides = array<i32>} : memref<8x64xi32, #tpu.memory_space<vmem>>, vector<16xi32>,
    %mul3A_1071 = arith.constant 40 : i32
    %mul3A_1072 = vector.broadcast %mul3A_1071 : i32 to vector<16xi32>
    %mul3A_1073 = arith.muli %get3A_1070, %mul3A_1072 : vector<16xi32>
    %scan3A_1074 = arith.constant 0 : i32
    %scan3A_1075 = arith.constant 0 : i32
    %scan3A_1076 = arith.constant 20 : i32
    %scan3A_1077 = arith.addi %scan3A_1075, %scan3A_1076 : i32
    %scan3A_1078 = arith.constant 1 : i32
    %scan3A_1079 = scf.for %scan3A_2194 = %scan3A_1075 to %scan3A_1077 step %scan3A_1078 iter_args(%scan3A_2195 = %scan3A_1074) -> (i32)  : i32 {
      %add3A_2196 = vector.broadcast %scan3A_2194 : i32 to vector<16xi32>
      %add3A_2197 = arith.addi %add3A_1066, %add3A_2196 : vector<16xi32>
      %shift_right_arithmetic3A = arith.constant 7 : i32
      %shift_right_arithmetic3A_2198 = vector.broadcast %shift_right_arithmetic3A : i32 to vector<16xi32>
      %shift_right_arithmetic3A_2199 = arith.shrsi %add3A_2197, %shift_right_arithmetic3A_2198 : vector<16xi32>
      %and3A = arith.constant 127 : i32
      %and3A_2200 = vector.broadcast %and3A : i32 to vector<16xi32>
      %and3A_2201 = arith.andi %add3A_2197, %and3A_2200 : vector<16xi32>
      %gather3A = tpu.vector_load_idx %arg10[%shift_right_arithmetic3A_2199, %and3A_2201] : memref<320x128xf32, #tpu.memory_space<vmem>>[vector<16xi32>, vector<16xi32>], vector<16xf32>,
      %add3A_2202 = arith.constant 256 : i32
      %add3A_2203 = arith.addi %add3A_2202, %scan3A_2194 : i32
      %add3A_2204 = vector.broadcast %add3A_2203 : i32 to vector<16xi32>
      %add3A_2205 = arith.addi %mul3A_5, %add3A_2204 : vector<16xi32>
      tpu.vector_store_idx %arg12[%add3A_1056, %add3A_2205], %gather3A : memref<64x552xf32, #tpu.memory_space<vmem>>[vector<16xi32>, vector<16xi32>], vector<16xf32>,
      %scan3A_2206 = arith.constant 0 : i32
      scf.yield %scan3A_2206 : i32
    }
    %scan3A_1080 = arith.constant 20 : i32
    %scan3A_1081 = arith.constant 0 : i32
    %scan3A_1082 = arith.constant 0 : i32
    %scan3A_1083 = arith.constant 40 : i32
    %scan3A_1084 = arith.addi %scan3A_1082, %scan3A_1083 : i32
    %scan3A_1085 = arith.constant 1 : i32
    %scan3A_1086 = scf.for %scan3A_2194 = %scan3A_1082 to %scan3A_1084 step %scan3A_1085 iter_args(%scan3A_2195 = %scan3A_1081) -> (i32)  : i32 {
      %add3A_2196 = vector.broadcast %scan3A_2194 : i32 to vector<16xi32>
      %add3A_2197 = arith.addi %mul3A_1073, %add3A_2196 : vector<16xi32>
      %shift_right_arithmetic3A = arith.constant 7 : i32
      %shift_right_arithmetic3A_2198 = vector.broadcast %shift_right_arithmetic3A : i32 to vector<16xi32>
      %shift_right_arithmetic3A_2199 = arith.shrsi %add3A_2197, %shift_right_arithmetic3A_2198 : vector<16xi32>
      %and3A = arith.constant 127 : i32
      %and3A_2200 = vector.broadcast %and3A : i32 to vector<16xi32>
      %and3A_2201 = arith.andi %add3A_2197, %and3A_2200 : vector<16xi32>
      %gather3A = tpu.vector_load_idx %arg10[%shift_right_arithmetic3A_2199, %and3A_2201] : memref<320x128xf32, #tpu.memory_space<vmem>>[vector<16xi32>, vector<16xi32>], vector<16xf32>,
      %add3A_2202 = arith.constant 512 : i32
      %add3A_2203 = arith.addi %add3A_2202, %scan3A_2194 : i32
      %add3A_2204 = vector.broadcast %add3A_2203 : i32 to vector<16xi32>
      %add3A_2205 = arith.addi %mul3A_5, %add3A_2204 : vector<16xi32>
      tpu.vector_store_idx %arg12[%add3A_1056, %add3A_2205], %gather3A : memref<64x552xf32, #tpu.memory_space<vmem>>[vector<16xi32>, vector<16xi32>], vector<16xf32>,
      %scan3A_2206 = arith.constant 0 : i32
      scf.yield %scan3A_2206 : i32
    }
    %scan3A_1087 = arith.constant 40 : i32
    %add3A_1088 = arith.constant 64 : i32
    %add3A_1089 = arith.addi %mul3A_708, %add3A_1088 : i32
    %dma_start3A_1090 = arith.constant 0 : i32
    %dma_start3A_1091 = tpu.memref_slice %arg6[%add3A_1089, %dma_start3A_1090] : memref<16384x552xf32, #tpu.memory_space<hbm>> -> memref<64x552xf32, #tpu.memory_space<hbm>>
    %dma_start3A_1092 = arith.constant 0 : i32
    %dma_start3A_1093 = tpu.memref_slice %arg6[%add3A_1089, %dma_start3A_1092] : memref<16384x552xf32, #tpu.memory_space<hbm>> -> memref<64x552xf32, #tpu.memory_space<hbm>>
    tpu.enqueue_dma source(%arg12 : memref<64x552xf32, #tpu.memory_space<vmem>>) target(%dma_start3A_1093 : memref<64x552xf32, #tpu.memory_space<hbm>>) target_semaphore(%arg18 : memref<!tpu.dma_semaphore, #tpu.memory_space<semaphore_mem>>)
    %dma_wait3A_1094 = arith.constant 0 : i32
    %dma_wait3A_1095 = tpu.memref_slice %arg6[%add3A_1089, %dma_wait3A_1094] : memref<16384x552xf32, #tpu.memory_space<hbm>> -> memref<64x552xf32, #tpu.memory_space<hbm>>
    %dma_wait3A_1096 = arith.constant 0 : i32
    %dma_wait3A_1097 = tpu.memref_slice %arg6[%add3A_1089, %dma_wait3A_1096] : memref<16384x552xf32, #tpu.memory_space<hbm>> -> memref<64x552xf32, #tpu.memory_space<hbm>>
    tpu.wait_dma2 semaphore(%arg18 : memref<!tpu.dma_semaphore, #tpu.memory_space<semaphore_mem>>) src(%arg12 : memref<64x552xf32, #tpu.memory_space<vmem>>) dst(%dma_wait3A_1097 : memref<64x552xf32, #tpu.memory_space<hbm>>)
    %dma_start3A_1098 = arith.constant 3 : i32
    %dma_start3A_1099 = arith.constant 0 : i32
    %dma_start3A_1100 = arith.constant 0 : i32
    %dma_start3A_1101 = tpu.memref_slice %arg12[%dma_start3A_1099, %dma_start3A_1100] : memref<64x552xf32, #tpu.memory_space<vmem>> -> memref<64x256xf32, #tpu.memory_space<vmem>>
    %dma_start3A_1102 = arith.constant 0 : i32
    %dma_start3A_1103 = tpu.memref_slice %arg8[%dma_start3A_1098, %dma_start3A_1102] : memref<8x64xi32, #tpu.memory_space<vmem>> -> memref<1x64xi32, #tpu.memory_space<vmem>>
    %dma_start3A_1104 = tpu.memref_squeeze %dma_start3A_1103 : memref<1x64xi32, #tpu.memory_space<vmem>> -> memref<64xi32, #tpu.memory_space<vmem>>
    %dma_start3A_1105 = arith.constant 0 : i32
    %dma_start3A_1106 = arith.constant 0 : i32
    %dma_start3A_1107 = tpu.memref_slice %arg2[%dma_start3A_1105, %dma_start3A_1106] : memref<1024x256xf32, #tpu.memory_space<hbm>> -> memref<1024x256xf32, #tpu.memory_space<hbm>>
    tpu.enqueue_indirect_dma source(%dma_start3A_1107 : memref<1024x256xf32, #tpu.memory_space<hbm>>) target(%dma_start3A_1101 : memref<64x256xf32, #tpu.memory_space<vmem>>) offsets(%dma_start3A_1104 : memref<64xi32, #tpu.memory_space<vmem>>) semaphore(%arg14 : memref<!tpu.dma_semaphore, #tpu.memory_space<semaphore_mem>>)
    %dma_start3A_1108 = arith.constant 3 : i32
    %dma_start3A_1109 = arith.constant 0 : i32
    %dma_start3A_1110 = arith.constant 256 : i32
    %dma_start3A_1111 = tpu.memref_slice %arg12[%dma_start3A_1109, %dma_start3A_1110] : memref<64x552xf32, #tpu.memory_space<vmem>> -> memref<64x256xf32, #tpu.memory_space<vmem>>
    %dma_start3A_1112 = arith.constant 0 : i32
    %dma_start3A_1113 = tpu.memref_slice %arg9[%dma_start3A_1108, %dma_start3A_1112] : memref<8x64xi32, #tpu.memory_space<vmem>> -> memref<1x64xi32, #tpu.memory_space<vmem>>
    %dma_start3A_1114 = tpu.memref_squeeze %dma_start3A_1113 : memref<1x64xi32, #tpu.memory_space<vmem>> -> memref<64xi32, #tpu.memory_space<vmem>>
    %dma_start3A_1115 = arith.constant 0 : i32
    %dma_start3A_1116 = arith.constant 0 : i32
    %dma_start3A_1117 = tpu.memref_slice %arg3[%dma_start3A_1115, %dma_start3A_1116] : memref<1024x256xf32, #tpu.memory_space<hbm>> -> memref<1024x256xf32, #tpu.memory_space<hbm>>
    tpu.enqueue_indirect_dma source(%dma_start3A_1117 : memref<1024x256xf32, #tpu.memory_space<hbm>>) target(%dma_start3A_1111 : memref<64x256xf32, #tpu.memory_space<vmem>>) offsets(%dma_start3A_1114 : memref<64xi32, #tpu.memory_space<vmem>>) semaphore(%arg16 : memref<!tpu.dma_semaphore, #tpu.memory_space<semaphore_mem>>)
    %dma_wait3A_1118 = arith.constant 2 : i32
    %dma_wait3A_1119 = arith.constant 0 : i32
    %dma_wait3A_1120 = arith.constant 0 : i32
    %dma_wait3A_1121 = tpu.memref_slice %arg11[%dma_wait3A_1119, %dma_wait3A_1120] : memref<64x552xf32, #tpu.memory_space<vmem>> -> memref<64x256xf32, #tpu.memory_space<vmem>>
    %dma_wait3A_1122 = arith.constant 0 : i32
    %dma_wait3A_1123 = tpu.memref_slice %arg8[%dma_wait3A_1118, %dma_wait3A_1122] : memref<8x64xi32, #tpu.memory_space<vmem>> -> memref<1x64xi32, #tpu.memory_space<vmem>>
    %dma_wait3A_1124 = tpu.memref_squeeze %dma_wait3A_1123 : memref<1x64xi32, #tpu.memory_space<vmem>> -> memref<64xi32, #tpu.memory_space<vmem>>
    %dma_wait3A_1125 = arith.constant 0 : i32
    %dma_wait3A_1126 = arith.constant 0 : i32
    %dma_wait3A_1127 = tpu.memref_slice %arg2[%dma_wait3A_1125, %dma_wait3A_1126] : memref<1024x256xf32, #tpu.memory_space<hbm>> -> memref<1024x256xf32, #tpu.memory_space<hbm>>
    tpu.wait_indirect_dma semaphore(%arg13 : memref<!tpu.dma_semaphore, #tpu.memory_space<semaphore_mem>>) src(%dma_wait3A_1127 : memref<1024x256xf32, #tpu.memory_space<hbm>>) dst(%dma_wait3A_1121 : memref<64x256xf32, #tpu.memory_space<vmem>>)
    %dma_wait3A_1128 = arith.constant 2 : i32
    %dma_wait3A_1129 = arith.constant 0 : i32
    %dma_wait3A_1130 = arith.constant 256 : i32
    %dma_wait3A_1131 = tpu.memref_slice %arg11[%dma_wait3A_1129, %dma_wait3A_1130] : memref<64x552xf32, #tpu.memory_space<vmem>> -> memref<64x256xf32, #tpu.memory_space<vmem>>
    %dma_wait3A_1132 = arith.constant 0 : i32
    %dma_wait3A_1133 = tpu.memref_slice %arg9[%dma_wait3A_1128, %dma_wait3A_1132] : memref<8x64xi32, #tpu.memory_space<vmem>> -> memref<1x64xi32, #tpu.memory_space<vmem>>
    %dma_wait3A_1134 = tpu.memref_squeeze %dma_wait3A_1133 : memref<1x64xi32, #tpu.memory_space<vmem>> -> memref<64xi32, #tpu.memory_space<vmem>>
    %dma_wait3A_1135 = arith.constant 0 : i32
    %dma_wait3A_1136 = arith.constant 0 : i32
    %dma_wait3A_1137 = tpu.memref_slice %arg3[%dma_wait3A_1135, %dma_wait3A_1136] : memref<1024x256xf32, #tpu.memory_space<hbm>> -> memref<1024x256xf32, #tpu.memory_space<hbm>>
    tpu.wait_indirect_dma semaphore(%arg15 : memref<!tpu.dma_semaphore, #tpu.memory_space<semaphore_mem>>) src(%dma_wait3A_1137 : memref<1024x256xf32, #tpu.memory_space<hbm>>) dst(%dma_wait3A_1131 : memref<64x256xf32, #tpu.memory_space<vmem>>)
    %add3A_1138 = arith.constant 0 : i32
    %add3A_1139 = vector.broadcast %add3A_1138 : i32 to vector<16xi32>
    %add3A_1140 = arith.addi %iota3A, %add3A_1139 : vector<16xi32>
    %get3A_1141 = arith.constant 2 : i32
    %get3A_1142 = arith.index_cast %get3A_1141 : i32 to index
    %get3A_1143 = arith.constant 0 : index
    %get3A_1144 = tpu.vector_load %arg8[%get3A_1142, %get3A_1143] {strides = array<i32>} : memref<8x64xi32, #tpu.memory_space<vmem>>, vector<16xi32>,
    %mul3A_1145 = arith.constant 40 : i32
    %mul3A_1146 = vector.broadcast %mul3A_1145 : i32 to vector<16xi32>
    %mul3A_1147 = arith.muli %get3A_1144, %mul3A_1146 : vector<16xi32>
    %add3A_1148 = arith.constant 20 : i32
    %add3A_1149 = vector.broadcast %add3A_1148 : i32 to vector<16xi32>
    %add3A_1150 = arith.addi %mul3A_1147, %add3A_1149 : vector<16xi32>
    %get3A_1151 = arith.constant 2 : i32
    %get3A_1152 = arith.index_cast %get3A_1151 : i32 to index
    %get3A_1153 = arith.constant 0 : index
    %get3A_1154 = tpu.vector_load %arg9[%get3A_1152, %get3A_1153] {strides = array<i32>} : memref<8x64xi32, #tpu.memory_space<vmem>>, vector<16xi32>,
    %mul3A_1155 = arith.constant 40 : i32
    %mul3A_1156 = vector.broadcast %mul3A_1155 : i32 to vector<16xi32>
    %mul3A_1157 = arith.muli %get3A_1154, %mul3A_1156 : vector<16xi32>
    %scan3A_1158 = arith.constant 0 : i32
    %scan3A_1159 = arith.constant 0 : i32
    %scan3A_1160 = arith.constant 20 : i32
    %scan3A_1161 = arith.addi %scan3A_1159, %scan3A_1160 : i32
    %scan3A_1162 = arith.constant 1 : i32
    %scan3A_1163 = scf.for %scan3A_2194 = %scan3A_1159 to %scan3A_1161 step %scan3A_1162 iter_args(%scan3A_2195 = %scan3A_1158) -> (i32)  : i32 {
      %add3A_2196 = vector.broadcast %scan3A_2194 : i32 to vector<16xi32>
      %add3A_2197 = arith.addi %add3A_1150, %add3A_2196 : vector<16xi32>
      %shift_right_arithmetic3A = arith.constant 7 : i32
      %shift_right_arithmetic3A_2198 = vector.broadcast %shift_right_arithmetic3A : i32 to vector<16xi32>
      %shift_right_arithmetic3A_2199 = arith.shrsi %add3A_2197, %shift_right_arithmetic3A_2198 : vector<16xi32>
      %and3A = arith.constant 127 : i32
      %and3A_2200 = vector.broadcast %and3A : i32 to vector<16xi32>
      %and3A_2201 = arith.andi %add3A_2197, %and3A_2200 : vector<16xi32>
      %gather3A = tpu.vector_load_idx %arg10[%shift_right_arithmetic3A_2199, %and3A_2201] : memref<320x128xf32, #tpu.memory_space<vmem>>[vector<16xi32>, vector<16xi32>], vector<16xf32>,
      %add3A_2202 = arith.constant 256 : i32
      %add3A_2203 = arith.addi %add3A_2202, %scan3A_2194 : i32
      %add3A_2204 = vector.broadcast %add3A_2203 : i32 to vector<16xi32>
      %add3A_2205 = arith.addi %mul3A_5, %add3A_2204 : vector<16xi32>
      tpu.vector_store_idx %arg11[%add3A_1140, %add3A_2205], %gather3A : memref<64x552xf32, #tpu.memory_space<vmem>>[vector<16xi32>, vector<16xi32>], vector<16xf32>,
      %scan3A_2206 = arith.constant 0 : i32
      scf.yield %scan3A_2206 : i32
    }
    %scan3A_1164 = arith.constant 20 : i32
    %scan3A_1165 = arith.constant 0 : i32
    %scan3A_1166 = arith.constant 0 : i32
    %scan3A_1167 = arith.constant 40 : i32
    %scan3A_1168 = arith.addi %scan3A_1166, %scan3A_1167 : i32
    %scan3A_1169 = arith.constant 1 : i32
    %scan3A_1170 = scf.for %scan3A_2194 = %scan3A_1166 to %scan3A_1168 step %scan3A_1169 iter_args(%scan3A_2195 = %scan3A_1165) -> (i32)  : i32 {
      %add3A_2196 = vector.broadcast %scan3A_2194 : i32 to vector<16xi32>
      %add3A_2197 = arith.addi %mul3A_1157, %add3A_2196 : vector<16xi32>
      %shift_right_arithmetic3A = arith.constant 7 : i32
      %shift_right_arithmetic3A_2198 = vector.broadcast %shift_right_arithmetic3A : i32 to vector<16xi32>
      %shift_right_arithmetic3A_2199 = arith.shrsi %add3A_2197, %shift_right_arithmetic3A_2198 : vector<16xi32>
      %and3A = arith.constant 127 : i32
      %and3A_2200 = vector.broadcast %and3A : i32 to vector<16xi32>
      %and3A_2201 = arith.andi %add3A_2197, %and3A_2200 : vector<16xi32>
      %gather3A = tpu.vector_load_idx %arg10[%shift_right_arithmetic3A_2199, %and3A_2201] : memref<320x128xf32, #tpu.memory_space<vmem>>[vector<16xi32>, vector<16xi32>], vector<16xf32>,
      %add3A_2202 = arith.constant 512 : i32
      %add3A_2203 = arith.addi %add3A_2202, %scan3A_2194 : i32
      %add3A_2204 = vector.broadcast %add3A_2203 : i32 to vector<16xi32>
      %add3A_2205 = arith.addi %mul3A_5, %add3A_2204 : vector<16xi32>
      tpu.vector_store_idx %arg11[%add3A_1140, %add3A_2205], %gather3A : memref<64x552xf32, #tpu.memory_space<vmem>>[vector<16xi32>, vector<16xi32>], vector<16xf32>,
      %scan3A_2206 = arith.constant 0 : i32
      scf.yield %scan3A_2206 : i32
    }
    %scan3A_1171 = arith.constant 40 : i32
    %add3A_1172 = arith.constant 16 : i32
    %add3A_1173 = vector.broadcast %add3A_1172 : i32 to vector<16xi32>
    %add3A_1174 = arith.addi %iota3A, %add3A_1173 : vector<16xi32>
    %get3A_1175 = arith.constant 2 : i32
    %get3A_1176 = arith.index_cast %get3A_1175 : i32 to index
    %get3A_1177 = arith.constant 16 : index
    %get3A_1178 = tpu.vector_load %arg8[%get3A_1176, %get3A_1177] {strides = array<i32>} : memref<8x64xi32, #tpu.memory_space<vmem>>, vector<16xi32>,
    %mul3A_1179 = arith.constant 40 : i32
    %mul3A_1180 = vector.broadcast %mul3A_1179 : i32 to vector<16xi32>
    %mul3A_1181 = arith.muli %get3A_1178, %mul3A_1180 : vector<16xi32>
    %add3A_1182 = arith.constant 20 : i32
    %add3A_1183 = vector.broadcast %add3A_1182 : i32 to vector<16xi32>
    %add3A_1184 = arith.addi %mul3A_1181, %add3A_1183 : vector<16xi32>
    %get3A_1185 = arith.constant 2 : i32
    %get3A_1186 = arith.index_cast %get3A_1185 : i32 to index
    %get3A_1187 = arith.constant 16 : index
    %get3A_1188 = tpu.vector_load %arg9[%get3A_1186, %get3A_1187] {strides = array<i32>} : memref<8x64xi32, #tpu.memory_space<vmem>>, vector<16xi32>,
    %mul3A_1189 = arith.constant 40 : i32
    %mul3A_1190 = vector.broadcast %mul3A_1189 : i32 to vector<16xi32>
    %mul3A_1191 = arith.muli %get3A_1188, %mul3A_1190 : vector<16xi32>
    %scan3A_1192 = arith.constant 0 : i32
    %scan3A_1193 = arith.constant 0 : i32
    %scan3A_1194 = arith.constant 20 : i32
    %scan3A_1195 = arith.addi %scan3A_1193, %scan3A_1194 : i32
    %scan3A_1196 = arith.constant 1 : i32
    %scan3A_1197 = scf.for %scan3A_2194 = %scan3A_1193 to %scan3A_1195 step %scan3A_1196 iter_args(%scan3A_2195 = %scan3A_1192) -> (i32)  : i32 {
      %add3A_2196 = vector.broadcast %scan3A_2194 : i32 to vector<16xi32>
      %add3A_2197 = arith.addi %add3A_1184, %add3A_2196 : vector<16xi32>
      %shift_right_arithmetic3A = arith.constant 7 : i32
      %shift_right_arithmetic3A_2198 = vector.broadcast %shift_right_arithmetic3A : i32 to vector<16xi32>
      %shift_right_arithmetic3A_2199 = arith.shrsi %add3A_2197, %shift_right_arithmetic3A_2198 : vector<16xi32>
      %and3A = arith.constant 127 : i32
      %and3A_2200 = vector.broadcast %and3A : i32 to vector<16xi32>
      %and3A_2201 = arith.andi %add3A_2197, %and3A_2200 : vector<16xi32>
      %gather3A = tpu.vector_load_idx %arg10[%shift_right_arithmetic3A_2199, %and3A_2201] : memref<320x128xf32, #tpu.memory_space<vmem>>[vector<16xi32>, vector<16xi32>], vector<16xf32>,
      %add3A_2202 = arith.constant 256 : i32
      %add3A_2203 = arith.addi %add3A_2202, %scan3A_2194 : i32
      %add3A_2204 = vector.broadcast %add3A_2203 : i32 to vector<16xi32>
      %add3A_2205 = arith.addi %mul3A_5, %add3A_2204 : vector<16xi32>
      tpu.vector_store_idx %arg11[%add3A_1174, %add3A_2205], %gather3A : memref<64x552xf32, #tpu.memory_space<vmem>>[vector<16xi32>, vector<16xi32>], vector<16xf32>,
      %scan3A_2206 = arith.constant 0 : i32
      scf.yield %scan3A_2206 : i32
    }
    %scan3A_1198 = arith.constant 20 : i32
    %scan3A_1199 = arith.constant 0 : i32
    %scan3A_1200 = arith.constant 0 : i32
    %scan3A_1201 = arith.constant 40 : i32
    %scan3A_1202 = arith.addi %scan3A_1200, %scan3A_1201 : i32
    %scan3A_1203 = arith.constant 1 : i32
    %scan3A_1204 = scf.for %scan3A_2194 = %scan3A_1200 to %scan3A_1202 step %scan3A_1203 iter_args(%scan3A_2195 = %scan3A_1199) -> (i32)  : i32 {
      %add3A_2196 = vector.broadcast %scan3A_2194 : i32 to vector<16xi32>
      %add3A_2197 = arith.addi %mul3A_1191, %add3A_2196 : vector<16xi32>
      %shift_right_arithmetic3A = arith.constant 7 : i32
      %shift_right_arithmetic3A_2198 = vector.broadcast %shift_right_arithmetic3A : i32 to vector<16xi32>
      %shift_right_arithmetic3A_2199 = arith.shrsi %add3A_2197, %shift_right_arithmetic3A_2198 : vector<16xi32>
      %and3A = arith.constant 127 : i32
      %and3A_2200 = vector.broadcast %and3A : i32 to vector<16xi32>
      %and3A_2201 = arith.andi %add3A_2197, %and3A_2200 : vector<16xi32>
      %gather3A = tpu.vector_load_idx %arg10[%shift_right_arithmetic3A_2199, %and3A_2201] : memref<320x128xf32, #tpu.memory_space<vmem>>[vector<16xi32>, vector<16xi32>], vector<16xf32>,
      %add3A_2202 = arith.constant 512 : i32
      %add3A_2203 = arith.addi %add3A_2202, %scan3A_2194 : i32
      %add3A_2204 = vector.broadcast %add3A_2203 : i32 to vector<16xi32>
      %add3A_2205 = arith.addi %mul3A_5, %add3A_2204 : vector<16xi32>
      tpu.vector_store_idx %arg11[%add3A_1174, %add3A_2205], %gather3A : memref<64x552xf32, #tpu.memory_space<vmem>>[vector<16xi32>, vector<16xi32>], vector<16xf32>,
      %scan3A_2206 = arith.constant 0 : i32
      scf.yield %scan3A_2206 : i32
    }
    %scan3A_1205 = arith.constant 40 : i32
    %add3A_1206 = arith.constant 32 : i32
    %add3A_1207 = vector.broadcast %add3A_1206 : i32 to vector<16xi32>
    %add3A_1208 = arith.addi %iota3A, %add3A_1207 : vector<16xi32>
    %get3A_1209 = arith.constant 2 : i32
    %get3A_1210 = arith.index_cast %get3A_1209 : i32 to index
    %get3A_1211 = arith.constant 32 : index
    %get3A_1212 = tpu.vector_load %arg8[%get3A_1210, %get3A_1211] {strides = array<i32>} : memref<8x64xi32, #tpu.memory_space<vmem>>, vector<16xi32>,
    %mul3A_1213 = arith.constant 40 : i32
    %mul3A_1214 = vector.broadcast %mul3A_1213 : i32 to vector<16xi32>
    %mul3A_1215 = arith.muli %get3A_1212, %mul3A_1214 : vector<16xi32>
    %add3A_1216 = arith.constant 20 : i32
    %add3A_1217 = vector.broadcast %add3A_1216 : i32 to vector<16xi32>
    %add3A_1218 = arith.addi %mul3A_1215, %add3A_1217 : vector<16xi32>
    %get3A_1219 = arith.constant 2 : i32
    %get3A_1220 = arith.index_cast %get3A_1219 : i32 to index
    %get3A_1221 = arith.constant 32 : index
    %get3A_1222 = tpu.vector_load %arg9[%get3A_1220, %get3A_1221] {strides = array<i32>} : memref<8x64xi32, #tpu.memory_space<vmem>>, vector<16xi32>,
    %mul3A_1223 = arith.constant 40 : i32
    %mul3A_1224 = vector.broadcast %mul3A_1223 : i32 to vector<16xi32>
    %mul3A_1225 = arith.muli %get3A_1222, %mul3A_1224 : vector<16xi32>
    %scan3A_1226 = arith.constant 0 : i32
    %scan3A_1227 = arith.constant 0 : i32
    %scan3A_1228 = arith.constant 20 : i32
    %scan3A_1229 = arith.addi %scan3A_1227, %scan3A_1228 : i32
    %scan3A_1230 = arith.constant 1 : i32
    %scan3A_1231 = scf.for %scan3A_2194 = %scan3A_1227 to %scan3A_1229 step %scan3A_1230 iter_args(%scan3A_2195 = %scan3A_1226) -> (i32)  : i32 {
      %add3A_2196 = vector.broadcast %scan3A_2194 : i32 to vector<16xi32>
      %add3A_2197 = arith.addi %add3A_1218, %add3A_2196 : vector<16xi32>
      %shift_right_arithmetic3A = arith.constant 7 : i32
      %shift_right_arithmetic3A_2198 = vector.broadcast %shift_right_arithmetic3A : i32 to vector<16xi32>
      %shift_right_arithmetic3A_2199 = arith.shrsi %add3A_2197, %shift_right_arithmetic3A_2198 : vector<16xi32>
      %and3A = arith.constant 127 : i32
      %and3A_2200 = vector.broadcast %and3A : i32 to vector<16xi32>
      %and3A_2201 = arith.andi %add3A_2197, %and3A_2200 : vector<16xi32>
      %gather3A = tpu.vector_load_idx %arg10[%shift_right_arithmetic3A_2199, %and3A_2201] : memref<320x128xf32, #tpu.memory_space<vmem>>[vector<16xi32>, vector<16xi32>], vector<16xf32>,
      %add3A_2202 = arith.constant 256 : i32
      %add3A_2203 = arith.addi %add3A_2202, %scan3A_2194 : i32
      %add3A_2204 = vector.broadcast %add3A_2203 : i32 to vector<16xi32>
      %add3A_2205 = arith.addi %mul3A_5, %add3A_2204 : vector<16xi32>
      tpu.vector_store_idx %arg11[%add3A_1208, %add3A_2205], %gather3A : memref<64x552xf32, #tpu.memory_space<vmem>>[vector<16xi32>, vector<16xi32>], vector<16xf32>,
      %scan3A_2206 = arith.constant 0 : i32
      scf.yield %scan3A_2206 : i32
    }
    %scan3A_1232 = arith.constant 20 : i32
    %scan3A_1233 = arith.constant 0 : i32
    %scan3A_1234 = arith.constant 0 : i32
    %scan3A_1235 = arith.constant 40 : i32
    %scan3A_1236 = arith.addi %scan3A_1234, %scan3A_1235 : i32
    %scan3A_1237 = arith.constant 1 : i32
    %scan3A_1238 = scf.for %scan3A_2194 = %scan3A_1234 to %scan3A_1236 step %scan3A_1237 iter_args(%scan3A_2195 = %scan3A_1233) -> (i32)  : i32 {
      %add3A_2196 = vector.broadcast %scan3A_2194 : i32 to vector<16xi32>
      %add3A_2197 = arith.addi %mul3A_1225, %add3A_2196 : vector<16xi32>
      %shift_right_arithmetic3A = arith.constant 7 : i32
      %shift_right_arithmetic3A_2198 = vector.broadcast %shift_right_arithmetic3A : i32 to vector<16xi32>
      %shift_right_arithmetic3A_2199 = arith.shrsi %add3A_2197, %shift_right_arithmetic3A_2198 : vector<16xi32>
      %and3A = arith.constant 127 : i32
      %and3A_2200 = vector.broadcast %and3A : i32 to vector<16xi32>
      %and3A_2201 = arith.andi %add3A_2197, %and3A_2200 : vector<16xi32>
      %gather3A = tpu.vector_load_idx %arg10[%shift_right_arithmetic3A_2199, %and3A_2201] : memref<320x128xf32, #tpu.memory_space<vmem>>[vector<16xi32>, vector<16xi32>], vector<16xf32>,
      %add3A_2202 = arith.constant 512 : i32
      %add3A_2203 = arith.addi %add3A_2202, %scan3A_2194 : i32
      %add3A_2204 = vector.broadcast %add3A_2203 : i32 to vector<16xi32>
      %add3A_2205 = arith.addi %mul3A_5, %add3A_2204 : vector<16xi32>
      tpu.vector_store_idx %arg11[%add3A_1208, %add3A_2205], %gather3A : memref<64x552xf32, #tpu.memory_space<vmem>>[vector<16xi32>, vector<16xi32>], vector<16xf32>,
      %scan3A_2206 = arith.constant 0 : i32
      scf.yield %scan3A_2206 : i32
    }
    %scan3A_1239 = arith.constant 40 : i32
    %add3A_1240 = arith.constant 48 : i32
    %add3A_1241 = vector.broadcast %add3A_1240 : i32 to vector<16xi32>
    %add3A_1242 = arith.addi %iota3A, %add3A_1241 : vector<16xi32>
    %get3A_1243 = arith.constant 2 : i32
    %get3A_1244 = arith.index_cast %get3A_1243 : i32 to index
    %get3A_1245 = arith.constant 48 : index
    %get3A_1246 = tpu.vector_load %arg8[%get3A_1244, %get3A_1245] {strides = array<i32>} : memref<8x64xi32, #tpu.memory_space<vmem>>, vector<16xi32>,
    %mul3A_1247 = arith.constant 40 : i32
    %mul3A_1248 = vector.broadcast %mul3A_1247 : i32 to vector<16xi32>
    %mul3A_1249 = arith.muli %get3A_1246, %mul3A_1248 : vector<16xi32>
    %add3A_1250 = arith.constant 20 : i32
    %add3A_1251 = vector.broadcast %add3A_1250 : i32 to vector<16xi32>
    %add3A_1252 = arith.addi %mul3A_1249, %add3A_1251 : vector<16xi32>
    %get3A_1253 = arith.constant 2 : i32
    %get3A_1254 = arith.index_cast %get3A_1253 : i32 to index
    %get3A_1255 = arith.constant 48 : index
    %get3A_1256 = tpu.vector_load %arg9[%get3A_1254, %get3A_1255] {strides = array<i32>} : memref<8x64xi32, #tpu.memory_space<vmem>>, vector<16xi32>,
    %mul3A_1257 = arith.constant 40 : i32
    %mul3A_1258 = vector.broadcast %mul3A_1257 : i32 to vector<16xi32>
    %mul3A_1259 = arith.muli %get3A_1256, %mul3A_1258 : vector<16xi32>
    %scan3A_1260 = arith.constant 0 : i32
    %scan3A_1261 = arith.constant 0 : i32
    %scan3A_1262 = arith.constant 20 : i32
    %scan3A_1263 = arith.addi %scan3A_1261, %scan3A_1262 : i32
    %scan3A_1264 = arith.constant 1 : i32
    %scan3A_1265 = scf.for %scan3A_2194 = %scan3A_1261 to %scan3A_1263 step %scan3A_1264 iter_args(%scan3A_2195 = %scan3A_1260) -> (i32)  : i32 {
      %add3A_2196 = vector.broadcast %scan3A_2194 : i32 to vector<16xi32>
      %add3A_2197 = arith.addi %add3A_1252, %add3A_2196 : vector<16xi32>
      %shift_right_arithmetic3A = arith.constant 7 : i32
      %shift_right_arithmetic3A_2198 = vector.broadcast %shift_right_arithmetic3A : i32 to vector<16xi32>
      %shift_right_arithmetic3A_2199 = arith.shrsi %add3A_2197, %shift_right_arithmetic3A_2198 : vector<16xi32>
      %and3A = arith.constant 127 : i32
      %and3A_2200 = vector.broadcast %and3A : i32 to vector<16xi32>
      %and3A_2201 = arith.andi %add3A_2197, %and3A_2200 : vector<16xi32>
      %gather3A = tpu.vector_load_idx %arg10[%shift_right_arithmetic3A_2199, %and3A_2201] : memref<320x128xf32, #tpu.memory_space<vmem>>[vector<16xi32>, vector<16xi32>], vector<16xf32>,
      %add3A_2202 = arith.constant 256 : i32
      %add3A_2203 = arith.addi %add3A_2202, %scan3A_2194 : i32
      %add3A_2204 = vector.broadcast %add3A_2203 : i32 to vector<16xi32>
      %add3A_2205 = arith.addi %mul3A_5, %add3A_2204 : vector<16xi32>
      tpu.vector_store_idx %arg11[%add3A_1242, %add3A_2205], %gather3A : memref<64x552xf32, #tpu.memory_space<vmem>>[vector<16xi32>, vector<16xi32>], vector<16xf32>,
      %scan3A_2206 = arith.constant 0 : i32
      scf.yield %scan3A_2206 : i32
    }
    %scan3A_1266 = arith.constant 20 : i32
    %scan3A_1267 = arith.constant 0 : i32
    %scan3A_1268 = arith.constant 0 : i32
    %scan3A_1269 = arith.constant 40 : i32
    %scan3A_1270 = arith.addi %scan3A_1268, %scan3A_1269 : i32
    %scan3A_1271 = arith.constant 1 : i32
    %scan3A_1272 = scf.for %scan3A_2194 = %scan3A_1268 to %scan3A_1270 step %scan3A_1271 iter_args(%scan3A_2195 = %scan3A_1267) -> (i32)  : i32 {
      %add3A_2196 = vector.broadcast %scan3A_2194 : i32 to vector<16xi32>
      %add3A_2197 = arith.addi %mul3A_1259, %add3A_2196 : vector<16xi32>
      %shift_right_arithmetic3A = arith.constant 7 : i32
      %shift_right_arithmetic3A_2198 = vector.broadcast %shift_right_arithmetic3A : i32 to vector<16xi32>
      %shift_right_arithmetic3A_2199 = arith.shrsi %add3A_2197, %shift_right_arithmetic3A_2198 : vector<16xi32>
      %and3A = arith.constant 127 : i32
      %and3A_2200 = vector.broadcast %and3A : i32 to vector<16xi32>
      %and3A_2201 = arith.andi %add3A_2197, %and3A_2200 : vector<16xi32>
      %gather3A = tpu.vector_load_idx %arg10[%shift_right_arithmetic3A_2199, %and3A_2201] : memref<320x128xf32, #tpu.memory_space<vmem>>[vector<16xi32>, vector<16xi32>], vector<16xf32>,
      %add3A_2202 = arith.constant 512 : i32
      %add3A_2203 = arith.addi %add3A_2202, %scan3A_2194 : i32
      %add3A_2204 = vector.broadcast %add3A_2203 : i32 to vector<16xi32>
      %add3A_2205 = arith.addi %mul3A_5, %add3A_2204 : vector<16xi32>
      tpu.vector_store_idx %arg11[%add3A_1242, %add3A_2205], %gather3A : memref<64x552xf32, #tpu.memory_space<vmem>>[vector<16xi32>, vector<16xi32>], vector<16xf32>,
      %scan3A_2206 = arith.constant 0 : i32
      scf.yield %scan3A_2206 : i32
    }
    %scan3A_1273 = arith.constant 40 : i32
    %add3A_1274 = arith.constant 128 : i32
    %add3A_1275 = arith.addi %mul3A_708, %add3A_1274 : i32
    %dma_start3A_1276 = arith.constant 0 : i32
    %dma_start3A_1277 = tpu.memref_slice %arg6[%add3A_1275, %dma_start3A_1276] : memref<16384x552xf32, #tpu.memory_space<hbm>> -> memref<64x552xf32, #tpu.memory_space<hbm>>
    %dma_start3A_1278 = arith.constant 0 : i32
    %dma_start3A_1279 = tpu.memref_slice %arg6[%add3A_1275, %dma_start3A_1278] : memref<16384x552xf32, #tpu.memory_space<hbm>> -> memref<64x552xf32, #tpu.memory_space<hbm>>
    tpu.enqueue_dma source(%arg11 : memref<64x552xf32, #tpu.memory_space<vmem>>) target(%dma_start3A_1279 : memref<64x552xf32, #tpu.memory_space<hbm>>) target_semaphore(%arg17 : memref<!tpu.dma_semaphore, #tpu.memory_space<semaphore_mem>>)
    %dma_wait3A_1280 = arith.constant 0 : i32
    %dma_wait3A_1281 = tpu.memref_slice %arg6[%add3A_1275, %dma_wait3A_1280] : memref<16384x552xf32, #tpu.memory_space<hbm>> -> memref<64x552xf32, #tpu.memory_space<hbm>>
    %dma_wait3A_1282 = arith.constant 0 : i32
    %dma_wait3A_1283 = tpu.memref_slice %arg6[%add3A_1275, %dma_wait3A_1282] : memref<16384x552xf32, #tpu.memory_space<hbm>> -> memref<64x552xf32, #tpu.memory_space<hbm>>
    tpu.wait_dma2 semaphore(%arg17 : memref<!tpu.dma_semaphore, #tpu.memory_space<semaphore_mem>>) src(%arg11 : memref<64x552xf32, #tpu.memory_space<vmem>>) dst(%dma_wait3A_1283 : memref<64x552xf32, #tpu.memory_space<hbm>>)
    %dma_start3A_1284 = arith.constant 4 : i32
    %dma_start3A_1285 = arith.constant 0 : i32
    %dma_start3A_1286 = arith.constant 0 : i32
    %dma_start3A_1287 = tpu.memref_slice %arg11[%dma_start3A_1285, %dma_start3A_1286] : memref<64x552xf32, #tpu.memory_space<vmem>> -> memref<64x256xf32, #tpu.memory_space<vmem>>
    %dma_start3A_1288 = arith.constant 0 : i32
    %dma_start3A_1289 = tpu.memref_slice %arg8[%dma_start3A_1284, %dma_start3A_1288] : memref<8x64xi32, #tpu.memory_space<vmem>> -> memref<1x64xi32, #tpu.memory_space<vmem>>
    %dma_start3A_1290 = tpu.memref_squeeze %dma_start3A_1289 : memref<1x64xi32, #tpu.memory_space<vmem>> -> memref<64xi32, #tpu.memory_space<vmem>>
    %dma_start3A_1291 = arith.constant 0 : i32
    %dma_start3A_1292 = arith.constant 0 : i32
    %dma_start3A_1293 = tpu.memref_slice %arg2[%dma_start3A_1291, %dma_start3A_1292] : memref<1024x256xf32, #tpu.memory_space<hbm>> -> memref<1024x256xf32, #tpu.memory_space<hbm>>
    tpu.enqueue_indirect_dma source(%dma_start3A_1293 : memref<1024x256xf32, #tpu.memory_space<hbm>>) target(%dma_start3A_1287 : memref<64x256xf32, #tpu.memory_space<vmem>>) offsets(%dma_start3A_1290 : memref<64xi32, #tpu.memory_space<vmem>>) semaphore(%arg13 : memref<!tpu.dma_semaphore, #tpu.memory_space<semaphore_mem>>)
    %dma_start3A_1294 = arith.constant 4 : i32
    %dma_start3A_1295 = arith.constant 0 : i32
    %dma_start3A_1296 = arith.constant 256 : i32
    %dma_start3A_1297 = tpu.memref_slice %arg11[%dma_start3A_1295, %dma_start3A_1296] : memref<64x552xf32, #tpu.memory_space<vmem>> -> memref<64x256xf32, #tpu.memory_space<vmem>>
    %dma_start3A_1298 = arith.constant 0 : i32
    %dma_start3A_1299 = tpu.memref_slice %arg9[%dma_start3A_1294, %dma_start3A_1298] : memref<8x64xi32, #tpu.memory_space<vmem>> -> memref<1x64xi32, #tpu.memory_space<vmem>>
    %dma_start3A_1300 = tpu.memref_squeeze %dma_start3A_1299 : memref<1x64xi32, #tpu.memory_space<vmem>> -> memref<64xi32, #tpu.memory_space<vmem>>
    %dma_start3A_1301 = arith.constant 0 : i32
    %dma_start3A_1302 = arith.constant 0 : i32
    %dma_start3A_1303 = tpu.memref_slice %arg3[%dma_start3A_1301, %dma_start3A_1302] : memref<1024x256xf32, #tpu.memory_space<hbm>> -> memref<1024x256xf32, #tpu.memory_space<hbm>>
    tpu.enqueue_indirect_dma source(%dma_start3A_1303 : memref<1024x256xf32, #tpu.memory_space<hbm>>) target(%dma_start3A_1297 : memref<64x256xf32, #tpu.memory_space<vmem>>) offsets(%dma_start3A_1300 : memref<64xi32, #tpu.memory_space<vmem>>) semaphore(%arg15 : memref<!tpu.dma_semaphore, #tpu.memory_space<semaphore_mem>>)
    %dma_wait3A_1304 = arith.constant 3 : i32
    %dma_wait3A_1305 = arith.constant 0 : i32
    %dma_wait3A_1306 = arith.constant 0 : i32
    %dma_wait3A_1307 = tpu.memref_slice %arg12[%dma_wait3A_1305, %dma_wait3A_1306] : memref<64x552xf32, #tpu.memory_space<vmem>> -> memref<64x256xf32, #tpu.memory_space<vmem>>
    %dma_wait3A_1308 = arith.constant 0 : i32
    %dma_wait3A_1309 = tpu.memref_slice %arg8[%dma_wait3A_1304, %dma_wait3A_1308] : memref<8x64xi32, #tpu.memory_space<vmem>> -> memref<1x64xi32, #tpu.memory_space<vmem>>
    %dma_wait3A_1310 = tpu.memref_squeeze %dma_wait3A_1309 : memref<1x64xi32, #tpu.memory_space<vmem>> -> memref<64xi32, #tpu.memory_space<vmem>>
    %dma_wait3A_1311 = arith.constant 0 : i32
    %dma_wait3A_1312 = arith.constant 0 : i32
    %dma_wait3A_1313 = tpu.memref_slice %arg2[%dma_wait3A_1311, %dma_wait3A_1312] : memref<1024x256xf32, #tpu.memory_space<hbm>> -> memref<1024x256xf32, #tpu.memory_space<hbm>>
    tpu.wait_indirect_dma semaphore(%arg14 : memref<!tpu.dma_semaphore, #tpu.memory_space<semaphore_mem>>) src(%dma_wait3A_1313 : memref<1024x256xf32, #tpu.memory_space<hbm>>) dst(%dma_wait3A_1307 : memref<64x256xf32, #tpu.memory_space<vmem>>)
    %dma_wait3A_1314 = arith.constant 3 : i32
    %dma_wait3A_1315 = arith.constant 0 : i32
    %dma_wait3A_1316 = arith.constant 256 : i32
    %dma_wait3A_1317 = tpu.memref_slice %arg12[%dma_wait3A_1315, %dma_wait3A_1316] : memref<64x552xf32, #tpu.memory_space<vmem>> -> memref<64x256xf32, #tpu.memory_space<vmem>>
    %dma_wait3A_1318 = arith.constant 0 : i32
    %dma_wait3A_1319 = tpu.memref_slice %arg9[%dma_wait3A_1314, %dma_wait3A_1318] : memref<8x64xi32, #tpu.memory_space<vmem>> -> memref<1x64xi32, #tpu.memory_space<vmem>>
    %dma_wait3A_1320 = tpu.memref_squeeze %dma_wait3A_1319 : memref<1x64xi32, #tpu.memory_space<vmem>> -> memref<64xi32, #tpu.memory_space<vmem>>
    %dma_wait3A_1321 = arith.constant 0 : i32
    %dma_wait3A_1322 = arith.constant 0 : i32
    %dma_wait3A_1323 = tpu.memref_slice %arg3[%dma_wait3A_1321, %dma_wait3A_1322] : memref<1024x256xf32, #tpu.memory_space<hbm>> -> memref<1024x256xf32, #tpu.memory_space<hbm>>
    tpu.wait_indirect_dma semaphore(%arg16 : memref<!tpu.dma_semaphore, #tpu.memory_space<semaphore_mem>>) src(%dma_wait3A_1323 : memref<1024x256xf32, #tpu.memory_space<hbm>>) dst(%dma_wait3A_1317 : memref<64x256xf32, #tpu.memory_space<vmem>>)
    %add3A_1324 = arith.constant 0 : i32
    %add3A_1325 = vector.broadcast %add3A_1324 : i32 to vector<16xi32>
    %add3A_1326 = arith.addi %iota3A, %add3A_1325 : vector<16xi32>
    %get3A_1327 = arith.constant 3 : i32
    %get3A_1328 = arith.index_cast %get3A_1327 : i32 to index
    %get3A_1329 = arith.constant 0 : index
    %get3A_1330 = tpu.vector_load %arg8[%get3A_1328, %get3A_1329] {strides = array<i32>} : memref<8x64xi32, #tpu.memory_space<vmem>>, vector<16xi32>,
    %mul3A_1331 = arith.constant 40 : i32
    %mul3A_1332 = vector.broadcast %mul3A_1331 : i32 to vector<16xi32>
    %mul3A_1333 = arith.muli %get3A_1330, %mul3A_1332 : vector<16xi32>
    %add3A_1334 = arith.constant 20 : i32
    %add3A_1335 = vector.broadcast %add3A_1334 : i32 to vector<16xi32>
    %add3A_1336 = arith.addi %mul3A_1333, %add3A_1335 : vector<16xi32>
    %get3A_1337 = arith.constant 3 : i32
    %get3A_1338 = arith.index_cast %get3A_1337 : i32 to index
    %get3A_1339 = arith.constant 0 : index
    %get3A_1340 = tpu.vector_load %arg9[%get3A_1338, %get3A_1339] {strides = array<i32>} : memref<8x64xi32, #tpu.memory_space<vmem>>, vector<16xi32>,
    %mul3A_1341 = arith.constant 40 : i32
    %mul3A_1342 = vector.broadcast %mul3A_1341 : i32 to vector<16xi32>
    %mul3A_1343 = arith.muli %get3A_1340, %mul3A_1342 : vector<16xi32>
    %scan3A_1344 = arith.constant 0 : i32
    %scan3A_1345 = arith.constant 0 : i32
    %scan3A_1346 = arith.constant 20 : i32
    %scan3A_1347 = arith.addi %scan3A_1345, %scan3A_1346 : i32
    %scan3A_1348 = arith.constant 1 : i32
    %scan3A_1349 = scf.for %scan3A_2194 = %scan3A_1345 to %scan3A_1347 step %scan3A_1348 iter_args(%scan3A_2195 = %scan3A_1344) -> (i32)  : i32 {
      %add3A_2196 = vector.broadcast %scan3A_2194 : i32 to vector<16xi32>
      %add3A_2197 = arith.addi %add3A_1336, %add3A_2196 : vector<16xi32>
      %shift_right_arithmetic3A = arith.constant 7 : i32
      %shift_right_arithmetic3A_2198 = vector.broadcast %shift_right_arithmetic3A : i32 to vector<16xi32>
      %shift_right_arithmetic3A_2199 = arith.shrsi %add3A_2197, %shift_right_arithmetic3A_2198 : vector<16xi32>
      %and3A = arith.constant 127 : i32
      %and3A_2200 = vector.broadcast %and3A : i32 to vector<16xi32>
      %and3A_2201 = arith.andi %add3A_2197, %and3A_2200 : vector<16xi32>
      %gather3A = tpu.vector_load_idx %arg10[%shift_right_arithmetic3A_2199, %and3A_2201] : memref<320x128xf32, #tpu.memory_space<vmem>>[vector<16xi32>, vector<16xi32>], vector<16xf32>,
      %add3A_2202 = arith.constant 256 : i32
      %add3A_2203 = arith.addi %add3A_2202, %scan3A_2194 : i32
      %add3A_2204 = vector.broadcast %add3A_2203 : i32 to vector<16xi32>
      %add3A_2205 = arith.addi %mul3A_5, %add3A_2204 : vector<16xi32>
      tpu.vector_store_idx %arg12[%add3A_1326, %add3A_2205], %gather3A : memref<64x552xf32, #tpu.memory_space<vmem>>[vector<16xi32>, vector<16xi32>], vector<16xf32>,
      %scan3A_2206 = arith.constant 0 : i32
      scf.yield %scan3A_2206 : i32
    }
    %scan3A_1350 = arith.constant 20 : i32
    %scan3A_1351 = arith.constant 0 : i32
    %scan3A_1352 = arith.constant 0 : i32
    %scan3A_1353 = arith.constant 40 : i32
    %scan3A_1354 = arith.addi %scan3A_1352, %scan3A_1353 : i32
    %scan3A_1355 = arith.constant 1 : i32
    %scan3A_1356 = scf.for %scan3A_2194 = %scan3A_1352 to %scan3A_1354 step %scan3A_1355 iter_args(%scan3A_2195 = %scan3A_1351) -> (i32)  : i32 {
      %add3A_2196 = vector.broadcast %scan3A_2194 : i32 to vector<16xi32>
      %add3A_2197 = arith.addi %mul3A_1343, %add3A_2196 : vector<16xi32>
      %shift_right_arithmetic3A = arith.constant 7 : i32
      %shift_right_arithmetic3A_2198 = vector.broadcast %shift_right_arithmetic3A : i32 to vector<16xi32>
      %shift_right_arithmetic3A_2199 = arith.shrsi %add3A_2197, %shift_right_arithmetic3A_2198 : vector<16xi32>
      %and3A = arith.constant 127 : i32
      %and3A_2200 = vector.broadcast %and3A : i32 to vector<16xi32>
      %and3A_2201 = arith.andi %add3A_2197, %and3A_2200 : vector<16xi32>
      %gather3A = tpu.vector_load_idx %arg10[%shift_right_arithmetic3A_2199, %and3A_2201] : memref<320x128xf32, #tpu.memory_space<vmem>>[vector<16xi32>, vector<16xi32>], vector<16xf32>,
      %add3A_2202 = arith.constant 512 : i32
      %add3A_2203 = arith.addi %add3A_2202, %scan3A_2194 : i32
      %add3A_2204 = vector.broadcast %add3A_2203 : i32 to vector<16xi32>
      %add3A_2205 = arith.addi %mul3A_5, %add3A_2204 : vector<16xi32>
      tpu.vector_store_idx %arg12[%add3A_1326, %add3A_2205], %gather3A : memref<64x552xf32, #tpu.memory_space<vmem>>[vector<16xi32>, vector<16xi32>], vector<16xf32>,
      %scan3A_2206 = arith.constant 0 : i32
      scf.yield %scan3A_2206 : i32
    }
    %scan3A_1357 = arith.constant 40 : i32
    %add3A_1358 = arith.constant 16 : i32
    %add3A_1359 = vector.broadcast %add3A_1358 : i32 to vector<16xi32>
    %add3A_1360 = arith.addi %iota3A, %add3A_1359 : vector<16xi32>
    %get3A_1361 = arith.constant 3 : i32
    %get3A_1362 = arith.index_cast %get3A_1361 : i32 to index
    %get3A_1363 = arith.constant 16 : index
    %get3A_1364 = tpu.vector_load %arg8[%get3A_1362, %get3A_1363] {strides = array<i32>} : memref<8x64xi32, #tpu.memory_space<vmem>>, vector<16xi32>,
    %mul3A_1365 = arith.constant 40 : i32
    %mul3A_1366 = vector.broadcast %mul3A_1365 : i32 to vector<16xi32>
    %mul3A_1367 = arith.muli %get3A_1364, %mul3A_1366 : vector<16xi32>
    %add3A_1368 = arith.constant 20 : i32
    %add3A_1369 = vector.broadcast %add3A_1368 : i32 to vector<16xi32>
    %add3A_1370 = arith.addi %mul3A_1367, %add3A_1369 : vector<16xi32>
    %get3A_1371 = arith.constant 3 : i32
    %get3A_1372 = arith.index_cast %get3A_1371 : i32 to index
    %get3A_1373 = arith.constant 16 : index
    %get3A_1374 = tpu.vector_load %arg9[%get3A_1372, %get3A_1373] {strides = array<i32>} : memref<8x64xi32, #tpu.memory_space<vmem>>, vector<16xi32>,
    %mul3A_1375 = arith.constant 40 : i32
    %mul3A_1376 = vector.broadcast %mul3A_1375 : i32 to vector<16xi32>
    %mul3A_1377 = arith.muli %get3A_1374, %mul3A_1376 : vector<16xi32>
    %scan3A_1378 = arith.constant 0 : i32
    %scan3A_1379 = arith.constant 0 : i32
    %scan3A_1380 = arith.constant 20 : i32
    %scan3A_1381 = arith.addi %scan3A_1379, %scan3A_1380 : i32
    %scan3A_1382 = arith.constant 1 : i32
    %scan3A_1383 = scf.for %scan3A_2194 = %scan3A_1379 to %scan3A_1381 step %scan3A_1382 iter_args(%scan3A_2195 = %scan3A_1378) -> (i32)  : i32 {
      %add3A_2196 = vector.broadcast %scan3A_2194 : i32 to vector<16xi32>
      %add3A_2197 = arith.addi %add3A_1370, %add3A_2196 : vector<16xi32>
      %shift_right_arithmetic3A = arith.constant 7 : i32
      %shift_right_arithmetic3A_2198 = vector.broadcast %shift_right_arithmetic3A : i32 to vector<16xi32>
      %shift_right_arithmetic3A_2199 = arith.shrsi %add3A_2197, %shift_right_arithmetic3A_2198 : vector<16xi32>
      %and3A = arith.constant 127 : i32
      %and3A_2200 = vector.broadcast %and3A : i32 to vector<16xi32>
      %and3A_2201 = arith.andi %add3A_2197, %and3A_2200 : vector<16xi32>
      %gather3A = tpu.vector_load_idx %arg10[%shift_right_arithmetic3A_2199, %and3A_2201] : memref<320x128xf32, #tpu.memory_space<vmem>>[vector<16xi32>, vector<16xi32>], vector<16xf32>,
      %add3A_2202 = arith.constant 256 : i32
      %add3A_2203 = arith.addi %add3A_2202, %scan3A_2194 : i32
      %add3A_2204 = vector.broadcast %add3A_2203 : i32 to vector<16xi32>
      %add3A_2205 = arith.addi %mul3A_5, %add3A_2204 : vector<16xi32>
      tpu.vector_store_idx %arg12[%add3A_1360, %add3A_2205], %gather3A : memref<64x552xf32, #tpu.memory_space<vmem>>[vector<16xi32>, vector<16xi32>], vector<16xf32>,
      %scan3A_2206 = arith.constant 0 : i32
      scf.yield %scan3A_2206 : i32
    }
    %scan3A_1384 = arith.constant 20 : i32
    %scan3A_1385 = arith.constant 0 : i32
    %scan3A_1386 = arith.constant 0 : i32
    %scan3A_1387 = arith.constant 40 : i32
    %scan3A_1388 = arith.addi %scan3A_1386, %scan3A_1387 : i32
    %scan3A_1389 = arith.constant 1 : i32
    %scan3A_1390 = scf.for %scan3A_2194 = %scan3A_1386 to %scan3A_1388 step %scan3A_1389 iter_args(%scan3A_2195 = %scan3A_1385) -> (i32)  : i32 {
      %add3A_2196 = vector.broadcast %scan3A_2194 : i32 to vector<16xi32>
      %add3A_2197 = arith.addi %mul3A_1377, %add3A_2196 : vector<16xi32>
      %shift_right_arithmetic3A = arith.constant 7 : i32
      %shift_right_arithmetic3A_2198 = vector.broadcast %shift_right_arithmetic3A : i32 to vector<16xi32>
      %shift_right_arithmetic3A_2199 = arith.shrsi %add3A_2197, %shift_right_arithmetic3A_2198 : vector<16xi32>
      %and3A = arith.constant 127 : i32
      %and3A_2200 = vector.broadcast %and3A : i32 to vector<16xi32>
      %and3A_2201 = arith.andi %add3A_2197, %and3A_2200 : vector<16xi32>
      %gather3A = tpu.vector_load_idx %arg10[%shift_right_arithmetic3A_2199, %and3A_2201] : memref<320x128xf32, #tpu.memory_space<vmem>>[vector<16xi32>, vector<16xi32>], vector<16xf32>,
      %add3A_2202 = arith.constant 512 : i32
      %add3A_2203 = arith.addi %add3A_2202, %scan3A_2194 : i32
      %add3A_2204 = vector.broadcast %add3A_2203 : i32 to vector<16xi32>
      %add3A_2205 = arith.addi %mul3A_5, %add3A_2204 : vector<16xi32>
      tpu.vector_store_idx %arg12[%add3A_1360, %add3A_2205], %gather3A : memref<64x552xf32, #tpu.memory_space<vmem>>[vector<16xi32>, vector<16xi32>], vector<16xf32>,
      %scan3A_2206 = arith.constant 0 : i32
      scf.yield %scan3A_2206 : i32
    }
    %scan3A_1391 = arith.constant 40 : i32
    %add3A_1392 = arith.constant 32 : i32
    %add3A_1393 = vector.broadcast %add3A_1392 : i32 to vector<16xi32>
    %add3A_1394 = arith.addi %iota3A, %add3A_1393 : vector<16xi32>
    %get3A_1395 = arith.constant 3 : i32
    %get3A_1396 = arith.index_cast %get3A_1395 : i32 to index
    %get3A_1397 = arith.constant 32 : index
    %get3A_1398 = tpu.vector_load %arg8[%get3A_1396, %get3A_1397] {strides = array<i32>} : memref<8x64xi32, #tpu.memory_space<vmem>>, vector<16xi32>,
    %mul3A_1399 = arith.constant 40 : i32
    %mul3A_1400 = vector.broadcast %mul3A_1399 : i32 to vector<16xi32>
    %mul3A_1401 = arith.muli %get3A_1398, %mul3A_1400 : vector<16xi32>
    %add3A_1402 = arith.constant 20 : i32
    %add3A_1403 = vector.broadcast %add3A_1402 : i32 to vector<16xi32>
    %add3A_1404 = arith.addi %mul3A_1401, %add3A_1403 : vector<16xi32>
    %get3A_1405 = arith.constant 3 : i32
    %get3A_1406 = arith.index_cast %get3A_1405 : i32 to index
    %get3A_1407 = arith.constant 32 : index
    %get3A_1408 = tpu.vector_load %arg9[%get3A_1406, %get3A_1407] {strides = array<i32>} : memref<8x64xi32, #tpu.memory_space<vmem>>, vector<16xi32>,
    %mul3A_1409 = arith.constant 40 : i32
    %mul3A_1410 = vector.broadcast %mul3A_1409 : i32 to vector<16xi32>
    %mul3A_1411 = arith.muli %get3A_1408, %mul3A_1410 : vector<16xi32>
    %scan3A_1412 = arith.constant 0 : i32
    %scan3A_1413 = arith.constant 0 : i32
    %scan3A_1414 = arith.constant 20 : i32
    %scan3A_1415 = arith.addi %scan3A_1413, %scan3A_1414 : i32
    %scan3A_1416 = arith.constant 1 : i32
    %scan3A_1417 = scf.for %scan3A_2194 = %scan3A_1413 to %scan3A_1415 step %scan3A_1416 iter_args(%scan3A_2195 = %scan3A_1412) -> (i32)  : i32 {
      %add3A_2196 = vector.broadcast %scan3A_2194 : i32 to vector<16xi32>
      %add3A_2197 = arith.addi %add3A_1404, %add3A_2196 : vector<16xi32>
      %shift_right_arithmetic3A = arith.constant 7 : i32
      %shift_right_arithmetic3A_2198 = vector.broadcast %shift_right_arithmetic3A : i32 to vector<16xi32>
      %shift_right_arithmetic3A_2199 = arith.shrsi %add3A_2197, %shift_right_arithmetic3A_2198 : vector<16xi32>
      %and3A = arith.constant 127 : i32
      %and3A_2200 = vector.broadcast %and3A : i32 to vector<16xi32>
      %and3A_2201 = arith.andi %add3A_2197, %and3A_2200 : vector<16xi32>
      %gather3A = tpu.vector_load_idx %arg10[%shift_right_arithmetic3A_2199, %and3A_2201] : memref<320x128xf32, #tpu.memory_space<vmem>>[vector<16xi32>, vector<16xi32>], vector<16xf32>,
      %add3A_2202 = arith.constant 256 : i32
      %add3A_2203 = arith.addi %add3A_2202, %scan3A_2194 : i32
      %add3A_2204 = vector.broadcast %add3A_2203 : i32 to vector<16xi32>
      %add3A_2205 = arith.addi %mul3A_5, %add3A_2204 : vector<16xi32>
      tpu.vector_store_idx %arg12[%add3A_1394, %add3A_2205], %gather3A : memref<64x552xf32, #tpu.memory_space<vmem>>[vector<16xi32>, vector<16xi32>], vector<16xf32>,
      %scan3A_2206 = arith.constant 0 : i32
      scf.yield %scan3A_2206 : i32
    }
    %scan3A_1418 = arith.constant 20 : i32
    %scan3A_1419 = arith.constant 0 : i32
    %scan3A_1420 = arith.constant 0 : i32
    %scan3A_1421 = arith.constant 40 : i32
    %scan3A_1422 = arith.addi %scan3A_1420, %scan3A_1421 : i32
    %scan3A_1423 = arith.constant 1 : i32
    %scan3A_1424 = scf.for %scan3A_2194 = %scan3A_1420 to %scan3A_1422 step %scan3A_1423 iter_args(%scan3A_2195 = %scan3A_1419) -> (i32)  : i32 {
      %add3A_2196 = vector.broadcast %scan3A_2194 : i32 to vector<16xi32>
      %add3A_2197 = arith.addi %mul3A_1411, %add3A_2196 : vector<16xi32>
      %shift_right_arithmetic3A = arith.constant 7 : i32
      %shift_right_arithmetic3A_2198 = vector.broadcast %shift_right_arithmetic3A : i32 to vector<16xi32>
      %shift_right_arithmetic3A_2199 = arith.shrsi %add3A_2197, %shift_right_arithmetic3A_2198 : vector<16xi32>
      %and3A = arith.constant 127 : i32
      %and3A_2200 = vector.broadcast %and3A : i32 to vector<16xi32>
      %and3A_2201 = arith.andi %add3A_2197, %and3A_2200 : vector<16xi32>
      %gather3A = tpu.vector_load_idx %arg10[%shift_right_arithmetic3A_2199, %and3A_2201] : memref<320x128xf32, #tpu.memory_space<vmem>>[vector<16xi32>, vector<16xi32>], vector<16xf32>,
      %add3A_2202 = arith.constant 512 : i32
      %add3A_2203 = arith.addi %add3A_2202, %scan3A_2194 : i32
      %add3A_2204 = vector.broadcast %add3A_2203 : i32 to vector<16xi32>
      %add3A_2205 = arith.addi %mul3A_5, %add3A_2204 : vector<16xi32>
      tpu.vector_store_idx %arg12[%add3A_1394, %add3A_2205], %gather3A : memref<64x552xf32, #tpu.memory_space<vmem>>[vector<16xi32>, vector<16xi32>], vector<16xf32>,
      %scan3A_2206 = arith.constant 0 : i32
      scf.yield %scan3A_2206 : i32
    }
    %scan3A_1425 = arith.constant 40 : i32
    %add3A_1426 = arith.constant 48 : i32
    %add3A_1427 = vector.broadcast %add3A_1426 : i32 to vector<16xi32>
    %add3A_1428 = arith.addi %iota3A, %add3A_1427 : vector<16xi32>
    %get3A_1429 = arith.constant 3 : i32
    %get3A_1430 = arith.index_cast %get3A_1429 : i32 to index
    %get3A_1431 = arith.constant 48 : index
    %get3A_1432 = tpu.vector_load %arg8[%get3A_1430, %get3A_1431] {strides = array<i32>} : memref<8x64xi32, #tpu.memory_space<vmem>>, vector<16xi32>,
    %mul3A_1433 = arith.constant 40 : i32
    %mul3A_1434 = vector.broadcast %mul3A_1433 : i32 to vector<16xi32>
    %mul3A_1435 = arith.muli %get3A_1432, %mul3A_1434 : vector<16xi32>
    %add3A_1436 = arith.constant 20 : i32
    %add3A_1437 = vector.broadcast %add3A_1436 : i32 to vector<16xi32>
    %add3A_1438 = arith.addi %mul3A_1435, %add3A_1437 : vector<16xi32>
    %get3A_1439 = arith.constant 3 : i32
    %get3A_1440 = arith.index_cast %get3A_1439 : i32 to index
    %get3A_1441 = arith.constant 48 : index
    %get3A_1442 = tpu.vector_load %arg9[%get3A_1440, %get3A_1441] {strides = array<i32>} : memref<8x64xi32, #tpu.memory_space<vmem>>, vector<16xi32>,
    %mul3A_1443 = arith.constant 40 : i32
    %mul3A_1444 = vector.broadcast %mul3A_1443 : i32 to vector<16xi32>
    %mul3A_1445 = arith.muli %get3A_1442, %mul3A_1444 : vector<16xi32>
    %scan3A_1446 = arith.constant 0 : i32
    %scan3A_1447 = arith.constant 0 : i32
    %scan3A_1448 = arith.constant 20 : i32
    %scan3A_1449 = arith.addi %scan3A_1447, %scan3A_1448 : i32
    %scan3A_1450 = arith.constant 1 : i32
    %scan3A_1451 = scf.for %scan3A_2194 = %scan3A_1447 to %scan3A_1449 step %scan3A_1450 iter_args(%scan3A_2195 = %scan3A_1446) -> (i32)  : i32 {
      %add3A_2196 = vector.broadcast %scan3A_2194 : i32 to vector<16xi32>
      %add3A_2197 = arith.addi %add3A_1438, %add3A_2196 : vector<16xi32>
      %shift_right_arithmetic3A = arith.constant 7 : i32
      %shift_right_arithmetic3A_2198 = vector.broadcast %shift_right_arithmetic3A : i32 to vector<16xi32>
      %shift_right_arithmetic3A_2199 = arith.shrsi %add3A_2197, %shift_right_arithmetic3A_2198 : vector<16xi32>
      %and3A = arith.constant 127 : i32
      %and3A_2200 = vector.broadcast %and3A : i32 to vector<16xi32>
      %and3A_2201 = arith.andi %add3A_2197, %and3A_2200 : vector<16xi32>
      %gather3A = tpu.vector_load_idx %arg10[%shift_right_arithmetic3A_2199, %and3A_2201] : memref<320x128xf32, #tpu.memory_space<vmem>>[vector<16xi32>, vector<16xi32>], vector<16xf32>,
      %add3A_2202 = arith.constant 256 : i32
      %add3A_2203 = arith.addi %add3A_2202, %scan3A_2194 : i32
      %add3A_2204 = vector.broadcast %add3A_2203 : i32 to vector<16xi32>
      %add3A_2205 = arith.addi %mul3A_5, %add3A_2204 : vector<16xi32>
      tpu.vector_store_idx %arg12[%add3A_1428, %add3A_2205], %gather3A : memref<64x552xf32, #tpu.memory_space<vmem>>[vector<16xi32>, vector<16xi32>], vector<16xf32>,
      %scan3A_2206 = arith.constant 0 : i32
      scf.yield %scan3A_2206 : i32
    }
    %scan3A_1452 = arith.constant 20 : i32
    %scan3A_1453 = arith.constant 0 : i32
    %scan3A_1454 = arith.constant 0 : i32
    %scan3A_1455 = arith.constant 40 : i32
    %scan3A_1456 = arith.addi %scan3A_1454, %scan3A_1455 : i32
    %scan3A_1457 = arith.constant 1 : i32
    %scan3A_1458 = scf.for %scan3A_2194 = %scan3A_1454 to %scan3A_1456 step %scan3A_1457 iter_args(%scan3A_2195 = %scan3A_1453) -> (i32)  : i32 {
      %add3A_2196 = vector.broadcast %scan3A_2194 : i32 to vector<16xi32>
      %add3A_2197 = arith.addi %mul3A_1445, %add3A_2196 : vector<16xi32>
      %shift_right_arithmetic3A = arith.constant 7 : i32
      %shift_right_arithmetic3A_2198 = vector.broadcast %shift_right_arithmetic3A : i32 to vector<16xi32>
      %shift_right_arithmetic3A_2199 = arith.shrsi %add3A_2197, %shift_right_arithmetic3A_2198 : vector<16xi32>
      %and3A = arith.constant 127 : i32
      %and3A_2200 = vector.broadcast %and3A : i32 to vector<16xi32>
      %and3A_2201 = arith.andi %add3A_2197, %and3A_2200 : vector<16xi32>
      %gather3A = tpu.vector_load_idx %arg10[%shift_right_arithmetic3A_2199, %and3A_2201] : memref<320x128xf32, #tpu.memory_space<vmem>>[vector<16xi32>, vector<16xi32>], vector<16xf32>,
      %add3A_2202 = arith.constant 512 : i32
      %add3A_2203 = arith.addi %add3A_2202, %scan3A_2194 : i32
      %add3A_2204 = vector.broadcast %add3A_2203 : i32 to vector<16xi32>
      %add3A_2205 = arith.addi %mul3A_5, %add3A_2204 : vector<16xi32>
      tpu.vector_store_idx %arg12[%add3A_1428, %add3A_2205], %gather3A : memref<64x552xf32, #tpu.memory_space<vmem>>[vector<16xi32>, vector<16xi32>], vector<16xf32>,
      %scan3A_2206 = arith.constant 0 : i32
      scf.yield %scan3A_2206 : i32
    }
    %scan3A_1459 = arith.constant 40 : i32
    %add3A_1460 = arith.constant 192 : i32
    %add3A_1461 = arith.addi %mul3A_708, %add3A_1460 : i32
    %dma_start3A_1462 = arith.constant 0 : i32
    %dma_start3A_1463 = tpu.memref_slice %arg6[%add3A_1461, %dma_start3A_1462] : memref<16384x552xf32, #tpu.memory_space<hbm>> -> memref<64x552xf32, #tpu.memory_space<hbm>>
    %dma_start3A_1464 = arith.constant 0 : i32
    %dma_start3A_1465 = tpu.memref_slice %arg6[%add3A_1461, %dma_start3A_1464] : memref<16384x552xf32, #tpu.memory_space<hbm>> -> memref<64x552xf32, #tpu.memory_space<hbm>>
    tpu.enqueue_dma source(%arg12 : memref<64x552xf32, #tpu.memory_space<vmem>>) target(%dma_start3A_1465 : memref<64x552xf32, #tpu.memory_space<hbm>>) target_semaphore(%arg18 : memref<!tpu.dma_semaphore, #tpu.memory_space<semaphore_mem>>)
    %dma_wait3A_1466 = arith.constant 0 : i32
    %dma_wait3A_1467 = tpu.memref_slice %arg6[%add3A_1461, %dma_wait3A_1466] : memref<16384x552xf32, #tpu.memory_space<hbm>> -> memref<64x552xf32, #tpu.memory_space<hbm>>
    %dma_wait3A_1468 = arith.constant 0 : i32
    %dma_wait3A_1469 = tpu.memref_slice %arg6[%add3A_1461, %dma_wait3A_1468] : memref<16384x552xf32, #tpu.memory_space<hbm>> -> memref<64x552xf32, #tpu.memory_space<hbm>>
    tpu.wait_dma2 semaphore(%arg18 : memref<!tpu.dma_semaphore, #tpu.memory_space<semaphore_mem>>) src(%arg12 : memref<64x552xf32, #tpu.memory_space<vmem>>) dst(%dma_wait3A_1469 : memref<64x552xf32, #tpu.memory_space<hbm>>)
    %dma_start3A_1470 = arith.constant 5 : i32
    %dma_start3A_1471 = arith.constant 0 : i32
    %dma_start3A_1472 = arith.constant 0 : i32
    %dma_start3A_1473 = tpu.memref_slice %arg12[%dma_start3A_1471, %dma_start3A_1472] : memref<64x552xf32, #tpu.memory_space<vmem>> -> memref<64x256xf32, #tpu.memory_space<vmem>>
    %dma_start3A_1474 = arith.constant 0 : i32
    %dma_start3A_1475 = tpu.memref_slice %arg8[%dma_start3A_1470, %dma_start3A_1474] : memref<8x64xi32, #tpu.memory_space<vmem>> -> memref<1x64xi32, #tpu.memory_space<vmem>>
    %dma_start3A_1476 = tpu.memref_squeeze %dma_start3A_1475 : memref<1x64xi32, #tpu.memory_space<vmem>> -> memref<64xi32, #tpu.memory_space<vmem>>
    %dma_start3A_1477 = arith.constant 0 : i32
    %dma_start3A_1478 = arith.constant 0 : i32
    %dma_start3A_1479 = tpu.memref_slice %arg2[%dma_start3A_1477, %dma_start3A_1478] : memref<1024x256xf32, #tpu.memory_space<hbm>> -> memref<1024x256xf32, #tpu.memory_space<hbm>>
    tpu.enqueue_indirect_dma source(%dma_start3A_1479 : memref<1024x256xf32, #tpu.memory_space<hbm>>) target(%dma_start3A_1473 : memref<64x256xf32, #tpu.memory_space<vmem>>) offsets(%dma_start3A_1476 : memref<64xi32, #tpu.memory_space<vmem>>) semaphore(%arg14 : memref<!tpu.dma_semaphore, #tpu.memory_space<semaphore_mem>>)
    %dma_start3A_1480 = arith.constant 5 : i32
    %dma_start3A_1481 = arith.constant 0 : i32
    %dma_start3A_1482 = arith.constant 256 : i32
    %dma_start3A_1483 = tpu.memref_slice %arg12[%dma_start3A_1481, %dma_start3A_1482] : memref<64x552xf32, #tpu.memory_space<vmem>> -> memref<64x256xf32, #tpu.memory_space<vmem>>
    %dma_start3A_1484 = arith.constant 0 : i32
    %dma_start3A_1485 = tpu.memref_slice %arg9[%dma_start3A_1480, %dma_start3A_1484] : memref<8x64xi32, #tpu.memory_space<vmem>> -> memref<1x64xi32, #tpu.memory_space<vmem>>
    %dma_start3A_1486 = tpu.memref_squeeze %dma_start3A_1485 : memref<1x64xi32, #tpu.memory_space<vmem>> -> memref<64xi32, #tpu.memory_space<vmem>>
    %dma_start3A_1487 = arith.constant 0 : i32
    %dma_start3A_1488 = arith.constant 0 : i32
    %dma_start3A_1489 = tpu.memref_slice %arg3[%dma_start3A_1487, %dma_start3A_1488] : memref<1024x256xf32, #tpu.memory_space<hbm>> -> memref<1024x256xf32, #tpu.memory_space<hbm>>
    tpu.enqueue_indirect_dma source(%dma_start3A_1489 : memref<1024x256xf32, #tpu.memory_space<hbm>>) target(%dma_start3A_1483 : memref<64x256xf32, #tpu.memory_space<vmem>>) offsets(%dma_start3A_1486 : memref<64xi32, #tpu.memory_space<vmem>>) semaphore(%arg16 : memref<!tpu.dma_semaphore, #tpu.memory_space<semaphore_mem>>)
    %dma_wait3A_1490 = arith.constant 4 : i32
    %dma_wait3A_1491 = arith.constant 0 : i32
    %dma_wait3A_1492 = arith.constant 0 : i32
    %dma_wait3A_1493 = tpu.memref_slice %arg11[%dma_wait3A_1491, %dma_wait3A_1492] : memref<64x552xf32, #tpu.memory_space<vmem>> -> memref<64x256xf32, #tpu.memory_space<vmem>>
    %dma_wait3A_1494 = arith.constant 0 : i32
    %dma_wait3A_1495 = tpu.memref_slice %arg8[%dma_wait3A_1490, %dma_wait3A_1494] : memref<8x64xi32, #tpu.memory_space<vmem>> -> memref<1x64xi32, #tpu.memory_space<vmem>>
    %dma_wait3A_1496 = tpu.memref_squeeze %dma_wait3A_1495 : memref<1x64xi32, #tpu.memory_space<vmem>> -> memref<64xi32, #tpu.memory_space<vmem>>
    %dma_wait3A_1497 = arith.constant 0 : i32
    %dma_wait3A_1498 = arith.constant 0 : i32
    %dma_wait3A_1499 = tpu.memref_slice %arg2[%dma_wait3A_1497, %dma_wait3A_1498] : memref<1024x256xf32, #tpu.memory_space<hbm>> -> memref<1024x256xf32, #tpu.memory_space<hbm>>
    tpu.wait_indirect_dma semaphore(%arg13 : memref<!tpu.dma_semaphore, #tpu.memory_space<semaphore_mem>>) src(%dma_wait3A_1499 : memref<1024x256xf32, #tpu.memory_space<hbm>>) dst(%dma_wait3A_1493 : memref<64x256xf32, #tpu.memory_space<vmem>>)
    %dma_wait3A_1500 = arith.constant 4 : i32
    %dma_wait3A_1501 = arith.constant 0 : i32
    %dma_wait3A_1502 = arith.constant 256 : i32
    %dma_wait3A_1503 = tpu.memref_slice %arg11[%dma_wait3A_1501, %dma_wait3A_1502] : memref<64x552xf32, #tpu.memory_space<vmem>> -> memref<64x256xf32, #tpu.memory_space<vmem>>
    %dma_wait3A_1504 = arith.constant 0 : i32
    %dma_wait3A_1505 = tpu.memref_slice %arg9[%dma_wait3A_1500, %dma_wait3A_1504] : memref<8x64xi32, #tpu.memory_space<vmem>> -> memref<1x64xi32, #tpu.memory_space<vmem>>
    %dma_wait3A_1506 = tpu.memref_squeeze %dma_wait3A_1505 : memref<1x64xi32, #tpu.memory_space<vmem>> -> memref<64xi32, #tpu.memory_space<vmem>>
    %dma_wait3A_1507 = arith.constant 0 : i32
    %dma_wait3A_1508 = arith.constant 0 : i32
    %dma_wait3A_1509 = tpu.memref_slice %arg3[%dma_wait3A_1507, %dma_wait3A_1508] : memref<1024x256xf32, #tpu.memory_space<hbm>> -> memref<1024x256xf32, #tpu.memory_space<hbm>>
    tpu.wait_indirect_dma semaphore(%arg15 : memref<!tpu.dma_semaphore, #tpu.memory_space<semaphore_mem>>) src(%dma_wait3A_1509 : memref<1024x256xf32, #tpu.memory_space<hbm>>) dst(%dma_wait3A_1503 : memref<64x256xf32, #tpu.memory_space<vmem>>)
    %add3A_1510 = arith.constant 0 : i32
    %add3A_1511 = vector.broadcast %add3A_1510 : i32 to vector<16xi32>
    %add3A_1512 = arith.addi %iota3A, %add3A_1511 : vector<16xi32>
    %get3A_1513 = arith.constant 4 : i32
    %get3A_1514 = arith.index_cast %get3A_1513 : i32 to index
    %get3A_1515 = arith.constant 0 : index
    %get3A_1516 = tpu.vector_load %arg8[%get3A_1514, %get3A_1515] {strides = array<i32>} : memref<8x64xi32, #tpu.memory_space<vmem>>, vector<16xi32>,
    %mul3A_1517 = arith.constant 40 : i32
    %mul3A_1518 = vector.broadcast %mul3A_1517 : i32 to vector<16xi32>
    %mul3A_1519 = arith.muli %get3A_1516, %mul3A_1518 : vector<16xi32>
    %add3A_1520 = arith.constant 20 : i32
    %add3A_1521 = vector.broadcast %add3A_1520 : i32 to vector<16xi32>
    %add3A_1522 = arith.addi %mul3A_1519, %add3A_1521 : vector<16xi32>
    %get3A_1523 = arith.constant 4 : i32
    %get3A_1524 = arith.index_cast %get3A_1523 : i32 to index
    %get3A_1525 = arith.constant 0 : index
    %get3A_1526 = tpu.vector_load %arg9[%get3A_1524, %get3A_1525] {strides = array<i32>} : memref<8x64xi32, #tpu.memory_space<vmem>>, vector<16xi32>,
    %mul3A_1527 = arith.constant 40 : i32
    %mul3A_1528 = vector.broadcast %mul3A_1527 : i32 to vector<16xi32>
    %mul3A_1529 = arith.muli %get3A_1526, %mul3A_1528 : vector<16xi32>
    %scan3A_1530 = arith.constant 0 : i32
    %scan3A_1531 = arith.constant 0 : i32
    %scan3A_1532 = arith.constant 20 : i32
    %scan3A_1533 = arith.addi %scan3A_1531, %scan3A_1532 : i32
    %scan3A_1534 = arith.constant 1 : i32
    %scan3A_1535 = scf.for %scan3A_2194 = %scan3A_1531 to %scan3A_1533 step %scan3A_1534 iter_args(%scan3A_2195 = %scan3A_1530) -> (i32)  : i32 {
      %add3A_2196 = vector.broadcast %scan3A_2194 : i32 to vector<16xi32>
      %add3A_2197 = arith.addi %add3A_1522, %add3A_2196 : vector<16xi32>
      %shift_right_arithmetic3A = arith.constant 7 : i32
      %shift_right_arithmetic3A_2198 = vector.broadcast %shift_right_arithmetic3A : i32 to vector<16xi32>
      %shift_right_arithmetic3A_2199 = arith.shrsi %add3A_2197, %shift_right_arithmetic3A_2198 : vector<16xi32>
      %and3A = arith.constant 127 : i32
      %and3A_2200 = vector.broadcast %and3A : i32 to vector<16xi32>
      %and3A_2201 = arith.andi %add3A_2197, %and3A_2200 : vector<16xi32>
      %gather3A = tpu.vector_load_idx %arg10[%shift_right_arithmetic3A_2199, %and3A_2201] : memref<320x128xf32, #tpu.memory_space<vmem>>[vector<16xi32>, vector<16xi32>], vector<16xf32>,
      %add3A_2202 = arith.constant 256 : i32
      %add3A_2203 = arith.addi %add3A_2202, %scan3A_2194 : i32
      %add3A_2204 = vector.broadcast %add3A_2203 : i32 to vector<16xi32>
      %add3A_2205 = arith.addi %mul3A_5, %add3A_2204 : vector<16xi32>
      tpu.vector_store_idx %arg11[%add3A_1512, %add3A_2205], %gather3A : memref<64x552xf32, #tpu.memory_space<vmem>>[vector<16xi32>, vector<16xi32>], vector<16xf32>,
      %scan3A_2206 = arith.constant 0 : i32
      scf.yield %scan3A_2206 : i32
    }
    %scan3A_1536 = arith.constant 20 : i32
    %scan3A_1537 = arith.constant 0 : i32
    %scan3A_1538 = arith.constant 0 : i32
    %scan3A_1539 = arith.constant 40 : i32
    %scan3A_1540 = arith.addi %scan3A_1538, %scan3A_1539 : i32
    %scan3A_1541 = arith.constant 1 : i32
    %scan3A_1542 = scf.for %scan3A_2194 = %scan3A_1538 to %scan3A_1540 step %scan3A_1541 iter_args(%scan3A_2195 = %scan3A_1537) -> (i32)  : i32 {
      %add3A_2196 = vector.broadcast %scan3A_2194 : i32 to vector<16xi32>
      %add3A_2197 = arith.addi %mul3A_1529, %add3A_2196 : vector<16xi32>
      %shift_right_arithmetic3A = arith.constant 7 : i32
      %shift_right_arithmetic3A_2198 = vector.broadcast %shift_right_arithmetic3A : i32 to vector<16xi32>
      %shift_right_arithmetic3A_2199 = arith.shrsi %add3A_2197, %shift_right_arithmetic3A_2198 : vector<16xi32>
      %and3A = arith.constant 127 : i32
      %and3A_2200 = vector.broadcast %and3A : i32 to vector<16xi32>
      %and3A_2201 = arith.andi %add3A_2197, %and3A_2200 : vector<16xi32>
      %gather3A = tpu.vector_load_idx %arg10[%shift_right_arithmetic3A_2199, %and3A_2201] : memref<320x128xf32, #tpu.memory_space<vmem>>[vector<16xi32>, vector<16xi32>], vector<16xf32>,
      %add3A_2202 = arith.constant 512 : i32
      %add3A_2203 = arith.addi %add3A_2202, %scan3A_2194 : i32
      %add3A_2204 = vector.broadcast %add3A_2203 : i32 to vector<16xi32>
      %add3A_2205 = arith.addi %mul3A_5, %add3A_2204 : vector<16xi32>
      tpu.vector_store_idx %arg11[%add3A_1512, %add3A_2205], %gather3A : memref<64x552xf32, #tpu.memory_space<vmem>>[vector<16xi32>, vector<16xi32>], vector<16xf32>,
      %scan3A_2206 = arith.constant 0 : i32
      scf.yield %scan3A_2206 : i32
    }
    %scan3A_1543 = arith.constant 40 : i32
    %add3A_1544 = arith.constant 16 : i32
    %add3A_1545 = vector.broadcast %add3A_1544 : i32 to vector<16xi32>
    %add3A_1546 = arith.addi %iota3A, %add3A_1545 : vector<16xi32>
    %get3A_1547 = arith.constant 4 : i32
    %get3A_1548 = arith.index_cast %get3A_1547 : i32 to index
    %get3A_1549 = arith.constant 16 : index
    %get3A_1550 = tpu.vector_load %arg8[%get3A_1548, %get3A_1549] {strides = array<i32>} : memref<8x64xi32, #tpu.memory_space<vmem>>, vector<16xi32>,
    %mul3A_1551 = arith.constant 40 : i32
    %mul3A_1552 = vector.broadcast %mul3A_1551 : i32 to vector<16xi32>
    %mul3A_1553 = arith.muli %get3A_1550, %mul3A_1552 : vector<16xi32>
    %add3A_1554 = arith.constant 20 : i32
    %add3A_1555 = vector.broadcast %add3A_1554 : i32 to vector<16xi32>
    %add3A_1556 = arith.addi %mul3A_1553, %add3A_1555 : vector<16xi32>
    %get3A_1557 = arith.constant 4 : i32
    %get3A_1558 = arith.index_cast %get3A_1557 : i32 to index
    %get3A_1559 = arith.constant 16 : index
    %get3A_1560 = tpu.vector_load %arg9[%get3A_1558, %get3A_1559] {strides = array<i32>} : memref<8x64xi32, #tpu.memory_space<vmem>>, vector<16xi32>,
    %mul3A_1561 = arith.constant 40 : i32
    %mul3A_1562 = vector.broadcast %mul3A_1561 : i32 to vector<16xi32>
    %mul3A_1563 = arith.muli %get3A_1560, %mul3A_1562 : vector<16xi32>
    %scan3A_1564 = arith.constant 0 : i32
    %scan3A_1565 = arith.constant 0 : i32
    %scan3A_1566 = arith.constant 20 : i32
    %scan3A_1567 = arith.addi %scan3A_1565, %scan3A_1566 : i32
    %scan3A_1568 = arith.constant 1 : i32
    %scan3A_1569 = scf.for %scan3A_2194 = %scan3A_1565 to %scan3A_1567 step %scan3A_1568 iter_args(%scan3A_2195 = %scan3A_1564) -> (i32)  : i32 {
      %add3A_2196 = vector.broadcast %scan3A_2194 : i32 to vector<16xi32>
      %add3A_2197 = arith.addi %add3A_1556, %add3A_2196 : vector<16xi32>
      %shift_right_arithmetic3A = arith.constant 7 : i32
      %shift_right_arithmetic3A_2198 = vector.broadcast %shift_right_arithmetic3A : i32 to vector<16xi32>
      %shift_right_arithmetic3A_2199 = arith.shrsi %add3A_2197, %shift_right_arithmetic3A_2198 : vector<16xi32>
      %and3A = arith.constant 127 : i32
      %and3A_2200 = vector.broadcast %and3A : i32 to vector<16xi32>
      %and3A_2201 = arith.andi %add3A_2197, %and3A_2200 : vector<16xi32>
      %gather3A = tpu.vector_load_idx %arg10[%shift_right_arithmetic3A_2199, %and3A_2201] : memref<320x128xf32, #tpu.memory_space<vmem>>[vector<16xi32>, vector<16xi32>], vector<16xf32>,
      %add3A_2202 = arith.constant 256 : i32
      %add3A_2203 = arith.addi %add3A_2202, %scan3A_2194 : i32
      %add3A_2204 = vector.broadcast %add3A_2203 : i32 to vector<16xi32>
      %add3A_2205 = arith.addi %mul3A_5, %add3A_2204 : vector<16xi32>
      tpu.vector_store_idx %arg11[%add3A_1546, %add3A_2205], %gather3A : memref<64x552xf32, #tpu.memory_space<vmem>>[vector<16xi32>, vector<16xi32>], vector<16xf32>,
      %scan3A_2206 = arith.constant 0 : i32
      scf.yield %scan3A_2206 : i32
    }
    %scan3A_1570 = arith.constant 20 : i32
    %scan3A_1571 = arith.constant 0 : i32
    %scan3A_1572 = arith.constant 0 : i32
    %scan3A_1573 = arith.constant 40 : i32
    %scan3A_1574 = arith.addi %scan3A_1572, %scan3A_1573 : i32
    %scan3A_1575 = arith.constant 1 : i32
    %scan3A_1576 = scf.for %scan3A_2194 = %scan3A_1572 to %scan3A_1574 step %scan3A_1575 iter_args(%scan3A_2195 = %scan3A_1571) -> (i32)  : i32 {
      %add3A_2196 = vector.broadcast %scan3A_2194 : i32 to vector<16xi32>
      %add3A_2197 = arith.addi %mul3A_1563, %add3A_2196 : vector<16xi32>
      %shift_right_arithmetic3A = arith.constant 7 : i32
      %shift_right_arithmetic3A_2198 = vector.broadcast %shift_right_arithmetic3A : i32 to vector<16xi32>
      %shift_right_arithmetic3A_2199 = arith.shrsi %add3A_2197, %shift_right_arithmetic3A_2198 : vector<16xi32>
      %and3A = arith.constant 127 : i32
      %and3A_2200 = vector.broadcast %and3A : i32 to vector<16xi32>
      %and3A_2201 = arith.andi %add3A_2197, %and3A_2200 : vector<16xi32>
      %gather3A = tpu.vector_load_idx %arg10[%shift_right_arithmetic3A_2199, %and3A_2201] : memref<320x128xf32, #tpu.memory_space<vmem>>[vector<16xi32>, vector<16xi32>], vector<16xf32>,
      %add3A_2202 = arith.constant 512 : i32
      %add3A_2203 = arith.addi %add3A_2202, %scan3A_2194 : i32
      %add3A_2204 = vector.broadcast %add3A_2203 : i32 to vector<16xi32>
      %add3A_2205 = arith.addi %mul3A_5, %add3A_2204 : vector<16xi32>
      tpu.vector_store_idx %arg11[%add3A_1546, %add3A_2205], %gather3A : memref<64x552xf32, #tpu.memory_space<vmem>>[vector<16xi32>, vector<16xi32>], vector<16xf32>,
      %scan3A_2206 = arith.constant 0 : i32
      scf.yield %scan3A_2206 : i32
    }
    %scan3A_1577 = arith.constant 40 : i32
    %add3A_1578 = arith.constant 32 : i32
    %add3A_1579 = vector.broadcast %add3A_1578 : i32 to vector<16xi32>
    %add3A_1580 = arith.addi %iota3A, %add3A_1579 : vector<16xi32>
    %get3A_1581 = arith.constant 4 : i32
    %get3A_1582 = arith.index_cast %get3A_1581 : i32 to index
    %get3A_1583 = arith.constant 32 : index
    %get3A_1584 = tpu.vector_load %arg8[%get3A_1582, %get3A_1583] {strides = array<i32>} : memref<8x64xi32, #tpu.memory_space<vmem>>, vector<16xi32>,
    %mul3A_1585 = arith.constant 40 : i32
    %mul3A_1586 = vector.broadcast %mul3A_1585 : i32 to vector<16xi32>
    %mul3A_1587 = arith.muli %get3A_1584, %mul3A_1586 : vector<16xi32>
    %add3A_1588 = arith.constant 20 : i32
    %add3A_1589 = vector.broadcast %add3A_1588 : i32 to vector<16xi32>
    %add3A_1590 = arith.addi %mul3A_1587, %add3A_1589 : vector<16xi32>
    %get3A_1591 = arith.constant 4 : i32
    %get3A_1592 = arith.index_cast %get3A_1591 : i32 to index
    %get3A_1593 = arith.constant 32 : index
    %get3A_1594 = tpu.vector_load %arg9[%get3A_1592, %get3A_1593] {strides = array<i32>} : memref<8x64xi32, #tpu.memory_space<vmem>>, vector<16xi32>,
    %mul3A_1595 = arith.constant 40 : i32
    %mul3A_1596 = vector.broadcast %mul3A_1595 : i32 to vector<16xi32>
    %mul3A_1597 = arith.muli %get3A_1594, %mul3A_1596 : vector<16xi32>
    %scan3A_1598 = arith.constant 0 : i32
    %scan3A_1599 = arith.constant 0 : i32
    %scan3A_1600 = arith.constant 20 : i32
    %scan3A_1601 = arith.addi %scan3A_1599, %scan3A_1600 : i32
    %scan3A_1602 = arith.constant 1 : i32
    %scan3A_1603 = scf.for %scan3A_2194 = %scan3A_1599 to %scan3A_1601 step %scan3A_1602 iter_args(%scan3A_2195 = %scan3A_1598) -> (i32)  : i32 {
      %add3A_2196 = vector.broadcast %scan3A_2194 : i32 to vector<16xi32>
      %add3A_2197 = arith.addi %add3A_1590, %add3A_2196 : vector<16xi32>
      %shift_right_arithmetic3A = arith.constant 7 : i32
      %shift_right_arithmetic3A_2198 = vector.broadcast %shift_right_arithmetic3A : i32 to vector<16xi32>
      %shift_right_arithmetic3A_2199 = arith.shrsi %add3A_2197, %shift_right_arithmetic3A_2198 : vector<16xi32>
      %and3A = arith.constant 127 : i32
      %and3A_2200 = vector.broadcast %and3A : i32 to vector<16xi32>
      %and3A_2201 = arith.andi %add3A_2197, %and3A_2200 : vector<16xi32>
      %gather3A = tpu.vector_load_idx %arg10[%shift_right_arithmetic3A_2199, %and3A_2201] : memref<320x128xf32, #tpu.memory_space<vmem>>[vector<16xi32>, vector<16xi32>], vector<16xf32>,
      %add3A_2202 = arith.constant 256 : i32
      %add3A_2203 = arith.addi %add3A_2202, %scan3A_2194 : i32
      %add3A_2204 = vector.broadcast %add3A_2203 : i32 to vector<16xi32>
      %add3A_2205 = arith.addi %mul3A_5, %add3A_2204 : vector<16xi32>
      tpu.vector_store_idx %arg11[%add3A_1580, %add3A_2205], %gather3A : memref<64x552xf32, #tpu.memory_space<vmem>>[vector<16xi32>, vector<16xi32>], vector<16xf32>,
      %scan3A_2206 = arith.constant 0 : i32
      scf.yield %scan3A_2206 : i32
    }
    %scan3A_1604 = arith.constant 20 : i32
    %scan3A_1605 = arith.constant 0 : i32
    %scan3A_1606 = arith.constant 0 : i32
    %scan3A_1607 = arith.constant 40 : i32
    %scan3A_1608 = arith.addi %scan3A_1606, %scan3A_1607 : i32
    %scan3A_1609 = arith.constant 1 : i32
    %scan3A_1610 = scf.for %scan3A_2194 = %scan3A_1606 to %scan3A_1608 step %scan3A_1609 iter_args(%scan3A_2195 = %scan3A_1605) -> (i32)  : i32 {
      %add3A_2196 = vector.broadcast %scan3A_2194 : i32 to vector<16xi32>
      %add3A_2197 = arith.addi %mul3A_1597, %add3A_2196 : vector<16xi32>
      %shift_right_arithmetic3A = arith.constant 7 : i32
      %shift_right_arithmetic3A_2198 = vector.broadcast %shift_right_arithmetic3A : i32 to vector<16xi32>
      %shift_right_arithmetic3A_2199 = arith.shrsi %add3A_2197, %shift_right_arithmetic3A_2198 : vector<16xi32>
      %and3A = arith.constant 127 : i32
      %and3A_2200 = vector.broadcast %and3A : i32 to vector<16xi32>
      %and3A_2201 = arith.andi %add3A_2197, %and3A_2200 : vector<16xi32>
      %gather3A = tpu.vector_load_idx %arg10[%shift_right_arithmetic3A_2199, %and3A_2201] : memref<320x128xf32, #tpu.memory_space<vmem>>[vector<16xi32>, vector<16xi32>], vector<16xf32>,
      %add3A_2202 = arith.constant 512 : i32
      %add3A_2203 = arith.addi %add3A_2202, %scan3A_2194 : i32
      %add3A_2204 = vector.broadcast %add3A_2203 : i32 to vector<16xi32>
      %add3A_2205 = arith.addi %mul3A_5, %add3A_2204 : vector<16xi32>
      tpu.vector_store_idx %arg11[%add3A_1580, %add3A_2205], %gather3A : memref<64x552xf32, #tpu.memory_space<vmem>>[vector<16xi32>, vector<16xi32>], vector<16xf32>,
      %scan3A_2206 = arith.constant 0 : i32
      scf.yield %scan3A_2206 : i32
    }
    %scan3A_1611 = arith.constant 40 : i32
    %add3A_1612 = arith.constant 48 : i32
    %add3A_1613 = vector.broadcast %add3A_1612 : i32 to vector<16xi32>
    %add3A_1614 = arith.addi %iota3A, %add3A_1613 : vector<16xi32>
    %get3A_1615 = arith.constant 4 : i32
    %get3A_1616 = arith.index_cast %get3A_1615 : i32 to index
    %get3A_1617 = arith.constant 48 : index
    %get3A_1618 = tpu.vector_load %arg8[%get3A_1616, %get3A_1617] {strides = array<i32>} : memref<8x64xi32, #tpu.memory_space<vmem>>, vector<16xi32>,
    %mul3A_1619 = arith.constant 40 : i32
    %mul3A_1620 = vector.broadcast %mul3A_1619 : i32 to vector<16xi32>
    %mul3A_1621 = arith.muli %get3A_1618, %mul3A_1620 : vector<16xi32>
    %add3A_1622 = arith.constant 20 : i32
    %add3A_1623 = vector.broadcast %add3A_1622 : i32 to vector<16xi32>
    %add3A_1624 = arith.addi %mul3A_1621, %add3A_1623 : vector<16xi32>
    %get3A_1625 = arith.constant 4 : i32
    %get3A_1626 = arith.index_cast %get3A_1625 : i32 to index
    %get3A_1627 = arith.constant 48 : index
    %get3A_1628 = tpu.vector_load %arg9[%get3A_1626, %get3A_1627] {strides = array<i32>} : memref<8x64xi32, #tpu.memory_space<vmem>>, vector<16xi32>,
    %mul3A_1629 = arith.constant 40 : i32
    %mul3A_1630 = vector.broadcast %mul3A_1629 : i32 to vector<16xi32>
    %mul3A_1631 = arith.muli %get3A_1628, %mul3A_1630 : vector<16xi32>
    %scan3A_1632 = arith.constant 0 : i32
    %scan3A_1633 = arith.constant 0 : i32
    %scan3A_1634 = arith.constant 20 : i32
    %scan3A_1635 = arith.addi %scan3A_1633, %scan3A_1634 : i32
    %scan3A_1636 = arith.constant 1 : i32
    %scan3A_1637 = scf.for %scan3A_2194 = %scan3A_1633 to %scan3A_1635 step %scan3A_1636 iter_args(%scan3A_2195 = %scan3A_1632) -> (i32)  : i32 {
      %add3A_2196 = vector.broadcast %scan3A_2194 : i32 to vector<16xi32>
      %add3A_2197 = arith.addi %add3A_1624, %add3A_2196 : vector<16xi32>
      %shift_right_arithmetic3A = arith.constant 7 : i32
      %shift_right_arithmetic3A_2198 = vector.broadcast %shift_right_arithmetic3A : i32 to vector<16xi32>
      %shift_right_arithmetic3A_2199 = arith.shrsi %add3A_2197, %shift_right_arithmetic3A_2198 : vector<16xi32>
      %and3A = arith.constant 127 : i32
      %and3A_2200 = vector.broadcast %and3A : i32 to vector<16xi32>
      %and3A_2201 = arith.andi %add3A_2197, %and3A_2200 : vector<16xi32>
      %gather3A = tpu.vector_load_idx %arg10[%shift_right_arithmetic3A_2199, %and3A_2201] : memref<320x128xf32, #tpu.memory_space<vmem>>[vector<16xi32>, vector<16xi32>], vector<16xf32>,
      %add3A_2202 = arith.constant 256 : i32
      %add3A_2203 = arith.addi %add3A_2202, %scan3A_2194 : i32
      %add3A_2204 = vector.broadcast %add3A_2203 : i32 to vector<16xi32>
      %add3A_2205 = arith.addi %mul3A_5, %add3A_2204 : vector<16xi32>
      tpu.vector_store_idx %arg11[%add3A_1614, %add3A_2205], %gather3A : memref<64x552xf32, #tpu.memory_space<vmem>>[vector<16xi32>, vector<16xi32>], vector<16xf32>,
      %scan3A_2206 = arith.constant 0 : i32
      scf.yield %scan3A_2206 : i32
    }
    %scan3A_1638 = arith.constant 20 : i32
    %scan3A_1639 = arith.constant 0 : i32
    %scan3A_1640 = arith.constant 0 : i32
    %scan3A_1641 = arith.constant 40 : i32
    %scan3A_1642 = arith.addi %scan3A_1640, %scan3A_1641 : i32
    %scan3A_1643 = arith.constant 1 : i32
    %scan3A_1644 = scf.for %scan3A_2194 = %scan3A_1640 to %scan3A_1642 step %scan3A_1643 iter_args(%scan3A_2195 = %scan3A_1639) -> (i32)  : i32 {
      %add3A_2196 = vector.broadcast %scan3A_2194 : i32 to vector<16xi32>
      %add3A_2197 = arith.addi %mul3A_1631, %add3A_2196 : vector<16xi32>
      %shift_right_arithmetic3A = arith.constant 7 : i32
      %shift_right_arithmetic3A_2198 = vector.broadcast %shift_right_arithmetic3A : i32 to vector<16xi32>
      %shift_right_arithmetic3A_2199 = arith.shrsi %add3A_2197, %shift_right_arithmetic3A_2198 : vector<16xi32>
      %and3A = arith.constant 127 : i32
      %and3A_2200 = vector.broadcast %and3A : i32 to vector<16xi32>
      %and3A_2201 = arith.andi %add3A_2197, %and3A_2200 : vector<16xi32>
      %gather3A = tpu.vector_load_idx %arg10[%shift_right_arithmetic3A_2199, %and3A_2201] : memref<320x128xf32, #tpu.memory_space<vmem>>[vector<16xi32>, vector<16xi32>], vector<16xf32>,
      %add3A_2202 = arith.constant 512 : i32
      %add3A_2203 = arith.addi %add3A_2202, %scan3A_2194 : i32
      %add3A_2204 = vector.broadcast %add3A_2203 : i32 to vector<16xi32>
      %add3A_2205 = arith.addi %mul3A_5, %add3A_2204 : vector<16xi32>
      tpu.vector_store_idx %arg11[%add3A_1614, %add3A_2205], %gather3A : memref<64x552xf32, #tpu.memory_space<vmem>>[vector<16xi32>, vector<16xi32>], vector<16xf32>,
      %scan3A_2206 = arith.constant 0 : i32
      scf.yield %scan3A_2206 : i32
    }
    %scan3A_1645 = arith.constant 40 : i32
    %add3A_1646 = arith.constant 256 : i32
    %add3A_1647 = arith.addi %mul3A_708, %add3A_1646 : i32
    %dma_start3A_1648 = arith.constant 0 : i32
    %dma_start3A_1649 = tpu.memref_slice %arg6[%add3A_1647, %dma_start3A_1648] : memref<16384x552xf32, #tpu.memory_space<hbm>> -> memref<64x552xf32, #tpu.memory_space<hbm>>
    %dma_start3A_1650 = arith.constant 0 : i32
    %dma_start3A_1651 = tpu.memref_slice %arg6[%add3A_1647, %dma_start3A_1650] : memref<16384x552xf32, #tpu.memory_space<hbm>> -> memref<64x552xf32, #tpu.memory_space<hbm>>
    tpu.enqueue_dma source(%arg11 : memref<64x552xf32, #tpu.memory_space<vmem>>) target(%dma_start3A_1651 : memref<64x552xf32, #tpu.memory_space<hbm>>) target_semaphore(%arg17 : memref<!tpu.dma_semaphore, #tpu.memory_space<semaphore_mem>>)
    %dma_wait3A_1652 = arith.constant 0 : i32
    %dma_wait3A_1653 = tpu.memref_slice %arg6[%add3A_1647, %dma_wait3A_1652] : memref<16384x552xf32, #tpu.memory_space<hbm>> -> memref<64x552xf32, #tpu.memory_space<hbm>>
    %dma_wait3A_1654 = arith.constant 0 : i32
    %dma_wait3A_1655 = tpu.memref_slice %arg6[%add3A_1647, %dma_wait3A_1654] : memref<16384x552xf32, #tpu.memory_space<hbm>> -> memref<64x552xf32, #tpu.memory_space<hbm>>
    tpu.wait_dma2 semaphore(%arg17 : memref<!tpu.dma_semaphore, #tpu.memory_space<semaphore_mem>>) src(%arg11 : memref<64x552xf32, #tpu.memory_space<vmem>>) dst(%dma_wait3A_1655 : memref<64x552xf32, #tpu.memory_space<hbm>>)
    %dma_start3A_1656 = arith.constant 6 : i32
    %dma_start3A_1657 = arith.constant 0 : i32
    %dma_start3A_1658 = arith.constant 0 : i32
    %dma_start3A_1659 = tpu.memref_slice %arg11[%dma_start3A_1657, %dma_start3A_1658] : memref<64x552xf32, #tpu.memory_space<vmem>> -> memref<64x256xf32, #tpu.memory_space<vmem>>
    %dma_start3A_1660 = arith.constant 0 : i32
    %dma_start3A_1661 = tpu.memref_slice %arg8[%dma_start3A_1656, %dma_start3A_1660] : memref<8x64xi32, #tpu.memory_space<vmem>> -> memref<1x64xi32, #tpu.memory_space<vmem>>
    %dma_start3A_1662 = tpu.memref_squeeze %dma_start3A_1661 : memref<1x64xi32, #tpu.memory_space<vmem>> -> memref<64xi32, #tpu.memory_space<vmem>>
    %dma_start3A_1663 = arith.constant 0 : i32
    %dma_start3A_1664 = arith.constant 0 : i32
    %dma_start3A_1665 = tpu.memref_slice %arg2[%dma_start3A_1663, %dma_start3A_1664] : memref<1024x256xf32, #tpu.memory_space<hbm>> -> memref<1024x256xf32, #tpu.memory_space<hbm>>
    tpu.enqueue_indirect_dma source(%dma_start3A_1665 : memref<1024x256xf32, #tpu.memory_space<hbm>>) target(%dma_start3A_1659 : memref<64x256xf32, #tpu.memory_space<vmem>>) offsets(%dma_start3A_1662 : memref<64xi32, #tpu.memory_space<vmem>>) semaphore(%arg13 : memref<!tpu.dma_semaphore, #tpu.memory_space<semaphore_mem>>)
    %dma_start3A_1666 = arith.constant 6 : i32
    %dma_start3A_1667 = arith.constant 0 : i32
    %dma_start3A_1668 = arith.constant 256 : i32
    %dma_start3A_1669 = tpu.memref_slice %arg11[%dma_start3A_1667, %dma_start3A_1668] : memref<64x552xf32, #tpu.memory_space<vmem>> -> memref<64x256xf32, #tpu.memory_space<vmem>>
    %dma_start3A_1670 = arith.constant 0 : i32
    %dma_start3A_1671 = tpu.memref_slice %arg9[%dma_start3A_1666, %dma_start3A_1670] : memref<8x64xi32, #tpu.memory_space<vmem>> -> memref<1x64xi32, #tpu.memory_space<vmem>>
    %dma_start3A_1672 = tpu.memref_squeeze %dma_start3A_1671 : memref<1x64xi32, #tpu.memory_space<vmem>> -> memref<64xi32, #tpu.memory_space<vmem>>
    %dma_start3A_1673 = arith.constant 0 : i32
    %dma_start3A_1674 = arith.constant 0 : i32
    %dma_start3A_1675 = tpu.memref_slice %arg3[%dma_start3A_1673, %dma_start3A_1674] : memref<1024x256xf32, #tpu.memory_space<hbm>> -> memref<1024x256xf32, #tpu.memory_space<hbm>>
    tpu.enqueue_indirect_dma source(%dma_start3A_1675 : memref<1024x256xf32, #tpu.memory_space<hbm>>) target(%dma_start3A_1669 : memref<64x256xf32, #tpu.memory_space<vmem>>) offsets(%dma_start3A_1672 : memref<64xi32, #tpu.memory_space<vmem>>) semaphore(%arg15 : memref<!tpu.dma_semaphore, #tpu.memory_space<semaphore_mem>>)
    %dma_wait3A_1676 = arith.constant 5 : i32
    %dma_wait3A_1677 = arith.constant 0 : i32
    %dma_wait3A_1678 = arith.constant 0 : i32
    %dma_wait3A_1679 = tpu.memref_slice %arg12[%dma_wait3A_1677, %dma_wait3A_1678] : memref<64x552xf32, #tpu.memory_space<vmem>> -> memref<64x256xf32, #tpu.memory_space<vmem>>
    %dma_wait3A_1680 = arith.constant 0 : i32
    %dma_wait3A_1681 = tpu.memref_slice %arg8[%dma_wait3A_1676, %dma_wait3A_1680] : memref<8x64xi32, #tpu.memory_space<vmem>> -> memref<1x64xi32, #tpu.memory_space<vmem>>
    %dma_wait3A_1682 = tpu.memref_squeeze %dma_wait3A_1681 : memref<1x64xi32, #tpu.memory_space<vmem>> -> memref<64xi32, #tpu.memory_space<vmem>>
    %dma_wait3A_1683 = arith.constant 0 : i32
    %dma_wait3A_1684 = arith.constant 0 : i32
    %dma_wait3A_1685 = tpu.memref_slice %arg2[%dma_wait3A_1683, %dma_wait3A_1684] : memref<1024x256xf32, #tpu.memory_space<hbm>> -> memref<1024x256xf32, #tpu.memory_space<hbm>>
    tpu.wait_indirect_dma semaphore(%arg14 : memref<!tpu.dma_semaphore, #tpu.memory_space<semaphore_mem>>) src(%dma_wait3A_1685 : memref<1024x256xf32, #tpu.memory_space<hbm>>) dst(%dma_wait3A_1679 : memref<64x256xf32, #tpu.memory_space<vmem>>)
    %dma_wait3A_1686 = arith.constant 5 : i32
    %dma_wait3A_1687 = arith.constant 0 : i32
    %dma_wait3A_1688 = arith.constant 256 : i32
    %dma_wait3A_1689 = tpu.memref_slice %arg12[%dma_wait3A_1687, %dma_wait3A_1688] : memref<64x552xf32, #tpu.memory_space<vmem>> -> memref<64x256xf32, #tpu.memory_space<vmem>>
    %dma_wait3A_1690 = arith.constant 0 : i32
    %dma_wait3A_1691 = tpu.memref_slice %arg9[%dma_wait3A_1686, %dma_wait3A_1690] : memref<8x64xi32, #tpu.memory_space<vmem>> -> memref<1x64xi32, #tpu.memory_space<vmem>>
    %dma_wait3A_1692 = tpu.memref_squeeze %dma_wait3A_1691 : memref<1x64xi32, #tpu.memory_space<vmem>> -> memref<64xi32, #tpu.memory_space<vmem>>
    %dma_wait3A_1693 = arith.constant 0 : i32
    %dma_wait3A_1694 = arith.constant 0 : i32
    %dma_wait3A_1695 = tpu.memref_slice %arg3[%dma_wait3A_1693, %dma_wait3A_1694] : memref<1024x256xf32, #tpu.memory_space<hbm>> -> memref<1024x256xf32, #tpu.memory_space<hbm>>
    tpu.wait_indirect_dma semaphore(%arg16 : memref<!tpu.dma_semaphore, #tpu.memory_space<semaphore_mem>>) src(%dma_wait3A_1695 : memref<1024x256xf32, #tpu.memory_space<hbm>>) dst(%dma_wait3A_1689 : memref<64x256xf32, #tpu.memory_space<vmem>>)
    %add3A_1696 = arith.constant 0 : i32
    %add3A_1697 = vector.broadcast %add3A_1696 : i32 to vector<16xi32>
    %add3A_1698 = arith.addi %iota3A, %add3A_1697 : vector<16xi32>
    %get3A_1699 = arith.constant 5 : i32
    %get3A_1700 = arith.index_cast %get3A_1699 : i32 to index
    %get3A_1701 = arith.constant 0 : index
    %get3A_1702 = tpu.vector_load %arg8[%get3A_1700, %get3A_1701] {strides = array<i32>} : memref<8x64xi32, #tpu.memory_space<vmem>>, vector<16xi32>,
    %mul3A_1703 = arith.constant 40 : i32
    %mul3A_1704 = vector.broadcast %mul3A_1703 : i32 to vector<16xi32>
    %mul3A_1705 = arith.muli %get3A_1702, %mul3A_1704 : vector<16xi32>
    %add3A_1706 = arith.constant 20 : i32
    %add3A_1707 = vector.broadcast %add3A_1706 : i32 to vector<16xi32>
    %add3A_1708 = arith.addi %mul3A_1705, %add3A_1707 : vector<16xi32>
    %get3A_1709 = arith.constant 5 : i32
    %get3A_1710 = arith.index_cast %get3A_1709 : i32 to index
    %get3A_1711 = arith.constant 0 : index
    %get3A_1712 = tpu.vector_load %arg9[%get3A_1710, %get3A_1711] {strides = array<i32>} : memref<8x64xi32, #tpu.memory_space<vmem>>, vector<16xi32>,
    %mul3A_1713 = arith.constant 40 : i32
    %mul3A_1714 = vector.broadcast %mul3A_1713 : i32 to vector<16xi32>
    %mul3A_1715 = arith.muli %get3A_1712, %mul3A_1714 : vector<16xi32>
    %scan3A_1716 = arith.constant 0 : i32
    %scan3A_1717 = arith.constant 0 : i32
    %scan3A_1718 = arith.constant 20 : i32
    %scan3A_1719 = arith.addi %scan3A_1717, %scan3A_1718 : i32
    %scan3A_1720 = arith.constant 1 : i32
    %scan3A_1721 = scf.for %scan3A_2194 = %scan3A_1717 to %scan3A_1719 step %scan3A_1720 iter_args(%scan3A_2195 = %scan3A_1716) -> (i32)  : i32 {
      %add3A_2196 = vector.broadcast %scan3A_2194 : i32 to vector<16xi32>
      %add3A_2197 = arith.addi %add3A_1708, %add3A_2196 : vector<16xi32>
      %shift_right_arithmetic3A = arith.constant 7 : i32
      %shift_right_arithmetic3A_2198 = vector.broadcast %shift_right_arithmetic3A : i32 to vector<16xi32>
      %shift_right_arithmetic3A_2199 = arith.shrsi %add3A_2197, %shift_right_arithmetic3A_2198 : vector<16xi32>
      %and3A = arith.constant 127 : i32
      %and3A_2200 = vector.broadcast %and3A : i32 to vector<16xi32>
      %and3A_2201 = arith.andi %add3A_2197, %and3A_2200 : vector<16xi32>
      %gather3A = tpu.vector_load_idx %arg10[%shift_right_arithmetic3A_2199, %and3A_2201] : memref<320x128xf32, #tpu.memory_space<vmem>>[vector<16xi32>, vector<16xi32>], vector<16xf32>,
      %add3A_2202 = arith.constant 256 : i32
      %add3A_2203 = arith.addi %add3A_2202, %scan3A_2194 : i32
      %add3A_2204 = vector.broadcast %add3A_2203 : i32 to vector<16xi32>
      %add3A_2205 = arith.addi %mul3A_5, %add3A_2204 : vector<16xi32>
      tpu.vector_store_idx %arg12[%add3A_1698, %add3A_2205], %gather3A : memref<64x552xf32, #tpu.memory_space<vmem>>[vector<16xi32>, vector<16xi32>], vector<16xf32>,
      %scan3A_2206 = arith.constant 0 : i32
      scf.yield %scan3A_2206 : i32
    }
    %scan3A_1722 = arith.constant 20 : i32
    %scan3A_1723 = arith.constant 0 : i32
    %scan3A_1724 = arith.constant 0 : i32
    %scan3A_1725 = arith.constant 40 : i32
    %scan3A_1726 = arith.addi %scan3A_1724, %scan3A_1725 : i32
    %scan3A_1727 = arith.constant 1 : i32
    %scan3A_1728 = scf.for %scan3A_2194 = %scan3A_1724 to %scan3A_1726 step %scan3A_1727 iter_args(%scan3A_2195 = %scan3A_1723) -> (i32)  : i32 {
      %add3A_2196 = vector.broadcast %scan3A_2194 : i32 to vector<16xi32>
      %add3A_2197 = arith.addi %mul3A_1715, %add3A_2196 : vector<16xi32>
      %shift_right_arithmetic3A = arith.constant 7 : i32
      %shift_right_arithmetic3A_2198 = vector.broadcast %shift_right_arithmetic3A : i32 to vector<16xi32>
      %shift_right_arithmetic3A_2199 = arith.shrsi %add3A_2197, %shift_right_arithmetic3A_2198 : vector<16xi32>
      %and3A = arith.constant 127 : i32
      %and3A_2200 = vector.broadcast %and3A : i32 to vector<16xi32>
      %and3A_2201 = arith.andi %add3A_2197, %and3A_2200 : vector<16xi32>
      %gather3A = tpu.vector_load_idx %arg10[%shift_right_arithmetic3A_2199, %and3A_2201] : memref<320x128xf32, #tpu.memory_space<vmem>>[vector<16xi32>, vector<16xi32>], vector<16xf32>,
      %add3A_2202 = arith.constant 512 : i32
      %add3A_2203 = arith.addi %add3A_2202, %scan3A_2194 : i32
      %add3A_2204 = vector.broadcast %add3A_2203 : i32 to vector<16xi32>
      %add3A_2205 = arith.addi %mul3A_5, %add3A_2204 : vector<16xi32>
      tpu.vector_store_idx %arg12[%add3A_1698, %add3A_2205], %gather3A : memref<64x552xf32, #tpu.memory_space<vmem>>[vector<16xi32>, vector<16xi32>], vector<16xf32>,
      %scan3A_2206 = arith.constant 0 : i32
      scf.yield %scan3A_2206 : i32
    }
    %scan3A_1729 = arith.constant 40 : i32
    %add3A_1730 = arith.constant 16 : i32
    %add3A_1731 = vector.broadcast %add3A_1730 : i32 to vector<16xi32>
    %add3A_1732 = arith.addi %iota3A, %add3A_1731 : vector<16xi32>
    %get3A_1733 = arith.constant 5 : i32
    %get3A_1734 = arith.index_cast %get3A_1733 : i32 to index
    %get3A_1735 = arith.constant 16 : index
    %get3A_1736 = tpu.vector_load %arg8[%get3A_1734, %get3A_1735] {strides = array<i32>} : memref<8x64xi32, #tpu.memory_space<vmem>>, vector<16xi32>,
    %mul3A_1737 = arith.constant 40 : i32
    %mul3A_1738 = vector.broadcast %mul3A_1737 : i32 to vector<16xi32>
    %mul3A_1739 = arith.muli %get3A_1736, %mul3A_1738 : vector<16xi32>
    %add3A_1740 = arith.constant 20 : i32
    %add3A_1741 = vector.broadcast %add3A_1740 : i32 to vector<16xi32>
    %add3A_1742 = arith.addi %mul3A_1739, %add3A_1741 : vector<16xi32>
    %get3A_1743 = arith.constant 5 : i32
    %get3A_1744 = arith.index_cast %get3A_1743 : i32 to index
    %get3A_1745 = arith.constant 16 : index
    %get3A_1746 = tpu.vector_load %arg9[%get3A_1744, %get3A_1745] {strides = array<i32>} : memref<8x64xi32, #tpu.memory_space<vmem>>, vector<16xi32>,
    %mul3A_1747 = arith.constant 40 : i32
    %mul3A_1748 = vector.broadcast %mul3A_1747 : i32 to vector<16xi32>
    %mul3A_1749 = arith.muli %get3A_1746, %mul3A_1748 : vector<16xi32>
    %scan3A_1750 = arith.constant 0 : i32
    %scan3A_1751 = arith.constant 0 : i32
    %scan3A_1752 = arith.constant 20 : i32
    %scan3A_1753 = arith.addi %scan3A_1751, %scan3A_1752 : i32
    %scan3A_1754 = arith.constant 1 : i32
    %scan3A_1755 = scf.for %scan3A_2194 = %scan3A_1751 to %scan3A_1753 step %scan3A_1754 iter_args(%scan3A_2195 = %scan3A_1750) -> (i32)  : i32 {
      %add3A_2196 = vector.broadcast %scan3A_2194 : i32 to vector<16xi32>
      %add3A_2197 = arith.addi %add3A_1742, %add3A_2196 : vector<16xi32>
      %shift_right_arithmetic3A = arith.constant 7 : i32
      %shift_right_arithmetic3A_2198 = vector.broadcast %shift_right_arithmetic3A : i32 to vector<16xi32>
      %shift_right_arithmetic3A_2199 = arith.shrsi %add3A_2197, %shift_right_arithmetic3A_2198 : vector<16xi32>
      %and3A = arith.constant 127 : i32
      %and3A_2200 = vector.broadcast %and3A : i32 to vector<16xi32>
      %and3A_2201 = arith.andi %add3A_2197, %and3A_2200 : vector<16xi32>
      %gather3A = tpu.vector_load_idx %arg10[%shift_right_arithmetic3A_2199, %and3A_2201] : memref<320x128xf32, #tpu.memory_space<vmem>>[vector<16xi32>, vector<16xi32>], vector<16xf32>,
      %add3A_2202 = arith.constant 256 : i32
      %add3A_2203 = arith.addi %add3A_2202, %scan3A_2194 : i32
      %add3A_2204 = vector.broadcast %add3A_2203 : i32 to vector<16xi32>
      %add3A_2205 = arith.addi %mul3A_5, %add3A_2204 : vector<16xi32>
      tpu.vector_store_idx %arg12[%add3A_1732, %add3A_2205], %gather3A : memref<64x552xf32, #tpu.memory_space<vmem>>[vector<16xi32>, vector<16xi32>], vector<16xf32>,
      %scan3A_2206 = arith.constant 0 : i32
      scf.yield %scan3A_2206 : i32
    }
    %scan3A_1756 = arith.constant 20 : i32
    %scan3A_1757 = arith.constant 0 : i32
    %scan3A_1758 = arith.constant 0 : i32
    %scan3A_1759 = arith.constant 40 : i32
    %scan3A_1760 = arith.addi %scan3A_1758, %scan3A_1759 : i32
    %scan3A_1761 = arith.constant 1 : i32
    %scan3A_1762 = scf.for %scan3A_2194 = %scan3A_1758 to %scan3A_1760 step %scan3A_1761 iter_args(%scan3A_2195 = %scan3A_1757) -> (i32)  : i32 {
      %add3A_2196 = vector.broadcast %scan3A_2194 : i32 to vector<16xi32>
      %add3A_2197 = arith.addi %mul3A_1749, %add3A_2196 : vector<16xi32>
      %shift_right_arithmetic3A = arith.constant 7 : i32
      %shift_right_arithmetic3A_2198 = vector.broadcast %shift_right_arithmetic3A : i32 to vector<16xi32>
      %shift_right_arithmetic3A_2199 = arith.shrsi %add3A_2197, %shift_right_arithmetic3A_2198 : vector<16xi32>
      %and3A = arith.constant 127 : i32
      %and3A_2200 = vector.broadcast %and3A : i32 to vector<16xi32>
      %and3A_2201 = arith.andi %add3A_2197, %and3A_2200 : vector<16xi32>
      %gather3A = tpu.vector_load_idx %arg10[%shift_right_arithmetic3A_2199, %and3A_2201] : memref<320x128xf32, #tpu.memory_space<vmem>>[vector<16xi32>, vector<16xi32>], vector<16xf32>,
      %add3A_2202 = arith.constant 512 : i32
      %add3A_2203 = arith.addi %add3A_2202, %scan3A_2194 : i32
      %add3A_2204 = vector.broadcast %add3A_2203 : i32 to vector<16xi32>
      %add3A_2205 = arith.addi %mul3A_5, %add3A_2204 : vector<16xi32>
      tpu.vector_store_idx %arg12[%add3A_1732, %add3A_2205], %gather3A : memref<64x552xf32, #tpu.memory_space<vmem>>[vector<16xi32>, vector<16xi32>], vector<16xf32>,
      %scan3A_2206 = arith.constant 0 : i32
      scf.yield %scan3A_2206 : i32
    }
    %scan3A_1763 = arith.constant 40 : i32
    %add3A_1764 = arith.constant 32 : i32
    %add3A_1765 = vector.broadcast %add3A_1764 : i32 to vector<16xi32>
    %add3A_1766 = arith.addi %iota3A, %add3A_1765 : vector<16xi32>
    %get3A_1767 = arith.constant 5 : i32
    %get3A_1768 = arith.index_cast %get3A_1767 : i32 to index
    %get3A_1769 = arith.constant 32 : index
    %get3A_1770 = tpu.vector_load %arg8[%get3A_1768, %get3A_1769] {strides = array<i32>} : memref<8x64xi32, #tpu.memory_space<vmem>>, vector<16xi32>,
    %mul3A_1771 = arith.constant 40 : i32
    %mul3A_1772 = vector.broadcast %mul3A_1771 : i32 to vector<16xi32>
    %mul3A_1773 = arith.muli %get3A_1770, %mul3A_1772 : vector<16xi32>
    %add3A_1774 = arith.constant 20 : i32
    %add3A_1775 = vector.broadcast %add3A_1774 : i32 to vector<16xi32>
    %add3A_1776 = arith.addi %mul3A_1773, %add3A_1775 : vector<16xi32>
    %get3A_1777 = arith.constant 5 : i32
    %get3A_1778 = arith.index_cast %get3A_1777 : i32 to index
    %get3A_1779 = arith.constant 32 : index
    %get3A_1780 = tpu.vector_load %arg9[%get3A_1778, %get3A_1779] {strides = array<i32>} : memref<8x64xi32, #tpu.memory_space<vmem>>, vector<16xi32>,
    %mul3A_1781 = arith.constant 40 : i32
    %mul3A_1782 = vector.broadcast %mul3A_1781 : i32 to vector<16xi32>
    %mul3A_1783 = arith.muli %get3A_1780, %mul3A_1782 : vector<16xi32>
    %scan3A_1784 = arith.constant 0 : i32
    %scan3A_1785 = arith.constant 0 : i32
    %scan3A_1786 = arith.constant 20 : i32
    %scan3A_1787 = arith.addi %scan3A_1785, %scan3A_1786 : i32
    %scan3A_1788 = arith.constant 1 : i32
    %scan3A_1789 = scf.for %scan3A_2194 = %scan3A_1785 to %scan3A_1787 step %scan3A_1788 iter_args(%scan3A_2195 = %scan3A_1784) -> (i32)  : i32 {
      %add3A_2196 = vector.broadcast %scan3A_2194 : i32 to vector<16xi32>
      %add3A_2197 = arith.addi %add3A_1776, %add3A_2196 : vector<16xi32>
      %shift_right_arithmetic3A = arith.constant 7 : i32
      %shift_right_arithmetic3A_2198 = vector.broadcast %shift_right_arithmetic3A : i32 to vector<16xi32>
      %shift_right_arithmetic3A_2199 = arith.shrsi %add3A_2197, %shift_right_arithmetic3A_2198 : vector<16xi32>
      %and3A = arith.constant 127 : i32
      %and3A_2200 = vector.broadcast %and3A : i32 to vector<16xi32>
      %and3A_2201 = arith.andi %add3A_2197, %and3A_2200 : vector<16xi32>
      %gather3A = tpu.vector_load_idx %arg10[%shift_right_arithmetic3A_2199, %and3A_2201] : memref<320x128xf32, #tpu.memory_space<vmem>>[vector<16xi32>, vector<16xi32>], vector<16xf32>,
      %add3A_2202 = arith.constant 256 : i32
      %add3A_2203 = arith.addi %add3A_2202, %scan3A_2194 : i32
      %add3A_2204 = vector.broadcast %add3A_2203 : i32 to vector<16xi32>
      %add3A_2205 = arith.addi %mul3A_5, %add3A_2204 : vector<16xi32>
      tpu.vector_store_idx %arg12[%add3A_1766, %add3A_2205], %gather3A : memref<64x552xf32, #tpu.memory_space<vmem>>[vector<16xi32>, vector<16xi32>], vector<16xf32>,
      %scan3A_2206 = arith.constant 0 : i32
      scf.yield %scan3A_2206 : i32
    }
    %scan3A_1790 = arith.constant 20 : i32
    %scan3A_1791 = arith.constant 0 : i32
    %scan3A_1792 = arith.constant 0 : i32
    %scan3A_1793 = arith.constant 40 : i32
    %scan3A_1794 = arith.addi %scan3A_1792, %scan3A_1793 : i32
    %scan3A_1795 = arith.constant 1 : i32
    %scan3A_1796 = scf.for %scan3A_2194 = %scan3A_1792 to %scan3A_1794 step %scan3A_1795 iter_args(%scan3A_2195 = %scan3A_1791) -> (i32)  : i32 {
      %add3A_2196 = vector.broadcast %scan3A_2194 : i32 to vector<16xi32>
      %add3A_2197 = arith.addi %mul3A_1783, %add3A_2196 : vector<16xi32>
      %shift_right_arithmetic3A = arith.constant 7 : i32
      %shift_right_arithmetic3A_2198 = vector.broadcast %shift_right_arithmetic3A : i32 to vector<16xi32>
      %shift_right_arithmetic3A_2199 = arith.shrsi %add3A_2197, %shift_right_arithmetic3A_2198 : vector<16xi32>
      %and3A = arith.constant 127 : i32
      %and3A_2200 = vector.broadcast %and3A : i32 to vector<16xi32>
      %and3A_2201 = arith.andi %add3A_2197, %and3A_2200 : vector<16xi32>
      %gather3A = tpu.vector_load_idx %arg10[%shift_right_arithmetic3A_2199, %and3A_2201] : memref<320x128xf32, #tpu.memory_space<vmem>>[vector<16xi32>, vector<16xi32>], vector<16xf32>,
      %add3A_2202 = arith.constant 512 : i32
      %add3A_2203 = arith.addi %add3A_2202, %scan3A_2194 : i32
      %add3A_2204 = vector.broadcast %add3A_2203 : i32 to vector<16xi32>
      %add3A_2205 = arith.addi %mul3A_5, %add3A_2204 : vector<16xi32>
      tpu.vector_store_idx %arg12[%add3A_1766, %add3A_2205], %gather3A : memref<64x552xf32, #tpu.memory_space<vmem>>[vector<16xi32>, vector<16xi32>], vector<16xf32>,
      %scan3A_2206 = arith.constant 0 : i32
      scf.yield %scan3A_2206 : i32
    }
    %scan3A_1797 = arith.constant 40 : i32
    %add3A_1798 = arith.constant 48 : i32
    %add3A_1799 = vector.broadcast %add3A_1798 : i32 to vector<16xi32>
    %add3A_1800 = arith.addi %iota3A, %add3A_1799 : vector<16xi32>
    %get3A_1801 = arith.constant 5 : i32
    %get3A_1802 = arith.index_cast %get3A_1801 : i32 to index
    %get3A_1803 = arith.constant 48 : index
    %get3A_1804 = tpu.vector_load %arg8[%get3A_1802, %get3A_1803] {strides = array<i32>} : memref<8x64xi32, #tpu.memory_space<vmem>>, vector<16xi32>,
    %mul3A_1805 = arith.constant 40 : i32
    %mul3A_1806 = vector.broadcast %mul3A_1805 : i32 to vector<16xi32>
    %mul3A_1807 = arith.muli %get3A_1804, %mul3A_1806 : vector<16xi32>
    %add3A_1808 = arith.constant 20 : i32
    %add3A_1809 = vector.broadcast %add3A_1808 : i32 to vector<16xi32>
    %add3A_1810 = arith.addi %mul3A_1807, %add3A_1809 : vector<16xi32>
    %get3A_1811 = arith.constant 5 : i32
    %get3A_1812 = arith.index_cast %get3A_1811 : i32 to index
    %get3A_1813 = arith.constant 48 : index
    %get3A_1814 = tpu.vector_load %arg9[%get3A_1812, %get3A_1813] {strides = array<i32>} : memref<8x64xi32, #tpu.memory_space<vmem>>, vector<16xi32>,
    %mul3A_1815 = arith.constant 40 : i32
    %mul3A_1816 = vector.broadcast %mul3A_1815 : i32 to vector<16xi32>
    %mul3A_1817 = arith.muli %get3A_1814, %mul3A_1816 : vector<16xi32>
    %scan3A_1818 = arith.constant 0 : i32
    %scan3A_1819 = arith.constant 0 : i32
    %scan3A_1820 = arith.constant 20 : i32
    %scan3A_1821 = arith.addi %scan3A_1819, %scan3A_1820 : i32
    %scan3A_1822 = arith.constant 1 : i32
    %scan3A_1823 = scf.for %scan3A_2194 = %scan3A_1819 to %scan3A_1821 step %scan3A_1822 iter_args(%scan3A_2195 = %scan3A_1818) -> (i32)  : i32 {
      %add3A_2196 = vector.broadcast %scan3A_2194 : i32 to vector<16xi32>
      %add3A_2197 = arith.addi %add3A_1810, %add3A_2196 : vector<16xi32>
      %shift_right_arithmetic3A = arith.constant 7 : i32
      %shift_right_arithmetic3A_2198 = vector.broadcast %shift_right_arithmetic3A : i32 to vector<16xi32>
      %shift_right_arithmetic3A_2199 = arith.shrsi %add3A_2197, %shift_right_arithmetic3A_2198 : vector<16xi32>
      %and3A = arith.constant 127 : i32
      %and3A_2200 = vector.broadcast %and3A : i32 to vector<16xi32>
      %and3A_2201 = arith.andi %add3A_2197, %and3A_2200 : vector<16xi32>
      %gather3A = tpu.vector_load_idx %arg10[%shift_right_arithmetic3A_2199, %and3A_2201] : memref<320x128xf32, #tpu.memory_space<vmem>>[vector<16xi32>, vector<16xi32>], vector<16xf32>,
      %add3A_2202 = arith.constant 256 : i32
      %add3A_2203 = arith.addi %add3A_2202, %scan3A_2194 : i32
      %add3A_2204 = vector.broadcast %add3A_2203 : i32 to vector<16xi32>
      %add3A_2205 = arith.addi %mul3A_5, %add3A_2204 : vector<16xi32>
      tpu.vector_store_idx %arg12[%add3A_1800, %add3A_2205], %gather3A : memref<64x552xf32, #tpu.memory_space<vmem>>[vector<16xi32>, vector<16xi32>], vector<16xf32>,
      %scan3A_2206 = arith.constant 0 : i32
      scf.yield %scan3A_2206 : i32
    }
    %scan3A_1824 = arith.constant 20 : i32
    %scan3A_1825 = arith.constant 0 : i32
    %scan3A_1826 = arith.constant 0 : i32
    %scan3A_1827 = arith.constant 40 : i32
    %scan3A_1828 = arith.addi %scan3A_1826, %scan3A_1827 : i32
    %scan3A_1829 = arith.constant 1 : i32
    %scan3A_1830 = scf.for %scan3A_2194 = %scan3A_1826 to %scan3A_1828 step %scan3A_1829 iter_args(%scan3A_2195 = %scan3A_1825) -> (i32)  : i32 {
      %add3A_2196 = vector.broadcast %scan3A_2194 : i32 to vector<16xi32>
      %add3A_2197 = arith.addi %mul3A_1817, %add3A_2196 : vector<16xi32>
      %shift_right_arithmetic3A = arith.constant 7 : i32
      %shift_right_arithmetic3A_2198 = vector.broadcast %shift_right_arithmetic3A : i32 to vector<16xi32>
      %shift_right_arithmetic3A_2199 = arith.shrsi %add3A_2197, %shift_right_arithmetic3A_2198 : vector<16xi32>
      %and3A = arith.constant 127 : i32
      %and3A_2200 = vector.broadcast %and3A : i32 to vector<16xi32>
      %and3A_2201 = arith.andi %add3A_2197, %and3A_2200 : vector<16xi32>
      %gather3A = tpu.vector_load_idx %arg10[%shift_right_arithmetic3A_2199, %and3A_2201] : memref<320x128xf32, #tpu.memory_space<vmem>>[vector<16xi32>, vector<16xi32>], vector<16xf32>,
      %add3A_2202 = arith.constant 512 : i32
      %add3A_2203 = arith.addi %add3A_2202, %scan3A_2194 : i32
      %add3A_2204 = vector.broadcast %add3A_2203 : i32 to vector<16xi32>
      %add3A_2205 = arith.addi %mul3A_5, %add3A_2204 : vector<16xi32>
      tpu.vector_store_idx %arg12[%add3A_1800, %add3A_2205], %gather3A : memref<64x552xf32, #tpu.memory_space<vmem>>[vector<16xi32>, vector<16xi32>], vector<16xf32>,
      %scan3A_2206 = arith.constant 0 : i32
      scf.yield %scan3A_2206 : i32
    }
    %scan3A_1831 = arith.constant 40 : i32
    %add3A_1832 = arith.constant 320 : i32
    %add3A_1833 = arith.addi %mul3A_708, %add3A_1832 : i32
    %dma_start3A_1834 = arith.constant 0 : i32
    %dma_start3A_1835 = tpu.memref_slice %arg6[%add3A_1833, %dma_start3A_1834] : memref<16384x552xf32, #tpu.memory_space<hbm>> -> memref<64x552xf32, #tpu.memory_space<hbm>>
    %dma_start3A_1836 = arith.constant 0 : i32
    %dma_start3A_1837 = tpu.memref_slice %arg6[%add3A_1833, %dma_start3A_1836] : memref<16384x552xf32, #tpu.memory_space<hbm>> -> memref<64x552xf32, #tpu.memory_space<hbm>>
    tpu.enqueue_dma source(%arg12 : memref<64x552xf32, #tpu.memory_space<vmem>>) target(%dma_start3A_1837 : memref<64x552xf32, #tpu.memory_space<hbm>>) target_semaphore(%arg18 : memref<!tpu.dma_semaphore, #tpu.memory_space<semaphore_mem>>)
    %dma_wait3A_1838 = arith.constant 0 : i32
    %dma_wait3A_1839 = tpu.memref_slice %arg6[%add3A_1833, %dma_wait3A_1838] : memref<16384x552xf32, #tpu.memory_space<hbm>> -> memref<64x552xf32, #tpu.memory_space<hbm>>
    %dma_wait3A_1840 = arith.constant 0 : i32
    %dma_wait3A_1841 = tpu.memref_slice %arg6[%add3A_1833, %dma_wait3A_1840] : memref<16384x552xf32, #tpu.memory_space<hbm>> -> memref<64x552xf32, #tpu.memory_space<hbm>>
    tpu.wait_dma2 semaphore(%arg18 : memref<!tpu.dma_semaphore, #tpu.memory_space<semaphore_mem>>) src(%arg12 : memref<64x552xf32, #tpu.memory_space<vmem>>) dst(%dma_wait3A_1841 : memref<64x552xf32, #tpu.memory_space<hbm>>)
    %dma_start3A_1842 = arith.constant 7 : i32
    %dma_start3A_1843 = arith.constant 0 : i32
    %dma_start3A_1844 = arith.constant 0 : i32
    %dma_start3A_1845 = tpu.memref_slice %arg12[%dma_start3A_1843, %dma_start3A_1844] : memref<64x552xf32, #tpu.memory_space<vmem>> -> memref<64x256xf32, #tpu.memory_space<vmem>>
    %dma_start3A_1846 = arith.constant 0 : i32
    %dma_start3A_1847 = tpu.memref_slice %arg8[%dma_start3A_1842, %dma_start3A_1846] : memref<8x64xi32, #tpu.memory_space<vmem>> -> memref<1x64xi32, #tpu.memory_space<vmem>>
    %dma_start3A_1848 = tpu.memref_squeeze %dma_start3A_1847 : memref<1x64xi32, #tpu.memory_space<vmem>> -> memref<64xi32, #tpu.memory_space<vmem>>
    %dma_start3A_1849 = arith.constant 0 : i32
    %dma_start3A_1850 = arith.constant 0 : i32
    %dma_start3A_1851 = tpu.memref_slice %arg2[%dma_start3A_1849, %dma_start3A_1850] : memref<1024x256xf32, #tpu.memory_space<hbm>> -> memref<1024x256xf32, #tpu.memory_space<hbm>>
    tpu.enqueue_indirect_dma source(%dma_start3A_1851 : memref<1024x256xf32, #tpu.memory_space<hbm>>) target(%dma_start3A_1845 : memref<64x256xf32, #tpu.memory_space<vmem>>) offsets(%dma_start3A_1848 : memref<64xi32, #tpu.memory_space<vmem>>) semaphore(%arg14 : memref<!tpu.dma_semaphore, #tpu.memory_space<semaphore_mem>>)
    %dma_start3A_1852 = arith.constant 7 : i32
    %dma_start3A_1853 = arith.constant 0 : i32
    %dma_start3A_1854 = arith.constant 256 : i32
    %dma_start3A_1855 = tpu.memref_slice %arg12[%dma_start3A_1853, %dma_start3A_1854] : memref<64x552xf32, #tpu.memory_space<vmem>> -> memref<64x256xf32, #tpu.memory_space<vmem>>
    %dma_start3A_1856 = arith.constant 0 : i32
    %dma_start3A_1857 = tpu.memref_slice %arg9[%dma_start3A_1852, %dma_start3A_1856] : memref<8x64xi32, #tpu.memory_space<vmem>> -> memref<1x64xi32, #tpu.memory_space<vmem>>
    %dma_start3A_1858 = tpu.memref_squeeze %dma_start3A_1857 : memref<1x64xi32, #tpu.memory_space<vmem>> -> memref<64xi32, #tpu.memory_space<vmem>>
    %dma_start3A_1859 = arith.constant 0 : i32
    %dma_start3A_1860 = arith.constant 0 : i32
    %dma_start3A_1861 = tpu.memref_slice %arg3[%dma_start3A_1859, %dma_start3A_1860] : memref<1024x256xf32, #tpu.memory_space<hbm>> -> memref<1024x256xf32, #tpu.memory_space<hbm>>
    tpu.enqueue_indirect_dma source(%dma_start3A_1861 : memref<1024x256xf32, #tpu.memory_space<hbm>>) target(%dma_start3A_1855 : memref<64x256xf32, #tpu.memory_space<vmem>>) offsets(%dma_start3A_1858 : memref<64xi32, #tpu.memory_space<vmem>>) semaphore(%arg16 : memref<!tpu.dma_semaphore, #tpu.memory_space<semaphore_mem>>)
    %dma_wait3A_1862 = arith.constant 6 : i32
    %dma_wait3A_1863 = arith.constant 0 : i32
    %dma_wait3A_1864 = arith.constant 0 : i32
    %dma_wait3A_1865 = tpu.memref_slice %arg11[%dma_wait3A_1863, %dma_wait3A_1864] : memref<64x552xf32, #tpu.memory_space<vmem>> -> memref<64x256xf32, #tpu.memory_space<vmem>>
    %dma_wait3A_1866 = arith.constant 0 : i32
    %dma_wait3A_1867 = tpu.memref_slice %arg8[%dma_wait3A_1862, %dma_wait3A_1866] : memref<8x64xi32, #tpu.memory_space<vmem>> -> memref<1x64xi32, #tpu.memory_space<vmem>>
    %dma_wait3A_1868 = tpu.memref_squeeze %dma_wait3A_1867 : memref<1x64xi32, #tpu.memory_space<vmem>> -> memref<64xi32, #tpu.memory_space<vmem>>
    %dma_wait3A_1869 = arith.constant 0 : i32
    %dma_wait3A_1870 = arith.constant 0 : i32
    %dma_wait3A_1871 = tpu.memref_slice %arg2[%dma_wait3A_1869, %dma_wait3A_1870] : memref<1024x256xf32, #tpu.memory_space<hbm>> -> memref<1024x256xf32, #tpu.memory_space<hbm>>
    tpu.wait_indirect_dma semaphore(%arg13 : memref<!tpu.dma_semaphore, #tpu.memory_space<semaphore_mem>>) src(%dma_wait3A_1871 : memref<1024x256xf32, #tpu.memory_space<hbm>>) dst(%dma_wait3A_1865 : memref<64x256xf32, #tpu.memory_space<vmem>>)
    %dma_wait3A_1872 = arith.constant 6 : i32
    %dma_wait3A_1873 = arith.constant 0 : i32
    %dma_wait3A_1874 = arith.constant 256 : i32
    %dma_wait3A_1875 = tpu.memref_slice %arg11[%dma_wait3A_1873, %dma_wait3A_1874] : memref<64x552xf32, #tpu.memory_space<vmem>> -> memref<64x256xf32, #tpu.memory_space<vmem>>
    %dma_wait3A_1876 = arith.constant 0 : i32
    %dma_wait3A_1877 = tpu.memref_slice %arg9[%dma_wait3A_1872, %dma_wait3A_1876] : memref<8x64xi32, #tpu.memory_space<vmem>> -> memref<1x64xi32, #tpu.memory_space<vmem>>
    %dma_wait3A_1878 = tpu.memref_squeeze %dma_wait3A_1877 : memref<1x64xi32, #tpu.memory_space<vmem>> -> memref<64xi32, #tpu.memory_space<vmem>>
    %dma_wait3A_1879 = arith.constant 0 : i32
    %dma_wait3A_1880 = arith.constant 0 : i32
    %dma_wait3A_1881 = tpu.memref_slice %arg3[%dma_wait3A_1879, %dma_wait3A_1880] : memref<1024x256xf32, #tpu.memory_space<hbm>> -> memref<1024x256xf32, #tpu.memory_space<hbm>>
    tpu.wait_indirect_dma semaphore(%arg15 : memref<!tpu.dma_semaphore, #tpu.memory_space<semaphore_mem>>) src(%dma_wait3A_1881 : memref<1024x256xf32, #tpu.memory_space<hbm>>) dst(%dma_wait3A_1875 : memref<64x256xf32, #tpu.memory_space<vmem>>)
    %add3A_1882 = arith.constant 0 : i32
    %add3A_1883 = vector.broadcast %add3A_1882 : i32 to vector<16xi32>
    %add3A_1884 = arith.addi %iota3A, %add3A_1883 : vector<16xi32>
    %get3A_1885 = arith.constant 6 : i32
    %get3A_1886 = arith.index_cast %get3A_1885 : i32 to index
    %get3A_1887 = arith.constant 0 : index
    %get3A_1888 = tpu.vector_load %arg8[%get3A_1886, %get3A_1887] {strides = array<i32>} : memref<8x64xi32, #tpu.memory_space<vmem>>, vector<16xi32>,
    %mul3A_1889 = arith.constant 40 : i32
    %mul3A_1890 = vector.broadcast %mul3A_1889 : i32 to vector<16xi32>
    %mul3A_1891 = arith.muli %get3A_1888, %mul3A_1890 : vector<16xi32>
    %add3A_1892 = arith.constant 20 : i32
    %add3A_1893 = vector.broadcast %add3A_1892 : i32 to vector<16xi32>
    %add3A_1894 = arith.addi %mul3A_1891, %add3A_1893 : vector<16xi32>
    %get3A_1895 = arith.constant 6 : i32
    %get3A_1896 = arith.index_cast %get3A_1895 : i32 to index
    %get3A_1897 = arith.constant 0 : index
    %get3A_1898 = tpu.vector_load %arg9[%get3A_1896, %get3A_1897] {strides = array<i32>} : memref<8x64xi32, #tpu.memory_space<vmem>>, vector<16xi32>,
    %mul3A_1899 = arith.constant 40 : i32
    %mul3A_1900 = vector.broadcast %mul3A_1899 : i32 to vector<16xi32>
    %mul3A_1901 = arith.muli %get3A_1898, %mul3A_1900 : vector<16xi32>
    %scan3A_1902 = arith.constant 0 : i32
    %scan3A_1903 = arith.constant 0 : i32
    %scan3A_1904 = arith.constant 20 : i32
    %scan3A_1905 = arith.addi %scan3A_1903, %scan3A_1904 : i32
    %scan3A_1906 = arith.constant 1 : i32
    %scan3A_1907 = scf.for %scan3A_2194 = %scan3A_1903 to %scan3A_1905 step %scan3A_1906 iter_args(%scan3A_2195 = %scan3A_1902) -> (i32)  : i32 {
      %add3A_2196 = vector.broadcast %scan3A_2194 : i32 to vector<16xi32>
      %add3A_2197 = arith.addi %add3A_1894, %add3A_2196 : vector<16xi32>
      %shift_right_arithmetic3A = arith.constant 7 : i32
      %shift_right_arithmetic3A_2198 = vector.broadcast %shift_right_arithmetic3A : i32 to vector<16xi32>
      %shift_right_arithmetic3A_2199 = arith.shrsi %add3A_2197, %shift_right_arithmetic3A_2198 : vector<16xi32>
      %and3A = arith.constant 127 : i32
      %and3A_2200 = vector.broadcast %and3A : i32 to vector<16xi32>
      %and3A_2201 = arith.andi %add3A_2197, %and3A_2200 : vector<16xi32>
      %gather3A = tpu.vector_load_idx %arg10[%shift_right_arithmetic3A_2199, %and3A_2201] : memref<320x128xf32, #tpu.memory_space<vmem>>[vector<16xi32>, vector<16xi32>], vector<16xf32>,
      %add3A_2202 = arith.constant 256 : i32
      %add3A_2203 = arith.addi %add3A_2202, %scan3A_2194 : i32
      %add3A_2204 = vector.broadcast %add3A_2203 : i32 to vector<16xi32>
      %add3A_2205 = arith.addi %mul3A_5, %add3A_2204 : vector<16xi32>
      tpu.vector_store_idx %arg11[%add3A_1884, %add3A_2205], %gather3A : memref<64x552xf32, #tpu.memory_space<vmem>>[vector<16xi32>, vector<16xi32>], vector<16xf32>,
      %scan3A_2206 = arith.constant 0 : i32
      scf.yield %scan3A_2206 : i32
    }
    %scan3A_1908 = arith.constant 20 : i32
    %scan3A_1909 = arith.constant 0 : i32
    %scan3A_1910 = arith.constant 0 : i32
    %scan3A_1911 = arith.constant 40 : i32
    %scan3A_1912 = arith.addi %scan3A_1910, %scan3A_1911 : i32
    %scan3A_1913 = arith.constant 1 : i32
    %scan3A_1914 = scf.for %scan3A_2194 = %scan3A_1910 to %scan3A_1912 step %scan3A_1913 iter_args(%scan3A_2195 = %scan3A_1909) -> (i32)  : i32 {
      %add3A_2196 = vector.broadcast %scan3A_2194 : i32 to vector<16xi32>
      %add3A_2197 = arith.addi %mul3A_1901, %add3A_2196 : vector<16xi32>
      %shift_right_arithmetic3A = arith.constant 7 : i32
      %shift_right_arithmetic3A_2198 = vector.broadcast %shift_right_arithmetic3A : i32 to vector<16xi32>
      %shift_right_arithmetic3A_2199 = arith.shrsi %add3A_2197, %shift_right_arithmetic3A_2198 : vector<16xi32>
      %and3A = arith.constant 127 : i32
      %and3A_2200 = vector.broadcast %and3A : i32 to vector<16xi32>
      %and3A_2201 = arith.andi %add3A_2197, %and3A_2200 : vector<16xi32>
      %gather3A = tpu.vector_load_idx %arg10[%shift_right_arithmetic3A_2199, %and3A_2201] : memref<320x128xf32, #tpu.memory_space<vmem>>[vector<16xi32>, vector<16xi32>], vector<16xf32>,
      %add3A_2202 = arith.constant 512 : i32
      %add3A_2203 = arith.addi %add3A_2202, %scan3A_2194 : i32
      %add3A_2204 = vector.broadcast %add3A_2203 : i32 to vector<16xi32>
      %add3A_2205 = arith.addi %mul3A_5, %add3A_2204 : vector<16xi32>
      tpu.vector_store_idx %arg11[%add3A_1884, %add3A_2205], %gather3A : memref<64x552xf32, #tpu.memory_space<vmem>>[vector<16xi32>, vector<16xi32>], vector<16xf32>,
      %scan3A_2206 = arith.constant 0 : i32
      scf.yield %scan3A_2206 : i32
    }
    %scan3A_1915 = arith.constant 40 : i32
    %add3A_1916 = arith.constant 16 : i32
    %add3A_1917 = vector.broadcast %add3A_1916 : i32 to vector<16xi32>
    %add3A_1918 = arith.addi %iota3A, %add3A_1917 : vector<16xi32>
    %get3A_1919 = arith.constant 6 : i32
    %get3A_1920 = arith.index_cast %get3A_1919 : i32 to index
    %get3A_1921 = arith.constant 16 : index
    %get3A_1922 = tpu.vector_load %arg8[%get3A_1920, %get3A_1921] {strides = array<i32>} : memref<8x64xi32, #tpu.memory_space<vmem>>, vector<16xi32>,
    %mul3A_1923 = arith.constant 40 : i32
    %mul3A_1924 = vector.broadcast %mul3A_1923 : i32 to vector<16xi32>
    %mul3A_1925 = arith.muli %get3A_1922, %mul3A_1924 : vector<16xi32>
    %add3A_1926 = arith.constant 20 : i32
    %add3A_1927 = vector.broadcast %add3A_1926 : i32 to vector<16xi32>
    %add3A_1928 = arith.addi %mul3A_1925, %add3A_1927 : vector<16xi32>
    %get3A_1929 = arith.constant 6 : i32
    %get3A_1930 = arith.index_cast %get3A_1929 : i32 to index
    %get3A_1931 = arith.constant 16 : index
    %get3A_1932 = tpu.vector_load %arg9[%get3A_1930, %get3A_1931] {strides = array<i32>} : memref<8x64xi32, #tpu.memory_space<vmem>>, vector<16xi32>,
    %mul3A_1933 = arith.constant 40 : i32
    %mul3A_1934 = vector.broadcast %mul3A_1933 : i32 to vector<16xi32>
    %mul3A_1935 = arith.muli %get3A_1932, %mul3A_1934 : vector<16xi32>
    %scan3A_1936 = arith.constant 0 : i32
    %scan3A_1937 = arith.constant 0 : i32
    %scan3A_1938 = arith.constant 20 : i32
    %scan3A_1939 = arith.addi %scan3A_1937, %scan3A_1938 : i32
    %scan3A_1940 = arith.constant 1 : i32
    %scan3A_1941 = scf.for %scan3A_2194 = %scan3A_1937 to %scan3A_1939 step %scan3A_1940 iter_args(%scan3A_2195 = %scan3A_1936) -> (i32)  : i32 {
      %add3A_2196 = vector.broadcast %scan3A_2194 : i32 to vector<16xi32>
      %add3A_2197 = arith.addi %add3A_1928, %add3A_2196 : vector<16xi32>
      %shift_right_arithmetic3A = arith.constant 7 : i32
      %shift_right_arithmetic3A_2198 = vector.broadcast %shift_right_arithmetic3A : i32 to vector<16xi32>
      %shift_right_arithmetic3A_2199 = arith.shrsi %add3A_2197, %shift_right_arithmetic3A_2198 : vector<16xi32>
      %and3A = arith.constant 127 : i32
      %and3A_2200 = vector.broadcast %and3A : i32 to vector<16xi32>
      %and3A_2201 = arith.andi %add3A_2197, %and3A_2200 : vector<16xi32>
      %gather3A = tpu.vector_load_idx %arg10[%shift_right_arithmetic3A_2199, %and3A_2201] : memref<320x128xf32, #tpu.memory_space<vmem>>[vector<16xi32>, vector<16xi32>], vector<16xf32>,
      %add3A_2202 = arith.constant 256 : i32
      %add3A_2203 = arith.addi %add3A_2202, %scan3A_2194 : i32
      %add3A_2204 = vector.broadcast %add3A_2203 : i32 to vector<16xi32>
      %add3A_2205 = arith.addi %mul3A_5, %add3A_2204 : vector<16xi32>
      tpu.vector_store_idx %arg11[%add3A_1918, %add3A_2205], %gather3A : memref<64x552xf32, #tpu.memory_space<vmem>>[vector<16xi32>, vector<16xi32>], vector<16xf32>,
      %scan3A_2206 = arith.constant 0 : i32
      scf.yield %scan3A_2206 : i32
    }
    %scan3A_1942 = arith.constant 20 : i32
    %scan3A_1943 = arith.constant 0 : i32
    %scan3A_1944 = arith.constant 0 : i32
    %scan3A_1945 = arith.constant 40 : i32
    %scan3A_1946 = arith.addi %scan3A_1944, %scan3A_1945 : i32
    %scan3A_1947 = arith.constant 1 : i32
    %scan3A_1948 = scf.for %scan3A_2194 = %scan3A_1944 to %scan3A_1946 step %scan3A_1947 iter_args(%scan3A_2195 = %scan3A_1943) -> (i32)  : i32 {
      %add3A_2196 = vector.broadcast %scan3A_2194 : i32 to vector<16xi32>
      %add3A_2197 = arith.addi %mul3A_1935, %add3A_2196 : vector<16xi32>
      %shift_right_arithmetic3A = arith.constant 7 : i32
      %shift_right_arithmetic3A_2198 = vector.broadcast %shift_right_arithmetic3A : i32 to vector<16xi32>
      %shift_right_arithmetic3A_2199 = arith.shrsi %add3A_2197, %shift_right_arithmetic3A_2198 : vector<16xi32>
      %and3A = arith.constant 127 : i32
      %and3A_2200 = vector.broadcast %and3A : i32 to vector<16xi32>
      %and3A_2201 = arith.andi %add3A_2197, %and3A_2200 : vector<16xi32>
      %gather3A = tpu.vector_load_idx %arg10[%shift_right_arithmetic3A_2199, %and3A_2201] : memref<320x128xf32, #tpu.memory_space<vmem>>[vector<16xi32>, vector<16xi32>], vector<16xf32>,
      %add3A_2202 = arith.constant 512 : i32
      %add3A_2203 = arith.addi %add3A_2202, %scan3A_2194 : i32
      %add3A_2204 = vector.broadcast %add3A_2203 : i32 to vector<16xi32>
      %add3A_2205 = arith.addi %mul3A_5, %add3A_2204 : vector<16xi32>
      tpu.vector_store_idx %arg11[%add3A_1918, %add3A_2205], %gather3A : memref<64x552xf32, #tpu.memory_space<vmem>>[vector<16xi32>, vector<16xi32>], vector<16xf32>,
      %scan3A_2206 = arith.constant 0 : i32
      scf.yield %scan3A_2206 : i32
    }
    %scan3A_1949 = arith.constant 40 : i32
    %add3A_1950 = arith.constant 32 : i32
    %add3A_1951 = vector.broadcast %add3A_1950 : i32 to vector<16xi32>
    %add3A_1952 = arith.addi %iota3A, %add3A_1951 : vector<16xi32>
    %get3A_1953 = arith.constant 6 : i32
    %get3A_1954 = arith.index_cast %get3A_1953 : i32 to index
    %get3A_1955 = arith.constant 32 : index
    %get3A_1956 = tpu.vector_load %arg8[%get3A_1954, %get3A_1955] {strides = array<i32>} : memref<8x64xi32, #tpu.memory_space<vmem>>, vector<16xi32>,
    %mul3A_1957 = arith.constant 40 : i32
    %mul3A_1958 = vector.broadcast %mul3A_1957 : i32 to vector<16xi32>
    %mul3A_1959 = arith.muli %get3A_1956, %mul3A_1958 : vector<16xi32>
    %add3A_1960 = arith.constant 20 : i32
    %add3A_1961 = vector.broadcast %add3A_1960 : i32 to vector<16xi32>
    %add3A_1962 = arith.addi %mul3A_1959, %add3A_1961 : vector<16xi32>
    %get3A_1963 = arith.constant 6 : i32
    %get3A_1964 = arith.index_cast %get3A_1963 : i32 to index
    %get3A_1965 = arith.constant 32 : index
    %get3A_1966 = tpu.vector_load %arg9[%get3A_1964, %get3A_1965] {strides = array<i32>} : memref<8x64xi32, #tpu.memory_space<vmem>>, vector<16xi32>,
    %mul3A_1967 = arith.constant 40 : i32
    %mul3A_1968 = vector.broadcast %mul3A_1967 : i32 to vector<16xi32>
    %mul3A_1969 = arith.muli %get3A_1966, %mul3A_1968 : vector<16xi32>
    %scan3A_1970 = arith.constant 0 : i32
    %scan3A_1971 = arith.constant 0 : i32
    %scan3A_1972 = arith.constant 20 : i32
    %scan3A_1973 = arith.addi %scan3A_1971, %scan3A_1972 : i32
    %scan3A_1974 = arith.constant 1 : i32
    %scan3A_1975 = scf.for %scan3A_2194 = %scan3A_1971 to %scan3A_1973 step %scan3A_1974 iter_args(%scan3A_2195 = %scan3A_1970) -> (i32)  : i32 {
      %add3A_2196 = vector.broadcast %scan3A_2194 : i32 to vector<16xi32>
      %add3A_2197 = arith.addi %add3A_1962, %add3A_2196 : vector<16xi32>
      %shift_right_arithmetic3A = arith.constant 7 : i32
      %shift_right_arithmetic3A_2198 = vector.broadcast %shift_right_arithmetic3A : i32 to vector<16xi32>
      %shift_right_arithmetic3A_2199 = arith.shrsi %add3A_2197, %shift_right_arithmetic3A_2198 : vector<16xi32>
      %and3A = arith.constant 127 : i32
      %and3A_2200 = vector.broadcast %and3A : i32 to vector<16xi32>
      %and3A_2201 = arith.andi %add3A_2197, %and3A_2200 : vector<16xi32>
      %gather3A = tpu.vector_load_idx %arg10[%shift_right_arithmetic3A_2199, %and3A_2201] : memref<320x128xf32, #tpu.memory_space<vmem>>[vector<16xi32>, vector<16xi32>], vector<16xf32>,
      %add3A_2202 = arith.constant 256 : i32
      %add3A_2203 = arith.addi %add3A_2202, %scan3A_2194 : i32
      %add3A_2204 = vector.broadcast %add3A_2203 : i32 to vector<16xi32>
      %add3A_2205 = arith.addi %mul3A_5, %add3A_2204 : vector<16xi32>
      tpu.vector_store_idx %arg11[%add3A_1952, %add3A_2205], %gather3A : memref<64x552xf32, #tpu.memory_space<vmem>>[vector<16xi32>, vector<16xi32>], vector<16xf32>,
      %scan3A_2206 = arith.constant 0 : i32
      scf.yield %scan3A_2206 : i32
    }
    %scan3A_1976 = arith.constant 20 : i32
    %scan3A_1977 = arith.constant 0 : i32
    %scan3A_1978 = arith.constant 0 : i32
    %scan3A_1979 = arith.constant 40 : i32
    %scan3A_1980 = arith.addi %scan3A_1978, %scan3A_1979 : i32
    %scan3A_1981 = arith.constant 1 : i32
    %scan3A_1982 = scf.for %scan3A_2194 = %scan3A_1978 to %scan3A_1980 step %scan3A_1981 iter_args(%scan3A_2195 = %scan3A_1977) -> (i32)  : i32 {
      %add3A_2196 = vector.broadcast %scan3A_2194 : i32 to vector<16xi32>
      %add3A_2197 = arith.addi %mul3A_1969, %add3A_2196 : vector<16xi32>
      %shift_right_arithmetic3A = arith.constant 7 : i32
      %shift_right_arithmetic3A_2198 = vector.broadcast %shift_right_arithmetic3A : i32 to vector<16xi32>
      %shift_right_arithmetic3A_2199 = arith.shrsi %add3A_2197, %shift_right_arithmetic3A_2198 : vector<16xi32>
      %and3A = arith.constant 127 : i32
      %and3A_2200 = vector.broadcast %and3A : i32 to vector<16xi32>
      %and3A_2201 = arith.andi %add3A_2197, %and3A_2200 : vector<16xi32>
      %gather3A = tpu.vector_load_idx %arg10[%shift_right_arithmetic3A_2199, %and3A_2201] : memref<320x128xf32, #tpu.memory_space<vmem>>[vector<16xi32>, vector<16xi32>], vector<16xf32>,
      %add3A_2202 = arith.constant 512 : i32
      %add3A_2203 = arith.addi %add3A_2202, %scan3A_2194 : i32
      %add3A_2204 = vector.broadcast %add3A_2203 : i32 to vector<16xi32>
      %add3A_2205 = arith.addi %mul3A_5, %add3A_2204 : vector<16xi32>
      tpu.vector_store_idx %arg11[%add3A_1952, %add3A_2205], %gather3A : memref<64x552xf32, #tpu.memory_space<vmem>>[vector<16xi32>, vector<16xi32>], vector<16xf32>,
      %scan3A_2206 = arith.constant 0 : i32
      scf.yield %scan3A_2206 : i32
    }
    %scan3A_1983 = arith.constant 40 : i32
    %add3A_1984 = arith.constant 48 : i32
    %add3A_1985 = vector.broadcast %add3A_1984 : i32 to vector<16xi32>
    %add3A_1986 = arith.addi %iota3A, %add3A_1985 : vector<16xi32>
    %get3A_1987 = arith.constant 6 : i32
    %get3A_1988 = arith.index_cast %get3A_1987 : i32 to index
    %get3A_1989 = arith.constant 48 : index
    %get3A_1990 = tpu.vector_load %arg8[%get3A_1988, %get3A_1989] {strides = array<i32>} : memref<8x64xi32, #tpu.memory_space<vmem>>, vector<16xi32>,
    %mul3A_1991 = arith.constant 40 : i32
    %mul3A_1992 = vector.broadcast %mul3A_1991 : i32 to vector<16xi32>
    %mul3A_1993 = arith.muli %get3A_1990, %mul3A_1992 : vector<16xi32>
    %add3A_1994 = arith.constant 20 : i32
    %add3A_1995 = vector.broadcast %add3A_1994 : i32 to vector<16xi32>
    %add3A_1996 = arith.addi %mul3A_1993, %add3A_1995 : vector<16xi32>
    %get3A_1997 = arith.constant 6 : i32
    %get3A_1998 = arith.index_cast %get3A_1997 : i32 to index
    %get3A_1999 = arith.constant 48 : index
    %get3A_2000 = tpu.vector_load %arg9[%get3A_1998, %get3A_1999] {strides = array<i32>} : memref<8x64xi32, #tpu.memory_space<vmem>>, vector<16xi32>,
    %mul3A_2001 = arith.constant 40 : i32
    %mul3A_2002 = vector.broadcast %mul3A_2001 : i32 to vector<16xi32>
    %mul3A_2003 = arith.muli %get3A_2000, %mul3A_2002 : vector<16xi32>
    %scan3A_2004 = arith.constant 0 : i32
    %scan3A_2005 = arith.constant 0 : i32
    %scan3A_2006 = arith.constant 20 : i32
    %scan3A_2007 = arith.addi %scan3A_2005, %scan3A_2006 : i32
    %scan3A_2008 = arith.constant 1 : i32
    %scan3A_2009 = scf.for %scan3A_2194 = %scan3A_2005 to %scan3A_2007 step %scan3A_2008 iter_args(%scan3A_2195 = %scan3A_2004) -> (i32)  : i32 {
      %add3A_2196 = vector.broadcast %scan3A_2194 : i32 to vector<16xi32>
      %add3A_2197 = arith.addi %add3A_1996, %add3A_2196 : vector<16xi32>
      %shift_right_arithmetic3A = arith.constant 7 : i32
      %shift_right_arithmetic3A_2198 = vector.broadcast %shift_right_arithmetic3A : i32 to vector<16xi32>
      %shift_right_arithmetic3A_2199 = arith.shrsi %add3A_2197, %shift_right_arithmetic3A_2198 : vector<16xi32>
      %and3A = arith.constant 127 : i32
      %and3A_2200 = vector.broadcast %and3A : i32 to vector<16xi32>
      %and3A_2201 = arith.andi %add3A_2197, %and3A_2200 : vector<16xi32>
      %gather3A = tpu.vector_load_idx %arg10[%shift_right_arithmetic3A_2199, %and3A_2201] : memref<320x128xf32, #tpu.memory_space<vmem>>[vector<16xi32>, vector<16xi32>], vector<16xf32>,
      %add3A_2202 = arith.constant 256 : i32
      %add3A_2203 = arith.addi %add3A_2202, %scan3A_2194 : i32
      %add3A_2204 = vector.broadcast %add3A_2203 : i32 to vector<16xi32>
      %add3A_2205 = arith.addi %mul3A_5, %add3A_2204 : vector<16xi32>
      tpu.vector_store_idx %arg11[%add3A_1986, %add3A_2205], %gather3A : memref<64x552xf32, #tpu.memory_space<vmem>>[vector<16xi32>, vector<16xi32>], vector<16xf32>,
      %scan3A_2206 = arith.constant 0 : i32
      scf.yield %scan3A_2206 : i32
    }
    %scan3A_2010 = arith.constant 20 : i32
    %scan3A_2011 = arith.constant 0 : i32
    %scan3A_2012 = arith.constant 0 : i32
    %scan3A_2013 = arith.constant 40 : i32
    %scan3A_2014 = arith.addi %scan3A_2012, %scan3A_2013 : i32
    %scan3A_2015 = arith.constant 1 : i32
    %scan3A_2016 = scf.for %scan3A_2194 = %scan3A_2012 to %scan3A_2014 step %scan3A_2015 iter_args(%scan3A_2195 = %scan3A_2011) -> (i32)  : i32 {
      %add3A_2196 = vector.broadcast %scan3A_2194 : i32 to vector<16xi32>
      %add3A_2197 = arith.addi %mul3A_2003, %add3A_2196 : vector<16xi32>
      %shift_right_arithmetic3A = arith.constant 7 : i32
      %shift_right_arithmetic3A_2198 = vector.broadcast %shift_right_arithmetic3A : i32 to vector<16xi32>
      %shift_right_arithmetic3A_2199 = arith.shrsi %add3A_2197, %shift_right_arithmetic3A_2198 : vector<16xi32>
      %and3A = arith.constant 127 : i32
      %and3A_2200 = vector.broadcast %and3A : i32 to vector<16xi32>
      %and3A_2201 = arith.andi %add3A_2197, %and3A_2200 : vector<16xi32>
      %gather3A = tpu.vector_load_idx %arg10[%shift_right_arithmetic3A_2199, %and3A_2201] : memref<320x128xf32, #tpu.memory_space<vmem>>[vector<16xi32>, vector<16xi32>], vector<16xf32>,
      %add3A_2202 = arith.constant 512 : i32
      %add3A_2203 = arith.addi %add3A_2202, %scan3A_2194 : i32
      %add3A_2204 = vector.broadcast %add3A_2203 : i32 to vector<16xi32>
      %add3A_2205 = arith.addi %mul3A_5, %add3A_2204 : vector<16xi32>
      tpu.vector_store_idx %arg11[%add3A_1986, %add3A_2205], %gather3A : memref<64x552xf32, #tpu.memory_space<vmem>>[vector<16xi32>, vector<16xi32>], vector<16xf32>,
      %scan3A_2206 = arith.constant 0 : i32
      scf.yield %scan3A_2206 : i32
    }
    %scan3A_2017 = arith.constant 40 : i32
    %add3A_2018 = arith.constant 384 : i32
    %add3A_2019 = arith.addi %mul3A_708, %add3A_2018 : i32
    %dma_start3A_2020 = arith.constant 0 : i32
    %dma_start3A_2021 = tpu.memref_slice %arg6[%add3A_2019, %dma_start3A_2020] : memref<16384x552xf32, #tpu.memory_space<hbm>> -> memref<64x552xf32, #tpu.memory_space<hbm>>
    %dma_start3A_2022 = arith.constant 0 : i32
    %dma_start3A_2023 = tpu.memref_slice %arg6[%add3A_2019, %dma_start3A_2022] : memref<16384x552xf32, #tpu.memory_space<hbm>> -> memref<64x552xf32, #tpu.memory_space<hbm>>
    tpu.enqueue_dma source(%arg11 : memref<64x552xf32, #tpu.memory_space<vmem>>) target(%dma_start3A_2023 : memref<64x552xf32, #tpu.memory_space<hbm>>) target_semaphore(%arg17 : memref<!tpu.dma_semaphore, #tpu.memory_space<semaphore_mem>>)
    %dma_wait3A_2024 = arith.constant 7 : i32
    %dma_wait3A_2025 = arith.constant 0 : i32
    %dma_wait3A_2026 = arith.constant 0 : i32
    %dma_wait3A_2027 = tpu.memref_slice %arg12[%dma_wait3A_2025, %dma_wait3A_2026] : memref<64x552xf32, #tpu.memory_space<vmem>> -> memref<64x256xf32, #tpu.memory_space<vmem>>
    %dma_wait3A_2028 = arith.constant 0 : i32
    %dma_wait3A_2029 = tpu.memref_slice %arg8[%dma_wait3A_2024, %dma_wait3A_2028] : memref<8x64xi32, #tpu.memory_space<vmem>> -> memref<1x64xi32, #tpu.memory_space<vmem>>
    %dma_wait3A_2030 = tpu.memref_squeeze %dma_wait3A_2029 : memref<1x64xi32, #tpu.memory_space<vmem>> -> memref<64xi32, #tpu.memory_space<vmem>>
    %dma_wait3A_2031 = arith.constant 0 : i32
    %dma_wait3A_2032 = arith.constant 0 : i32
    %dma_wait3A_2033 = tpu.memref_slice %arg2[%dma_wait3A_2031, %dma_wait3A_2032] : memref<1024x256xf32, #tpu.memory_space<hbm>> -> memref<1024x256xf32, #tpu.memory_space<hbm>>
    tpu.wait_indirect_dma semaphore(%arg14 : memref<!tpu.dma_semaphore, #tpu.memory_space<semaphore_mem>>) src(%dma_wait3A_2033 : memref<1024x256xf32, #tpu.memory_space<hbm>>) dst(%dma_wait3A_2027 : memref<64x256xf32, #tpu.memory_space<vmem>>)
    %dma_wait3A_2034 = arith.constant 7 : i32
    %dma_wait3A_2035 = arith.constant 0 : i32
    %dma_wait3A_2036 = arith.constant 256 : i32
    %dma_wait3A_2037 = tpu.memref_slice %arg12[%dma_wait3A_2035, %dma_wait3A_2036] : memref<64x552xf32, #tpu.memory_space<vmem>> -> memref<64x256xf32, #tpu.memory_space<vmem>>
    %dma_wait3A_2038 = arith.constant 0 : i32
    %dma_wait3A_2039 = tpu.memref_slice %arg9[%dma_wait3A_2034, %dma_wait3A_2038] : memref<8x64xi32, #tpu.memory_space<vmem>> -> memref<1x64xi32, #tpu.memory_space<vmem>>
    %dma_wait3A_2040 = tpu.memref_squeeze %dma_wait3A_2039 : memref<1x64xi32, #tpu.memory_space<vmem>> -> memref<64xi32, #tpu.memory_space<vmem>>
    %dma_wait3A_2041 = arith.constant 0 : i32
    %dma_wait3A_2042 = arith.constant 0 : i32
    %dma_wait3A_2043 = tpu.memref_slice %arg3[%dma_wait3A_2041, %dma_wait3A_2042] : memref<1024x256xf32, #tpu.memory_space<hbm>> -> memref<1024x256xf32, #tpu.memory_space<hbm>>
    tpu.wait_indirect_dma semaphore(%arg16 : memref<!tpu.dma_semaphore, #tpu.memory_space<semaphore_mem>>) src(%dma_wait3A_2043 : memref<1024x256xf32, #tpu.memory_space<hbm>>) dst(%dma_wait3A_2037 : memref<64x256xf32, #tpu.memory_space<vmem>>)
    %add3A_2044 = arith.constant 0 : i32
    %add3A_2045 = vector.broadcast %add3A_2044 : i32 to vector<16xi32>
    %add3A_2046 = arith.addi %iota3A, %add3A_2045 : vector<16xi32>
    %get3A_2047 = arith.constant 7 : i32
    %get3A_2048 = arith.index_cast %get3A_2047 : i32 to index
    %get3A_2049 = arith.constant 0 : index
    %get3A_2050 = tpu.vector_load %arg8[%get3A_2048, %get3A_2049] {strides = array<i32>} : memref<8x64xi32, #tpu.memory_space<vmem>>, vector<16xi32>,
    %mul3A_2051 = arith.constant 40 : i32
    %mul3A_2052 = vector.broadcast %mul3A_2051 : i32 to vector<16xi32>
    %mul3A_2053 = arith.muli %get3A_2050, %mul3A_2052 : vector<16xi32>
    %add3A_2054 = arith.constant 20 : i32
    %add3A_2055 = vector.broadcast %add3A_2054 : i32 to vector<16xi32>
    %add3A_2056 = arith.addi %mul3A_2053, %add3A_2055 : vector<16xi32>
    %get3A_2057 = arith.constant 7 : i32
    %get3A_2058 = arith.index_cast %get3A_2057 : i32 to index
    %get3A_2059 = arith.constant 0 : index
    %get3A_2060 = tpu.vector_load %arg9[%get3A_2058, %get3A_2059] {strides = array<i32>} : memref<8x64xi32, #tpu.memory_space<vmem>>, vector<16xi32>,
    %mul3A_2061 = arith.constant 40 : i32
    %mul3A_2062 = vector.broadcast %mul3A_2061 : i32 to vector<16xi32>
    %mul3A_2063 = arith.muli %get3A_2060, %mul3A_2062 : vector<16xi32>
    %scan3A_2064 = arith.constant 0 : i32
    %scan3A_2065 = arith.constant 0 : i32
    %scan3A_2066 = arith.constant 20 : i32
    %scan3A_2067 = arith.addi %scan3A_2065, %scan3A_2066 : i32
    %scan3A_2068 = arith.constant 1 : i32
    %scan3A_2069 = scf.for %scan3A_2194 = %scan3A_2065 to %scan3A_2067 step %scan3A_2068 iter_args(%scan3A_2195 = %scan3A_2064) -> (i32)  : i32 {
      %add3A_2196 = vector.broadcast %scan3A_2194 : i32 to vector<16xi32>
      %add3A_2197 = arith.addi %add3A_2056, %add3A_2196 : vector<16xi32>
      %shift_right_arithmetic3A = arith.constant 7 : i32
      %shift_right_arithmetic3A_2198 = vector.broadcast %shift_right_arithmetic3A : i32 to vector<16xi32>
      %shift_right_arithmetic3A_2199 = arith.shrsi %add3A_2197, %shift_right_arithmetic3A_2198 : vector<16xi32>
      %and3A = arith.constant 127 : i32
      %and3A_2200 = vector.broadcast %and3A : i32 to vector<16xi32>
      %and3A_2201 = arith.andi %add3A_2197, %and3A_2200 : vector<16xi32>
      %gather3A = tpu.vector_load_idx %arg10[%shift_right_arithmetic3A_2199, %and3A_2201] : memref<320x128xf32, #tpu.memory_space<vmem>>[vector<16xi32>, vector<16xi32>], vector<16xf32>,
      %add3A_2202 = arith.constant 256 : i32
      %add3A_2203 = arith.addi %add3A_2202, %scan3A_2194 : i32
      %add3A_2204 = vector.broadcast %add3A_2203 : i32 to vector<16xi32>
      %add3A_2205 = arith.addi %mul3A_5, %add3A_2204 : vector<16xi32>
      tpu.vector_store_idx %arg12[%add3A_2046, %add3A_2205], %gather3A : memref<64x552xf32, #tpu.memory_space<vmem>>[vector<16xi32>, vector<16xi32>], vector<16xf32>,
      %scan3A_2206 = arith.constant 0 : i32
      scf.yield %scan3A_2206 : i32
    }
    %scan3A_2070 = arith.constant 20 : i32
    %scan3A_2071 = arith.constant 0 : i32
    %scan3A_2072 = arith.constant 0 : i32
    %scan3A_2073 = arith.constant 40 : i32
    %scan3A_2074 = arith.addi %scan3A_2072, %scan3A_2073 : i32
    %scan3A_2075 = arith.constant 1 : i32
    %scan3A_2076 = scf.for %scan3A_2194 = %scan3A_2072 to %scan3A_2074 step %scan3A_2075 iter_args(%scan3A_2195 = %scan3A_2071) -> (i32)  : i32 {
      %add3A_2196 = vector.broadcast %scan3A_2194 : i32 to vector<16xi32>
      %add3A_2197 = arith.addi %mul3A_2063, %add3A_2196 : vector<16xi32>
      %shift_right_arithmetic3A = arith.constant 7 : i32
      %shift_right_arithmetic3A_2198 = vector.broadcast %shift_right_arithmetic3A : i32 to vector<16xi32>
      %shift_right_arithmetic3A_2199 = arith.shrsi %add3A_2197, %shift_right_arithmetic3A_2198 : vector<16xi32>
      %and3A = arith.constant 127 : i32
      %and3A_2200 = vector.broadcast %and3A : i32 to vector<16xi32>
      %and3A_2201 = arith.andi %add3A_2197, %and3A_2200 : vector<16xi32>
      %gather3A = tpu.vector_load_idx %arg10[%shift_right_arithmetic3A_2199, %and3A_2201] : memref<320x128xf32, #tpu.memory_space<vmem>>[vector<16xi32>, vector<16xi32>], vector<16xf32>,
      %add3A_2202 = arith.constant 512 : i32
      %add3A_2203 = arith.addi %add3A_2202, %scan3A_2194 : i32
      %add3A_2204 = vector.broadcast %add3A_2203 : i32 to vector<16xi32>
      %add3A_2205 = arith.addi %mul3A_5, %add3A_2204 : vector<16xi32>
      tpu.vector_store_idx %arg12[%add3A_2046, %add3A_2205], %gather3A : memref<64x552xf32, #tpu.memory_space<vmem>>[vector<16xi32>, vector<16xi32>], vector<16xf32>,
      %scan3A_2206 = arith.constant 0 : i32
      scf.yield %scan3A_2206 : i32
    }
    %scan3A_2077 = arith.constant 40 : i32
    %add3A_2078 = arith.constant 16 : i32
    %add3A_2079 = vector.broadcast %add3A_2078 : i32 to vector<16xi32>
    %add3A_2080 = arith.addi %iota3A, %add3A_2079 : vector<16xi32>
    %get3A_2081 = arith.constant 7 : i32
    %get3A_2082 = arith.index_cast %get3A_2081 : i32 to index
    %get3A_2083 = arith.constant 16 : index
    %get3A_2084 = tpu.vector_load %arg8[%get3A_2082, %get3A_2083] {strides = array<i32>} : memref<8x64xi32, #tpu.memory_space<vmem>>, vector<16xi32>,
    %mul3A_2085 = arith.constant 40 : i32
    %mul3A_2086 = vector.broadcast %mul3A_2085 : i32 to vector<16xi32>
    %mul3A_2087 = arith.muli %get3A_2084, %mul3A_2086 : vector<16xi32>
    %add3A_2088 = arith.constant 20 : i32
    %add3A_2089 = vector.broadcast %add3A_2088 : i32 to vector<16xi32>
    %add3A_2090 = arith.addi %mul3A_2087, %add3A_2089 : vector<16xi32>
    %get3A_2091 = arith.constant 7 : i32
    %get3A_2092 = arith.index_cast %get3A_2091 : i32 to index
    %get3A_2093 = arith.constant 16 : index
    %get3A_2094 = tpu.vector_load %arg9[%get3A_2092, %get3A_2093] {strides = array<i32>} : memref<8x64xi32, #tpu.memory_space<vmem>>, vector<16xi32>,
    %mul3A_2095 = arith.constant 40 : i32
    %mul3A_2096 = vector.broadcast %mul3A_2095 : i32 to vector<16xi32>
    %mul3A_2097 = arith.muli %get3A_2094, %mul3A_2096 : vector<16xi32>
    %scan3A_2098 = arith.constant 0 : i32
    %scan3A_2099 = arith.constant 0 : i32
    %scan3A_2100 = arith.constant 20 : i32
    %scan3A_2101 = arith.addi %scan3A_2099, %scan3A_2100 : i32
    %scan3A_2102 = arith.constant 1 : i32
    %scan3A_2103 = scf.for %scan3A_2194 = %scan3A_2099 to %scan3A_2101 step %scan3A_2102 iter_args(%scan3A_2195 = %scan3A_2098) -> (i32)  : i32 {
      %add3A_2196 = vector.broadcast %scan3A_2194 : i32 to vector<16xi32>
      %add3A_2197 = arith.addi %add3A_2090, %add3A_2196 : vector<16xi32>
      %shift_right_arithmetic3A = arith.constant 7 : i32
      %shift_right_arithmetic3A_2198 = vector.broadcast %shift_right_arithmetic3A : i32 to vector<16xi32>
      %shift_right_arithmetic3A_2199 = arith.shrsi %add3A_2197, %shift_right_arithmetic3A_2198 : vector<16xi32>
      %and3A = arith.constant 127 : i32
      %and3A_2200 = vector.broadcast %and3A : i32 to vector<16xi32>
      %and3A_2201 = arith.andi %add3A_2197, %and3A_2200 : vector<16xi32>
      %gather3A = tpu.vector_load_idx %arg10[%shift_right_arithmetic3A_2199, %and3A_2201] : memref<320x128xf32, #tpu.memory_space<vmem>>[vector<16xi32>, vector<16xi32>], vector<16xf32>,
      %add3A_2202 = arith.constant 256 : i32
      %add3A_2203 = arith.addi %add3A_2202, %scan3A_2194 : i32
      %add3A_2204 = vector.broadcast %add3A_2203 : i32 to vector<16xi32>
      %add3A_2205 = arith.addi %mul3A_5, %add3A_2204 : vector<16xi32>
      tpu.vector_store_idx %arg12[%add3A_2080, %add3A_2205], %gather3A : memref<64x552xf32, #tpu.memory_space<vmem>>[vector<16xi32>, vector<16xi32>], vector<16xf32>,
      %scan3A_2206 = arith.constant 0 : i32
      scf.yield %scan3A_2206 : i32
    }
    %scan3A_2104 = arith.constant 20 : i32
    %scan3A_2105 = arith.constant 0 : i32
    %scan3A_2106 = arith.constant 0 : i32
    %scan3A_2107 = arith.constant 40 : i32
    %scan3A_2108 = arith.addi %scan3A_2106, %scan3A_2107 : i32
    %scan3A_2109 = arith.constant 1 : i32
    %scan3A_2110 = scf.for %scan3A_2194 = %scan3A_2106 to %scan3A_2108 step %scan3A_2109 iter_args(%scan3A_2195 = %scan3A_2105) -> (i32)  : i32 {
      %add3A_2196 = vector.broadcast %scan3A_2194 : i32 to vector<16xi32>
      %add3A_2197 = arith.addi %mul3A_2097, %add3A_2196 : vector<16xi32>
      %shift_right_arithmetic3A = arith.constant 7 : i32
      %shift_right_arithmetic3A_2198 = vector.broadcast %shift_right_arithmetic3A : i32 to vector<16xi32>
      %shift_right_arithmetic3A_2199 = arith.shrsi %add3A_2197, %shift_right_arithmetic3A_2198 : vector<16xi32>
      %and3A = arith.constant 127 : i32
      %and3A_2200 = vector.broadcast %and3A : i32 to vector<16xi32>
      %and3A_2201 = arith.andi %add3A_2197, %and3A_2200 : vector<16xi32>
      %gather3A = tpu.vector_load_idx %arg10[%shift_right_arithmetic3A_2199, %and3A_2201] : memref<320x128xf32, #tpu.memory_space<vmem>>[vector<16xi32>, vector<16xi32>], vector<16xf32>,
      %add3A_2202 = arith.constant 512 : i32
      %add3A_2203 = arith.addi %add3A_2202, %scan3A_2194 : i32
      %add3A_2204 = vector.broadcast %add3A_2203 : i32 to vector<16xi32>
      %add3A_2205 = arith.addi %mul3A_5, %add3A_2204 : vector<16xi32>
      tpu.vector_store_idx %arg12[%add3A_2080, %add3A_2205], %gather3A : memref<64x552xf32, #tpu.memory_space<vmem>>[vector<16xi32>, vector<16xi32>], vector<16xf32>,
      %scan3A_2206 = arith.constant 0 : i32
      scf.yield %scan3A_2206 : i32
    }
    %scan3A_2111 = arith.constant 40 : i32
    %add3A_2112 = arith.constant 32 : i32
    %add3A_2113 = vector.broadcast %add3A_2112 : i32 to vector<16xi32>
    %add3A_2114 = arith.addi %iota3A, %add3A_2113 : vector<16xi32>
    %get3A_2115 = arith.constant 7 : i32
    %get3A_2116 = arith.index_cast %get3A_2115 : i32 to index
    %get3A_2117 = arith.constant 32 : index
    %get3A_2118 = tpu.vector_load %arg8[%get3A_2116, %get3A_2117] {strides = array<i32>} : memref<8x64xi32, #tpu.memory_space<vmem>>, vector<16xi32>,
    %mul3A_2119 = arith.constant 40 : i32
    %mul3A_2120 = vector.broadcast %mul3A_2119 : i32 to vector<16xi32>
    %mul3A_2121 = arith.muli %get3A_2118, %mul3A_2120 : vector<16xi32>
    %add3A_2122 = arith.constant 20 : i32
    %add3A_2123 = vector.broadcast %add3A_2122 : i32 to vector<16xi32>
    %add3A_2124 = arith.addi %mul3A_2121, %add3A_2123 : vector<16xi32>
    %get3A_2125 = arith.constant 7 : i32
    %get3A_2126 = arith.index_cast %get3A_2125 : i32 to index
    %get3A_2127 = arith.constant 32 : index
    %get3A_2128 = tpu.vector_load %arg9[%get3A_2126, %get3A_2127] {strides = array<i32>} : memref<8x64xi32, #tpu.memory_space<vmem>>, vector<16xi32>,
    %mul3A_2129 = arith.constant 40 : i32
    %mul3A_2130 = vector.broadcast %mul3A_2129 : i32 to vector<16xi32>
    %mul3A_2131 = arith.muli %get3A_2128, %mul3A_2130 : vector<16xi32>
    %scan3A_2132 = arith.constant 0 : i32
    %scan3A_2133 = arith.constant 0 : i32
    %scan3A_2134 = arith.constant 20 : i32
    %scan3A_2135 = arith.addi %scan3A_2133, %scan3A_2134 : i32
    %scan3A_2136 = arith.constant 1 : i32
    %scan3A_2137 = scf.for %scan3A_2194 = %scan3A_2133 to %scan3A_2135 step %scan3A_2136 iter_args(%scan3A_2195 = %scan3A_2132) -> (i32)  : i32 {
      %add3A_2196 = vector.broadcast %scan3A_2194 : i32 to vector<16xi32>
      %add3A_2197 = arith.addi %add3A_2124, %add3A_2196 : vector<16xi32>
      %shift_right_arithmetic3A = arith.constant 7 : i32
      %shift_right_arithmetic3A_2198 = vector.broadcast %shift_right_arithmetic3A : i32 to vector<16xi32>
      %shift_right_arithmetic3A_2199 = arith.shrsi %add3A_2197, %shift_right_arithmetic3A_2198 : vector<16xi32>
      %and3A = arith.constant 127 : i32
      %and3A_2200 = vector.broadcast %and3A : i32 to vector<16xi32>
      %and3A_2201 = arith.andi %add3A_2197, %and3A_2200 : vector<16xi32>
      %gather3A = tpu.vector_load_idx %arg10[%shift_right_arithmetic3A_2199, %and3A_2201] : memref<320x128xf32, #tpu.memory_space<vmem>>[vector<16xi32>, vector<16xi32>], vector<16xf32>,
      %add3A_2202 = arith.constant 256 : i32
      %add3A_2203 = arith.addi %add3A_2202, %scan3A_2194 : i32
      %add3A_2204 = vector.broadcast %add3A_2203 : i32 to vector<16xi32>
      %add3A_2205 = arith.addi %mul3A_5, %add3A_2204 : vector<16xi32>
      tpu.vector_store_idx %arg12[%add3A_2114, %add3A_2205], %gather3A : memref<64x552xf32, #tpu.memory_space<vmem>>[vector<16xi32>, vector<16xi32>], vector<16xf32>,
      %scan3A_2206 = arith.constant 0 : i32
      scf.yield %scan3A_2206 : i32
    }
    %scan3A_2138 = arith.constant 20 : i32
    %scan3A_2139 = arith.constant 0 : i32
    %scan3A_2140 = arith.constant 0 : i32
    %scan3A_2141 = arith.constant 40 : i32
    %scan3A_2142 = arith.addi %scan3A_2140, %scan3A_2141 : i32
    %scan3A_2143 = arith.constant 1 : i32
    %scan3A_2144 = scf.for %scan3A_2194 = %scan3A_2140 to %scan3A_2142 step %scan3A_2143 iter_args(%scan3A_2195 = %scan3A_2139) -> (i32)  : i32 {
      %add3A_2196 = vector.broadcast %scan3A_2194 : i32 to vector<16xi32>
      %add3A_2197 = arith.addi %mul3A_2131, %add3A_2196 : vector<16xi32>
      %shift_right_arithmetic3A = arith.constant 7 : i32
      %shift_right_arithmetic3A_2198 = vector.broadcast %shift_right_arithmetic3A : i32 to vector<16xi32>
      %shift_right_arithmetic3A_2199 = arith.shrsi %add3A_2197, %shift_right_arithmetic3A_2198 : vector<16xi32>
      %and3A = arith.constant 127 : i32
      %and3A_2200 = vector.broadcast %and3A : i32 to vector<16xi32>
      %and3A_2201 = arith.andi %add3A_2197, %and3A_2200 : vector<16xi32>
      %gather3A = tpu.vector_load_idx %arg10[%shift_right_arithmetic3A_2199, %and3A_2201] : memref<320x128xf32, #tpu.memory_space<vmem>>[vector<16xi32>, vector<16xi32>], vector<16xf32>,
      %add3A_2202 = arith.constant 512 : i32
      %add3A_2203 = arith.addi %add3A_2202, %scan3A_2194 : i32
      %add3A_2204 = vector.broadcast %add3A_2203 : i32 to vector<16xi32>
      %add3A_2205 = arith.addi %mul3A_5, %add3A_2204 : vector<16xi32>
      tpu.vector_store_idx %arg12[%add3A_2114, %add3A_2205], %gather3A : memref<64x552xf32, #tpu.memory_space<vmem>>[vector<16xi32>, vector<16xi32>], vector<16xf32>,
      %scan3A_2206 = arith.constant 0 : i32
      scf.yield %scan3A_2206 : i32
    }
    %scan3A_2145 = arith.constant 40 : i32
    %add3A_2146 = arith.constant 48 : i32
    %add3A_2147 = vector.broadcast %add3A_2146 : i32 to vector<16xi32>
    %add3A_2148 = arith.addi %iota3A, %add3A_2147 : vector<16xi32>
    %get3A_2149 = arith.constant 7 : i32
    %get3A_2150 = arith.index_cast %get3A_2149 : i32 to index
    %get3A_2151 = arith.constant 48 : index
    %get3A_2152 = tpu.vector_load %arg8[%get3A_2150, %get3A_2151] {strides = array<i32>} : memref<8x64xi32, #tpu.memory_space<vmem>>, vector<16xi32>,
    %mul3A_2153 = arith.constant 40 : i32
    %mul3A_2154 = vector.broadcast %mul3A_2153 : i32 to vector<16xi32>
    %mul3A_2155 = arith.muli %get3A_2152, %mul3A_2154 : vector<16xi32>
    %add3A_2156 = arith.constant 20 : i32
    %add3A_2157 = vector.broadcast %add3A_2156 : i32 to vector<16xi32>
    %add3A_2158 = arith.addi %mul3A_2155, %add3A_2157 : vector<16xi32>
    %get3A_2159 = arith.constant 7 : i32
    %get3A_2160 = arith.index_cast %get3A_2159 : i32 to index
    %get3A_2161 = arith.constant 48 : index
    %get3A_2162 = tpu.vector_load %arg9[%get3A_2160, %get3A_2161] {strides = array<i32>} : memref<8x64xi32, #tpu.memory_space<vmem>>, vector<16xi32>,
    %mul3A_2163 = arith.constant 40 : i32
    %mul3A_2164 = vector.broadcast %mul3A_2163 : i32 to vector<16xi32>
    %mul3A_2165 = arith.muli %get3A_2162, %mul3A_2164 : vector<16xi32>
    %scan3A_2166 = arith.constant 0 : i32
    %scan3A_2167 = arith.constant 0 : i32
    %scan3A_2168 = arith.constant 20 : i32
    %scan3A_2169 = arith.addi %scan3A_2167, %scan3A_2168 : i32
    %scan3A_2170 = arith.constant 1 : i32
    %scan3A_2171 = scf.for %scan3A_2194 = %scan3A_2167 to %scan3A_2169 step %scan3A_2170 iter_args(%scan3A_2195 = %scan3A_2166) -> (i32)  : i32 {
      %add3A_2196 = vector.broadcast %scan3A_2194 : i32 to vector<16xi32>
      %add3A_2197 = arith.addi %add3A_2158, %add3A_2196 : vector<16xi32>
      %shift_right_arithmetic3A = arith.constant 7 : i32
      %shift_right_arithmetic3A_2198 = vector.broadcast %shift_right_arithmetic3A : i32 to vector<16xi32>
      %shift_right_arithmetic3A_2199 = arith.shrsi %add3A_2197, %shift_right_arithmetic3A_2198 : vector<16xi32>
      %and3A = arith.constant 127 : i32
      %and3A_2200 = vector.broadcast %and3A : i32 to vector<16xi32>
      %and3A_2201 = arith.andi %add3A_2197, %and3A_2200 : vector<16xi32>
      %gather3A = tpu.vector_load_idx %arg10[%shift_right_arithmetic3A_2199, %and3A_2201] : memref<320x128xf32, #tpu.memory_space<vmem>>[vector<16xi32>, vector<16xi32>], vector<16xf32>,
      %add3A_2202 = arith.constant 256 : i32
      %add3A_2203 = arith.addi %add3A_2202, %scan3A_2194 : i32
      %add3A_2204 = vector.broadcast %add3A_2203 : i32 to vector<16xi32>
      %add3A_2205 = arith.addi %mul3A_5, %add3A_2204 : vector<16xi32>
      tpu.vector_store_idx %arg12[%add3A_2148, %add3A_2205], %gather3A : memref<64x552xf32, #tpu.memory_space<vmem>>[vector<16xi32>, vector<16xi32>], vector<16xf32>,
      %scan3A_2206 = arith.constant 0 : i32
      scf.yield %scan3A_2206 : i32
    }
    %scan3A_2172 = arith.constant 20 : i32
    %scan3A_2173 = arith.constant 0 : i32
    %scan3A_2174 = arith.constant 0 : i32
    %scan3A_2175 = arith.constant 40 : i32
    %scan3A_2176 = arith.addi %scan3A_2174, %scan3A_2175 : i32
    %scan3A_2177 = arith.constant 1 : i32
    %scan3A_2178 = scf.for %scan3A_2194 = %scan3A_2174 to %scan3A_2176 step %scan3A_2177 iter_args(%scan3A_2195 = %scan3A_2173) -> (i32)  : i32 {
      %add3A_2196 = vector.broadcast %scan3A_2194 : i32 to vector<16xi32>
      %add3A_2197 = arith.addi %mul3A_2165, %add3A_2196 : vector<16xi32>
      %shift_right_arithmetic3A = arith.constant 7 : i32
      %shift_right_arithmetic3A_2198 = vector.broadcast %shift_right_arithmetic3A : i32 to vector<16xi32>
      %shift_right_arithmetic3A_2199 = arith.shrsi %add3A_2197, %shift_right_arithmetic3A_2198 : vector<16xi32>
      %and3A = arith.constant 127 : i32
      %and3A_2200 = vector.broadcast %and3A : i32 to vector<16xi32>
      %and3A_2201 = arith.andi %add3A_2197, %and3A_2200 : vector<16xi32>
      %gather3A = tpu.vector_load_idx %arg10[%shift_right_arithmetic3A_2199, %and3A_2201] : memref<320x128xf32, #tpu.memory_space<vmem>>[vector<16xi32>, vector<16xi32>], vector<16xf32>,
      %add3A_2202 = arith.constant 512 : i32
      %add3A_2203 = arith.addi %add3A_2202, %scan3A_2194 : i32
      %add3A_2204 = vector.broadcast %add3A_2203 : i32 to vector<16xi32>
      %add3A_2205 = arith.addi %mul3A_5, %add3A_2204 : vector<16xi32>
      tpu.vector_store_idx %arg12[%add3A_2148, %add3A_2205], %gather3A : memref<64x552xf32, #tpu.memory_space<vmem>>[vector<16xi32>, vector<16xi32>], vector<16xf32>,
      %scan3A_2206 = arith.constant 0 : i32
      scf.yield %scan3A_2206 : i32
    }
    %scan3A_2179 = arith.constant 40 : i32
    %add3A_2180 = arith.constant 448 : i32
    %add3A_2181 = arith.addi %mul3A_708, %add3A_2180 : i32
    %dma_start3A_2182 = arith.constant 0 : i32
    %dma_start3A_2183 = tpu.memref_slice %arg6[%add3A_2181, %dma_start3A_2182] : memref<16384x552xf32, #tpu.memory_space<hbm>> -> memref<64x552xf32, #tpu.memory_space<hbm>>
    %dma_start3A_2184 = arith.constant 0 : i32
    %dma_start3A_2185 = tpu.memref_slice %arg6[%add3A_2181, %dma_start3A_2184] : memref<16384x552xf32, #tpu.memory_space<hbm>> -> memref<64x552xf32, #tpu.memory_space<hbm>>
    tpu.enqueue_dma source(%arg12 : memref<64x552xf32, #tpu.memory_space<vmem>>) target(%dma_start3A_2185 : memref<64x552xf32, #tpu.memory_space<hbm>>) target_semaphore(%arg18 : memref<!tpu.dma_semaphore, #tpu.memory_space<semaphore_mem>>)
    %dma_wait3A_2186 = arith.constant 0 : i32
    %dma_wait3A_2187 = tpu.memref_slice %arg6[%add3A_2019, %dma_wait3A_2186] : memref<16384x552xf32, #tpu.memory_space<hbm>> -> memref<64x552xf32, #tpu.memory_space<hbm>>
    %dma_wait3A_2188 = arith.constant 0 : i32
    %dma_wait3A_2189 = tpu.memref_slice %arg6[%add3A_2019, %dma_wait3A_2188] : memref<16384x552xf32, #tpu.memory_space<hbm>> -> memref<64x552xf32, #tpu.memory_space<hbm>>
    tpu.wait_dma2 semaphore(%arg17 : memref<!tpu.dma_semaphore, #tpu.memory_space<semaphore_mem>>) src(%arg11 : memref<64x552xf32, #tpu.memory_space<vmem>>) dst(%dma_wait3A_2189 : memref<64x552xf32, #tpu.memory_space<hbm>>)
    %dma_wait3A_2190 = arith.constant 0 : i32
    %dma_wait3A_2191 = tpu.memref_slice %arg6[%add3A_2181, %dma_wait3A_2190] : memref<16384x552xf32, #tpu.memory_space<hbm>> -> memref<64x552xf32, #tpu.memory_space<hbm>>
    %dma_wait3A_2192 = arith.constant 0 : i32
    %dma_wait3A_2193 = tpu.memref_slice %arg6[%add3A_2181, %dma_wait3A_2192] : memref<16384x552xf32, #tpu.memory_space<hbm>> -> memref<64x552xf32, #tpu.memory_space<hbm>>
    tpu.wait_dma2 semaphore(%arg18 : memref<!tpu.dma_semaphore, #tpu.memory_space<semaphore_mem>>) src(%arg12 : memref<64x552xf32, #tpu.memory_space<vmem>>) dst(%dma_wait3A_2193 : memref<64x552xf32, #tpu.memory_space<hbm>>)
    return
  }
}

module attributes {stable_mosaic.version = 14 : i64} {
  func.func @_tables_body(%arg0: memref<1024x256xf32, #tpu.memory_space<vmem>>, %arg1: memref<1024x256xf32, #tpu.memory_space<vmem>>, %arg2: memref<1024x20xf32, #tpu.memory_space<vmem>>) attributes {dimension_semantics = [], scalar_prefetch = 0 : i64, scratch_operands = 0 : i64, tpu.core_type = #tpu.core_type<tc>} {
    %broadcast_in_dim3A = arith.constant 0.000000e+00 : f32
    %broadcast_in_dim3A_0 = vector.broadcast %broadcast_in_dim3A : f32 to vector<1024x20xf32>
    %get3A = arith.constant 0 : index
    %get3A_1 = arith.constant 0 : index
    %get3A_2 = vector.load %arg0[%get3A, %get3A_1] : memref<1024x256xf32, #tpu.memory_space<vmem>>, vector<1024x236xf32>
    %concatenate3A = tpu.concatenate %broadcast_in_dim3A_0, %get3A_2 in 1 : vector<1024x20xf32>, vector<1024x236xf32> -> vector<1024x256xf32>
    %swap3A = arith.constant 0 : index
    %swap3A_3 = arith.constant 0 : index
    %swap3A_4 = vector.load %arg1[%swap3A, %swap3A_3] : memref<1024x256xf32, #tpu.memory_space<vmem>>, vector<1024x256xf32>
    tpu.vector_store %arg1[%swap3A, %swap3A_3], %concatenate3A {strides = array<i32>} : memref<1024x256xf32, #tpu.memory_space<vmem>>, vector<1024x256xf32>,
    %iota3A = tpu.iota {dimensions = array<i32: 0>} : vector<1024x20xi32>
    %convert_element_type3A = arith.sitofp %iota3A : vector<1024x20xi32> to vector<1024x20xf32>
    %iota3A_5 = tpu.iota {dimensions = array<i32: 1>} : vector<1024x20xi32>
    %jit3A = arith.constant 10 : i32
    %eq3A = arith.constant 0 : i32
    %eq3A_6 = arith.cmpi eq, %jit3A, %eq3A : i32
    %jit3A_7 = arith.constant 1 : i32
    %select_n3A = arith.select %eq3A_6, %jit3A_7, %jit3A : i32
    %rem3A = vector.broadcast %select_n3A : i32 to vector<1024x20xi32>
    %rem3A_8 = arith.remsi %iota3A_5, %rem3A : vector<1024x20xi32>
    %ne3A = arith.constant 0 : i32
    %ne3A_9 = vector.broadcast %ne3A : i32 to vector<1024x20xi32>
    %ne3A_10 = arith.cmpi ne, %rem3A_8, %ne3A_9 : vector<1024x20xi32>
    %lt3A = arith.constant 0 : i32
    %lt3A_11 = vector.broadcast %lt3A : i32 to vector<1024x20xi32>
    %lt3A_12 = arith.cmpi slt, %rem3A_8, %lt3A_11 : vector<1024x20xi32>
    %lt3A_13 = arith.constant 0 : i32
    %lt3A_14 = arith.cmpi slt, %select_n3A, %lt3A_13 : i32
    %ne3A_15 = vector.broadcast %lt3A_14 : i1 to vector<1024x20xi1>
    %ne3A_16 = vector.broadcast %ne3A_15 : vector<1024x20xi1> to vector<1024x20xi1>
    %ne3A_17 = arith.xori %lt3A_12, %ne3A_16 : vector<1024x20xi1>
    %and3A = arith.andi %ne3A_17, %ne3A_10 : vector<1024x20xi1>
    %add3A = vector.broadcast %select_n3A : i32 to vector<1024x20xi32>
    %add3A_18 = arith.addi %rem3A_8, %add3A : vector<1024x20xi32>
    %select_n3A_19 = arith.select %and3A, %add3A_18, %rem3A_8 : vector<1024x20xi1>, vector<1024x20xi32>
    %div3A = arith.constant 3.14159274 : f32
    %div3A_20 = arith.constant 1.024000e+03 : f32
    %div3A_21 = arith.divf %div3A, %div3A_20 : f32
    %shift_left3A = arith.constant 1 : i32
    %shift_left3A_22 = vector.broadcast %shift_left3A : i32 to vector<1024x20xi32>
    %shift_left3A_23 = arith.shli %shift_left3A_22, %select_n3A_19 : vector<1024x20xi32>
    %convert_element_type3A_24 = arith.sitofp %shift_left3A_23 : vector<1024x20xi32> to vector<1024x20xf32>
    %mul3A = vector.broadcast %div3A_21 : f32 to vector<1024x20xf32>
    %mul3A_25 = arith.mulf %mul3A, %convert_element_type3A_24 : vector<1024x20xf32>
    %mul3A_26 = arith.mulf %mul3A_25, %convert_element_type3A : vector<1024x20xf32>
    %lt3A_27 = arith.constant 10 : i32
    %lt3A_28 = vector.broadcast %lt3A_27 : i32 to vector<1024x20xi32>
    %lt3A_29 = arith.cmpi slt, %iota3A_5, %lt3A_28 : vector<1024x20xi32>
    %sin3A = math.sin %mul3A_26 : vector<1024x20xf32>
    %cos3A = math.cos %mul3A_26 : vector<1024x20xf32>
    %select_n3A_30 = arith.select %lt3A_29, %sin3A, %cos3A : vector<1024x20xi1>, vector<1024x20xf32>
    %swap3A_31 = arith.constant 0 : index
    %swap3A_32 = arith.constant 0 : index
    %swap3A_33 = vector.load %arg2[%swap3A_31, %swap3A_32] : memref<1024x20xf32, #tpu.memory_space<vmem>>, vector<1024x20xf32>
    tpu.vector_store %arg2[%swap3A_31, %swap3A_32], %select_n3A_30 {strides = array<i32>} : memref<1024x20xf32, #tpu.memory_space<vmem>>, vector<1024x20xf32>,
    return
  }
}

</mosaic_0001>

<sc_bundles>
// kernel: kernel.4.cloned.1.call-start
scs
__scs_entry_jumppad:
0x0: {  	(pc) =	sbr.rel $0x88, $3  }
0x1: {  	(tag) =	ssettag $0x0;
	lr =	simm.s32 $0x1  }
0x2: {  	[smem:$0x3F9F] =	sst lr;
	_ =	strace $0xD0000000  }
0x3: {  	_ = 	snop  }
0x4: {  	_ = 	snop  }
0x5: {  	_ = 	snop  }
0x6: {  	_ = 	snop  }
0x7: {  	_ = 	snop  }
__scs_overlays_trampoline_lowered:
0x8: {  	[smem:$0x3FAE] =	sst s0  }
0x9: {  	[smem:$0x3FAF] =	sst s1  }
0xa: {  	[smem:$0x3FB0] =	sst s2  }
0xb: {  	[smem:$0x3FB1] =	sst s3  }
0xc: {  	[smem:$0x3FB2] =	sst s4  }
0xd: {  	[smem:$0x3FB3] =	sst s5  }
0xe: {  	[smem:$0x3FB4] =	sst s6  }
0xf: {  	[smem:$0x3FB5] =	sst s7  }
0x10: {  	[smem:$0x3FB6] =	sst s8  }
0x11: {  	[smem:$0x3FB7] =	sst s9;
	s0 =	simm.s32 @!p0 $0x0  }
0x12: {  	s1 =	sld [smem:$0x3F9D];
	s0 =	simm.s32 @p0 $0x1  }
0x13: {  	[smem:$0x3FB8] =	sst s0;
	s0 =	simm.s32 @!p1 $0x0  }
0x14: {  	s2 =	sld [smem:$0x3F9C];
	s0 =	simm.s32 @p1 $0x1  }
0x15: {  	[smem:$0x3FB9] =	sst s0;
	s0 =	simm.s32 @!p2 $0x0  }
0x16: {  	s3 =	sld [smem:$0x3FDB];
	s0 =	simm.s32 @p2 $0x1  }
0x17: {  	s4 =	simm.s32 $0x1BF5;
	[smem:$0x3FBB] =	sst s0  }
0x18: {  	s0 =	sld [smem:$0x3F9E];
	_ =	swait.ge [sflag:s4], $0x0  }
0x19: {  	s7 =	sld [smem:$0x3F9F]  }
0x1a: {  	s8 =	sadd.s32 $0xFFFFE003, lr  }
0x1b: {  	s9 =	sadd.s32 $0xFFFFFEF7, lr;
	s5 =	simm.s32 $0xFFFFFFFF;
	p2 =	slt.u32 s8, $0xFFFFF086  }
0x1c: {  	p1 =	slt.u32 s9, $0xF7A;
	s5 =	simm.s32 @!p2 $0x0  }
0x1d: {  	s5 =	simm.s32 @p1 $0x1;
	p0 =	seq.s32 s7, s2  }
0x1e: {  	s7 =	smul.u32 @!p0 $0xF7A, s2;
	p2 =	seq.s32 @!p0 s5, $0x0  }
0x1f: {  	s9 =	smul.u32 $0xF7A, s1;
	s8 =	simm.s32 @!p0 $0x1BF5;
	p2 =	por !p2, p0  }
0x20: {  	[sflag:s8] =	ssyncset.s32 @!p0 $0xFFFFF086;
	s6 =	sadd.s32 @!p0 s3, s7;
	s7 =	simm.s32 @!p0 $0x108  }
0x21: {  	s3 =	sadd.s32 s3, s9;
	s6 =	sadd.s32 @!p0 $0x88, s6;
	s7 =	simm.s32 @p2 $0x1082  }
0x22: {  	[simem:s7], [sflag:s8] =	dma.local @!p0 [hbm:s6], $0xF7A  }
0x23: {  	s9 =	sor.u32 $0xD0000000, s2;
	s6 =	simm.s32 $0x108;
	_ =	swait.ge @!p0 [sflag:s8], $0x0  }
0x24: {  	s3 =	sadd.s32 $0x88, s3;
	s6 =	simm.s32 @!p1 $0x1082;
	[sflag:s4] =	ssyncset.s32 $0xFFFFF086  }
0x25: {  	[simem:s6], [sflag:s4] =	dma.local [hbm:s3], $0xF7A  }
0x26: {  	[smem:$0x3F9F] =	sst s1;
	(tag) =	ssettag s2;
	_ =	strace s9  }
0x27: {  	s1 =	sld [smem:$0x3FAF]  }
0x28: {  	s2 =	sld [smem:$0x3FB0]  }
0x29: {  	s4 =	sld [smem:$0x3FB2]  }
0x2a: {  	p0 =	seq.s32 s5, $0x0;
	s5 =	sld [smem:$0x3FB3]  }
0x2b: {  	s6 =	sld [smem:$0x3FB4]  }
0x2c: {  	s7 =	sld [smem:$0x3FB5]  }
0x2d: {  	s3 =	simm.s32 $0x108;
	s8 =	sld [smem:$0x3FB6]  }
0x2e: {  	s3 =	simm.s32 @!p0 $0x1082;
	s9 =	sld [smem:$0x3FB7]  }
0x2f: {  	lr =	sadd.s32 s0, s3;
	s0 =	sld [smem:$0x3FAE]  }
0x30: {  	s3 =	sld [smem:$0x3FB1]  }
0x31: {  	[smem:$0x3FBA] =	sst s10  }
0x32: {  	s10 =	sld [smem:$0x3FB8];
	_ =	sdelay $0x3  }
0x33: {  	p0 =	seq.s32 s10, $0x1;
	s10 =	sld [smem:$0x3FBA];
	_ =	sdelay $0x3  }
0x34: {  	[smem:$0x3FBA] =	sst s10  }
0x35: {  	s10 =	sld [smem:$0x3FB9];
	_ =	sdelay $0x3  }
0x36: {  	p1 =	seq.s32 s10, $0x1;
	s10 =	sld [smem:$0x3FBA];
	_ =	sdelay $0x3  }
0x37: {  	[smem:$0x3FBA] =	sst s10  }
0x38: {  	s10 =	sld [smem:$0x3FBB]  }
0x39: {  	_ = 	snop;
	(pc) =	sbr.ind lr, $3  }
0x3a: {  	_ = 	snop  }
0x3b: {  	_ = 	snop  }
0x3c: {  	p2 =	seq.s32 s10, $0x1;
	s10 =	sld [smem:$0x3FBA]  }
0x3d: {  	_ =	shalt  }
0x3e: {  	_ =	shalt  }
0x3f: {  	_ =	shalt  }
0x40: {  	_ =	shalt  }
0x41: {  	_ =	shalt  }
0x42: {  	_ =	shalt  }
0x43: {  	_ =	shalt  }
0x44: {  	_ =	shalt  }
0x45: {  	_ =	shalt  }
0x46: {  	_ =	shalt  }
0x47: {  	_ =	shalt  }
0x48: {  	_ =	shalt  }
0x49: {  	_ =	shalt  }
0x4a: {  	_ =	shalt  }
0x4b: {  	_ =	shalt  }
0x4c: {  	_ =	shalt  }
0x4d: {  	_ =	shalt  }
0x4e: {  	_ =	shalt  }
0x4f: {  	_ =	shalt  }
0x50: {  	_ =	shalt  }
0x51: {  	_ =	shalt  }
0x52: {  	_ =	shalt  }
0x53: {  	_ =	shalt  }
0x54: {  	_ =	shalt  }
0x55: {  	_ =	shalt  }
0x56: {  	_ =	shalt  }
0x57: {  	_ =	shalt  }
0x58: {  	_ =	shalt  }
0x59: {  	_ =	shalt  }
0x5a: {  	_ =	shalt  }
0x5b: {  	_ =	shalt  }
0x5c: {  	_ =	shalt  }
0x5d: {  	_ =	shalt  }
0x5e: {  	_ =	shalt  }
0x5f: {  	_ =	shalt  }
0x60: {  	_ =	shalt  }
0x61: {  	_ =	shalt  }
0x62: {  	_ =	shalt  }
0x63: {  	_ =	shalt  }
0x64: {  	_ =	shalt  }
0x65: {  	_ =	shalt  }
0x66: {  	_ =	shalt  }
0x67: {  	_ =	shalt  }
0x68: {  	_ =	shalt  }
0x69: {  	_ =	shalt  }
0x6a: {  	_ =	shalt  }
0x6b: {  	_ =	shalt  }
0x6c: {  	_ =	shalt  }
0x6d: {  	_ =	shalt  }
0x6e: {  	_ =	shalt  }
0x6f: {  	_ =	shalt  }
0x70: {  	_ =	shalt  }
0x71: {  	_ =	shalt  }
0x72: {  	_ =	shalt  }
0x73: {  	_ =	shalt  }
0x74: {  	_ =	shalt  }
0x75: {  	_ =	shalt  }
0x76: {  	_ =	shalt  }
0x77: {  	_ =	shalt  }
0x78: {  	_ =	shalt  }
0x79: {  	_ =	shalt  }
0x7a: {  	_ =	shalt  }
0x7b: {  	_ =	shalt  }
0x7c: {  	_ =	shalt  }
0x7d: {  	_ =	shalt  }
0x7e: {  	_ =	shalt  }
0x7f: {  	_ =	shalt  }
0x80: {  	_ =	shalt  }
0x81: {  	_ =	shalt  }
0x82: {  	_ =	shalt  }
0x83: {  	_ =	shalt  }
0x84: {  	_ =	shalt  }
0x85: {  	_ =	shalt  }
0x86: {  	_ =	shalt  }
0x87: {  	_ =	shalt  }
.Lfunc_end0:
.L_simem_size_0:
called_computation_lowered:
.L_overlay_start_0:
0x88: {  	s2 =	sld [smem:$0x3FD9]  }
0x89: {  	s3 =	sld [smem:$0x3FFE];
	_ =	sdelay $0x1  }
0x8a: {  	s1 =	srdreg.scid  }
0x8b: {  	s0 =	sand.u32 $0x1, s1  }
0x8c: {  	s17 =	sshll.u32 s0, $0xA;
	s2 =	sadd.s32 s3, s2  }
0x8d: {  	s2 =	sadd.s32 s2, s17  }
0x8e: {  	[smem:$0x3FC6] =	sst s2  }
0x8f: {  	_ = 	snop  }
0x90: {  	s2 =	sld [smem:$0x3FC9]  }
0x91: {  	s18 =	sld [smem:$0x3FC8]  }
0x92: {  	s4 =	sld [smem:$0x3FD0];
	(tm) =	ssettm $0x1  }
0x93: {  	s5 =	sld [smem:$0x3FFB];
	_ =	sdelay $0x3  }
0x94: {  	_ =	strace s5  }
0x95: {  	s5 =	sld [smem:$0x3FFC];
	_ =	sdelay $0x3  }
0x96: {  	_ =	strace s5  }
0x97: {  	s5 =	sld [smem:$0x3FFD];
	_ =	sdelay $0x3  }
0x98: {  	_ =	strace s5  }
0x99: {  	_ =	strace $0x8FFFFFFF  }
0x9a: {  	s19 =	sld [smem:$0x3FDB];
	_ =	sdelay $0x1  }
0x9b: {  	s6 =	simm.s32 $_scs_section_size  }
0x9c: {  	s7 =	simm.s32 $_size__tile_overlayer_lowered;
	s8 =	simm.s32 $_tile_overlayer_lowered  }
0x9d: {  	s22 =	simm.s32 $0x1BFF;
	s21 =	sshll.u32 s8, $0x1;
	s5 =	sadd.s32 s6, s19  }
0x9e: {  	s9 =	simm.s32 $0x0;
	s20 =	sshll.u32 s7, $0x1;
	s7 =	sadd.s32 s21, s5  }
0x9f: {  	[timem:s9], [sflag:s22] =	dma.local [hbm:s7], s20  }
0xa0: {  	_ =	swait.ge [sflag:s22], s20  }
0xa1: {  	s6 =	ssub.s32 $0x0, s20;
	[sflag:s22] =	ssyncset.done $0x0  }
0xa2: {  	[sflag:s22] =	ssyncadd.s32 s6;
	_ =	sdelay $0x1  }
0xa3: {  	s23 =	simm.s32 $0x1B8B  }
0xa4: {  	_ =	swait.ge [sflag:s23], $0x1  }
0xa5: {  	[sflag:s23] =	ssyncset.done $0x0  }
0xa6: {  	s25 =	simm.s32 $0x1B8E;
	s24 =	sld [smem:$0x3FFE];
	[sflag:s23] =	ssyncadd.s32 $0xFFFFFFFF  }
0xa7: {  	s26 =	simm.s32 $execute0_lowered;
	[smem:$0x3FD2] =	sst s25  }
0xa8: {  	s7 =	sshll.u32 s26, $0x1;
	_ =	strace $0x80000046;
	[dreg:$0x1] =	wrdreg $0xFFFFFFFF  }
0xa9: {  	s28 =	simm.s32 $_size_execute0_lowered;
	s5 =	sadd.s32 s5, s7;
	[dreg:$0x0] =	wrdreg $0x0  }
0xaa: {  	s7 =	sshll.u32 s28, $0x1;
	[dreg:$0x2] =	wrdreg s5  }
0xab: {  	[dreg:$0x3] =	wrdreg s7  }
0xac: {  	[dreg:$0x4] =	wrdreg $0xC0  }
0xad: {  	_ =	task [dreg:s9], $0x5FFFF  }
0xae: {  	[dreg:$0x1] =	wrdreg $0xFFFFFFFF  }
0xaf: {  	[dreg:$0x0] =	wrdreg $0x60  }
0xb0: {  	[dreg:$0x2] =	wrdreg s18  }
0xb1: {  	[dreg:$0x3] =	wrdreg s4  }
0xb2: {  	[dreg:$0x4] =	wrdreg s24  }
0xb3: {  	[dreg:$0x5] =	wrdreg s2  }
0xb4: {  	[dreg:$0x6] =	wrdreg $0x9  }
0xb5: {  	_ =	task.clear_ibuf [dreg:s9], $0x7FFFF;
	_ =	strace $0x90000046  }
0xb6: {  	s29 =	simm.s32 $0x9;
	_ =	strace $0x80000048  }
0xb7: {  	_ =	swait.ge [sflag:s29], $0x1  }
0xb8: {  	[sflag:s29] =	ssyncadd.s32 $0xFFFFFFFF  }
0xb9: {  	_ =	strace $0x90000048  }
0xba: {  	_ =	sfence  }
0xbb: {  	s30 =	sld [smem:$0x0];
	_ =	sdelay $0x2  }
0xbc: {  	s31 =	sshll.u32 s1, $0xD;
	s1 =	sshrl.u32 s1, $0x2  }
0xbd: {  	s3 =	sand.u32 $0x4000, s31;
	s1 =	sadd.s32 s1, s30  }
0xbe: {  	s0 =	sor.u32 s3, s0;
	s1 =	sshll.u32 s1, $0x11  }
0xbf: {  	s0 =	sor.u32 s1, s0  }
0xc0: {  	s0 =	sadd.s32 $0x8F2B, s0  }
0xc1: {  	[sflag:s0] =	ssyncadd.remote.s32 $0x1  }
0xc2: {  	_ =	sfence.sel $0xFFFF  }
0xc3: {  	[dreg:$0x0] =	wrdreg $0xFFFFFFFF;
	(pc) =	sbr.abs _section_cstart, $3  }
0xc4: {  	[dreg:$0x1] =	wrdreg $0xFFFFFFFF  }
0xc5: {  	_ =	task.clear_ibuf [dreg:s9], $0x2FFFF;
	_ =	strace $0x9FFFFFFF  }
0xc6: {  	(tm) =	ssettm $0x7FFFFFFF  }
0xc7: {  	_ =	shalt  }
tec
execute0_lowered:
.L_overlay_start_1:
0x0: {  	(tag) =	ssettag $0x1  }
0x1: {  	v2 =	vlaneseq.u32;
	vm0 =	vmmov $0xffff  }
0x2: {  	v3 =	vimm.s32 $0x1F80;
	vm15 =	vcmask $0x300;
	v4 =	vimm.s32 $0x2780  }
0x3: {  	vm14 =	vcmask $0x704;
	vm13 =	vcmask $0xB08;
	vm12 =	vcmask $0xF0C  }
0x4: {  	vm11 =	vcmask $0x1310;
	vm10 =	vcmask $0x1714;
	vm9 =	vcmask $0x1B18  }
0x5: {  	vm8 =	vcmask $0x1F1C;
	vm7 =	vcmask $0x2320;
	vm6 =	vcmask $0x2724  }
0x6: {  	vm5 =	vcmask $0x2B28;
	vm4 =	vcmask $0x2F2C;
	vm3 =	vcmask $0x3330  }
0x7: {  	vm2 =	vcmask $0x3734;
	vm1 =	vcmask $0x3B38;
	v5 =	vimm.s32 $0x4780  }
0x8: {  	v6 =	vimm.s32 $0x4F80;
	v7 =	vimm.s32 $0x6F80;
	v8 =	vimm.s32 $0x7780  }
0x9: {  	v9 =	vimm.s32 $0x9780;
	v10 =	vimm.s32 $0x9F80;
	v1 =	vshrl.u32 v2, $0x3  }
0xa: {  	v0 =	vand.u32 $0x7, v2;
	v3 =	vsel vm15, $0x800, v3;
	v4 =	vsel vm15, $0x1000, v4  }
0xb: {  	v2 =	vor.u32 $0x8, v2;
	v5 =	vsel vm15, $0x3000, v5;
	v6 =	vsel vm15, $0x3800, v6  }
0xc: {  	v7 =	vsel vm15, $0x5800, v7;
	v8 =	vsel vm15, $0x6000, v8;
	v9 =	vsel vm15, $0x8000, v9  }
0xd: {  	v10 =	vsel vm15, $0x8800, v10;
	v1 =	vmul.u32 $0x8, v1;
	v3 =	vsel vm14, $0x880, v3  }
0xe: {  	v4 =	vsel vm14, $0x1080, v4;
	v5 =	vsel vm14, $0x3080, v5;
	v6 =	vsel vm14, $0x3880, v6  }
0xf: {  	v7 =	vsel vm14, $0x5880, v7;
	v8 =	vsel vm14, $0x6080, v8;
	v9 =	vsel vm14, $0x8080, v9  }
0x10: {  	v10 =	vsel vm14, $0x8880, v10;
	v3 =	vsel vm13, $0x900, v3;
	v4 =	vsel vm13, $0x1100, v4  }
0x11: {  	v5 =	vsel vm13, $0x3100, v5;
	v6 =	vsel vm13, $0x3900, v6;
	v7 =	vsel vm13, $0x5900, v7  }
0x12: {  	v8 =	vsel vm13, $0x6100, v8;
	v9 =	vsel vm13, $0x8100, v9;
	v10 =	vsel vm13, $0x8900, v10  }
0x13: {  	v3 =	vsel vm12, $0x980, v3;
	v4 =	vsel vm12, $0x1180, v4;
	v5 =	vsel vm12, $0x3180, v5  }
0x14: {  	v6 =	vsel vm12, $0x3980, v6;
	v7 =	vsel vm12, $0x5980, v7;
	v8 =	vsel vm12, $0x6180, v8  }
0x15: {  	v9 =	vsel vm12, $0x8180, v9;
	v10 =	vsel vm12, $0x8980, v10;
	v3 =	vsel vm11, $0xA00, v3  }
0x16: {  	v4 =	vsel vm11, $0x1200, v4;
	v5 =	vsel vm11, $0x3200, v5;
	v6 =	vsel vm11, $0x3A00, v6  }
0x17: {  	v7 =	vsel vm11, $0x5A00, v7;
	v8 =	vsel vm11, $0x6200, v8;
	v9 =	vsel vm11, $0x8200, v9  }
0x18: {  	v10 =	vsel vm11, $0x8A00, v10;
	v3 =	vsel vm10, $0xA80, v3;
	v4 =	vsel vm10, $0x1280, v4  }
0x19: {  	v5 =	vsel vm10, $0x3280, v5;
	v6 =	vsel vm10, $0x3A80, v6;
	v7 =	vsel vm10, $0x5A80, v7  }
0x1a: {  	s0 =	rddreg [dreg:$0x0];
	v8 =	vsel vm10, $0x6280, v8;
	v9 =	vsel vm10, $0x8280, v9;
	v10 =	vsel vm10, $0x8A80, v10  }
0x1b: {  	s1 =	srdreg.scid;
	s2 =	rddreg [dreg:$0x1];
	v3 =	vsel vm9, $0xB00, v3;
	v4 =	vsel vm9, $0x1300, v4;
	v5 =	vsel vm9, $0x3300, v5  }
0x1c: {  	s4 =	stileid.u32;
	s3 =	rddreg [dreg:$0x2];
	v6 =	vsel vm9, $0x3B00, v6;
	v7 =	vsel vm9, $0x5B00, v7;
	v8 =	vsel vm9, $0x6300, v8  }
0x1d: {  	s6 =	rddreg [dreg:$0x3];
	s16 =	simm.s32 $0x7;
	s17 =	simm.s32 $0x1000;
	v9 =	vsel vm9, $0x8300, v9;
	v10 =	vsel vm9, $0x8B00, v10;
	v3 =	vsel vm8, $0xB80, v3  }
0x1e: {  	s18 =	simm.s32 $0xB000;
	s11 =	simm.s32 $0x1A000;
	s12 =	simm.s32 $0x1B400;
	v4 =	vsel vm8, $0x1380, v4;
	v5 =	vsel vm8, $0x3380, v5;
	v6 =	vsel vm8, $0x3B80, v6  }
0x1f: {  	s13 =	simm.s32 $0x1C800;
	s14 =	simm.s32 $0x1DC00;
	s15 =	simm.s32 $0x15800;
	v7 =	vsel vm8, $0x5B80, v7;
	v8 =	vsel vm8, $0x6380, v8;
	v9 =	vsel vm8, $0x8380, v9  }
0x20: {  	s19 =	simm.s32 $0x18000;
	s20 =	simm.s32 $0x19400;
	s28 =	simm.s32 $0x5;
	v10 =	vsel vm8, $0x8B80, v10;
	v3 =	vsel vm7, $0x1C00, v3;
	v4 =	vsel vm7, $0x2400, v4  }
0x21: {  	s29 =	simm.s32 $0x2;
	s1 =	sand.u32 $0x1, s1;
	s4 =	sshll.u32 s4, $0xA;
	v5 =	vsel vm7, $0x4400, v5;
	v6 =	vsel vm7, $0x4C00, v6;
	v7 =	vsel vm7, $0x6C00, v7  }
0x22: {  	s10 =	sadd.s32 $0xA00, s3;
	s5 =	sshll.u32 s1, $0x9;
	s1 =	ssub.s32 $0x2, s1;
	v8 =	vsel vm7, $0x7400, v8;
	v9 =	vsel vm7, $0x9400, v9;
	v10 =	vsel vm7, $0x9C00, v10  }
0x23: {  	s5 =	sor.u32 s5, s4;
	s4 =	simm.s32 $0x0;
	s9 =	sshrl.u32 s1, $0x1;
	v3 =	vsel vm6, $0x1C80, v3;
	v4 =	vsel vm6, $0x2480, v4;
	v5 =	vsel vm6, $0x4480, v5  }
0x24: {  	s7 =	sshrl.u32 s5, $0x3;
	[smem:$0x7FF] =	sst s4;
	s1 =	ssub.s32 s1, s9;
	v6 =	vsel vm6, $0x4C80, v6;
	v7 =	vsel vm6, $0x6C80, v7;
	v8 =	vsel vm6, $0x7480, v8  }
0x25: {  	s5 =	sshrl.u32 s5, $0x1;
	s8 =	smul.u32 $0x280, s7;
	_ =	strace $0x80000047;
	v9 =	vsel vm6, $0x9480, v9;
	v10 =	vsel vm6, $0x9C80, v10;
	v3 =	vsel vm5, $0x1D00, v3  }
0x26: {  	s7 =	smul.u32 $0x1400, s7;
	[dreg:$0x5] =	wrdreg s10;
	s5 =	sadd.s32 s6, s5;
	v4 =	vsel vm5, $0x2500, v4;
	v5 =	vsel vm5, $0x4500, v5;
	v6 =	vsel vm5, $0x4D00, v6  }
0x27: {  	s3 =	sadd.s32 $0x1E00, s3;
	s1 =	smax.u32 s1, $0x1;
	[dreg:$0x7] =	wrdreg s5;
	v7 =	vsel vm5, $0x6D00, v7;
	v8 =	vsel vm5, $0x7500, v8;
	v9 =	vsel vm5, $0x9500, v9  }
0x28: {  	[dreg:$0xf] =	wrdreg s1;
	s8 =	sadd.s32 s3, s8;
	s7 =	sshrl.u32 s7, $0x3;
	v10 =	vsel vm5, $0x9D00, v10;
	v3 =	vsel vm4, $0x1D80, v3;
	v4 =	vsel vm4, $0x2580, v4  }
0x29: {  	[dreg:$0x6] =	wrdreg s8;
	s21 =	sadd.s32 $0x1400, s8;
	s3 =	sadd.s32 s3, s7;
	v5 =	vsel vm4, $0x4580, v5;
	v6 =	vsel vm4, $0x4D80, v6;
	v7 =	vsel vm4, $0x6D80, v7  }
0x2a: {  	s30 =	simm.s32 $0x4;
	[dreg:$0x8] =	wrdreg s21;
	s22 =	sadd.s32 $0x2800, s3;
	v8 =	vsel vm4, $0x7580, v8;
	v9 =	vsel vm4, $0x9580, v9;
	v10 =	vsel vm4, $0x9D80, v10  }
0x2b: {  	s31 =	simm.s32 $0x6;
	s23 =	sadd.s32 $0x3C00, s3;
	[dreg:$0x9] =	wrdreg s22;
	v3 =	vsel vm3, $0x1E00, v3;
	v4 =	vsel vm3, $0x2600, v4;
	v5 =	vsel vm3, $0x4600, v5  }
0x2c: {  	s9 =	simm.s32 $0x17800;
	s24 =	sadd.s32 $0x5000, s3;
	[dreg:$0xa] =	wrdreg s23;
	v6 =	vsel vm3, $0x4E00, v6;
	v7 =	vsel vm3, $0x6E00, v7;
	v8 =	vsel vm3, $0x7600, v8  }
0x2d: {  	s10 =	simm.s32 $0x18C00;
	s25 =	sadd.s32 $0x6400, s3;
	[dreg:$0xb] =	wrdreg s24;
	v9 =	vsel vm3, $0x9600, v9;
	v10 =	vsel vm3, $0x9E00, v10;
	v3 =	vsel vm2, $0x1E80, v3  }
0x2e: {  	s6 =	simm.s32 $0x16C00;
	s26 =	sadd.s32 $0x7800, s3;
	[dreg:$0xc] =	wrdreg s25;
	v4 =	vsel vm2, $0x2680, v4;
	v5 =	vsel vm2, $0x4680, v5;
	v6 =	vsel vm2, $0x4E80, v6  }
0x2f: {  	s7 =	simm.s32 $0x15000;
	s3 =	sadd.s32 $0x8C00, s3;
	[dreg:$0xd] =	wrdreg s26;
	v7 =	vsel vm2, $0x6E80, v7;
	v8 =	vsel vm2, $0x7680, v8;
	v9 =	vsel vm2, $0x9680, v9  }
0x30: {  	s8 =	simm.s32 $0x16400;
	s21 =	simm.s32 $0x1A800;
	[dreg:$0xe] =	wrdreg s3;
	v10 =	vsel vm2, $0x9E80, v10;
	v3 =	vsel vm1, $0x1F00, v3;
	v4 =	vsel vm1, $0x2700, v4  }
0x31: {  	s22 =	simm.s32 $0x1BC00;
	s23 =	simm.s32 $0x1D000;
	s24 =	simm.s32 $0x1E400;
	v5 =	vsel vm1, $0x4700, v5;
	v6 =	vsel vm1, $0x4F00, v6;
	v7 =	vsel vm1, $0x6F00, v7  }
0x32: {  	s25 =	simm.s32 $0x1;
	s26 =	simm.s32 $0x3;
	s3 =	simm.s32 $0x0;
	v8 =	vsel vm1, $0x7700, v8;
	v9 =	vsel vm1, $0x9700, v9;
	v10 =	vsel vm1, $0x9F00, v10  }
.LBB2_1:
0x33: {  	s1 =	rddreg [dreg:$0x7]  }
0x34: {  	[tilespmem:s4], [sflag:$0x7] =	stream.linear.gather [hbm4b:s1+s4], $0x800, $0x38;
	[tilespmem:$0x1F000] =	vst v63  }
0x35: {  	_ =	swait.ge [sflag:s16], $0x800  }
0x36: {  	[sflag:s16] =	ssyncset.done $0x0  }
0x37: {  	s5 =	rddreg [dreg:$0x5];
	[sflag:s16] =	ssyncadd.s32 $0xFFFFF800  }
0x38: {  	[tilespmem:s17], [sflag:$0x7] =	stream.linear.gather [hbm4b:s5+s4], $0xA000, $0x38;
	[tilespmem:$0x1F000] =	vst v63  }
0x39: {  	_ =	swait.ge [sflag:s16], $0xA000  }
0x3a: {  	[sflag:s16] =	ssyncset.done $0x0  }
0x3b: {  	[sflag:s16] =	ssyncadd.s32 $0xFFFF6000  }
0x3c: {  	v11 =	vld [tilespmem:$0x0]  }
0x3d: {  	v12 =	vld [tilespmem:$0x80]  }
0x3e: {  	v13 =	vld [tilespmem:$0x100]  }
0x3f: {  	v14 =	vld [tilespmem:$0x10]  }
0x40: {  	v15 =	vld [tilespmem:$0x90]  }
0x41: {  	v16 =	vld [tilespmem:$0x110]  }
0x42: {  	v17 =	vld [tilespmem:$0x20]  }
0x43: {  	v18 =	vld [tilespmem:$0xA0]  }
0x44: {  	v19 =	vld [tilespmem:$0x120]  }
0x45: {  	v20 =	vld [tilespmem:$0x30]  }
0x46: {  	v21 =	vld [tilespmem:$0xB0]  }
0x47: {  	v22 =	vld [tilespmem:$0x130]  }
0x48: {  	v23 =	vld [tilespmem:$0x40]  }
0x49: {  	v24 =	vld [tilespmem:$0xC0]  }
0x4a: {  	v25 =	vld [tilespmem:$0x140]  }
0x4b: {  	v26 =	vld [tilespmem:$0x50]  }
0x4c: {  	v27 =	vld [tilespmem:$0xD0]  }
0x4d: {  	v28 =	vld [tilespmem:$0x150]  }
0x4e: {  	v29 =	vld [tilespmem:$0x60]  }
0x4f: {  	v30 =	vld [tilespmem:$0xE0]  }
0x50: {  	v31 =	vld [tilespmem:$0x160]  }
0x51: {  	v32 =	vld [tilespmem:$0x70]  }
0x52: {  	v33 =	vld [tilespmem:$0xF0]  }
0x53: {  	v34 =	vld [tilespmem:$0x170]  }
0x54: {  	v35 =	vld [tilespmem:$0x200]  }
0x55: {  	v36 =	vld [tilespmem:$0x280]  }
0x56: {  	v37 =	vld [tilespmem:$0x300]  }
0x57: {  	v38 =	vld [tilespmem:$0x210]  }
0x58: {  	v39 =	vld [tilespmem:$0x290]  }
0x59: {  	v40 =	vld [tilespmem:$0x310]  }
0x5a: {  	v41 =	vld [tilespmem:$0x220]  }
0x5b: {  	v42 =	vld [tilespmem:$0x2A0]  }
0x5c: {  	v43 =	vld [tilespmem:$0x320]  }
0x5d: {  	v44 =	vld [tilespmem:$0x230]  }
0x5e: {  	v45 =	vld [tilespmem:$0x2B0]  }
0x5f: {  	v46 =	vld [tilespmem:$0x330]  }
0x60: {  	v47 =	vld [tilespmem:$0x240]  }
0x61: {  	v48 =	vld [tilespmem:$0x2C0]  }
0x62: {  	v49 =	vld [tilespmem:$0x340];
	v11 =	vsub.s32 v12, v11  }
0x63: {  	v54 =	vld [tilespmem:$0x370];
	[tilespmem:$0x800] =	vst v11;
	v11 =	vsub.s32 v13, v12  }
0x64: {  	v55 =	vld [tilespmem:$0x400];
	[tilespmem:$0xC00] =	vst v11;
	v11 =	vsub.s32 v15, v14  }
0x65: {  	v56 =	vld [tilespmem:$0x480];
	[tilespmem:$0x810] =	vst v11;
	v11 =	vsub.s32 v16, v15  }
0x66: {  	v57 =	vld [tilespmem:$0x500];
	[tilespmem:$0xC10] =	vst v11;
	v11 =	vsub.s32 v18, v17  }
0x67: {  	v58 =	vld [tilespmem:$0x410];
	[tilespmem:$0x820] =	vst v11;
	v11 =	vsub.s32 v19, v18  }
0x68: {  	v59 =	vld [tilespmem:$0x490];
	[tilespmem:$0xC20] =	vst v11;
	v11 =	vsub.s32 v21, v20  }
0x69: {  	v60 =	vld [tilespmem:$0x510];
	[tilespmem:$0x830] =	vst v11;
	v11 =	vsub.s32 v22, v21  }
0x6a: {  	v61 =	vld [tilespmem:$0x420];
	[tilespmem:$0xC30] =	vst v11;
	v11 =	vsub.s32 v24, v23  }
0x6b: {  	v62 =	vld [tilespmem:$0x4A0];
	[tilespmem:$0x880] =	vst v11;
	v11 =	vsub.s32 v25, v24  }
0x6c: {  	v63 =	vld [tilespmem:$0x520];
	[tilespmem:$0xC80] =	vst v11;
	v11 =	vsub.s32 v27, v26  }
0x6d: {  	v50 =	vld [tilespmem:$0x540];
	[tilespmem:$0x890] =	vst v11;
	v11 =	vsub.s32 v28, v27  }
0x6e: {  	v51 =	vld [tilespmem:$0x450];
	[tilespmem:$0xC90] =	vst v11;
	v11 =	vsub.s32 v30, v29  }
0x6f: {  	v52 =	vld [tilespmem:$0x600];
	[tilespmem:$0x8A0] =	vst v11;
	v11 =	vsub.s32 v31, v30  }
0x70: {  	v53 =	vld [tilespmem:$0x680];
	[tilespmem:$0xCA0] =	vst v11;
	v11 =	vsub.s32 v33, v32  }
0x71: {  	v12 =	vld [tilespmem:$0x250];
	[tilespmem:$0x8B0] =	vst v11;
	v11 =	vsub.s32 v34, v33  }
0x72: {  	v13 =	vld [tilespmem:$0x2D0];
	[tilespmem:$0xCB0] =	vst v11;
	v11 =	vsub.s32 v36, v35  }
0x73: {  	v14 =	vld [tilespmem:$0x350];
	[tilespmem:$0x900] =	vst v11;
	v11 =	vsub.s32 v37, v36  }
0x74: {  	v15 =	vld [tilespmem:$0x260];
	[tilespmem:$0xD00] =	vst v11;
	v11 =	vsub.s32 v39, v38  }
0x75: {  	v16 =	vld [tilespmem:$0x2E0];
	[tilespmem:$0x910] =	vst v11;
	v11 =	vsub.s32 v40, v39  }
0x76: {  	v17 =	vld [tilespmem:$0x360];
	[tilespmem:$0xD10] =	vst v11;
	v11 =	vsub.s32 v42, v41  }
0x77: {  	v18 =	vld [tilespmem:$0x270];
	[tilespmem:$0x920] =	vst v11;
	v11 =	vsub.s32 v43, v42  }
0x78: {  	v19 =	vld [tilespmem:$0x2F0];
	[tilespmem:$0xD20] =	vst v11;
	v11 =	vsub.s32 v45, v44  }
0x79: {  	v40 =	vld [tilespmem:$0x430];
	[tilespmem:$0x930] =	vst v11;
	v11 =	vsub.s32 v46, v45  }
0x7a: {  	v41 =	vld [tilespmem:$0x4B0];
	[tilespmem:$0xD30] =	vst v11;
	v11 =	vsub.s32 v48, v47  }
0x7b: {  	v43 =	vld [tilespmem:$0x530];
	[tilespmem:$0x980] =	vst v11;
	v11 =	vsub.s32 v49, v48  }
0x7c: {  	v44 =	vld [tilespmem:$0x440];
	[tilespmem:$0xD80] =	vst v11;
	v11 =	vsub.s32 v13, v12  }
0x7d: {  	v46 =	vld [tilespmem:$0x4C0];
	[tilespmem:$0x990] =	vst v11;
	v11 =	vsub.s32 v14, v13  }
0x7e: {  	v12 =	vld [tilespmem:$0x4D0];
	[tilespmem:$0xD90] =	vst v11;
	v11 =	vsub.s32 v16, v15  }
0x7f: {  	v13 =	vld [tilespmem:$0x550];
	[tilespmem:$0x9A0] =	vst v11;
	v11 =	vsub.s32 v17, v16  }
0x80: {  	v14 =	vld [tilespmem:$0x460];
	[tilespmem:$0xDA0] =	vst v11;
	v11 =	vsub.s32 v19, v18  }
0x81: {  	v15 =	vld [tilespmem:$0x4E0];
	[tilespmem:$0x9B0] =	vst v11;
	v11 =	vsub.s32 v54, v19  }
0x82: {  	v16 =	vld [tilespmem:$0x560];
	[tilespmem:$0xDB0] =	vst v11;
	v11 =	vsub.s32 v56, v55  }
0x83: {  	v17 =	vld [tilespmem:$0x470];
	[tilespmem:$0xA00] =	vst v11;
	v11 =	vsub.s32 v57, v56  }
0x84: {  	v18 =	vld [tilespmem:$0x4F0];
	[tilespmem:$0xE00] =	vst v11;
	v11 =	vsub.s32 v59, v58  }
0x85: {  	v19 =	vld [tilespmem:$0x570];
	[tilespmem:$0xA10] =	vst v11;
	v11 =	vsub.s32 v60, v59  }
0x86: {  	v54 =	vld [tilespmem:$0x700];
	[tilespmem:$0xE10] =	vst v11;
	v11 =	vsub.s32 v62, v61  }
0x87: {  	v55 =	vld [tilespmem:$0x610];
	[tilespmem:$0xA20] =	vst v11;
	v11 =	vsub.s32 v63, v62  }
0x88: {  	v56 =	vld [tilespmem:$0x690];
	[tilespmem:$0xE20] =	vst v11;
	v11 =	vsub.s32 v41, v40  }
0x89: {  	v57 =	vld [tilespmem:$0x710];
	[tilespmem:$0xA30] =	vst v11;
	v11 =	vsub.s32 v43, v41  }
0x8a: {  	v58 =	vld [tilespmem:$0x620];
	[tilespmem:$0xE30] =	vst v11;
	v11 =	vsub.s32 v46, v44  }
0x8b: {  	v59 =	vld [tilespmem:$0x6A0];
	[tilespmem:$0xA80] =	vst v11;
	v11 =	vsub.s32 v50, v46  }
0x8c: {  	v60 =	vld [tilespmem:$0x720];
	[tilespmem:$0xE80] =	vst v11;
	v11 =	vsub.s32 v12, v51  }
0x8d: {  	v61 =	vld [tilespmem:$0x6D0];
	[tilespmem:$0xA90] =	vst v11;
	v11 =	vsub.s32 v13, v12  }
0x8e: {  	v62 =	vld [tilespmem:$0x750];
	[tilespmem:$0xE90] =	vst v11;
	v11 =	vsub.s32 v15, v14  }
0x8f: {  	v63 =	vld [tilespmem:$0x660];
	[tilespmem:$0xAA0] =	vst v11;
	v11 =	vsub.s32 v16, v15  }
0x90: {  	v12 =	vld [tilespmem:$0x630];
	[tilespmem:$0xEA0] =	vst v11;
	v11 =	vsub.s32 v18, v17  }
0x91: {  	v13 =	vld [tilespmem:$0x6B0];
	[tilespmem:$0xAB0] =	vst v11;
	v11 =	vsub.s32 v19, v18  }
0x92: {  	v14 =	vld [tilespmem:$0x730];
	[tilespmem:$0xEB0] =	vst v11;
	v11 =	vsub.s32 v53, v52  }
0x93: {  	v15 =	vld [tilespmem:$0x640];
	[tilespmem:$0xB00] =	vst v11;
	v11 =	vsub.s32 v54, v53  }
0x94: {  	v19 =	vld [tilespmem:$0x800];
	[tilespmem:$0xF00] =	vst v11;
	v11 =	vsub.s32 v56, v55  }
0x95: {  	v16 =	vld [tilespmem:$0x6C0];
	[tilespmem:$0xB10] =	vst v11;
	v11 =	vsub.s32 v57, v56  }
0x96: {  	v17 =	vld [tilespmem:$0x740];
	[tilespmem:$0xF10] =	vst v11;
	v11 =	vsub.s32 v59, v58  }
0x97: {  	v18 =	vld [tilespmem:$0x650];
	[tilespmem:$0xB20] =	vst v11;
	v11 =	vsub.s32 v60, v59  }
0x98: {  	[tilespmem:$0xF20] =	vst v11;
	v11 =	vsub.s32 v13, v12;
	v12 =	vld [tilespmem:$0x6E0]  }
0x99: {  	[tilespmem:$0xB30] =	vst v11;
	v11 =	vsub.s32 v14, v13;
	v13 =	vld [tilespmem:$0x760];
	v14 =	vshll.u32 v19, $0x1  }
0x9a: {  	v19 =	vand.u32 $0x7, v19;
	[tilespmem:$0xF30] =	vst v11;
	v11 =	vsub.s32 v16, v15;
	v15 =	vld [tilespmem:$0x670];
	v14 =	vand.u32 $0xFFFFFFF0, v14  }
0x9b: {  	[tilespmem:$0xB80] =	vst v11;
	v11 =	vsub.s32 v17, v16;
	v16 =	vld [tilespmem:$0x6F0];
	v14 =	vor.u32 v19, v14  }
0x9c: {  	v17 =	vld [tilespmem:$0x770];
	[tilespmem:$0xF80] =	vst v11;
	v11 =	vsub.s32 v61, v18;
	v18 =	vperm.xlane v14, v0  }
0x9d: {  	[tilespmem:$0xB90] =	vst v11;
	v11 =	vsub.s32 v62, v61  }
0x9e: {  	v14 =	vperm.xlane v14, v2;
	[tilespmem:$0xF90] =	vst v11;
	v11 =	vsub.s32 v12, v63;
	v18 =	vadd.s32 v1, v18  }
0x9f: {  	[tilespmem:$0xBA0] =	vst v11;
	v11 =	vsub.s32 v13, v12  }
0xa0: {  	v12 =	vadd.s32 v1, v14;
	[tilespmem:$0xFA0] =	vst v11;
	v11 =	vsub.s32 v16, v15  }
0xa1: {  	[tilespmem:$0xBB0] =	vst v11;
	v11 =	vsub.s32 v17, v16  }
0xa2: {  	[tilespmem:$0xFB0] =	vst v11  }
0xa3: {  	[tilespmem:s18], [sflag:$0x1] =	stream.indirect_vreg.gather [hbm4b:s0+s4], $0x80, v18, vm0, $0xb8;
	[tilespmem:$0x1F000] =	vst v63  }
0xa4: {  	s5 =	simm.s32 $0xC400  }
0xa5: {  	[tilespmem:s5], [sflag:$0x1] =	stream.indirect_vreg.gather [hbm4b:s0+s4], $0x80, v12, vm0, $0xb8;
	[tilespmem:$0x1F000] =	vst v63  }
0xa6: {  	v11 =	vld [tilespmem:$0x810];
	_ =	sdelay $0x4  }
0xa7: {  	v12 =	vshll.u32 v11, $0x1  }
0xa8: {  	v11 =	vand.u32 $0x7, v11;
	v12 =	vand.u32 $0xFFFFFFF0, v12  }
0xa9: {  	v11 =	vor.u32 v11, v12  }
0xaa: {  	v12 =	vperm.xlane v11, v0;
	_ =	sdelay $0x1  }
0xab: {  	v11 =	vperm.xlane v11, v2;
	v12 =	vadd.s32 v1, v12;
	_ =	sdelay $0x1  }
0xac: {  	v11 =	vadd.s32 v1, v11;
	_ =	sdelay $0x1  }
0xad: {  	s5 =	simm.s32 $0xD800  }
0xae: {  	[tilespmem:s5], [sflag:$0x1] =	stream.indirect_vreg.gather [hbm4b:s0+s4], $0x80, v12, vm0, $0xb8;
	[tilespmem:$0x1F000] =	vst v63  }
0xaf: {  	s5 =	simm.s32 $0xEC00  }
0xb0: {  	[tilespmem:s5], [sflag:$0x1] =	stream.indirect_vreg.gather [hbm4b:s0+s4], $0x80, v11, vm0, $0xb8;
	[tilespmem:$0x1F000] =	vst v63  }
0xb1: {  	v11 =	vld [tilespmem:$0x820];
	_ =	sdelay $0x4  }
0xb2: {  	v12 =	vshll.u32 v11, $0x1  }
0xb3: {  	v11 =	vand.u32 $0x7, v11;
	v12 =	vand.u32 $0xFFFFFFF0, v12  }
0xb4: {  	v11 =	vor.u32 v11, v12  }
0xb5: {  	v12 =	vperm.xlane v11, v0;
	_ =	sdelay $0x1  }
0xb6: {  	v11 =	vperm.xlane v11, v2;
	v12 =	vadd.s32 v1, v12;
	_ =	sdelay $0x1  }
0xb7: {  	v11 =	vadd.s32 v1, v11;
	_ =	sdelay $0x1  }
0xb8: {  	s5 =	simm.s32 $0x10000  }
0xb9: {  	[tilespmem:s5], [sflag:$0x1] =	stream.indirect_vreg.gather [hbm4b:s0+s4], $0x80, v12, vm0, $0xb8;
	[tilespmem:$0x1F000] =	vst v63  }
0xba: {  	s5 =	simm.s32 $0x11400  }
0xbb: {  	[tilespmem:s5], [sflag:$0x1] =	stream.indirect_vreg.gather [hbm4b:s0+s4], $0x80, v11, vm0, $0xb8;
	[tilespmem:$0x1F000] =	vst v63  }
0xbc: {  	v11 =	vld [tilespmem:$0x830];
	_ =	sdelay $0x4  }
0xbd: {  	v12 =	vshll.u32 v11, $0x1  }
0xbe: {  	v11 =	vand.u32 $0x7, v11;
	v12 =	vand.u32 $0xFFFFFFF0, v12  }
0xbf: {  	v11 =	vor.u32 v11, v12  }
0xc0: {  	v12 =	vperm.xlane v11, v0;
	_ =	sdelay $0x1  }
0xc1: {  	v11 =	vperm.xlane v11, v2;
	v12 =	vadd.s32 v1, v12;
	_ =	sdelay $0x1  }
0xc2: {  	v11 =	vadd.s32 v1, v11;
	_ =	sdelay $0x1  }
0xc3: {  	s5 =	simm.s32 $0x12800  }
0xc4: {  	[tilespmem:s5], [sflag:$0x1] =	stream.indirect_vreg.gather [hbm4b:s0+s4], $0x80, v12, vm0, $0xb8;
	[tilespmem:$0x1F000] =	vst v63  }
0xc5: {  	s5 =	simm.s32 $0x13C00  }
0xc6: {  	[tilespmem:s5], [sflag:$0x1] =	stream.indirect_vreg.gather [hbm4b:s0+s4], $0x80, v11, vm0, $0xb8;
	[tilespmem:$0x1F000] =	vst v63  }
0xc7: {  	v11 =	vld [tilespmem:$0xC00];
	_ =	sdelay $0x4  }
0xc8: {  	v12 =	vshll.u32 v11, $0x1  }
0xc9: {  	v11 =	vand.u32 $0x7, v11;
	v12 =	vand.u32 $0xFFFFFFF0, v12  }
0xca: {  	v11 =	vor.u32 v11, v12  }
0xcb: {  	v12 =	vperm.xlane v11, v0;
	_ =	sdelay $0x1  }
0xcc: {  	v11 =	vperm.xlane v11, v2;
	v12 =	vadd.s32 v1, v12;
	_ =	sdelay $0x1  }
0xcd: {  	v11 =	vadd.s32 v1, v11;
	_ =	sdelay $0x1  }
0xce: {  	s5 =	simm.s32 $0xB800  }
0xcf: {  	[tilespmem:s5], [sflag:$0x3] =	stream.indirect_vreg.gather [hbm4b:s2+s4], $0x80, v12, vm0, $0xb8;
	[tilespmem:$0x1F000] =	vst v63  }
0xd0: {  	s5 =	simm.s32 $0xCC00  }
0xd1: {  	[tilespmem:s5], [sflag:$0x3] =	stream.indirect_vreg.gather [hbm4b:s2+s4], $0x80, v11, vm0, $0xb8;
	[tilespmem:$0x1F000] =	vst v63  }
0xd2: {  	v11 =	vld [tilespmem:$0xC10];
	_ =	sdelay $0x4  }
0xd3: {  	v12 =	vshll.u32 v11, $0x1  }
0xd4: {  	v11 =	vand.u32 $0x7, v11;
	v12 =	vand.u32 $0xFFFFFFF0, v12  }
0xd5: {  	v11 =	vor.u32 v11, v12  }
0xd6: {  	v12 =	vperm.xlane v11, v0;
	_ =	sdelay $0x1  }
0xd7: {  	v11 =	vperm.xlane v11, v2;
	v12 =	vadd.s32 v1, v12;
	_ =	sdelay $0x1  }
0xd8: {  	v11 =	vadd.s32 v1, v11;
	_ =	sdelay $0x1  }
0xd9: {  	s5 =	simm.s32 $0xE000  }
0xda: {  	[tilespmem:s5], [sflag:$0x3] =	stream.indirect_vreg.gather [hbm4b:s2+s4], $0x80, v12, vm0, $0xb8;
	[tilespmem:$0x1F000] =	vst v63  }
0xdb: {  	s5 =	simm.s32 $0xF400  }
0xdc: {  	[tilespmem:s5], [sflag:$0x3] =	stream.indirect_vreg.gather [hbm4b:s2+s4], $0x80, v11, vm0, $0xb8;
	[tilespmem:$0x1F000] =	vst v63  }
0xdd: {  	v11 =	vld [tilespmem:$0xC20];
	_ =	sdelay $0x4  }
0xde: {  	v12 =	vshll.u32 v11, $0x1  }
0xdf: {  	v11 =	vand.u32 $0x7, v11;
	v12 =	vand.u32 $0xFFFFFFF0, v12  }
0xe0: {  	v11 =	vor.u32 v11, v12  }
0xe1: {  	v12 =	vperm.xlane v11, v0;
	_ =	sdelay $0x1  }
0xe2: {  	v11 =	vperm.xlane v11, v2;
	v12 =	vadd.s32 v1, v12;
	_ =	sdelay $0x1  }
0xe3: {  	v11 =	vadd.s32 v1, v11;
	_ =	sdelay $0x1  }
0xe4: {  	s5 =	simm.s32 $0x10800  }
0xe5: {  	[tilespmem:s5], [sflag:$0x3] =	stream.indirect_vreg.gather [hbm4b:s2+s4], $0x80, v12, vm0, $0xb8;
	[tilespmem:$0x1F000] =	vst v63  }
0xe6: {  	s5 =	simm.s32 $0x11C00  }
0xe7: {  	[tilespmem:s5], [sflag:$0x3] =	stream.indirect_vreg.gather [hbm4b:s2+s4], $0x80, v11, vm0, $0xb8;
	[tilespmem:$0x1F000] =	vst v63  }
0xe8: {  	v11 =	vld [tilespmem:$0xC30];
	_ =	sdelay $0x4  }
0xe9: {  	v12 =	vshll.u32 v11, $0x1  }
0xea: {  	v11 =	vand.u32 $0x7, v11;
	v12 =	vand.u32 $0xFFFFFFF0, v12  }
0xeb: {  	v11 =	vor.u32 v11, v12  }
0xec: {  	v12 =	vperm.xlane v11, v0;
	_ =	sdelay $0x1  }
0xed: {  	v11 =	vperm.xlane v11, v2;
	v12 =	vadd.s32 v1, v12;
	_ =	sdelay $0x1  }
0xee: {  	v11 =	vadd.s32 v1, v11;
	_ =	sdelay $0x1  }
0xef: {  	s5 =	simm.s32 $0x13000  }
0xf0: {  	[tilespmem:s5], [sflag:$0x3] =	stream.indirect_vreg.gather [hbm4b:s2+s4], $0x80, v12, vm0, $0xb8;
	[tilespmem:$0x1F000] =	vst v63  }
0xf1: {  	s5 =	simm.s32 $0x14400  }
0xf2: {  	[tilespmem:s5], [sflag:$0x3] =	stream.indirect_vreg.gather [hbm4b:s2+s4], $0x80, v11, vm0, $0xb8;
	[tilespmem:$0x1F000] =	vst v63  }
0xf3: {  	v11 =	vld [tilespmem:$0x880];
	_ =	sdelay $0x4  }
0xf4: {  	v12 =	vshll.u32 v11, $0x1  }
0xf5: {  	v11 =	vand.u32 $0x7, v11;
	v12 =	vand.u32 $0xFFFFFFF0, v12  }
0xf6: {  	v11 =	vor.u32 v11, v12  }
0xf7: {  	v12 =	vperm.xlane v11, v0;
	_ =	sdelay $0x1  }
0xf8: {  	v11 =	vperm.xlane v11, v2;
	v12 =	vadd.s32 v1, v12;
	_ =	sdelay $0x1  }
0xf9: {  	v11 =	vadd.s32 v1, v11;
	_ =	sdelay $0x2  }
0xfa: {  	[tilespmem:s7], [sflag:$0x2] =	stream.indirect_vreg.gather [hbm4b:s0+s4], $0x80, v12, vm0, $0xb8;
	[tilespmem:$0x1F000] =	vst v63  }
0xfb: {  	_ = 	snop  }
0xfc: {  	[tilespmem:s8], [sflag:$0x2] =	stream.indirect_vreg.gather [hbm4b:s0+s4], $0x80, v11, vm0, $0xb8;
	[tilespmem:$0x1F000] =	vst v63  }
0xfd: {  	v11 =	vld [tilespmem:$0x890];
	_ =	sdelay $0x4  }
0xfe: {  	v12 =	vshll.u32 v11, $0x1  }
0xff: {  	v11 =	vand.u32 $0x7, v11;
	v12 =	vand.u32 $0xFFFFFFF0, v12  }
0x100: {  	v11 =	vor.u32 v11, v12  }
0x101: {  	v12 =	vperm.xlane v11, v0;
	_ =	sdelay $0x1  }
0x102: {  	v11 =	vperm.xlane v11, v2;
	v12 =	vadd.s32 v1, v12;
	_ =	sdelay $0x1  }
0x103: {  	v11 =	vadd.s32 v1, v11;
	_ =	sdelay $0x2  }
0x104: {  	[tilespmem:s9], [sflag:$0x2] =	stream.indirect_vreg.gather [hbm4b:s0+s4], $0x80, v12, vm0, $0xb8;
	[tilespmem:$0x1F000] =	vst v63  }
0x105: {  	_ = 	snop  }
0x106: {  	[tilespmem:s10], [sflag:$0x2] =	stream.indirect_vreg.gather [hbm4b:s0+s4], $0x80, v11, vm0, $0xb8;
	[tilespmem:$0x1F000] =	vst v63  }
0x107: {  	v11 =	vld [tilespmem:$0x8A0];
	_ =	sdelay $0x4  }
0x108: {  	v12 =	vshll.u32 v11, $0x1  }
0x109: {  	v11 =	vand.u32 $0x7, v11;
	v12 =	vand.u32 $0xFFFFFFF0, v12  }
0x10a: {  	v11 =	vor.u32 v11, v12  }
0x10b: {  	v12 =	vperm.xlane v11, v0;
	_ =	sdelay $0x1  }
0x10c: {  	v11 =	vperm.xlane v11, v2;
	v12 =	vadd.s32 v1, v12;
	_ =	sdelay $0x1  }
0x10d: {  	v11 =	vadd.s32 v1, v11;
	_ =	sdelay $0x2  }
0x10e: {  	[tilespmem:s11], [sflag:$0x2] =	stream.indirect_vreg.gather [hbm4b:s0+s4], $0x80, v12, vm0, $0xb8;
	[tilespmem:$0x1F000] =	vst v63  }
0x10f: {  	_ = 	snop  }
0x110: {  	[tilespmem:s12], [sflag:$0x2] =	stream.indirect_vreg.gather [hbm4b:s0+s4], $0x80, v11, vm0, $0xb8;
	[tilespmem:$0x1F000] =	vst v63  }
0x111: {  	v11 =	vld [tilespmem:$0x8B0];
	_ =	sdelay $0x4  }
0x112: {  	v12 =	vshll.u32 v11, $0x1  }
0x113: {  	v11 =	vand.u32 $0x7, v11;
	v12 =	vand.u32 $0xFFFFFFF0, v12  }
0x114: {  	v11 =	vor.u32 v11, v12  }
0x115: {  	v12 =	vperm.xlane v11, v0;
	_ =	sdelay $0x1  }
0x116: {  	v11 =	vperm.xlane v11, v2;
	v12 =	vadd.s32 v1, v12;
	_ =	sdelay $0x1  }
0x117: {  	v11 =	vadd.s32 v1, v11;
	_ =	sdelay $0x2  }
0x118: {  	[tilespmem:s13], [sflag:$0x2] =	stream.indirect_vreg.gather [hbm4b:s0+s4], $0x80, v12, vm0, $0xb8;
	[tilespmem:$0x1F000] =	vst v63  }
0x119: {  	_ = 	snop  }
0x11a: {  	[tilespmem:s14], [sflag:$0x2] =	stream.indirect_vreg.gather [hbm4b:s0+s4], $0x80, v11, vm0, $0xb8;
	[tilespmem:$0x1F000] =	vst v63  }
0x11b: {  	v11 =	vld [tilespmem:$0xC80];
	_ =	sdelay $0x4  }
0x11c: {  	v12 =	vshll.u32 v11, $0x1  }
0x11d: {  	v11 =	vand.u32 $0x7, v11;
	v12 =	vand.u32 $0xFFFFFFF0, v12  }
0x11e: {  	v11 =	vor.u32 v11, v12  }
0x11f: {  	v12 =	vperm.xlane v11, v0;
	_ =	sdelay $0x1  }
0x120: {  	v11 =	vperm.xlane v11, v2;
	v12 =	vadd.s32 v1, v12;
	_ =	sdelay $0x1  }
0x121: {  	v11 =	vadd.s32 v1, v11;
	_ =	sdelay $0x2  }
0x122: {  	[tilespmem:s15], [sflag:$0x4] =	stream.indirect_vreg.gather [hbm4b:s2+s4], $0x80, v12, vm0, $0xb8;
	[tilespmem:$0x1F000] =	vst v63  }
0x123: {  	_ = 	snop  }
0x124: {  	[tilespmem:s6], [sflag:$0x4] =	stream.indirect_vreg.gather [hbm4b:s2+s4], $0x80, v11, vm0, $0xb8;
	[tilespmem:$0x1F000] =	vst v63  }
0x125: {  	v11 =	vld [tilespmem:$0xC90];
	_ =	sdelay $0x4  }
0x126: {  	v12 =	vshll.u32 v11, $0x1  }
0x127: {  	v11 =	vand.u32 $0x7, v11;
	v12 =	vand.u32 $0xFFFFFFF0, v12  }
0x128: {  	v11 =	vor.u32 v11, v12  }
0x129: {  	v12 =	vperm.xlane v11, v0;
	_ =	sdelay $0x1  }
0x12a: {  	v11 =	vperm.xlane v11, v2;
	v12 =	vadd.s32 v1, v12;
	_ =	sdelay $0x1  }
0x12b: {  	v11 =	vadd.s32 v1, v11;
	_ =	sdelay $0x2  }
0x12c: {  	[tilespmem:s19], [sflag:$0x4] =	stream.indirect_vreg.gather [hbm4b:s2+s4], $0x80, v12, vm0, $0xb8;
	[tilespmem:$0x1F000] =	vst v63  }
0x12d: {  	_ = 	snop  }
0x12e: {  	[tilespmem:s20], [sflag:$0x4] =	stream.indirect_vreg.gather [hbm4b:s2+s4], $0x80, v11, vm0, $0xb8;
	[tilespmem:$0x1F000] =	vst v63  }
0x12f: {  	v11 =	vld [tilespmem:$0xCA0];
	_ =	sdelay $0x4  }
0x130: {  	v12 =	vshll.u32 v11, $0x1  }
0x131: {  	v11 =	vand.u32 $0x7, v11;
	v12 =	vand.u32 $0xFFFFFFF0, v12  }
0x132: {  	v11 =	vor.u32 v11, v12  }
0x133: {  	v12 =	vperm.xlane v11, v0;
	_ =	sdelay $0x1  }
0x134: {  	v11 =	vperm.xlane v11, v2;
	v12 =	vadd.s32 v1, v12;
	_ =	sdelay $0x1  }
0x135: {  	v11 =	vadd.s32 v1, v11;
	_ =	sdelay $0x2  }
0x136: {  	[tilespmem:s21], [sflag:$0x4] =	stream.indirect_vreg.gather [hbm4b:s2+s4], $0x80, v12, vm0, $0xb8;
	[tilespmem:$0x1F000] =	vst v63  }
0x137: {  	_ = 	snop  }
0x138: {  	[tilespmem:s22], [sflag:$0x4] =	stream.indirect_vreg.gather [hbm4b:s2+s4], $0x80, v11, vm0, $0xb8;
	[tilespmem:$0x1F000] =	vst v63  }
0x139: {  	v11 =	vld [tilespmem:$0xCB0];
	_ =	sdelay $0x4  }
0x13a: {  	v12 =	vshll.u32 v11, $0x1  }
0x13b: {  	v11 =	vand.u32 $0x7, v11;
	v12 =	vand.u32 $0xFFFFFFF0, v12  }
0x13c: {  	v11 =	vor.u32 v11, v12  }
0x13d: {  	v12 =	vperm.xlane v11, v0;
	_ =	sdelay $0x1  }
0x13e: {  	v11 =	vperm.xlane v11, v2;
	v12 =	vadd.s32 v1, v12;
	_ =	sdelay $0x1  }
0x13f: {  	v11 =	vadd.s32 v1, v11;
	_ =	sdelay $0x2  }
0x140: {  	[tilespmem:s23], [sflag:$0x4] =	stream.indirect_vreg.gather [hbm4b:s2+s4], $0x80, v12, vm0, $0xb8;
	[tilespmem:$0x1F000] =	vst v63  }
0x141: {  	_ = 	snop  }
0x142: {  	[tilespmem:s24], [sflag:$0x4] =	stream.indirect_vreg.gather [hbm4b:s2+s4], $0x80, v11, vm0, $0xb8;
	[tilespmem:$0x1F000] =	vst v63  }
0x143: {  	_ =	swait.ge [sflag:s25], $0x4000  }
0x144: {  	[sflag:s25] =	ssyncset.done $0x0  }
0x145: {  	[sflag:s25] =	ssyncadd.s32 $0xFFFFC000  }
0x146: {  	_ =	swait.ge [sflag:s26], $0x4000  }
0x147: {  	[sflag:s26] =	ssyncset.done $0x0  }
0x148: {  	[sflag:s26] =	ssyncadd.s32 $0xFFFFC000  }
0x149: {  	v11 =	vld [tilespmem:$0x800];
	_ =	sdelay $0x2  }
0x14a: {  	v12 =	vmov s4  }
0x14b: {  	v13 =	vadd.s32 $0x14, v12  }
0x14c: {  	v13 =	vbroadcast v13, $0x0;
	v11 =	vmul.u32 $0x28, v11;
	_ =	sdelay $0x1  }
0x14d: {  	v13 =	vadd.s32 v11, v13  }
0x14e: {  	s5 =	simm.s32 $0x1  }
0x14f: {  	v17 =	vmov s5;
	v12 =	vand.u32 $0x1F, v12  }
0x150: {  	v14 =	vadd.s32 $0x14, v17;
	v15 =	vbroadcast v12, $0x0  }
0x151: {  	v18 =	vbroadcast v14, $0x0  }
0x152: {  	v16 =	vor.u32 v3, v15;
	v14 =	vld.idx.msk [tilespmem:v13+s17+$0x0], $0xffff  }
0x153: {  	v15 =	vadd.s32 v11, v18;
	_ =	sdelay $0x1  }
0x154: {  	s5 =	simm.s32 $0x2  }
0x155: {  	s1 =	simm.s32 $0x3;
	v17 =	vand.u32 $0x1F, v17;
	v12 =	vld [tilespmem:$0xC00];
	v13 =	vmov s5  }
.LBB2_2:
0x156: {  	p0 =	sne.s32 s1, $0x13;
	v18 =	vadd.s32 $0x14, v13;
	v17 =	vbroadcast v17, $0x0;
	[tilespmem:v16+s18+$0x0] =	vst.idx.msk $0xffff, v14  }
0x157: {  	v18 =	vbroadcast v18, $0x0;
	v14 =	vld.idx.msk [tilespmem:v15+s17+$0x0], $0xffff  }
.Ltmp0:
0x158: {  	v16 =	vor.u32 v3, v17;
	(pc) =	sbr.rel @p0 .LBB2_2-.Ltmp0, $2  }
0x159: {  	v15 =	vadd.s32 v11, v18;
	_ =	sdelay $0x2  }
0x15a: {  	v17 =	vand.u32 $0x1F, v13;
	v13 =	vmov s1;
	s1 =	sadd.s32 $0x1, s1  }
0x15b: {  	_ =	sdelay $0x2  }
0x15c: {  	v18 =	vadd.s32 $0x14, v13;
	v17 =	vbroadcast v17, $0x0  }
0x15d: {  	[tilespmem:v16+s18+$0x0] =	vst.idx.msk $0xffff, v14;
	v14 =	vbroadcast v18, $0x0  }
0x15e: {  	v15 =	vld.idx.msk [tilespmem:v15+s17+$0x0], $0xffff;
	v63 =	vor.u32 v3, v17  }
0x15f: {  	v14 =	vadd.s32 v11, v14;
	_ =	sdelay $0x1  }
0x160: {  	v11 =	vand.u32 $0x1F, v13  }
0x161: {  	v13 =	vbroadcast v11, $0x0  }
0x162: {  	v11 =	vmul.u32 $0x28, v12;
	[tilespmem:v63+s18+$0x0] =	vst.idx.msk $0xffff, v15  }
0x163: {  	s1 =	simm.s32 $0x0;
	v13 =	vor.u32 v3, v13;
	v12 =	vld.idx.msk [tilespmem:v14+s17+$0x0], $0xffff  }
0x164: {  	v14 =	vadd.s32 s1, v11  }
0x165: {  	v15 =	vmov s1  }
0x166: {  	v15 =	vand.u32 $0x3F, v15  }
0x167: {  	v15 =	vbroadcast v15, $0x0  }
0x168: {  	[tilespmem:v13+s18+$0x0] =	vst.idx.msk $0xffff, v12  }
0x169: {  	s1 =	simm.s32 $0x1;
	v13 =	vor.u32 v4, v15;
	v12 =	vld.idx.msk [tilespmem:v14+s17+$0x0], $0xffff  }
0x16a: {  	s5 =	simm.s32 $0x2;
	v14 =	vadd.s32 s1, v11  }
.LBB2_4:
0x16b: {  	p0 =	sne.s32 s5, $0x27  }
0x16c: {  	v15 =	vmov s1;
	s1 =	smov.u32 s5  }
.Ltmp1:
0x16d: {  	v15 =	vand.u32 $0x3F, v15;
	(pc) =	sbr.rel @p0 .LBB2_4-.Ltmp1, $4  }
0x16e: {  	v15 =	vbroadcast v15, $0x0;
	[tilespmem:v13+s18+$0x0] =	vst.idx.msk $0xffff, v12  }
0x16f: {  	v12 =	vld.idx.msk [tilespmem:v14+s17+$0x0], $0xffff  }
0x170: {  	v13 =	vor.u32 v4, v15  }
0x171: {  	s5 =	sadd.s32 $0x1, s5;
	v14 =	vadd.s32 s1, v11  }
0x172: {  	_ = 	snop  }
0x173: {  	v11 =	vmov s1  }
0x174: {  	v11 =	vand.u32 $0x3F, v11  }
0x175: {  	v11 =	vbroadcast v11, $0x0  }
0x176: {  	[tilespmem:v13+s18+$0x0] =	vst.idx.msk $0xffff, v12  }
0x177: {  	v12 =	vld.idx.msk [tilespmem:v14+s17+$0x0], $0xffff;
	v11 =	vor.u32 v4, v11;
	_ =	sdelay $0x4  }
0x178: {  	[tilespmem:v11+s18+$0x0] =	vst.idx.msk $0xffff, v12  }
0x179: {  	v11 =	vld [tilespmem:$0x810];
	_ =	sdelay $0x1  }
0x17a: {  	s5 =	simm.s32 $0x0  }
0x17b: {  	v12 =	vmov s5  }
0x17c: {  	v13 =	vadd.s32 $0x14, v12  }
0x17d: {  	v13 =	vbroadcast v13, $0x0;
	v11 =	vmul.u32 $0x28, v11;
	_ =	sdelay $0x1  }
0x17e: {  	v13 =	vadd.s32 v11, v13  }
0x17f: {  	s5 =	simm.s32 $0x1  }
0x180: {  	v17 =	vmov s5;
	v12 =	vand.u32 $0x1F, v12  }
0x181: {  	v14 =	vadd.s32 $0x14, v17;
	v15 =	vbroadcast v12, $0x0  }
0x182: {  	v18 =	vbroadcast v14, $0x0  }
0x183: {  	v16 =	vor.u32 v5, v15;
	v14 =	vld.idx.msk [tilespmem:v13+s17+$0x0], $0xffff  }
0x184: {  	v15 =	vadd.s32 v11, v18;
	_ =	sdelay $0x1  }
0x185: {  	s5 =	simm.s32 $0x2  }
0x186: {  	s1 =	simm.s32 $0x3;
	v12 =	vld [tilespmem:$0xC10];
	v17 =	vand.u32 $0x1F, v17;
	v13 =	vmov s5  }
.LBB2_6:
0x187: {  	p0 =	sne.s32 s1, $0x13;
	v18 =	vadd.s32 $0x14, v13;
	v17 =	vbroadcast v17, $0x0;
	[tilespmem:v16+s18+$0x0] =	vst.idx.msk $0xffff, v14  }
0x188: {  	v18 =	vbroadcast v18, $0x0;
	v14 =	vld.idx.msk [tilespmem:v15+s17+$0x0], $0xffff  }
.Ltmp2:
0x189: {  	v16 =	vor.u32 v5, v17;
	(pc) =	sbr.rel @p0 .LBB2_6-.Ltmp2, $2  }
0x18a: {  	v15 =	vadd.s32 v11, v18;
	_ =	sdelay $0x2  }
0x18b: {  	v17 =	vand.u32 $0x1F, v13;
	v13 =	vmov s1;
	s1 =	sadd.s32 $0x1, s1  }
0x18c: {  	_ =	sdelay $0x2  }
0x18d: {  	v18 =	vadd.s32 $0x14, v13;
	v17 =	vbroadcast v17, $0x0  }
0x18e: {  	[tilespmem:v16+s18+$0x0] =	vst.idx.msk $0xffff, v14;
	v14 =	vbroadcast v18, $0x0  }
0x18f: {  	v15 =	vld.idx.msk [tilespmem:v15+s17+$0x0], $0xffff;
	v63 =	vor.u32 v5, v17  }
0x190: {  	v14 =	vadd.s32 v11, v14;
	_ =	sdelay $0x1  }
0x191: {  	v11 =	vand.u32 $0x1F, v13  }
0x192: {  	v13 =	vbroadcast v11, $0x0  }
0x193: {  	v11 =	vmul.u32 $0x28, v12;
	[tilespmem:v63+s18+$0x0] =	vst.idx.msk $0xffff, v15  }
0x194: {  	s1 =	simm.s32 $0x0;
	v13 =	vor.u32 v5, v13;
	v12 =	vld.idx.msk [tilespmem:v14+s17+$0x0], $0xffff  }
0x195: {  	v14 =	vadd.s32 s1, v11  }
0x196: {  	v15 =	vmov s1  }
0x197: {  	v15 =	vand.u32 $0x3F, v15  }
0x198: {  	v15 =	vbroadcast v15, $0x0  }
0x199: {  	[tilespmem:v13+s18+$0x0] =	vst.idx.msk $0xffff, v12  }
0x19a: {  	s1 =	simm.s32 $0x1;
	v13 =	vor.u32 v6, v15;
	v12 =	vld.idx.msk [tilespmem:v14+s17+$0x0], $0xffff  }
0x19b: {  	s5 =	simm.s32 $0x2;
	v14 =	vadd.s32 s1, v11  }
.LBB2_8:
0x19c: {  	p0 =	sne.s32 s5, $0x27  }
0x19d: {  	v15 =	vmov s1;
	s1 =	smov.u32 s5  }
.Ltmp3:
0x19e: {  	v15 =	vand.u32 $0x3F, v15;
	(pc) =	sbr.rel @p0 .LBB2_8-.Ltmp3, $4  }
0x19f: {  	v15 =	vbroadcast v15, $0x0;
	[tilespmem:v13+s18+$0x0] =	vst.idx.msk $0xffff, v12  }
0x1a0: {  	v12 =	vld.idx.msk [tilespmem:v14+s17+$0x0], $0xffff  }
0x1a1: {  	v13 =	vor.u32 v6, v15  }
0x1a2: {  	s5 =	sadd.s32 $0x1, s5;
	v14 =	vadd.s32 s1, v11  }
0x1a3: {  	_ = 	snop  }
0x1a4: {  	v11 =	vmov s1  }
0x1a5: {  	v11 =	vand.u32 $0x3F, v11  }
0x1a6: {  	v11 =	vbroadcast v11, $0x0  }
0x1a7: {  	[tilespmem:v13+s18+$0x0] =	vst.idx.msk $0xffff, v12  }
0x1a8: {  	v12 =	vld.idx.msk [tilespmem:v14+s17+$0x0], $0xffff;
	v11 =	vor.u32 v6, v11;
	_ =	sdelay $0x4  }
0x1a9: {  	[tilespmem:v11+s18+$0x0] =	vst.idx.msk $0xffff, v12  }
0x1aa: {  	v11 =	vld [tilespmem:$0x820];
	_ =	sdelay $0x1  }
0x1ab: {  	s5 =	simm.s32 $0x0  }
0x1ac: {  	v12 =	vmov s5  }
0x1ad: {  	v13 =	vadd.s32 $0x14, v12  }
0x1ae: {  	v13 =	vbroadcast v13, $0x0;
	v11 =	vmul.u32 $0x28, v11;
	_ =	sdelay $0x1  }
0x1af: {  	v13 =	vadd.s32 v11, v13  }
0x1b0: {  	s5 =	simm.s32 $0x1  }
0x1b1: {  	v17 =	vmov s5;
	v12 =	vand.u32 $0x1F, v12  }
0x1b2: {  	v14 =	vadd.s32 $0x14, v17;
	v15 =	vbroadcast v12, $0x0  }
0x1b3: {  	v18 =	vbroadcast v14, $0x0  }
0x1b4: {  	v16 =	vor.u32 v7, v15;
	v14 =	vld.idx.msk [tilespmem:v13+s17+$0x0], $0xffff  }
0x1b5: {  	v15 =	vadd.s32 v11, v18;
	_ =	sdelay $0x1  }
0x1b6: {  	s5 =	simm.s32 $0x2  }
0x1b7: {  	s1 =	simm.s32 $0x3;
	v12 =	vld [tilespmem:$0xC20];
	v17 =	vand.u32 $0x1F, v17;
	v13 =	vmov s5  }
.LBB2_10:
0x1b8: {  	p0 =	sne.s32 s1, $0x13;
	v18 =	vadd.s32 $0x14, v13;
	v17 =	vbroadcast v17, $0x0;
	[tilespmem:v16+s18+$0x0] =	vst.idx.msk $0xffff, v14  }
0x1b9: {  	v18 =	vbroadcast v18, $0x0;
	v14 =	vld.idx.msk [tilespmem:v15+s17+$0x0], $0xffff  }
.Ltmp4:
0x1ba: {  	v16 =	vor.u32 v7, v17;
	(pc) =	sbr.rel @p0 .LBB2_10-.Ltmp4, $2  }
0x1bb: {  	v15 =	vadd.s32 v11, v18;
	_ =	sdelay $0x2  }
0x1bc: {  	v17 =	vand.u32 $0x1F, v13;
	v13 =	vmov s1;
	s1 =	sadd.s32 $0x1, s1  }
0x1bd: {  	_ =	sdelay $0x2  }
0x1be: {  	v18 =	vadd.s32 $0x14, v13;
	v17 =	vbroadcast v17, $0x0  }
0x1bf: {  	[tilespmem:v16+s18+$0x0] =	vst.idx.msk $0xffff, v14;
	v14 =	vbroadcast v18, $0x0  }
0x1c0: {  	v15 =	vld.idx.msk [tilespmem:v15+s17+$0x0], $0xffff;
	v63 =	vor.u32 v7, v17  }
0x1c1: {  	v14 =	vadd.s32 v11, v14;
	_ =	sdelay $0x1  }
0x1c2: {  	v11 =	vand.u32 $0x1F, v13  }
0x1c3: {  	v13 =	vbroadcast v11, $0x0  }
0x1c4: {  	v11 =	vmul.u32 $0x28, v12;
	[tilespmem:v63+s18+$0x0] =	vst.idx.msk $0xffff, v15  }
0x1c5: {  	s1 =	simm.s32 $0x0;
	v13 =	vor.u32 v7, v13;
	v12 =	vld.idx.msk [tilespmem:v14+s17+$0x0], $0xffff  }
0x1c6: {  	v14 =	vadd.s32 s1, v11  }
0x1c7: {  	v15 =	vmov s1  }
0x1c8: {  	v15 =	vand.u32 $0x3F, v15  }
0x1c9: {  	v15 =	vbroadcast v15, $0x0  }
0x1ca: {  	[tilespmem:v13+s18+$0x0] =	vst.idx.msk $0xffff, v12  }
0x1cb: {  	s1 =	simm.s32 $0x1;
	v13 =	vor.u32 v8, v15;
	v12 =	vld.idx.msk [tilespmem:v14+s17+$0x0], $0xffff  }
0x1cc: {  	s5 =	simm.s32 $0x2;
	v14 =	vadd.s32 s1, v11  }
.LBB2_12:
0x1cd: {  	p0 =	sne.s32 s5, $0x27  }
0x1ce: {  	v15 =	vmov s1;
	s1 =	smov.u32 s5  }
.Ltmp5:
0x1cf: {  	v15 =	vand.u32 $0x3F, v15;
	(pc) =	sbr.rel @p0 .LBB2_12-.Ltmp5, $4  }
0x1d0: {  	v15 =	vbroadcast v15, $0x0;
	[tilespmem:v13+s18+$0x0] =	vst.idx.msk $0xffff, v12  }
0x1d1: {  	v12 =	vld.idx.msk [tilespmem:v14+s17+$0x0], $0xffff  }
0x1d2: {  	v13 =	vor.u32 v8, v15  }
0x1d3: {  	s5 =	sadd.s32 $0x1, s5;
	v14 =	vadd.s32 s1, v11  }
0x1d4: {  	_ = 	snop  }
0x1d5: {  	v11 =	vmov s1  }
0x1d6: {  	v11 =	vand.u32 $0x3F, v11  }
0x1d7: {  	v11 =	vbroadcast v11, $0x0  }
0x1d8: {  	[tilespmem:v13+s18+$0x0] =	vst.idx.msk $0xffff, v12  }
0x1d9: {  	v12 =	vld.idx.msk [tilespmem:v14+s17+$0x0], $0xffff;
	v11 =	vor.u32 v8, v11;
	_ =	sdelay $0x4  }
0x1da: {  	[tilespmem:v11+s18+$0x0] =	vst.idx.msk $0xffff, v12  }
0x1db: {  	v11 =	vld [tilespmem:$0x830];
	_ =	sdelay $0x1  }
0x1dc: {  	s5 =	simm.s32 $0x0  }
0x1dd: {  	v12 =	vmov s5  }
0x1de: {  	v13 =	vadd.s32 $0x14, v12  }
0x1df: {  	v13 =	vbroadcast v13, $0x0;
	v11 =	vmul.u32 $0x28, v11;
	_ =	sdelay $0x1  }
0x1e0: {  	v13 =	vadd.s32 v11, v13  }
0x1e1: {  	s5 =	simm.s32 $0x1  }
0x1e2: {  	v17 =	vmov s5;
	v12 =	vand.u32 $0x1F, v12  }
0x1e3: {  	v14 =	vadd.s32 $0x14, v17;
	v15 =	vbroadcast v12, $0x0  }
0x1e4: {  	v18 =	vbroadcast v14, $0x0  }
0x1e5: {  	v16 =	vor.u32 v9, v15;
	v14 =	vld.idx.msk [tilespmem:v13+s17+$0x0], $0xffff  }
0x1e6: {  	v15 =	vadd.s32 v11, v18;
	_ =	sdelay $0x1  }
0x1e7: {  	s5 =	simm.s32 $0x2  }
0x1e8: {  	s1 =	simm.s32 $0x3;
	v12 =	vld [tilespmem:$0xC30];
	v17 =	vand.u32 $0x1F, v17;
	v13 =	vmov s5  }
.LBB2_14:
0x1e9: {  	p0 =	sne.s32 s1, $0x13;
	v18 =	vadd.s32 $0x14, v13;
	v17 =	vbroadcast v17, $0x0;
	[tilespmem:v16+s18+$0x0] =	vst.idx.msk $0xffff, v14  }
0x1ea: {  	v18 =	vbroadcast v18, $0x0;
	v14 =	vld.idx.msk [tilespmem:v15+s17+$0x0], $0xffff  }
.Ltmp6:
0x1eb: {  	v16 =	vor.u32 v9, v17;
	(pc) =	sbr.rel @p0 .LBB2_14-.Ltmp6, $2  }
0x1ec: {  	v15 =	vadd.s32 v11, v18;
	_ =	sdelay $0x2  }
0x1ed: {  	v17 =	vand.u32 $0x1F, v13;
	v13 =	vmov s1;
	s1 =	sadd.s32 $0x1, s1  }
0x1ee: {  	_ =	sdelay $0x2  }
0x1ef: {  	v18 =	vadd.s32 $0x14, v13;
	v17 =	vbroadcast v17, $0x0  }
0x1f0: {  	[tilespmem:v16+s18+$0x0] =	vst.idx.msk $0xffff, v14;
	v14 =	vbroadcast v18, $0x0  }
0x1f1: {  	v15 =	vld.idx.msk [tilespmem:v15+s17+$0x0], $0xffff;
	v63 =	vor.u32 v9, v17  }
0x1f2: {  	v14 =	vadd.s32 v11, v14;
	_ =	sdelay $0x1  }
0x1f3: {  	v11 =	vand.u32 $0x1F, v13  }
0x1f4: {  	v13 =	vbroadcast v11, $0x0  }
0x1f5: {  	v11 =	vmul.u32 $0x28, v12;
	[tilespmem:v63+s18+$0x0] =	vst.idx.msk $0xffff, v15  }
0x1f6: {  	s1 =	simm.s32 $0x0;
	v13 =	vor.u32 v9, v13;
	v12 =	vld.idx.msk [tilespmem:v14+s17+$0x0], $0xffff  }
0x1f7: {  	v14 =	vadd.s32 s1, v11  }
0x1f8: {  	v15 =	vmov s1  }
0x1f9: {  	v15 =	vand.u32 $0x3F, v15  }
0x1fa: {  	v15 =	vbroadcast v15, $0x0  }
0x1fb: {  	[tilespmem:v13+s18+$0x0] =	vst.idx.msk $0xffff, v12  }
0x1fc: {  	s1 =	simm.s32 $0x1;
	v13 =	vor.u32 v10, v15;
	v12 =	vld.idx.msk [tilespmem:v14+s17+$0x0], $0xffff  }
0x1fd: {  	s5 =	simm.s32 $0x2;
	v14 =	vadd.s32 s1, v11  }
.LBB2_16:
0x1fe: {  	p0 =	sne.s32 s5, $0x27  }
0x1ff: {  	v15 =	vmov s1;
	s1 =	smov.u32 s5  }
.Ltmp7:
0x200: {  	v15 =	vand.u32 $0x3F, v15;
	(pc) =	sbr.rel @p0 .LBB2_16-.Ltmp7, $4  }
0x201: {  	v15 =	vbroadcast v15, $0x0;
	[tilespmem:v13+s18+$0x0] =	vst.idx.msk $0xffff, v12  }
0x202: {  	v12 =	vld.idx.msk [tilespmem:v14+s17+$0x0], $0xffff  }
0x203: {  	v13 =	vor.u32 v10, v15  }
0x204: {  	s5 =	sadd.s32 $0x1, s5;
	v14 =	vadd.s32 s1, v11  }
0x205: {  	_ = 	snop  }
0x206: {  	v11 =	vmov s1  }
0x207: {  	v11 =	vand.u32 $0x3F, v11  }
0x208: {  	v11 =	vbroadcast v11, $0x0  }
0x209: {  	[tilespmem:v13+s18+$0x0] =	vst.idx.msk $0xffff, v12  }
0x20a: {  	v12 =	vld.idx.msk [tilespmem:v14+s17+$0x0], $0xffff;
	v11 =	vor.u32 v10, v11;
	_ =	sdelay $0x4  }
0x20b: {  	s1 =	simm.s32 $0x0;
	s5 =	rddreg [dreg:$0x6];
	[tilespmem:v11+s18+$0x0] =	vst.idx.msk $0xffff, v12  }
0x20c: {  	[hbm4b:s5+s1] =	stream.linear.scatter [tilespmem:s18], [sflag:$0x5], $0xA000, $0x38;
	[tilespmem:$0x1F000] =	vst v63  }
0x20d: {  	_ =	swait.ge [sflag:s28], $0xA000  }
0x20e: {  	[sflag:s28] =	ssyncset.done $0x0  }
0x20f: {  	[sflag:s28] =	ssyncadd.s32 $0xFFFF6000  }
0x210: {  	v11 =	vld [tilespmem:$0x900];
	_ =	sdelay $0x4  }
0x211: {  	v12 =	vshll.u32 v11, $0x1  }
0x212: {  	v11 =	vand.u32 $0x7, v11;
	v12 =	vand.u32 $0xFFFFFFF0, v12  }
0x213: {  	v11 =	vor.u32 v11, v12  }
0x214: {  	v12 =	vperm.xlane v11, v0;
	_ =	sdelay $0x1  }
0x215: {  	v11 =	vperm.xlane v11, v2;
	v12 =	vadd.s32 v1, v12;
	_ =	sdelay $0x1  }
0x216: {  	v11 =	vadd.s32 v1, v11;
	_ =	sdelay $0x2  }
0x217: {  	[tilespmem:s18], [sflag:$0x1] =	stream.indirect_vreg.gather [hbm4b:s0+s1], $0x80, v12, vm0, $0xb8;
	[tilespmem:$0x1F000] =	vst v63  }
0x218: {  	s5 =	simm.s32 $0xC400  }
0x219: {  	[tilespmem:s5], [sflag:$0x1] =	stream.indirect_vreg.gather [hbm4b:s0+s1], $0x80, v11, vm0, $0xb8;
	[tilespmem:$0x1F000] =	vst v63  }
0x21a: {  	v11 =	vld [tilespmem:$0x910];
	_ =	sdelay $0x4  }
0x21b: {  	v12 =	vshll.u32 v11, $0x1  }
0x21c: {  	v11 =	vand.u32 $0x7, v11;
	v12 =	vand.u32 $0xFFFFFFF0, v12  }
0x21d: {  	v11 =	vor.u32 v11, v12  }
0x21e: {  	v12 =	vperm.xlane v11, v0;
	_ =	sdelay $0x1  }
0x21f: {  	v11 =	vperm.xlane v11, v2;
	v12 =	vadd.s32 v1, v12;
	_ =	sdelay $0x1  }
0x220: {  	v11 =	vadd.s32 v1, v11;
	_ =	sdelay $0x1  }
0x221: {  	s5 =	simm.s32 $0xD800  }
0x222: {  	[tilespmem:s5], [sflag:$0x1] =	stream.indirect_vreg.gather [hbm4b:s0+s1], $0x80, v12, vm0, $0xb8;
	[tilespmem:$0x1F000] =	vst v63  }
0x223: {  	s5 =	simm.s32 $0xEC00  }
0x224: {  	[tilespmem:s5], [sflag:$0x1] =	stream.indirect_vreg.gather [hbm4b:s0+s1], $0x80, v11, vm0, $0xb8;
	[tilespmem:$0x1F000] =	vst v63  }
0x225: {  	v11 =	vld [tilespmem:$0x920];
	_ =	sdelay $0x4  }
0x226: {  	v12 =	vshll.u32 v11, $0x1  }
0x227: {  	v11 =	vand.u32 $0x7, v11;
	v12 =	vand.u32 $0xFFFFFFF0, v12  }
0x228: {  	v11 =	vor.u32 v11, v12  }
0x229: {  	v12 =	vperm.xlane v11, v0;
	_ =	sdelay $0x1  }
0x22a: {  	v11 =	vperm.xlane v11, v2;
	v12 =	vadd.s32 v1, v12;
	_ =	sdelay $0x1  }
0x22b: {  	v11 =	vadd.s32 v1, v11;
	_ =	sdelay $0x1  }
0x22c: {  	s5 =	simm.s32 $0x10000  }
0x22d: {  	[tilespmem:s5], [sflag:$0x1] =	stream.indirect_vreg.gather [hbm4b:s0+s1], $0x80, v12, vm0, $0xb8;
	[tilespmem:$0x1F000] =	vst v63  }
0x22e: {  	s5 =	simm.s32 $0x11400  }
0x22f: {  	[tilespmem:s5], [sflag:$0x1] =	stream.indirect_vreg.gather [hbm4b:s0+s1], $0x80, v11, vm0, $0xb8;
	[tilespmem:$0x1F000] =	vst v63  }
0x230: {  	v11 =	vld [tilespmem:$0x930];
	_ =	sdelay $0x4  }
0x231: {  	v12 =	vshll.u32 v11, $0x1  }
0x232: {  	v11 =	vand.u32 $0x7, v11;
	v12 =	vand.u32 $0xFFFFFFF0, v12  }
0x233: {  	v11 =	vor.u32 v11, v12  }
0x234: {  	v12 =	vperm.xlane v11, v0;
	_ =	sdelay $0x1  }
0x235: {  	v11 =	vperm.xlane v11, v2;
	v12 =	vadd.s32 v1, v12;
	_ =	sdelay $0x1  }
0x236: {  	v11 =	vadd.s32 v1, v11;
	_ =	sdelay $0x1  }
0x237: {  	s5 =	simm.s32 $0x12800  }
0x238: {  	[tilespmem:s5], [sflag:$0x1] =	stream.indirect_vreg.gather [hbm4b:s0+s1], $0x80, v12, vm0, $0xb8;
	[tilespmem:$0x1F000] =	vst v63  }
0x239: {  	s5 =	simm.s32 $0x13C00  }
0x23a: {  	[tilespmem:s5], [sflag:$0x1] =	stream.indirect_vreg.gather [hbm4b:s0+s1], $0x80, v11, vm0, $0xb8;
	[tilespmem:$0x1F000] =	vst v63  }
0x23b: {  	v11 =	vld [tilespmem:$0xD00];
	_ =	sdelay $0x4  }
0x23c: {  	v12 =	vshll.u32 v11, $0x1  }
0x23d: {  	v11 =	vand.u32 $0x7, v11;
	v12 =	vand.u32 $0xFFFFFFF0, v12  }
0x23e: {  	v11 =	vor.u32 v11, v12  }
0x23f: {  	v12 =	vperm.xlane v11, v0;
	_ =	sdelay $0x1  }
0x240: {  	v11 =	vperm.xlane v11, v2;
	v12 =	vadd.s32 v1, v12;
	_ =	sdelay $0x1  }
0x241: {  	v11 =	vadd.s32 v1, v11;
	_ =	sdelay $0x1  }
0x242: {  	s5 =	simm.s32 $0xB800  }
0x243: {  	[tilespmem:s5], [sflag:$0x3] =	stream.indirect_vreg.gather [hbm4b:s2+s1], $0x80, v12, vm0, $0xb8;
	[tilespmem:$0x1F000] =	vst v63  }
0x244: {  	s5 =	simm.s32 $0xCC00  }
0x245: {  	[tilespmem:s5], [sflag:$0x3] =	stream.indirect_vreg.gather [hbm4b:s2+s1], $0x80, v11, vm0, $0xb8;
	[tilespmem:$0x1F000] =	vst v63  }
0x246: {  	v11 =	vld [tilespmem:$0xD10];
	_ =	sdelay $0x4  }
0x247: {  	v12 =	vshll.u32 v11, $0x1  }
0x248: {  	v11 =	vand.u32 $0x7, v11;
	v12 =	vand.u32 $0xFFFFFFF0, v12  }
0x249: {  	v11 =	vor.u32 v11, v12  }
0x24a: {  	v12 =	vperm.xlane v11, v0;
	_ =	sdelay $0x1  }
0x24b: {  	v11 =	vperm.xlane v11, v2;
	v12 =	vadd.s32 v1, v12;
	_ =	sdelay $0x1  }
0x24c: {  	v11 =	vadd.s32 v1, v11;
	_ =	sdelay $0x1  }
0x24d: {  	s5 =	simm.s32 $0xE000  }
0x24e: {  	[tilespmem:s5], [sflag:$0x3] =	stream.indirect_vreg.gather [hbm4b:s2+s1], $0x80, v12, vm0, $0xb8;
	[tilespmem:$0x1F000] =	vst v63  }
0x24f: {  	s5 =	simm.s32 $0xF400  }
0x250: {  	[tilespmem:s5], [sflag:$0x3] =	stream.indirect_vreg.gather [hbm4b:s2+s1], $0x80, v11, vm0, $0xb8;
	[tilespmem:$0x1F000] =	vst v63  }
0x251: {  	v11 =	vld [tilespmem:$0xD20];
	_ =	sdelay $0x4  }
0x252: {  	v12 =	vshll.u32 v11, $0x1  }
0x253: {  	v11 =	vand.u32 $0x7, v11;
	v12 =	vand.u32 $0xFFFFFFF0, v12  }
0x254: {  	v11 =	vor.u32 v11, v12  }
0x255: {  	v12 =	vperm.xlane v11, v0;
	_ =	sdelay $0x1  }
0x256: {  	v11 =	vperm.xlane v11, v2;
	v12 =	vadd.s32 v1, v12;
	_ =	sdelay $0x1  }
0x257: {  	v11 =	vadd.s32 v1, v11;
	_ =	sdelay $0x1  }
0x258: {  	s5 =	simm.s32 $0x10800  }
0x259: {  	[tilespmem:s5], [sflag:$0x3] =	stream.indirect_vreg.gather [hbm4b:s2+s1], $0x80, v12, vm0, $0xb8;
	[tilespmem:$0x1F000] =	vst v63  }
0x25a: {  	s5 =	simm.s32 $0x11C00  }
0x25b: {  	[tilespmem:s5], [sflag:$0x3] =	stream.indirect_vreg.gather [hbm4b:s2+s1], $0x80, v11, vm0, $0xb8;
	[tilespmem:$0x1F000] =	vst v63  }
0x25c: {  	v11 =	vld [tilespmem:$0xD30];
	_ =	sdelay $0x4  }
0x25d: {  	v12 =	vshll.u32 v11, $0x1  }
0x25e: {  	v11 =	vand.u32 $0x7, v11;
	v12 =	vand.u32 $0xFFFFFFF0, v12  }
0x25f: {  	v11 =	vor.u32 v11, v12  }
0x260: {  	v12 =	vperm.xlane v11, v0;
	_ =	sdelay $0x1  }
0x261: {  	v11 =	vperm.xlane v11, v2;
	v12 =	vadd.s32 v1, v12;
	_ =	sdelay $0x1  }
0x262: {  	v11 =	vadd.s32 v1, v11;
	_ =	sdelay $0x1  }
0x263: {  	s5 =	simm.s32 $0x13000  }
0x264: {  	[tilespmem:s5], [sflag:$0x3] =	stream.indirect_vreg.gather [hbm4b:s2+s1], $0x80, v12, vm0, $0xb8;
	[tilespmem:$0x1F000] =	vst v63  }
0x265: {  	s5 =	simm.s32 $0x14400  }
0x266: {  	[tilespmem:s5], [sflag:$0x3] =	stream.indirect_vreg.gather [hbm4b:s2+s1], $0x80, v11, vm0, $0xb8;
	[tilespmem:$0x1F000] =	vst v63  }
0x267: {  	_ =	swait.ge [sflag:s29], $0x4000  }
0x268: {  	[sflag:s29] =	ssyncset.done $0x0  }
0x269: {  	[sflag:s29] =	ssyncadd.s32 $0xFFFFC000  }
0x26a: {  	_ =	swait.ge [sflag:s30], $0x4000  }
0x26b: {  	[sflag:s30] =	ssyncset.done $0x0  }
0x26c: {  	[sflag:s30] =	ssyncadd.s32 $0xFFFFC000  }
0x26d: {  	v11 =	vld [tilespmem:$0x880];
	_ =	sdelay $0x2  }
0x26e: {  	v12 =	vmov s1  }
0x26f: {  	v13 =	vadd.s32 $0x14, v12  }
0x270: {  	v13 =	vbroadcast v13, $0x0;
	v11 =	vmul.u32 $0x28, v11;
	_ =	sdelay $0x1  }
0x271: {  	v13 =	vadd.s32 v11, v13  }
0x272: {  	s5 =	simm.s32 $0x1  }
0x273: {  	v12 =	vand.u32 $0x1F, v12;
	v17 =	vmov s5  }
0x274: {  	v15 =	vbroadcast v12, $0x0;
	v14 =	vadd.s32 $0x14, v17  }
0x275: {  	v18 =	vbroadcast v14, $0x0  }
0x276: {  	v16 =	vor.u32 v3, v15;
	v14 =	vld.idx.msk [tilespmem:v13+s17+$0x0], $0xffff  }
0x277: {  	v15 =	vadd.s32 v11, v18;
	_ =	sdelay $0x1  }
0x278: {  	s5 =	simm.s32 $0x2  }
0x279: {  	s1 =	simm.s32 $0x3;
	v17 =	vand.u32 $0x1F, v17;
	v12 =	vld [tilespmem:$0xC80];
	v13 =	vmov s5  }
.LBB2_18:
0x27a: {  	p0 =	sne.s32 s1, $0x13;
	v18 =	vadd.s32 $0x14, v13;
	v17 =	vbroadcast v17, $0x0;
	[tilespmem:v16+s7+$0x0] =	vst.idx.msk $0xffff, v14  }
0x27b: {  	v18 =	vbroadcast v18, $0x0;
	v14 =	vld.idx.msk [tilespmem:v15+s17+$0x0], $0xffff  }
.Ltmp8:
0x27c: {  	v16 =	vor.u32 v3, v17;
	(pc) =	sbr.rel @p0 .LBB2_18-.Ltmp8, $2  }
0x27d: {  	v15 =	vadd.s32 v11, v18;
	_ =	sdelay $0x2  }
0x27e: {  	v17 =	vand.u32 $0x1F, v13;
	v13 =	vmov s1;
	s1 =	sadd.s32 $0x1, s1  }
0x27f: {  	_ =	sdelay $0x2  }
0x280: {  	v18 =	vadd.s32 $0x14, v13;
	v17 =	vbroadcast v17, $0x0  }
0x281: {  	[tilespmem:v16+s7+$0x0] =	vst.idx.msk $0xffff, v14;
	v14 =	vbroadcast v18, $0x0  }
0x282: {  	v15 =	vld.idx.msk [tilespmem:v15+s17+$0x0], $0xffff;
	v63 =	vor.u32 v3, v17  }
0x283: {  	v14 =	vadd.s32 v11, v14;
	_ =	sdelay $0x1  }
0x284: {  	v11 =	vand.u32 $0x1F, v13  }
0x285: {  	v13 =	vbroadcast v11, $0x0  }
0x286: {  	v11 =	vmul.u32 $0x28, v12;
	[tilespmem:v63+s7+$0x0] =	vst.idx.msk $0xffff, v15  }
0x287: {  	s1 =	simm.s32 $0x0;
	v13 =	vor.u32 v3, v13;
	v12 =	vld.idx.msk [tilespmem:v14+s17+$0x0], $0xffff  }
0x288: {  	v14 =	vadd.s32 s1, v11  }
0x289: {  	v15 =	vmov s1  }
0x28a: {  	v15 =	vand.u32 $0x3F, v15  }
0x28b: {  	v15 =	vbroadcast v15, $0x0  }
0x28c: {  	[tilespmem:v13+s7+$0x0] =	vst.idx.msk $0xffff, v12  }
0x28d: {  	s1 =	simm.s32 $0x1;
	v13 =	vor.u32 v4, v15;
	v12 =	vld.idx.msk [tilespmem:v14+s17+$0x0], $0xffff  }
0x28e: {  	s5 =	simm.s32 $0x2;
	v14 =	vadd.s32 s1, v11  }
.LBB2_20:
0x28f: {  	p0 =	sne.s32 s5, $0x27  }
0x290: {  	v15 =	vmov s1;
	s1 =	smov.u32 s5  }
.Ltmp9:
0x291: {  	v15 =	vand.u32 $0x3F, v15;
	(pc) =	sbr.rel @p0 .LBB2_20-.Ltmp9, $4  }
0x292: {  	v15 =	vbroadcast v15, $0x0;
	[tilespmem:v13+s7+$0x0] =	vst.idx.msk $0xffff, v12  }
0x293: {  	v12 =	vld.idx.msk [tilespmem:v14+s17+$0x0], $0xffff  }
0x294: {  	v13 =	vor.u32 v4, v15  }
0x295: {  	s5 =	sadd.s32 $0x1, s5;
	v14 =	vadd.s32 s1, v11  }
0x296: {  	_ = 	snop  }
0x297: {  	v11 =	vmov s1  }
0x298: {  	v11 =	vand.u32 $0x3F, v11  }
0x299: {  	v11 =	vbroadcast v11, $0x0  }
0x29a: {  	[tilespmem:v13+s7+$0x0] =	vst.idx.msk $0xffff, v12  }
0x29b: {  	v12 =	vld.idx.msk [tilespmem:v14+s17+$0x0], $0xffff;
	v11 =	vor.u32 v4, v11;
	_ =	sdelay $0x4  }
0x29c: {  	[tilespmem:v11+s7+$0x0] =	vst.idx.msk $0xffff, v12  }
0x29d: {  	v11 =	vld [tilespmem:$0x890];
	_ =	sdelay $0x1  }
0x29e: {  	s5 =	simm.s32 $0x0  }
0x29f: {  	v12 =	vmov s5  }
0x2a0: {  	v13 =	vadd.s32 $0x14, v12  }
0x2a1: {  	v13 =	vbroadcast v13, $0x0;
	v11 =	vmul.u32 $0x28, v11;
	_ =	sdelay $0x1  }
0x2a2: {  	v13 =	vadd.s32 v11, v13  }
0x2a3: {  	s5 =	simm.s32 $0x1  }
0x2a4: {  	v17 =	vmov s5;
	v12 =	vand.u32 $0x1F, v12  }
0x2a5: {  	v14 =	vadd.s32 $0x14, v17;
	v15 =	vbroadcast v12, $0x0  }
0x2a6: {  	v18 =	vbroadcast v14, $0x0  }
0x2a7: {  	v16 =	vor.u32 v5, v15;
	v14 =	vld.idx.msk [tilespmem:v13+s17+$0x0], $0xffff  }
0x2a8: {  	v15 =	vadd.s32 v11, v18;
	_ =	sdelay $0x1  }
0x2a9: {  	s5 =	simm.s32 $0x2  }
0x2aa: {  	s1 =	simm.s32 $0x3;
	v12 =	vld [tilespmem:$0xC90];
	v17 =	vand.u32 $0x1F, v17;
	v13 =	vmov s5  }
.LBB2_22:
0x2ab: {  	p0 =	sne.s32 s1, $0x13;
	v18 =	vadd.s32 $0x14, v13;
	v17 =	vbroadcast v17, $0x0;
	[tilespmem:v16+s7+$0x0] =	vst.idx.msk $0xffff, v14  }
0x2ac: {  	v18 =	vbroadcast v18, $0x0;
	v14 =	vld.idx.msk [tilespmem:v15+s17+$0x0], $0xffff  }
.Ltmp10:
0x2ad: {  	v16 =	vor.u32 v5, v17;
	(pc) =	sbr.rel @p0 .LBB2_22-.Ltmp10, $2  }
0x2ae: {  	v15 =	vadd.s32 v11, v18;
	_ =	sdelay $0x2  }
0x2af: {  	v17 =	vand.u32 $0x1F, v13;
	v13 =	vmov s1;
	s1 =	sadd.s32 $0x1, s1  }
0x2b0: {  	_ =	sdelay $0x2  }
0x2b1: {  	v18 =	vadd.s32 $0x14, v13;
	v17 =	vbroadcast v17, $0x0  }
0x2b2: {  	[tilespmem:v16+s7+$0x0] =	vst.idx.msk $0xffff, v14;
	v14 =	vbroadcast v18, $0x0  }
0x2b3: {  	v15 =	vld.idx.msk [tilespmem:v15+s17+$0x0], $0xffff;
	v63 =	vor.u32 v5, v17  }
0x2b4: {  	v14 =	vadd.s32 v11, v14;
	_ =	sdelay $0x1  }
0x2b5: {  	v11 =	vand.u32 $0x1F, v13  }
0x2b6: {  	v13 =	vbroadcast v11, $0x0  }
0x2b7: {  	v11 =	vmul.u32 $0x28, v12;
	[tilespmem:v63+s7+$0x0] =	vst.idx.msk $0xffff, v15  }
0x2b8: {  	s1 =	simm.s32 $0x0;
	v13 =	vor.u32 v5, v13;
	v12 =	vld.idx.msk [tilespmem:v14+s17+$0x0], $0xffff  }
0x2b9: {  	v14 =	vadd.s32 s1, v11  }
0x2ba: {  	v15 =	vmov s1  }
0x2bb: {  	v15 =	vand.u32 $0x3F, v15  }
0x2bc: {  	v15 =	vbroadcast v15, $0x0  }
0x2bd: {  	[tilespmem:v13+s7+$0x0] =	vst.idx.msk $0xffff, v12  }
0x2be: {  	s1 =	simm.s32 $0x1;
	v13 =	vor.u32 v6, v15;
	v12 =	vld.idx.msk [tilespmem:v14+s17+$0x0], $0xffff  }
0x2bf: {  	s5 =	simm.s32 $0x2;
	v14 =	vadd.s32 s1, v11  }
.LBB2_24:
0x2c0: {  	p0 =	sne.s32 s5, $0x27  }
0x2c1: {  	v15 =	vmov s1;
	s1 =	smov.u32 s5  }
.Ltmp11:
0x2c2: {  	v15 =	vand.u32 $0x3F, v15;
	(pc) =	sbr.rel @p0 .LBB2_24-.Ltmp11, $4  }
0x2c3: {  	v15 =	vbroadcast v15, $0x0;
	[tilespmem:v13+s7+$0x0] =	vst.idx.msk $0xffff, v12  }
0x2c4: {  	v12 =	vld.idx.msk [tilespmem:v14+s17+$0x0], $0xffff  }
0x2c5: {  	v13 =	vor.u32 v6, v15  }
0x2c6: {  	s5 =	sadd.s32 $0x1, s5;
	v14 =	vadd.s32 s1, v11  }
0x2c7: {  	_ = 	snop  }
0x2c8: {  	v11 =	vmov s1  }
0x2c9: {  	v11 =	vand.u32 $0x3F, v11  }
0x2ca: {  	v11 =	vbroadcast v11, $0x0  }
0x2cb: {  	[tilespmem:v13+s7+$0x0] =	vst.idx.msk $0xffff, v12  }
0x2cc: {  	v12 =	vld.idx.msk [tilespmem:v14+s17+$0x0], $0xffff;
	v11 =	vor.u32 v6, v11;
	_ =	sdelay $0x4  }
0x2cd: {  	[tilespmem:v11+s7+$0x0] =	vst.idx.msk $0xffff, v12  }
0x2ce: {  	v11 =	vld [tilespmem:$0x8A0];
	_ =	sdelay $0x1  }
0x2cf: {  	s5 =	simm.s32 $0x0  }
0x2d0: {  	v12 =	vmov s5  }
0x2d1: {  	v13 =	vadd.s32 $0x14, v12  }
0x2d2: {  	v13 =	vbroadcast v13, $0x0;
	v11 =	vmul.u32 $0x28, v11;
	_ =	sdelay $0x1  }
0x2d3: {  	v13 =	vadd.s32 v11, v13  }
0x2d4: {  	s5 =	simm.s32 $0x1  }
0x2d5: {  	v17 =	vmov s5;
	v12 =	vand.u32 $0x1F, v12  }
0x2d6: {  	v14 =	vadd.s32 $0x14, v17;
	v15 =	vbroadcast v12, $0x0  }
0x2d7: {  	v18 =	vbroadcast v14, $0x0  }
0x2d8: {  	v16 =	vor.u32 v7, v15;
	v14 =	vld.idx.msk [tilespmem:v13+s17+$0x0], $0xffff  }
0x2d9: {  	v15 =	vadd.s32 v11, v18;
	_ =	sdelay $0x1  }
0x2da: {  	s5 =	simm.s32 $0x2  }
0x2db: {  	s1 =	simm.s32 $0x3;
	v12 =	vld [tilespmem:$0xCA0];
	v17 =	vand.u32 $0x1F, v17;
	v13 =	vmov s5  }
.LBB2_26:
0x2dc: {  	p0 =	sne.s32 s1, $0x13;
	v18 =	vadd.s32 $0x14, v13;
	v17 =	vbroadcast v17, $0x0;
	[tilespmem:v16+s7+$0x0] =	vst.idx.msk $0xffff, v14  }
0x2dd: {  	v18 =	vbroadcast v18, $0x0;
	v14 =	vld.idx.msk [tilespmem:v15+s17+$0x0], $0xffff  }
.Ltmp12:
0x2de: {  	v16 =	vor.u32 v7, v17;
	(pc) =	sbr.rel @p0 .LBB2_26-.Ltmp12, $2  }
0x2df: {  	v15 =	vadd.s32 v11, v18;
	_ =	sdelay $0x2  }
0x2e0: {  	v17 =	vand.u32 $0x1F, v13;
	v13 =	vmov s1;
	s1 =	sadd.s32 $0x1, s1  }
0x2e1: {  	_ =	sdelay $0x2  }
0x2e2: {  	v18 =	vadd.s32 $0x14, v13;
	v17 =	vbroadcast v17, $0x0  }
0x2e3: {  	[tilespmem:v16+s7+$0x0] =	vst.idx.msk $0xffff, v14;
	v14 =	vbroadcast v18, $0x0  }
0x2e4: {  	v15 =	vld.idx.msk [tilespmem:v15+s17+$0x0], $0xffff;
	v63 =	vor.u32 v7, v17  }
0x2e5: {  	v14 =	vadd.s32 v11, v14;
	_ =	sdelay $0x1  }
0x2e6: {  	v11 =	vand.u32 $0x1F, v13  }
0x2e7: {  	v13 =	vbroadcast v11, $0x0  }
0x2e8: {  	v11 =	vmul.u32 $0x28, v12;
	[tilespmem:v63+s7+$0x0] =	vst.idx.msk $0xffff, v15  }
0x2e9: {  	s1 =	simm.s32 $0x0;
	v13 =	vor.u32 v7, v13;
	v12 =	vld.idx.msk [tilespmem:v14+s17+$0x0], $0xffff  }
0x2ea: {  	v14 =	vadd.s32 s1, v11  }
0x2eb: {  	v15 =	vmov s1  }
0x2ec: {  	v15 =	vand.u32 $0x3F, v15  }
0x2ed: {  	v15 =	vbroadcast v15, $0x0  }
0x2ee: {  	[tilespmem:v13+s7+$0x0] =	vst.idx.msk $0xffff, v12  }
0x2ef: {  	s1 =	simm.s32 $0x1;
	v13 =	vor.u32 v8, v15;
	v12 =	vld.idx.msk [tilespmem:v14+s17+$0x0], $0xffff  }
0x2f0: {  	s5 =	simm.s32 $0x2;
	v14 =	vadd.s32 s1, v11  }
.LBB2_28:
0x2f1: {  	p0 =	sne.s32 s5, $0x27  }
0x2f2: {  	v15 =	vmov s1;
	s1 =	smov.u32 s5  }
.Ltmp13:
0x2f3: {  	v15 =	vand.u32 $0x3F, v15;
	(pc) =	sbr.rel @p0 .LBB2_28-.Ltmp13, $4  }
0x2f4: {  	v15 =	vbroadcast v15, $0x0;
	[tilespmem:v13+s7+$0x0] =	vst.idx.msk $0xffff, v12  }
0x2f5: {  	v12 =	vld.idx.msk [tilespmem:v14+s17+$0x0], $0xffff  }
0x2f6: {  	v13 =	vor.u32 v8, v15  }
0x2f7: {  	s5 =	sadd.s32 $0x1, s5;
	v14 =	vadd.s32 s1, v11  }
0x2f8: {  	_ = 	snop  }
0x2f9: {  	v11 =	vmov s1  }
0x2fa: {  	v11 =	vand.u32 $0x3F, v11  }
0x2fb: {  	v11 =	vbroadcast v11, $0x0  }
0x2fc: {  	[tilespmem:v13+s7+$0x0] =	vst.idx.msk $0xffff, v12  }
0x2fd: {  	v12 =	vld.idx.msk [tilespmem:v14+s17+$0x0], $0xffff;
	v11 =	vor.u32 v8, v11;
	_ =	sdelay $0x4  }
0x2fe: {  	[tilespmem:v11+s7+$0x0] =	vst.idx.msk $0xffff, v12  }
0x2ff: {  	v11 =	vld [tilespmem:$0x8B0];
	_ =	sdelay $0x1  }
0x300: {  	s5 =	simm.s32 $0x0  }
0x301: {  	v12 =	vmov s5  }
0x302: {  	v13 =	vadd.s32 $0x14, v12  }
0x303: {  	v13 =	vbroadcast v13, $0x0;
	v11 =	vmul.u32 $0x28, v11;
	_ =	sdelay $0x1  }
0x304: {  	v13 =	vadd.s32 v11, v13  }
0x305: {  	s5 =	simm.s32 $0x1  }
0x306: {  	v17 =	vmov s5;
	v12 =	vand.u32 $0x1F, v12  }
0x307: {  	v14 =	vadd.s32 $0x14, v17;
	v15 =	vbroadcast v12, $0x0  }
0x308: {  	v18 =	vbroadcast v14, $0x0  }
0x309: {  	v16 =	vor.u32 v9, v15;
	v14 =	vld.idx.msk [tilespmem:v13+s17+$0x0], $0xffff  }
0x30a: {  	v15 =	vadd.s32 v11, v18;
	_ =	sdelay $0x1  }
0x30b: {  	s5 =	simm.s32 $0x2  }
0x30c: {  	s1 =	simm.s32 $0x3;
	v12 =	vld [tilespmem:$0xCB0];
	v17 =	vand.u32 $0x1F, v17;
	v13 =	vmov s5  }
.LBB2_30:
0x30d: {  	p0 =	sne.s32 s1, $0x13;
	v18 =	vadd.s32 $0x14, v13;
	v17 =	vbroadcast v17, $0x0;
	[tilespmem:v16+s7+$0x0] =	vst.idx.msk $0xffff, v14  }
0x30e: {  	v18 =	vbroadcast v18, $0x0;
	v14 =	vld.idx.msk [tilespmem:v15+s17+$0x0], $0xffff  }
.Ltmp14:
0x30f: {  	v16 =	vor.u32 v9, v17;
	(pc) =	sbr.rel @p0 .LBB2_30-.Ltmp14, $2  }
0x310: {  	v15 =	vadd.s32 v11, v18;
	_ =	sdelay $0x2  }
0x311: {  	v17 =	vand.u32 $0x1F, v13;
	v13 =	vmov s1;
	s1 =	sadd.s32 $0x1, s1  }
0x312: {  	_ =	sdelay $0x2  }
0x313: {  	v18 =	vadd.s32 $0x14, v13;
	v17 =	vbroadcast v17, $0x0  }
0x314: {  	[tilespmem:v16+s7+$0x0] =	vst.idx.msk $0xffff, v14;
	v14 =	vbroadcast v18, $0x0  }
0x315: {  	v15 =	vld.idx.msk [tilespmem:v15+s17+$0x0], $0xffff;
	v63 =	vor.u32 v9, v17  }
0x316: {  	v14 =	vadd.s32 v11, v14;
	_ =	sdelay $0x1  }
0x317: {  	v11 =	vand.u32 $0x1F, v13  }
0x318: {  	v13 =	vbroadcast v11, $0x0  }
0x319: {  	v11 =	vmul.u32 $0x28, v12;
	[tilespmem:v63+s7+$0x0] =	vst.idx.msk $0xffff, v15  }
0x31a: {  	s1 =	simm.s32 $0x0;
	v13 =	vor.u32 v9, v13;
	v12 =	vld.idx.msk [tilespmem:v14+s17+$0x0], $0xffff  }
0x31b: {  	v14 =	vadd.s32 s1, v11  }
0x31c: {  	v15 =	vmov s1  }
0x31d: {  	v15 =	vand.u32 $0x3F, v15  }
0x31e: {  	v15 =	vbroadcast v15, $0x0  }
0x31f: {  	[tilespmem:v13+s7+$0x0] =	vst.idx.msk $0xffff, v12  }
0x320: {  	s1 =	simm.s32 $0x1;
	v13 =	vor.u32 v10, v15;
	v12 =	vld.idx.msk [tilespmem:v14+s17+$0x0], $0xffff  }
0x321: {  	s5 =	simm.s32 $0x2;
	v14 =	vadd.s32 s1, v11  }
.LBB2_32:
0x322: {  	p0 =	sne.s32 s5, $0x27  }
0x323: {  	v15 =	vmov s1;
	s1 =	smov.u32 s5  }
.Ltmp15:
0x324: {  	v15 =	vand.u32 $0x3F, v15;
	(pc) =	sbr.rel @p0 .LBB2_32-.Ltmp15, $4  }
0x325: {  	v15 =	vbroadcast v15, $0x0;
	[tilespmem:v13+s7+$0x0] =	vst.idx.msk $0xffff, v12  }
0x326: {  	v12 =	vld.idx.msk [tilespmem:v14+s17+$0x0], $0xffff  }
0x327: {  	v13 =	vor.u32 v10, v15  }
0x328: {  	s5 =	sadd.s32 $0x1, s5;
	v14 =	vadd.s32 s1, v11  }
0x329: {  	_ = 	snop  }
0x32a: {  	v11 =	vmov s1  }
0x32b: {  	v11 =	vand.u32 $0x3F, v11  }
0x32c: {  	v11 =	vbroadcast v11, $0x0  }
0x32d: {  	[tilespmem:v13+s7+$0x0] =	vst.idx.msk $0xffff, v12  }
0x32e: {  	v12 =	vld.idx.msk [tilespmem:v14+s17+$0x0], $0xffff;
	v11 =	vor.u32 v10, v11;
	_ =	sdelay $0x4  }
0x32f: {  	s1 =	simm.s32 $0x0;
	s5 =	rddreg [dreg:$0x8];
	[tilespmem:v11+s7+$0x0] =	vst.idx.msk $0xffff, v12  }
0x330: {  	[hbm4b:s5+s1] =	stream.linear.scatter [tilespmem:s7], [sflag:$0x6], $0xA000, $0x38;
	[tilespmem:$0x1F000] =	vst v63  }
0x331: {  	_ =	swait.ge [sflag:s31], $0xA000  }
0x332: {  	[sflag:s31] =	ssyncset.done $0x0  }
0x333: {  	[sflag:s31] =	ssyncadd.s32 $0xFFFF6000  }
0x334: {  	v11 =	vld [tilespmem:$0x980];
	_ =	sdelay $0x4  }
0x335: {  	v12 =	vshll.u32 v11, $0x1  }
0x336: {  	v11 =	vand.u32 $0x7, v11;
	v12 =	vand.u32 $0xFFFFFFF0, v12  }
0x337: {  	v11 =	vor.u32 v11, v12  }
0x338: {  	v12 =	vperm.xlane v11, v0;
	_ =	sdelay $0x1  }
0x339: {  	v11 =	vperm.xlane v11, v2;
	v12 =	vadd.s32 v1, v12;
	_ =	sdelay $0x1  }
0x33a: {  	v11 =	vadd.s32 v1, v11;
	_ =	sdelay $0x2  }
0x33b: {  	[tilespmem:s7], [sflag:$0x2] =	stream.indirect_vreg.gather [hbm4b:s0+s1], $0x80, v12, vm0, $0xb8;
	[tilespmem:$0x1F000] =	vst v63  }
0x33c: {  	_ = 	snop  }
0x33d: {  	[tilespmem:s8], [sflag:$0x2] =	stream.indirect_vreg.gather [hbm4b:s0+s1], $0x80, v11, vm0, $0xb8;
	[tilespmem:$0x1F000] =	vst v63  }
0x33e: {  	v11 =	vld [tilespmem:$0x990];
	_ =	sdelay $0x4  }
0x33f: {  	v12 =	vshll.u32 v11, $0x1  }
0x340: {  	v11 =	vand.u32 $0x7, v11;
	v12 =	vand.u32 $0xFFFFFFF0, v12  }
0x341: {  	v11 =	vor.u32 v11, v12  }
0x342: {  	v12 =	vperm.xlane v11, v0;
	_ =	sdelay $0x1  }
0x343: {  	v11 =	vperm.xlane v11, v2;
	v12 =	vadd.s32 v1, v12;
	_ =	sdelay $0x1  }
0x344: {  	v11 =	vadd.s32 v1, v11;
	_ =	sdelay $0x2  }
0x345: {  	[tilespmem:s9], [sflag:$0x2] =	stream.indirect_vreg.gather [hbm4b:s0+s1], $0x80, v12, vm0, $0xb8;
	[tilespmem:$0x1F000] =	vst v63  }
0x346: {  	_ = 	snop  }
0x347: {  	[tilespmem:s10], [sflag:$0x2] =	stream.indirect_vreg.gather [hbm4b:s0+s1], $0x80, v11, vm0, $0xb8;
	[tilespmem:$0x1F000] =	vst v63  }
0x348: {  	v11 =	vld [tilespmem:$0x9A0];
	_ =	sdelay $0x4  }
0x349: {  	v12 =	vshll.u32 v11, $0x1  }
0x34a: {  	v11 =	vand.u32 $0x7, v11;
	v12 =	vand.u32 $0xFFFFFFF0, v12  }
0x34b: {  	v11 =	vor.u32 v11, v12  }
0x34c: {  	v12 =	vperm.xlane v11, v0;
	_ =	sdelay $0x1  }
0x34d: {  	v11 =	vperm.xlane v11, v2;
	v12 =	vadd.s32 v1, v12;
	_ =	sdelay $0x1  }
0x34e: {  	v11 =	vadd.s32 v1, v11;
	_ =	sdelay $0x2  }
0x34f: {  	[tilespmem:s11], [sflag:$0x2] =	stream.indirect_vreg.gather [hbm4b:s0+s1], $0x80, v12, vm0, $0xb8;
	[tilespmem:$0x1F000] =	vst v63  }
0x350: {  	_ = 	snop  }
0x351: {  	[tilespmem:s12], [sflag:$0x2] =	stream.indirect_vreg.gather [hbm4b:s0+s1], $0x80, v11, vm0, $0xb8;
	[tilespmem:$0x1F000] =	vst v63  }
0x352: {  	v11 =	vld [tilespmem:$0x9B0];
	_ =	sdelay $0x4  }
0x353: {  	v12 =	vshll.u32 v11, $0x1  }
0x354: {  	v11 =	vand.u32 $0x7, v11;
	v12 =	vand.u32 $0xFFFFFFF0, v12  }
0x355: {  	v11 =	vor.u32 v11, v12  }
0x356: {  	v12 =	vperm.xlane v11, v0;
	_ =	sdelay $0x1  }
0x357: {  	v11 =	vperm.xlane v11, v2;
	v12 =	vadd.s32 v1, v12;
	_ =	sdelay $0x1  }
0x358: {  	v11 =	vadd.s32 v1, v11;
	_ =	sdelay $0x2  }
0x359: {  	[tilespmem:s13], [sflag:$0x2] =	stream.indirect_vreg.gather [hbm4b:s0+s1], $0x80, v12, vm0, $0xb8;
	[tilespmem:$0x1F000] =	vst v63  }
0x35a: {  	_ = 	snop  }
0x35b: {  	[tilespmem:s14], [sflag:$0x2] =	stream.indirect_vreg.gather [hbm4b:s0+s1], $0x80, v11, vm0, $0xb8;
	[tilespmem:$0x1F000] =	vst v63  }
0x35c: {  	v11 =	vld [tilespmem:$0xD80];
	_ =	sdelay $0x4  }
0x35d: {  	v12 =	vshll.u32 v11, $0x1  }
0x35e: {  	v11 =	vand.u32 $0x7, v11;
	v12 =	vand.u32 $0xFFFFFFF0, v12  }
0x35f: {  	v11 =	vor.u32 v11, v12  }
0x360: {  	v12 =	vperm.xlane v11, v0;
	_ =	sdelay $0x1  }
0x361: {  	v11 =	vperm.xlane v11, v2;
	v12 =	vadd.s32 v1, v12;
	_ =	sdelay $0x1  }
0x362: {  	v11 =	vadd.s32 v1, v11;
	_ =	sdelay $0x2  }
0x363: {  	[tilespmem:s15], [sflag:$0x4] =	stream.indirect_vreg.gather [hbm4b:s2+s1], $0x80, v12, vm0, $0xb8;
	[tilespmem:$0x1F000] =	vst v63  }
0x364: {  	_ = 	snop  }
0x365: {  	[tilespmem:s6], [sflag:$0x4] =	stream.indirect_vreg.gather [hbm4b:s2+s1], $0x80, v11, vm0, $0xb8;
	[tilespmem:$0x1F000] =	vst v63  }
0x366: {  	v11 =	vld [tilespmem:$0xD90];
	_ =	sdelay $0x4  }
0x367: {  	v12 =	vshll.u32 v11, $0x1  }
0x368: {  	v11 =	vand.u32 $0x7, v11;
	v12 =	vand.u32 $0xFFFFFFF0, v12  }
0x369: {  	v11 =	vor.u32 v11, v12  }
0x36a: {  	v12 =	vperm.xlane v11, v0;
	_ =	sdelay $0x1  }
0x36b: {  	v11 =	vperm.xlane v11, v2;
	v12 =	vadd.s32 v1, v12;
	_ =	sdelay $0x1  }
0x36c: {  	v11 =	vadd.s32 v1, v11;
	_ =	sdelay $0x2  }
0x36d: {  	[tilespmem:s19], [sflag:$0x4] =	stream.indirect_vreg.gather [hbm4b:s2+s1], $0x80, v12, vm0, $0xb8;
	[tilespmem:$0x1F000] =	vst v63  }
0x36e: {  	_ = 	snop  }
0x36f: {  	[tilespmem:s20], [sflag:$0x4] =	stream.indirect_vreg.gather [hbm4b:s2+s1], $0x80, v11, vm0, $0xb8;
	[tilespmem:$0x1F000] =	vst v63  }
0x370: {  	v11 =	vld [tilespmem:$0xDA0];
	_ =	sdelay $0x4  }
0x371: {  	v12 =	vshll.u32 v11, $0x1  }
0x372: {  	v11 =	vand.u32 $0x7, v11;
	v12 =	vand.u32 $0xFFFFFFF0, v12  }
0x373: {  	v11 =	vor.u32 v11, v12  }
0x374: {  	v12 =	vperm.xlane v11, v0;
	_ =	sdelay $0x1  }
0x375: {  	v11 =	vperm.xlane v11, v2;
	v12 =	vadd.s32 v1, v12;
	_ =	sdelay $0x1  }
0x376: {  	v11 =	vadd.s32 v1, v11;
	_ =	sdelay $0x2  }
0x377: {  	[tilespmem:s21], [sflag:$0x4] =	stream.indirect_vreg.gather [hbm4b:s2+s1], $0x80, v12, vm0, $0xb8;
	[tilespmem:$0x1F000] =	vst v63  }
0x378: {  	_ = 	snop  }
0x379: {  	[tilespmem:s22], [sflag:$0x4] =	stream.indirect_vreg.gather [hbm4b:s2+s1], $0x80, v11, vm0, $0xb8;
	[tilespmem:$0x1F000] =	vst v63  }
0x37a: {  	v11 =	vld [tilespmem:$0xDB0];
	_ =	sdelay $0x4  }
0x37b: {  	v12 =	vshll.u32 v11, $0x1  }
0x37c: {  	v11 =	vand.u32 $0x7, v11;
	v12 =	vand.u32 $0xFFFFFFF0, v12  }
0x37d: {  	v11 =	vor.u32 v11, v12  }
0x37e: {  	v12 =	vperm.xlane v11, v0;
	_ =	sdelay $0x1  }
0x37f: {  	v11 =	vperm.xlane v11, v2;
	v12 =	vadd.s32 v1, v12;
	_ =	sdelay $0x1  }
0x380: {  	v11 =	vadd.s32 v1, v11;
	_ =	sdelay $0x2  }
0x381: {  	[tilespmem:s23], [sflag:$0x4] =	stream.indirect_vreg.gather [hbm4b:s2+s1], $0x80, v12, vm0, $0xb8;
	[tilespmem:$0x1F000] =	vst v63  }
0x382: {  	_ = 	snop  }
0x383: {  	[tilespmem:s24], [sflag:$0x4] =	stream.indirect_vreg.gather [hbm4b:s2+s1], $0x80, v11, vm0, $0xb8;
	[tilespmem:$0x1F000] =	vst v63  }
0x384: {  	_ =	swait.ge [sflag:s25], $0x4000  }
0x385: {  	[sflag:s25] =	ssyncset.done $0x0  }
0x386: {  	[sflag:s25] =	ssyncadd.s32 $0xFFFFC000  }
0x387: {  	_ =	swait.ge [sflag:s26], $0x4000  }
0x388: {  	[sflag:s26] =	ssyncset.done $0x0  }
0x389: {  	[sflag:s26] =	ssyncadd.s32 $0xFFFFC000  }
0x38a: {  	v11 =	vld [tilespmem:$0x900];
	_ =	sdelay $0x2  }
0x38b: {  	v12 =	vmov s1  }
0x38c: {  	v13 =	vadd.s32 $0x14, v12  }
0x38d: {  	v13 =	vbroadcast v13, $0x0;
	v11 =	vmul.u32 $0x28, v11;
	_ =	sdelay $0x1  }
0x38e: {  	v13 =	vadd.s32 v11, v13  }
0x38f: {  	s5 =	simm.s32 $0x1  }
0x390: {  	v17 =	vmov s5;
	v12 =	vand.u32 $0x1F, v12  }
0x391: {  	v14 =	vadd.s32 $0x14, v17;
	v15 =	vbroadcast v12, $0x0  }
0x392: {  	v18 =	vbroadcast v14, $0x0  }
0x393: {  	v16 =	vor.u32 v3, v15;
	v14 =	vld.idx.msk [tilespmem:v13+s17+$0x0], $0xffff  }
0x394: {  	v15 =	vadd.s32 v11, v18;
	_ =	sdelay $0x1  }
0x395: {  	s5 =	simm.s32 $0x2  }
0x396: {  	v17 =	vand.u32 $0x1F, v17;
	s1 =	simm.s32 $0x3;
	v12 =	vld [tilespmem:$0xD00];
	v13 =	vmov s5  }
.LBB2_34:
0x397: {  	p0 =	sne.s32 s1, $0x13;
	v18 =	vadd.s32 $0x14, v13;
	v17 =	vbroadcast v17, $0x0;
	[tilespmem:v16+s18+$0x0] =	vst.idx.msk $0xffff, v14  }
0x398: {  	v18 =	vbroadcast v18, $0x0;
	v14 =	vld.idx.msk [tilespmem:v15+s17+$0x0], $0xffff  }
.Ltmp16:
0x399: {  	v16 =	vor.u32 v3, v17;
	(pc) =	sbr.rel @p0 .LBB2_34-.Ltmp16, $2  }
0x39a: {  	v15 =	vadd.s32 v11, v18;
	_ =	sdelay $0x2  }
0x39b: {  	v17 =	vand.u32 $0x1F, v13;
	v13 =	vmov s1;
	s1 =	sadd.s32 $0x1, s1  }
0x39c: {  	_ =	sdelay $0x2  }
0x39d: {  	v18 =	vadd.s32 $0x14, v13;
	v17 =	vbroadcast v17, $0x0  }
0x39e: {  	[tilespmem:v16+s18+$0x0] =	vst.idx.msk $0xffff, v14;
	v14 =	vbroadcast v18, $0x0  }
0x39f: {  	v15 =	vld.idx.msk [tilespmem:v15+s17+$0x0], $0xffff;
	v63 =	vor.u32 v3, v17  }
0x3a0: {  	v14 =	vadd.s32 v11, v14;
	_ =	sdelay $0x1  }
0x3a1: {  	v11 =	vand.u32 $0x1F, v13  }
0x3a2: {  	v13 =	vbroadcast v11, $0x0  }
0x3a3: {  	v11 =	vmul.u32 $0x28, v12;
	[tilespmem:v63+s18+$0x0] =	vst.idx.msk $0xffff, v15  }
0x3a4: {  	s1 =	simm.s32 $0x0;
	v13 =	vor.u32 v3, v13;
	v12 =	vld.idx.msk [tilespmem:v14+s17+$0x0], $0xffff  }
0x3a5: {  	v14 =	vadd.s32 s1, v11  }
0x3a6: {  	v15 =	vmov s1  }
0x3a7: {  	v15 =	vand.u32 $0x3F, v15  }
0x3a8: {  	v15 =	vbroadcast v15, $0x0  }
0x3a9: {  	[tilespmem:v13+s18+$0x0] =	vst.idx.msk $0xffff, v12  }
0x3aa: {  	s1 =	simm.s32 $0x1;
	v13 =	vor.u32 v4, v15;
	v12 =	vld.idx.msk [tilespmem:v14+s17+$0x0], $0xffff  }
0x3ab: {  	s5 =	simm.s32 $0x2;
	v14 =	vadd.s32 s1, v11  }
.LBB2_36:
0x3ac: {  	p0 =	sne.s32 s5, $0x27  }
0x3ad: {  	v15 =	vmov s1;
	s1 =	smov.u32 s5  }
.Ltmp17:
0x3ae: {  	v15 =	vand.u32 $0x3F, v15;
	(pc) =	sbr.rel @p0 .LBB2_36-.Ltmp17, $4  }
0x3af: {  	v15 =	vbroadcast v15, $0x0;
	[tilespmem:v13+s18+$0x0] =	vst.idx.msk $0xffff, v12  }
0x3b0: {  	v12 =	vld.idx.msk [tilespmem:v14+s17+$0x0], $0xffff  }
0x3b1: {  	v13 =	vor.u32 v4, v15  }
0x3b2: {  	s5 =	sadd.s32 $0x1, s5;
	v14 =	vadd.s32 s1, v11  }
0x3b3: {  	_ = 	snop  }
0x3b4: {  	v11 =	vmov s1  }
0x3b5: {  	v11 =	vand.u32 $0x3F, v11  }
0x3b6: {  	v11 =	vbroadcast v11, $0x0  }
0x3b7: {  	[tilespmem:v13+s18+$0x0] =	vst.idx.msk $0xffff, v12  }
0x3b8: {  	v12 =	vld.idx.msk [tilespmem:v14+s17+$0x0], $0xffff;
	v11 =	vor.u32 v4, v11;
	_ =	sdelay $0x4  }
0x3b9: {  	[tilespmem:v11+s18+$0x0] =	vst.idx.msk $0xffff, v12  }
0x3ba: {  	v11 =	vld [tilespmem:$0x910];
	_ =	sdelay $0x1  }
0x3bb: {  	s5 =	simm.s32 $0x0  }
0x3bc: {  	v12 =	vmov s5  }
0x3bd: {  	v13 =	vadd.s32 $0x14, v12  }
0x3be: {  	v13 =	vbroadcast v13, $0x0;
	v11 =	vmul.u32 $0x28, v11;
	_ =	sdelay $0x1  }
0x3bf: {  	v13 =	vadd.s32 v11, v13  }
0x3c0: {  	s5 =	simm.s32 $0x1  }
0x3c1: {  	v17 =	vmov s5;
	v12 =	vand.u32 $0x1F, v12  }
0x3c2: {  	v14 =	vadd.s32 $0x14, v17;
	v15 =	vbroadcast v12, $0x0  }
0x3c3: {  	v18 =	vbroadcast v14, $0x0  }
0x3c4: {  	v16 =	vor.u32 v5, v15;
	v14 =	vld.idx.msk [tilespmem:v13+s17+$0x0], $0xffff  }
0x3c5: {  	v15 =	vadd.s32 v11, v18;
	_ =	sdelay $0x1  }
0x3c6: {  	s5 =	simm.s32 $0x2  }
0x3c7: {  	s1 =	simm.s32 $0x3;
	v12 =	vld [tilespmem:$0xD10];
	v17 =	vand.u32 $0x1F, v17;
	v13 =	vmov s5  }
.LBB2_38:
0x3c8: {  	p0 =	sne.s32 s1, $0x13;
	v18 =	vadd.s32 $0x14, v13;
	v17 =	vbroadcast v17, $0x0;
	[tilespmem:v16+s18+$0x0] =	vst.idx.msk $0xffff, v14  }
0x3c9: {  	v18 =	vbroadcast v18, $0x0;
	v14 =	vld.idx.msk [tilespmem:v15+s17+$0x0], $0xffff  }
.Ltmp18:
0x3ca: {  	v16 =	vor.u32 v5, v17;
	(pc) =	sbr.rel @p0 .LBB2_38-.Ltmp18, $2  }
0x3cb: {  	v15 =	vadd.s32 v11, v18;
	_ =	sdelay $0x2  }
0x3cc: {  	v17 =	vand.u32 $0x1F, v13;
	v13 =	vmov s1;
	s1 =	sadd.s32 $0x1, s1  }
0x3cd: {  	_ =	sdelay $0x2  }
0x3ce: {  	v18 =	vadd.s32 $0x14, v13;
	v17 =	vbroadcast v17, $0x0  }
0x3cf: {  	[tilespmem:v16+s18+$0x0] =	vst.idx.msk $0xffff, v14;
	v14 =	vbroadcast v18, $0x0  }
0x3d0: {  	v15 =	vld.idx.msk [tilespmem:v15+s17+$0x0], $0xffff;
	v63 =	vor.u32 v5, v17  }
0x3d1: {  	v14 =	vadd.s32 v11, v14;
	_ =	sdelay $0x1  }
0x3d2: {  	v11 =	vand.u32 $0x1F, v13  }
0x3d3: {  	v13 =	vbroadcast v11, $0x0  }
0x3d4: {  	v11 =	vmul.u32 $0x28, v12;
	[tilespmem:v63+s18+$0x0] =	vst.idx.msk $0xffff, v15  }
0x3d5: {  	s1 =	simm.s32 $0x0;
	v13 =	vor.u32 v5, v13;
	v12 =	vld.idx.msk [tilespmem:v14+s17+$0x0], $0xffff  }
0x3d6: {  	v14 =	vadd.s32 s1, v11  }
0x3d7: {  	v15 =	vmov s1  }
0x3d8: {  	v15 =	vand.u32 $0x3F, v15  }
0x3d9: {  	v15 =	vbroadcast v15, $0x0  }
0x3da: {  	[tilespmem:v13+s18+$0x0] =	vst.idx.msk $0xffff, v12  }
0x3db: {  	s1 =	simm.s32 $0x1;
	v13 =	vor.u32 v6, v15;
	v12 =	vld.idx.msk [tilespmem:v14+s17+$0x0], $0xffff  }
0x3dc: {  	s5 =	simm.s32 $0x2;
	v14 =	vadd.s32 s1, v11  }
.LBB2_40:
0x3dd: {  	p0 =	sne.s32 s5, $0x27  }
0x3de: {  	v15 =	vmov s1;
	s1 =	smov.u32 s5  }
.Ltmp19:
0x3df: {  	v15 =	vand.u32 $0x3F, v15;
	(pc) =	sbr.rel @p0 .LBB2_40-.Ltmp19, $4  }
0x3e0: {  	v15 =	vbroadcast v15, $0x0;
	[tilespmem:v13+s18+$0x0] =	vst.idx.msk $0xffff, v12  }
0x3e1: {  	v12 =	vld.idx.msk [tilespmem:v14+s17+$0x0], $0xffff  }
0x3e2: {  	v13 =	vor.u32 v6, v15  }
0x3e3: {  	s5 =	sadd.s32 $0x1, s5;
	v14 =	vadd.s32 s1, v11  }
0x3e4: {  	_ = 	snop  }
0x3e5: {  	v11 =	vmov s1  }
0x3e6: {  	v11 =	vand.u32 $0x3F, v11  }
0x3e7: {  	v11 =	vbroadcast v11, $0x0  }
0x3e8: {  	[tilespmem:v13+s18+$0x0] =	vst.idx.msk $0xffff, v12  }
0x3e9: {  	v12 =	vld.idx.msk [tilespmem:v14+s17+$0x0], $0xffff;
	v11 =	vor.u32 v6, v11;
	_ =	sdelay $0x4  }
0x3ea: {  	[tilespmem:v11+s18+$0x0] =	vst.idx.msk $0xffff, v12  }
0x3eb: {  	v11 =	vld [tilespmem:$0x920];
	_ =	sdelay $0x1  }
0x3ec: {  	s5 =	simm.s32 $0x0  }
0x3ed: {  	v12 =	vmov s5  }
0x3ee: {  	v13 =	vadd.s32 $0x14, v12  }
0x3ef: {  	v13 =	vbroadcast v13, $0x0;
	v11 =	vmul.u32 $0x28, v11;
	_ =	sdelay $0x1  }
0x3f0: {  	v13 =	vadd.s32 v11, v13  }
0x3f1: {  	s5 =	simm.s32 $0x1  }
0x3f2: {  	v17 =	vmov s5;
	v12 =	vand.u32 $0x1F, v12  }
0x3f3: {  	v14 =	vadd.s32 $0x14, v17;
	v15 =	vbroadcast v12, $0x0  }
0x3f4: {  	v18 =	vbroadcast v14, $0x0  }
0x3f5: {  	v16 =	vor.u32 v7, v15;
	v14 =	vld.idx.msk [tilespmem:v13+s17+$0x0], $0xffff  }
0x3f6: {  	v15 =	vadd.s32 v11, v18;
	_ =	sdelay $0x1  }
0x3f7: {  	s5 =	simm.s32 $0x2  }
0x3f8: {  	s1 =	simm.s32 $0x3;
	v12 =	vld [tilespmem:$0xD20];
	v17 =	vand.u32 $0x1F, v17;
	v13 =	vmov s5  }
.LBB2_42:
0x3f9: {  	p0 =	sne.s32 s1, $0x13;
	v18 =	vadd.s32 $0x14, v13;
	v17 =	vbroadcast v17, $0x0;
	[tilespmem:v16+s18+$0x0] =	vst.idx.msk $0xffff, v14  }
0x3fa: {  	v18 =	vbroadcast v18, $0x0;
	v14 =	vld.idx.msk [tilespmem:v15+s17+$0x0], $0xffff  }
.Ltmp20:
0x3fb: {  	v16 =	vor.u32 v7, v17;
	(pc) =	sbr.rel @p0 .LBB2_42-.Ltmp20, $2  }
0x3fc: {  	v15 =	vadd.s32 v11, v18;
	_ =	sdelay $0x2  }
0x3fd: {  	v17 =	vand.u32 $0x1F, v13;
	v13 =	vmov s1;
	s1 =	sadd.s32 $0x1, s1  }
0x3fe: {  	_ =	sdelay $0x2  }
0x3ff: {  	v18 =	vadd.s32 $0x14, v13;
	v17 =	vbroadcast v17, $0x0  }
0x400: {  	[tilespmem:v16+s18+$0x0] =	vst.idx.msk $0xffff, v14;
	v14 =	vbroadcast v18, $0x0  }
0x401: {  	v15 =	vld.idx.msk [tilespmem:v15+s17+$0x0], $0xffff;
	v63 =	vor.u32 v7, v17  }
0x402: {  	v14 =	vadd.s32 v11, v14;
	_ =	sdelay $0x1  }
0x403: {  	v11 =	vand.u32 $0x1F, v13  }
0x404: {  	v13 =	vbroadcast v11, $0x0  }
0x405: {  	v11 =	vmul.u32 $0x28, v12;
	[tilespmem:v63+s18+$0x0] =	vst.idx.msk $0xffff, v15  }
0x406: {  	s1 =	simm.s32 $0x0;
	v13 =	vor.u32 v7, v13;
	v12 =	vld.idx.msk [tilespmem:v14+s17+$0x0], $0xffff  }
0x407: {  	v14 =	vadd.s32 s1, v11  }
0x408: {  	v15 =	vmov s1  }
0x409: {  	v15 =	vand.u32 $0x3F, v15  }
0x40a: {  	v15 =	vbroadcast v15, $0x0  }
0x40b: {  	[tilespmem:v13+s18+$0x0] =	vst.idx.msk $0xffff, v12  }
0x40c: {  	s1 =	simm.s32 $0x1;
	v13 =	vor.u32 v8, v15;
	v12 =	vld.idx.msk [tilespmem:v14+s17+$0x0], $0xffff  }
0x40d: {  	s5 =	simm.s32 $0x2;
	v14 =	vadd.s32 s1, v11  }
.LBB2_44:
0x40e: {  	p0 =	sne.s32 s5, $0x27  }
0x40f: {  	v15 =	vmov s1;
	s1 =	smov.u32 s5  }
.Ltmp21:
0x410: {  	v15 =	vand.u32 $0x3F, v15;
	(pc) =	sbr.rel @p0 .LBB2_44-.Ltmp21, $4  }
0x411: {  	v15 =	vbroadcast v15, $0x0;
	[tilespmem:v13+s18+$0x0] =	vst.idx.msk $0xffff, v12  }
0x412: {  	v12 =	vld.idx.msk [tilespmem:v14+s17+$0x0], $0xffff  }
0x413: {  	v13 =	vor.u32 v8, v15  }
0x414: {  	s5 =	sadd.s32 $0x1, s5;
	v14 =	vadd.s32 s1, v11  }
0x415: {  	_ = 	snop  }
0x416: {  	v11 =	vmov s1  }
0x417: {  	v11 =	vand.u32 $0x3F, v11  }
0x418: {  	v11 =	vbroadcast v11, $0x0  }
0x419: {  	[tilespmem:v13+s18+$0x0] =	vst.idx.msk $0xffff, v12  }
0x41a: {  	v12 =	vld.idx.msk [tilespmem:v14+s17+$0x0], $0xffff;
	v11 =	vor.u32 v8, v11;
	_ =	sdelay $0x4  }
0x41b: {  	[tilespmem:v11+s18+$0x0] =	vst.idx.msk $0xffff, v12  }
0x41c: {  	v11 =	vld [tilespmem:$0x930];
	_ =	sdelay $0x1  }
0x41d: {  	s5 =	simm.s32 $0x0  }
0x41e: {  	v12 =	vmov s5  }
0x41f: {  	v13 =	vadd.s32 $0x14, v12  }
0x420: {  	v13 =	vbroadcast v13, $0x0;
	v11 =	vmul.u32 $0x28, v11;
	_ =	sdelay $0x1  }
0x421: {  	v13 =	vadd.s32 v11, v13  }
0x422: {  	s5 =	simm.s32 $0x1  }
0x423: {  	v17 =	vmov s5;
	v12 =	vand.u32 $0x1F, v12  }
0x424: {  	v14 =	vadd.s32 $0x14, v17;
	v15 =	vbroadcast v12, $0x0  }
0x425: {  	v18 =	vbroadcast v14, $0x0  }
0x426: {  	v16 =	vor.u32 v9, v15;
	v14 =	vld.idx.msk [tilespmem:v13+s17+$0x0], $0xffff  }
0x427: {  	v15 =	vadd.s32 v11, v18;
	_ =	sdelay $0x1  }
0x428: {  	s5 =	simm.s32 $0x2  }
0x429: {  	s1 =	simm.s32 $0x3;
	v12 =	vld [tilespmem:$0xD30];
	v17 =	vand.u32 $0x1F, v17;
	v13 =	vmov s5  }
.LBB2_46:
0x42a: {  	p0 =	sne.s32 s1, $0x13;
	v18 =	vadd.s32 $0x14, v13;
	v17 =	vbroadcast v17, $0x0;
	[tilespmem:v16+s18+$0x0] =	vst.idx.msk $0xffff, v14  }
0x42b: {  	v18 =	vbroadcast v18, $0x0;
	v14 =	vld.idx.msk [tilespmem:v15+s17+$0x0], $0xffff  }
.Ltmp22:
0x42c: {  	v16 =	vor.u32 v9, v17;
	(pc) =	sbr.rel @p0 .LBB2_46-.Ltmp22, $2  }
0x42d: {  	v15 =	vadd.s32 v11, v18;
	_ =	sdelay $0x2  }
0x42e: {  	v17 =	vand.u32 $0x1F, v13;
	v13 =	vmov s1;
	s1 =	sadd.s32 $0x1, s1  }
0x42f: {  	_ =	sdelay $0x2  }
0x430: {  	v18 =	vadd.s32 $0x14, v13;
	v17 =	vbroadcast v17, $0x0  }
0x431: {  	[tilespmem:v16+s18+$0x0] =	vst.idx.msk $0xffff, v14;
	v14 =	vbroadcast v18, $0x0  }
0x432: {  	v15 =	vld.idx.msk [tilespmem:v15+s17+$0x0], $0xffff;
	v63 =	vor.u32 v9, v17  }
0x433: {  	v14 =	vadd.s32 v11, v14;
	_ =	sdelay $0x1  }
0x434: {  	v11 =	vand.u32 $0x1F, v13  }
0x435: {  	v13 =	vbroadcast v11, $0x0  }
0x436: {  	v11 =	vmul.u32 $0x28, v12;
	[tilespmem:v63+s18+$0x0] =	vst.idx.msk $0xffff, v15  }
0x437: {  	s1 =	simm.s32 $0x0;
	v13 =	vor.u32 v9, v13;
	v12 =	vld.idx.msk [tilespmem:v14+s17+$0x0], $0xffff  }
0x438: {  	v14 =	vadd.s32 s1, v11  }
0x439: {  	v15 =	vmov s1  }
0x43a: {  	v15 =	vand.u32 $0x3F, v15  }
0x43b: {  	v15 =	vbroadcast v15, $0x0  }
0x43c: {  	[tilespmem:v13+s18+$0x0] =	vst.idx.msk $0xffff, v12  }
0x43d: {  	s1 =	simm.s32 $0x1;
	v13 =	vor.u32 v10, v15;
	v12 =	vld.idx.msk [tilespmem:v14+s17+$0x0], $0xffff  }
0x43e: {  	s5 =	simm.s32 $0x2;
	v14 =	vadd.s32 s1, v11  }
.LBB2_48:
0x43f: {  	p0 =	sne.s32 s5, $0x27  }
0x440: {  	v15 =	vmov s1;
	s1 =	smov.u32 s5  }
.Ltmp23:
0x441: {  	v15 =	vand.u32 $0x3F, v15;
	(pc) =	sbr.rel @p0 .LBB2_48-.Ltmp23, $4  }
0x442: {  	v15 =	vbroadcast v15, $0x0;
	[tilespmem:v13+s18+$0x0] =	vst.idx.msk $0xffff, v12  }
0x443: {  	v12 =	vld.idx.msk [tilespmem:v14+s17+$0x0], $0xffff  }
0x444: {  	v13 =	vor.u32 v10, v15  }
0x445: {  	s5 =	sadd.s32 $0x1, s5;
	v14 =	vadd.s32 s1, v11  }
0x446: {  	_ = 	snop  }
0x447: {  	v11 =	vmov s1  }
0x448: {  	v11 =	vand.u32 $0x3F, v11  }
0x449: {  	v11 =	vbroadcast v11, $0x0  }
0x44a: {  	[tilespmem:v13+s18+$0x0] =	vst.idx.msk $0xffff, v12  }
0x44b: {  	v12 =	vld.idx.msk [tilespmem:v14+s17+$0x0], $0xffff;
	v11 =	vor.u32 v10, v11;
	_ =	sdelay $0x4  }
0x44c: {  	s1 =	simm.s32 $0x0;
	s5 =	rddreg [dreg:$0x9];
	[tilespmem:v11+s18+$0x0] =	vst.idx.msk $0xffff, v12  }
0x44d: {  	[hbm4b:s5+s1] =	stream.linear.scatter [tilespmem:s18], [sflag:$0x5], $0xA000, $0x38;
	[tilespmem:$0x1F000] =	vst v63  }
0x44e: {  	_ =	swait.ge [sflag:s28], $0xA000  }
0x44f: {  	[sflag:s28] =	ssyncset.done $0x0  }
0x450: {  	[sflag:s28] =	ssyncadd.s32 $0xFFFF6000  }
0x451: {  	v11 =	vld [tilespmem:$0xA00];
	_ =	sdelay $0x4  }
0x452: {  	v12 =	vshll.u32 v11, $0x1  }
0x453: {  	v11 =	vand.u32 $0x7, v11;
	v12 =	vand.u32 $0xFFFFFFF0, v12  }
0x454: {  	v11 =	vor.u32 v11, v12  }
0x455: {  	v12 =	vperm.xlane v11, v0;
	_ =	sdelay $0x1  }
0x456: {  	v11 =	vperm.xlane v11, v2;
	v12 =	vadd.s32 v1, v12;
	_ =	sdelay $0x1  }
0x457: {  	v11 =	vadd.s32 v1, v11;
	_ =	sdelay $0x2  }
0x458: {  	[tilespmem:s18], [sflag:$0x1] =	stream.indirect_vreg.gather [hbm4b:s0+s1], $0x80, v12, vm0, $0xb8;
	[tilespmem:$0x1F000] =	vst v63  }
0x459: {  	s5 =	simm.s32 $0xC400  }
0x45a: {  	[tilespmem:s5], [sflag:$0x1] =	stream.indirect_vreg.gather [hbm4b:s0+s1], $0x80, v11, vm0, $0xb8;
	[tilespmem:$0x1F000] =	vst v63  }
0x45b: {  	v11 =	vld [tilespmem:$0xA10];
	_ =	sdelay $0x4  }
0x45c: {  	v12 =	vshll.u32 v11, $0x1  }
0x45d: {  	v11 =	vand.u32 $0x7, v11;
	v12 =	vand.u32 $0xFFFFFFF0, v12  }
0x45e: {  	v11 =	vor.u32 v11, v12  }
0x45f: {  	v12 =	vperm.xlane v11, v0;
	_ =	sdelay $0x1  }
0x460: {  	v11 =	vperm.xlane v11, v2;
	v12 =	vadd.s32 v1, v12;
	_ =	sdelay $0x1  }
0x461: {  	v11 =	vadd.s32 v1, v11;
	_ =	sdelay $0x1  }
0x462: {  	s5 =	simm.s32 $0xD800  }
0x463: {  	[tilespmem:s5], [sflag:$0x1] =	stream.indirect_vreg.gather [hbm4b:s0+s1], $0x80, v12, vm0, $0xb8;
	[tilespmem:$0x1F000] =	vst v63  }
0x464: {  	s5 =	simm.s32 $0xEC00  }
0x465: {  	[tilespmem:s5], [sflag:$0x1] =	stream.indirect_vreg.gather [hbm4b:s0+s1], $0x80, v11, vm0, $0xb8;
	[tilespmem:$0x1F000] =	vst v63  }
0x466: {  	v11 =	vld [tilespmem:$0xA20];
	_ =	sdelay $0x4  }
0x467: {  	v12 =	vshll.u32 v11, $0x1  }
0x468: {  	v11 =	vand.u32 $0x7, v11;
	v12 =	vand.u32 $0xFFFFFFF0, v12  }
0x469: {  	v11 =	vor.u32 v11, v12  }
0x46a: {  	v12 =	vperm.xlane v11, v0;
	_ =	sdelay $0x1  }
0x46b: {  	v11 =	vperm.xlane v11, v2;
	v12 =	vadd.s32 v1, v12;
	_ =	sdelay $0x1  }
0x46c: {  	v11 =	vadd.s32 v1, v11;
	_ =	sdelay $0x1  }
0x46d: {  	s5 =	simm.s32 $0x10000  }
0x46e: {  	[tilespmem:s5], [sflag:$0x1] =	stream.indirect_vreg.gather [hbm4b:s0+s1], $0x80, v12, vm0, $0xb8;
	[tilespmem:$0x1F000] =	vst v63  }
0x46f: {  	s5 =	simm.s32 $0x11400  }
0x470: {  	[tilespmem:s5], [sflag:$0x1] =	stream.indirect_vreg.gather [hbm4b:s0+s1], $0x80, v11, vm0, $0xb8;
	[tilespmem:$0x1F000] =	vst v63  }
0x471: {  	v11 =	vld [tilespmem:$0xA30];
	_ =	sdelay $0x4  }
0x472: {  	v12 =	vshll.u32 v11, $0x1  }
0x473: {  	v11 =	vand.u32 $0x7, v11;
	v12 =	vand.u32 $0xFFFFFFF0, v12  }
0x474: {  	v11 =	vor.u32 v11, v12  }
0x475: {  	v12 =	vperm.xlane v11, v0;
	_ =	sdelay $0x1  }
0x476: {  	v11 =	vperm.xlane v11, v2;
	v12 =	vadd.s32 v1, v12;
	_ =	sdelay $0x1  }
0x477: {  	v11 =	vadd.s32 v1, v11;
	_ =	sdelay $0x1  }
0x478: {  	s5 =	simm.s32 $0x12800  }
0x479: {  	[tilespmem:s5], [sflag:$0x1] =	stream.indirect_vreg.gather [hbm4b:s0+s1], $0x80, v12, vm0, $0xb8;
	[tilespmem:$0x1F000] =	vst v63  }
0x47a: {  	s5 =	simm.s32 $0x13C00  }
0x47b: {  	[tilespmem:s5], [sflag:$0x1] =	stream.indirect_vreg.gather [hbm4b:s0+s1], $0x80, v11, vm0, $0xb8;
	[tilespmem:$0x1F000] =	vst v63  }
0x47c: {  	v11 =	vld [tilespmem:$0xE00];
	_ =	sdelay $0x4  }
0x47d: {  	v12 =	vshll.u32 v11, $0x1  }
0x47e: {  	v11 =	vand.u32 $0x7, v11;
	v12 =	vand.u32 $0xFFFFFFF0, v12  }
0x47f: {  	v11 =	vor.u32 v11, v12  }
0x480: {  	v12 =	vperm.xlane v11, v0;
	_ =	sdelay $0x1  }
0x481: {  	v11 =	vperm.xlane v11, v2;
	v12 =	vadd.s32 v1, v12;
	_ =	sdelay $0x1  }
0x482: {  	v11 =	vadd.s32 v1, v11;
	_ =	sdelay $0x1  }
0x483: {  	s5 =	simm.s32 $0xB800  }
0x484: {  	[tilespmem:s5], [sflag:$0x3] =	stream.indirect_vreg.gather [hbm4b:s2+s1], $0x80, v12, vm0, $0xb8;
	[tilespmem:$0x1F000] =	vst v63  }
0x485: {  	s5 =	simm.s32 $0xCC00  }
0x486: {  	[tilespmem:s5], [sflag:$0x3] =	stream.indirect_vreg.gather [hbm4b:s2+s1], $0x80, v11, vm0, $0xb8;
	[tilespmem:$0x1F000] =	vst v63  }
0x487: {  	v11 =	vld [tilespmem:$0xE10];
	_ =	sdelay $0x4  }
0x488: {  	v12 =	vshll.u32 v11, $0x1  }
0x489: {  	v11 =	vand.u32 $0x7, v11;
	v12 =	vand.u32 $0xFFFFFFF0, v12  }
0x48a: {  	v11 =	vor.u32 v11, v12  }
0x48b: {  	v12 =	vperm.xlane v11, v0;
	_ =	sdelay $0x1  }
0x48c: {  	v11 =	vperm.xlane v11, v2;
	v12 =	vadd.s32 v1, v12;
	_ =	sdelay $0x1  }
0x48d: {  	v11 =	vadd.s32 v1, v11;
	_ =	sdelay $0x1  }
0x48e: {  	s5 =	simm.s32 $0xE000  }
0x48f: {  	[tilespmem:s5], [sflag:$0x3] =	stream.indirect_vreg.gather [hbm4b:s2+s1], $0x80, v12, vm0, $0xb8;
	[tilespmem:$0x1F000] =	vst v63  }
0x490: {  	s5 =	simm.s32 $0xF400  }
0x491: {  	[tilespmem:s5], [sflag:$0x3] =	stream.indirect_vreg.gather [hbm4b:s2+s1], $0x80, v11, vm0, $0xb8;
	[tilespmem:$0x1F000] =	vst v63  }
0x492: {  	v11 =	vld [tilespmem:$0xE20];
	_ =	sdelay $0x4  }
0x493: {  	v12 =	vshll.u32 v11, $0x1  }
0x494: {  	v11 =	vand.u32 $0x7, v11;
	v12 =	vand.u32 $0xFFFFFFF0, v12  }
0x495: {  	v11 =	vor.u32 v11, v12  }
0x496: {  	v12 =	vperm.xlane v11, v0;
	_ =	sdelay $0x1  }
0x497: {  	v11 =	vperm.xlane v11, v2;
	v12 =	vadd.s32 v1, v12;
	_ =	sdelay $0x1  }
0x498: {  	v11 =	vadd.s32 v1, v11;
	_ =	sdelay $0x1  }
0x499: {  	s5 =	simm.s32 $0x10800  }
0x49a: {  	[tilespmem:s5], [sflag:$0x3] =	stream.indirect_vreg.gather [hbm4b:s2+s1], $0x80, v12, vm0, $0xb8;
	[tilespmem:$0x1F000] =	vst v63  }
0x49b: {  	s5 =	simm.s32 $0x11C00  }
0x49c: {  	[tilespmem:s5], [sflag:$0x3] =	stream.indirect_vreg.gather [hbm4b:s2+s1], $0x80, v11, vm0, $0xb8;
	[tilespmem:$0x1F000] =	vst v63  }
0x49d: {  	v11 =	vld [tilespmem:$0xE30];
	_ =	sdelay $0x4  }
0x49e: {  	v12 =	vshll.u32 v11, $0x1  }
0x49f: {  	v11 =	vand.u32 $0x7, v11;
	v12 =	vand.u32 $0xFFFFFFF0, v12  }
0x4a0: {  	v11 =	vor.u32 v11, v12  }
0x4a1: {  	v12 =	vperm.xlane v11, v0;
	_ =	sdelay $0x1  }
0x4a2: {  	v11 =	vperm.xlane v11, v2;
	v12 =	vadd.s32 v1, v12;
	_ =	sdelay $0x1  }
0x4a3: {  	v11 =	vadd.s32 v1, v11;
	_ =	sdelay $0x1  }
0x4a4: {  	s5 =	simm.s32 $0x13000  }
0x4a5: {  	[tilespmem:s5], [sflag:$0x3] =	stream.indirect_vreg.gather [hbm4b:s2+s1], $0x80, v12, vm0, $0xb8;
	[tilespmem:$0x1F000] =	vst v63  }
0x4a6: {  	s5 =	simm.s32 $0x14400  }
0x4a7: {  	[tilespmem:s5], [sflag:$0x3] =	stream.indirect_vreg.gather [hbm4b:s2+s1], $0x80, v11, vm0, $0xb8;
	[tilespmem:$0x1F000] =	vst v63  }
0x4a8: {  	_ =	swait.ge [sflag:s29], $0x4000  }
0x4a9: {  	[sflag:s29] =	ssyncset.done $0x0  }
0x4aa: {  	[sflag:s29] =	ssyncadd.s32 $0xFFFFC000  }
0x4ab: {  	_ =	swait.ge [sflag:s30], $0x4000  }
0x4ac: {  	[sflag:s30] =	ssyncset.done $0x0  }
0x4ad: {  	[sflag:s30] =	ssyncadd.s32 $0xFFFFC000  }
0x4ae: {  	v11 =	vld [tilespmem:$0x980];
	_ =	sdelay $0x2  }
0x4af: {  	v12 =	vmov s1  }
0x4b0: {  	v13 =	vadd.s32 $0x14, v12  }
0x4b1: {  	v13 =	vbroadcast v13, $0x0;
	v11 =	vmul.u32 $0x28, v11;
	_ =	sdelay $0x1  }
0x4b2: {  	v13 =	vadd.s32 v11, v13  }
0x4b3: {  	s5 =	simm.s32 $0x1  }
0x4b4: {  	v12 =	vand.u32 $0x1F, v12;
	v17 =	vmov s5  }
0x4b5: {  	v15 =	vbroadcast v12, $0x0;
	v14 =	vadd.s32 $0x14, v17  }
0x4b6: {  	v18 =	vbroadcast v14, $0x0  }
0x4b7: {  	v16 =	vor.u32 v3, v15;
	v14 =	vld.idx.msk [tilespmem:v13+s17+$0x0], $0xffff  }
0x4b8: {  	v15 =	vadd.s32 v11, v18;
	_ =	sdelay $0x1  }
0x4b9: {  	s5 =	simm.s32 $0x2  }
0x4ba: {  	s1 =	simm.s32 $0x3;
	v17 =	vand.u32 $0x1F, v17;
	v12 =	vld [tilespmem:$0xD80];
	v13 =	vmov s5  }
.LBB2_50:
0x4bb: {  	p0 =	sne.s32 s1, $0x13;
	v18 =	vadd.s32 $0x14, v13;
	v17 =	vbroadcast v17, $0x0;
	[tilespmem:v16+s7+$0x0] =	vst.idx.msk $0xffff, v14  }
0x4bc: {  	v18 =	vbroadcast v18, $0x0;
	v14 =	vld.idx.msk [tilespmem:v15+s17+$0x0], $0xffff  }
.Ltmp24:
0x4bd: {  	v16 =	vor.u32 v3, v17;
	(pc) =	sbr.rel @p0 .LBB2_50-.Ltmp24, $2  }
0x4be: {  	v15 =	vadd.s32 v11, v18;
	_ =	sdelay $0x2  }
0x4bf: {  	v17 =	vand.u32 $0x1F, v13;
	v13 =	vmov s1;
	s1 =	sadd.s32 $0x1, s1  }
0x4c0: {  	_ =	sdelay $0x2  }
0x4c1: {  	v18 =	vadd.s32 $0x14, v13;
	v17 =	vbroadcast v17, $0x0  }
0x4c2: {  	[tilespmem:v16+s7+$0x0] =	vst.idx.msk $0xffff, v14;
	v14 =	vbroadcast v18, $0x0  }
0x4c3: {  	v15 =	vld.idx.msk [tilespmem:v15+s17+$0x0], $0xffff;
	v63 =	vor.u32 v3, v17  }
0x4c4: {  	v14 =	vadd.s32 v11, v14;
	_ =	sdelay $0x1  }
0x4c5: {  	v11 =	vand.u32 $0x1F, v13  }
0x4c6: {  	v13 =	vbroadcast v11, $0x0  }
0x4c7: {  	v11 =	vmul.u32 $0x28, v12;
	[tilespmem:v63+s7+$0x0] =	vst.idx.msk $0xffff, v15  }
0x4c8: {  	s1 =	simm.s32 $0x0;
	v13 =	vor.u32 v3, v13;
	v12 =	vld.idx.msk [tilespmem:v14+s17+$0x0], $0xffff  }
0x4c9: {  	v14 =	vadd.s32 s1, v11  }
0x4ca: {  	v15 =	vmov s1  }
0x4cb: {  	v15 =	vand.u32 $0x3F, v15  }
0x4cc: {  	v15 =	vbroadcast v15, $0x0  }
0x4cd: {  	[tilespmem:v13+s7+$0x0] =	vst.idx.msk $0xffff, v12  }
0x4ce: {  	s1 =	simm.s32 $0x1;
	v13 =	vor.u32 v4, v15;
	v12 =	vld.idx.msk [tilespmem:v14+s17+$0x0], $0xffff  }
0x4cf: {  	s5 =	simm.s32 $0x2;
	v14 =	vadd.s32 s1, v11  }
.LBB2_52:
0x4d0: {  	p0 =	sne.s32 s5, $0x27  }
0x4d1: {  	v15 =	vmov s1;
	s1 =	smov.u32 s5  }
.Ltmp25:
0x4d2: {  	v15 =	vand.u32 $0x3F, v15;
	(pc) =	sbr.rel @p0 .LBB2_52-.Ltmp25, $4  }
0x4d3: {  	v15 =	vbroadcast v15, $0x0;
	[tilespmem:v13+s7+$0x0] =	vst.idx.msk $0xffff, v12  }
0x4d4: {  	v12 =	vld.idx.msk [tilespmem:v14+s17+$0x0], $0xffff  }
0x4d5: {  	v13 =	vor.u32 v4, v15  }
0x4d6: {  	s5 =	sadd.s32 $0x1, s5;
	v14 =	vadd.s32 s1, v11  }
0x4d7: {  	_ = 	snop  }
0x4d8: {  	v11 =	vmov s1  }
0x4d9: {  	v11 =	vand.u32 $0x3F, v11  }
0x4da: {  	v11 =	vbroadcast v11, $0x0  }
0x4db: {  	[tilespmem:v13+s7+$0x0] =	vst.idx.msk $0xffff, v12  }
0x4dc: {  	v12 =	vld.idx.msk [tilespmem:v14+s17+$0x0], $0xffff;
	v11 =	vor.u32 v4, v11;
	_ =	sdelay $0x4  }
0x4dd: {  	[tilespmem:v11+s7+$0x0] =	vst.idx.msk $0xffff, v12  }
0x4de: {  	v11 =	vld [tilespmem:$0x990];
	_ =	sdelay $0x1  }
0x4df: {  	s5 =	simm.s32 $0x0  }
0x4e0: {  	v12 =	vmov s5  }
0x4e1: {  	v13 =	vadd.s32 $0x14, v12  }
0x4e2: {  	v13 =	vbroadcast v13, $0x0;
	v11 =	vmul.u32 $0x28, v11;
	_ =	sdelay $0x1  }
0x4e3: {  	v13 =	vadd.s32 v11, v13  }
0x4e4: {  	s5 =	simm.s32 $0x1  }
0x4e5: {  	v17 =	vmov s5;
	v12 =	vand.u32 $0x1F, v12  }
0x4e6: {  	v14 =	vadd.s32 $0x14, v17;
	v15 =	vbroadcast v12, $0x0  }
0x4e7: {  	v18 =	vbroadcast v14, $0x0  }
0x4e8: {  	v16 =	vor.u32 v5, v15;
	v14 =	vld.idx.msk [tilespmem:v13+s17+$0x0], $0xffff  }
0x4e9: {  	v15 =	vadd.s32 v11, v18;
	_ =	sdelay $0x1  }
0x4ea: {  	s5 =	simm.s32 $0x2  }
0x4eb: {  	s1 =	simm.s32 $0x3;
	v12 =	vld [tilespmem:$0xD90];
	v17 =	vand.u32 $0x1F, v17;
	v13 =	vmov s5  }
.LBB2_54:
0x4ec: {  	p0 =	sne.s32 s1, $0x13;
	v18 =	vadd.s32 $0x14, v13;
	v17 =	vbroadcast v17, $0x0;
	[tilespmem:v16+s7+$0x0] =	vst.idx.msk $0xffff, v14  }
0x4ed: {  	v18 =	vbroadcast v18, $0x0;
	v14 =	vld.idx.msk [tilespmem:v15+s17+$0x0], $0xffff  }
.Ltmp26:
0x4ee: {  	v16 =	vor.u32 v5, v17;
	(pc) =	sbr.rel @p0 .LBB2_54-.Ltmp26, $2  }
0x4ef: {  	v15 =	vadd.s32 v11, v18;
	_ =	sdelay $0x2  }
0x4f0: {  	v17 =	vand.u32 $0x1F, v13;
	v13 =	vmov s1;
	s1 =	sadd.s32 $0x1, s1  }
0x4f1: {  	_ =	sdelay $0x2  }
0x4f2: {  	v18 =	vadd.s32 $0x14, v13;
	v17 =	vbroadcast v17, $0x0  }
0x4f3: {  	[tilespmem:v16+s7+$0x0] =	vst.idx.msk $0xffff, v14;
	v14 =	vbroadcast v18, $0x0  }
0x4f4: {  	v15 =	vld.idx.msk [tilespmem:v15+s17+$0x0], $0xffff;
	v63 =	vor.u32 v5, v17  }
0x4f5: {  	v14 =	vadd.s32 v11, v14;
	_ =	sdelay $0x1  }
0x4f6: {  	v11 =	vand.u32 $0x1F, v13  }
0x4f7: {  	v13 =	vbroadcast v11, $0x0  }
0x4f8: {  	v11 =	vmul.u32 $0x28, v12;
	[tilespmem:v63+s7+$0x0] =	vst.idx.msk $0xffff, v15  }
0x4f9: {  	s1 =	simm.s32 $0x0;
	v13 =	vor.u32 v5, v13;
	v12 =	vld.idx.msk [tilespmem:v14+s17+$0x0], $0xffff  }
0x4fa: {  	v14 =	vadd.s32 s1, v11  }
0x4fb: {  	v15 =	vmov s1  }
0x4fc: {  	v15 =	vand.u32 $0x3F, v15  }
0x4fd: {  	v15 =	vbroadcast v15, $0x0  }
0x4fe: {  	[tilespmem:v13+s7+$0x0] =	vst.idx.msk $0xffff, v12  }
0x4ff: {  	s1 =	simm.s32 $0x1;
	v13 =	vor.u32 v6, v15;
	v12 =	vld.idx.msk [tilespmem:v14+s17+$0x0], $0xffff  }
0x500: {  	s5 =	simm.s32 $0x2;
	v14 =	vadd.s32 s1, v11  }
.LBB2_56:
0x501: {  	p0 =	sne.s32 s5, $0x27  }
0x502: {  	v15 =	vmov s1;
	s1 =	smov.u32 s5  }
.Ltmp27:
0x503: {  	v15 =	vand.u32 $0x3F, v15;
	(pc) =	sbr.rel @p0 .LBB2_56-.Ltmp27, $4  }
0x504: {  	v15 =	vbroadcast v15, $0x0;
	[tilespmem:v13+s7+$0x0] =	vst.idx.msk $0xffff, v12  }
0x505: {  	v12 =	vld.idx.msk [tilespmem:v14+s17+$0x0], $0xffff  }
0x506: {  	v13 =	vor.u32 v6, v15  }
0x507: {  	s5 =	sadd.s32 $0x1, s5;
	v14 =	vadd.s32 s1, v11  }
0x508: {  	_ = 	snop  }
0x509: {  	v11 =	vmov s1  }
0x50a: {  	v11 =	vand.u32 $0x3F, v11  }
0x50b: {  	v11 =	vbroadcast v11, $0x0  }
0x50c: {  	[tilespmem:v13+s7+$0x0] =	vst.idx.msk $0xffff, v12  }
0x50d: {  	v12 =	vld.idx.msk [tilespmem:v14+s17+$0x0], $0xffff;
	v11 =	vor.u32 v6, v11;
	_ =	sdelay $0x4  }
0x50e: {  	[tilespmem:v11+s7+$0x0] =	vst.idx.msk $0xffff, v12  }
0x50f: {  	v11 =	vld [tilespmem:$0x9A0];
	_ =	sdelay $0x1  }
0x510: {  	s5 =	simm.s32 $0x0  }
0x511: {  	v12 =	vmov s5  }
0x512: {  	v13 =	vadd.s32 $0x14, v12  }
0x513: {  	v13 =	vbroadcast v13, $0x0;
	v11 =	vmul.u32 $0x28, v11;
	_ =	sdelay $0x1  }
0x514: {  	v13 =	vadd.s32 v11, v13  }
0x515: {  	s5 =	simm.s32 $0x1  }
0x516: {  	v17 =	vmov s5;
	v12 =	vand.u32 $0x1F, v12  }
0x517: {  	v14 =	vadd.s32 $0x14, v17;
	v15 =	vbroadcast v12, $0x0  }
0x518: {  	v18 =	vbroadcast v14, $0x0  }
0x519: {  	v16 =	vor.u32 v7, v15;
	v14 =	vld.idx.msk [tilespmem:v13+s17+$0x0], $0xffff  }
0x51a: {  	v15 =	vadd.s32 v11, v18;
	_ =	sdelay $0x1  }
0x51b: {  	s5 =	simm.s32 $0x2  }
0x51c: {  	s1 =	simm.s32 $0x3;
	v12 =	vld [tilespmem:$0xDA0];
	v17 =	vand.u32 $0x1F, v17;
	v13 =	vmov s5  }
.LBB2_58:
0x51d: {  	p0 =	sne.s32 s1, $0x13;
	v18 =	vadd.s32 $0x14, v13;
	v17 =	vbroadcast v17, $0x0;
	[tilespmem:v16+s7+$0x0] =	vst.idx.msk $0xffff, v14  }
0x51e: {  	v18 =	vbroadcast v18, $0x0;
	v14 =	vld.idx.msk [tilespmem:v15+s17+$0x0], $0xffff  }
.Ltmp28:
0x51f: {  	v16 =	vor.u32 v7, v17;
	(pc) =	sbr.rel @p0 .LBB2_58-.Ltmp28, $2  }
0x520: {  	v15 =	vadd.s32 v11, v18;
	_ =	sdelay $0x2  }
0x521: {  	v17 =	vand.u32 $0x1F, v13;
	v13 =	vmov s1;
	s1 =	sadd.s32 $0x1, s1  }
0x522: {  	_ =	sdelay $0x2  }
0x523: {  	v18 =	vadd.s32 $0x14, v13;
	v17 =	vbroadcast v17, $0x0  }
0x524: {  	[tilespmem:v16+s7+$0x0] =	vst.idx.msk $0xffff, v14;
	v14 =	vbroadcast v18, $0x0  }
0x525: {  	v15 =	vld.idx.msk [tilespmem:v15+s17+$0x0], $0xffff;
	v63 =	vor.u32 v7, v17  }
0x526: {  	v14 =	vadd.s32 v11, v14;
	_ =	sdelay $0x1  }
0x527: {  	v11 =	vand.u32 $0x1F, v13  }
0x528: {  	v13 =	vbroadcast v11, $0x0  }
0x529: {  	v11 =	vmul.u32 $0x28, v12;
	[tilespmem:v63+s7+$0x0] =	vst.idx.msk $0xffff, v15  }
0x52a: {  	s1 =	simm.s32 $0x0;
	v13 =	vor.u32 v7, v13;
	v12 =	vld.idx.msk [tilespmem:v14+s17+$0x0], $0xffff  }
0x52b: {  	v14 =	vadd.s32 s1, v11  }
0x52c: {  	v15 =	vmov s1  }
0x52d: {  	v15 =	vand.u32 $0x3F, v15  }
0x52e: {  	v15 =	vbroadcast v15, $0x0  }
0x52f: {  	[tilespmem:v13+s7+$0x0] =	vst.idx.msk $0xffff, v12  }
0x530: {  	s1 =	simm.s32 $0x1;
	v13 =	vor.u32 v8, v15;
	v12 =	vld.idx.msk [tilespmem:v14+s17+$0x0], $0xffff  }
0x531: {  	s5 =	simm.s32 $0x2;
	v14 =	vadd.s32 s1, v11  }
.LBB2_60:
0x532: {  	p0 =	sne.s32 s5, $0x27  }
0x533: {  	v15 =	vmov s1;
	s1 =	smov.u32 s5  }
.Ltmp29:
0x534: {  	v15 =	vand.u32 $0x3F, v15;
	(pc) =	sbr.rel @p0 .LBB2_60-.Ltmp29, $4  }
0x535: {  	v15 =	vbroadcast v15, $0x0;
	[tilespmem:v13+s7+$0x0] =	vst.idx.msk $0xffff, v12  }
0x536: {  	v12 =	vld.idx.msk [tilespmem:v14+s17+$0x0], $0xffff  }
0x537: {  	v13 =	vor.u32 v8, v15  }
0x538: {  	s5 =	sadd.s32 $0x1, s5;
	v14 =	vadd.s32 s1, v11  }
0x539: {  	_ = 	snop  }
0x53a: {  	v11 =	vmov s1  }
0x53b: {  	v11 =	vand.u32 $0x3F, v11  }
0x53c: {  	v11 =	vbroadcast v11, $0x0  }
0x53d: {  	[tilespmem:v13+s7+$0x0] =	vst.idx.msk $0xffff, v12  }
0x53e: {  	v12 =	vld.idx.msk [tilespmem:v14+s17+$0x0], $0xffff;
	v11 =	vor.u32 v8, v11;
	_ =	sdelay $0x4  }
0x53f: {  	[tilespmem:v11+s7+$0x0] =	vst.idx.msk $0xffff, v12  }
0x540: {  	v11 =	vld [tilespmem:$0x9B0];
	_ =	sdelay $0x1  }
0x541: {  	s5 =	simm.s32 $0x0  }
0x542: {  	v12 =	vmov s5  }
0x543: {  	v13 =	vadd.s32 $0x14, v12  }
0x544: {  	v13 =	vbroadcast v13, $0x0;
	v11 =	vmul.u32 $0x28, v11;
	_ =	sdelay $0x1  }
0x545: {  	v13 =	vadd.s32 v11, v13  }
0x546: {  	s5 =	simm.s32 $0x1  }
0x547: {  	v17 =	vmov s5;
	v12 =	vand.u32 $0x1F, v12  }
0x548: {  	v14 =	vadd.s32 $0x14, v17;
	v15 =	vbroadcast v12, $0x0  }
0x549: {  	v18 =	vbroadcast v14, $0x0  }
0x54a: {  	v16 =	vor.u32 v9, v15;
	v14 =	vld.idx.msk [tilespmem:v13+s17+$0x0], $0xffff  }
0x54b: {  	v15 =	vadd.s32 v11, v18;
	_ =	sdelay $0x1  }
0x54c: {  	s5 =	simm.s32 $0x2  }
0x54d: {  	s1 =	simm.s32 $0x3;
	v12 =	vld [tilespmem:$0xDB0];
	v17 =	vand.u32 $0x1F, v17;
	v13 =	vmov s5  }
.LBB2_62:
0x54e: {  	p0 =	sne.s32 s1, $0x13;
	v18 =	vadd.s32 $0x14, v13;
	v17 =	vbroadcast v17, $0x0;
	[tilespmem:v16+s7+$0x0] =	vst.idx.msk $0xffff, v14  }
0x54f: {  	v18 =	vbroadcast v18, $0x0;
	v14 =	vld.idx.msk [tilespmem:v15+s17+$0x0], $0xffff  }
.Ltmp30:
0x550: {  	v16 =	vor.u32 v9, v17;
	(pc) =	sbr.rel @p0 .LBB2_62-.Ltmp30, $2  }
0x551: {  	v15 =	vadd.s32 v11, v18;
	_ =	sdelay $0x2  }
0x552: {  	v17 =	vand.u32 $0x1F, v13;
	v13 =	vmov s1;
	s1 =	sadd.s32 $0x1, s1  }
0x553: {  	_ =	sdelay $0x2  }
0x554: {  	v18 =	vadd.s32 $0x14, v13;
	v17 =	vbroadcast v17, $0x0  }
0x555: {  	[tilespmem:v16+s7+$0x0] =	vst.idx.msk $0xffff, v14;
	v14 =	vbroadcast v18, $0x0  }
0x556: {  	v15 =	vld.idx.msk [tilespmem:v15+s17+$0x0], $0xffff;
	v63 =	vor.u32 v9, v17  }
0x557: {  	v14 =	vadd.s32 v11, v14;
	_ =	sdelay $0x1  }
0x558: {  	v11 =	vand.u32 $0x1F, v13  }
0x559: {  	v13 =	vbroadcast v11, $0x0  }
0x55a: {  	v11 =	vmul.u32 $0x28, v12;
	[tilespmem:v63+s7+$0x0] =	vst.idx.msk $0xffff, v15  }
0x55b: {  	s1 =	simm.s32 $0x0;
	v13 =	vor.u32 v9, v13;
	v12 =	vld.idx.msk [tilespmem:v14+s17+$0x0], $0xffff  }
0x55c: {  	v14 =	vadd.s32 s1, v11  }
0x55d: {  	v15 =	vmov s1  }
0x55e: {  	v15 =	vand.u32 $0x3F, v15  }
0x55f: {  	v15 =	vbroadcast v15, $0x0  }
0x560: {  	[tilespmem:v13+s7+$0x0] =	vst.idx.msk $0xffff, v12  }
0x561: {  	s1 =	simm.s32 $0x1;
	v13 =	vor.u32 v10, v15;
	v12 =	vld.idx.msk [tilespmem:v14+s17+$0x0], $0xffff  }
0x562: {  	s5 =	simm.s32 $0x2;
	v14 =	vadd.s32 s1, v11  }
.LBB2_64:
0x563: {  	p0 =	sne.s32 s5, $0x27  }
0x564: {  	v15 =	vmov s1;
	s1 =	smov.u32 s5  }
.Ltmp31:
0x565: {  	v15 =	vand.u32 $0x3F, v15;
	(pc) =	sbr.rel @p0 .LBB2_64-.Ltmp31, $4  }
0x566: {  	v15 =	vbroadcast v15, $0x0;
	[tilespmem:v13+s7+$0x0] =	vst.idx.msk $0xffff, v12  }
0x567: {  	v12 =	vld.idx.msk [tilespmem:v14+s17+$0x0], $0xffff  }
0x568: {  	v13 =	vor.u32 v10, v15  }
0x569: {  	s5 =	sadd.s32 $0x1, s5;
	v14 =	vadd.s32 s1, v11  }
0x56a: {  	_ = 	snop  }
0x56b: {  	v11 =	vmov s1  }
0x56c: {  	v11 =	vand.u32 $0x3F, v11  }
0x56d: {  	v11 =	vbroadcast v11, $0x0  }
0x56e: {  	[tilespmem:v13+s7+$0x0] =	vst.idx.msk $0xffff, v12  }
0x56f: {  	v12 =	vld.idx.msk [tilespmem:v14+s17+$0x0], $0xffff;
	v11 =	vor.u32 v10, v11;
	_ =	sdelay $0x4  }
0x570: {  	s1 =	simm.s32 $0x0;
	s5 =	rddreg [dreg:$0xa];
	[tilespmem:v11+s7+$0x0] =	vst.idx.msk $0xffff, v12  }
0x571: {  	[hbm4b:s5+s1] =	stream.linear.scatter [tilespmem:s7], [sflag:$0x6], $0xA000, $0x38;
	[tilespmem:$0x1F000] =	vst v63  }
0x572: {  	_ =	swait.ge [sflag:s31], $0xA000  }
0x573: {  	[sflag:s31] =	ssyncset.done $0x0  }
0x574: {  	[sflag:s31] =	ssyncadd.s32 $0xFFFF6000  }
0x575: {  	v11 =	vld [tilespmem:$0xA80];
	_ =	sdelay $0x4  }
0x576: {  	v12 =	vshll.u32 v11, $0x1  }
0x577: {  	v11 =	vand.u32 $0x7, v11;
	v12 =	vand.u32 $0xFFFFFFF0, v12  }
0x578: {  	v11 =	vor.u32 v11, v12  }
0x579: {  	v12 =	vperm.xlane v11, v0;
	_ =	sdelay $0x1  }
0x57a: {  	v11 =	vperm.xlane v11, v2;
	v12 =	vadd.s32 v1, v12;
	_ =	sdelay $0x1  }
0x57b: {  	v11 =	vadd.s32 v1, v11;
	_ =	sdelay $0x2  }
0x57c: {  	[tilespmem:s7], [sflag:$0x2] =	stream.indirect_vreg.gather [hbm4b:s0+s1], $0x80, v12, vm0, $0xb8;
	[tilespmem:$0x1F000] =	vst v63  }
0x57d: {  	_ = 	snop  }
0x57e: {  	[tilespmem:s8], [sflag:$0x2] =	stream.indirect_vreg.gather [hbm4b:s0+s1], $0x80, v11, vm0, $0xb8;
	[tilespmem:$0x1F000] =	vst v63  }
0x57f: {  	v11 =	vld [tilespmem:$0xA90];
	_ =	sdelay $0x4  }
0x580: {  	v12 =	vshll.u32 v11, $0x1  }
0x581: {  	v11 =	vand.u32 $0x7, v11;
	v12 =	vand.u32 $0xFFFFFFF0, v12  }
0x582: {  	v11 =	vor.u32 v11, v12  }
0x583: {  	v12 =	vperm.xlane v11, v0;
	_ =	sdelay $0x1  }
0x584: {  	v11 =	vperm.xlane v11, v2;
	v12 =	vadd.s32 v1, v12;
	_ =	sdelay $0x1  }
0x585: {  	v11 =	vadd.s32 v1, v11;
	_ =	sdelay $0x2  }
0x586: {  	[tilespmem:s9], [sflag:$0x2] =	stream.indirect_vreg.gather [hbm4b:s0+s1], $0x80, v12, vm0, $0xb8;
	[tilespmem:$0x1F000] =	vst v63  }
0x587: {  	_ = 	snop  }
0x588: {  	[tilespmem:s10], [sflag:$0x2] =	stream.indirect_vreg.gather [hbm4b:s0+s1], $0x80, v11, vm0, $0xb8;
	[tilespmem:$0x1F000] =	vst v63  }
0x589: {  	v11 =	vld [tilespmem:$0xAA0];
	_ =	sdelay $0x4  }
0x58a: {  	v12 =	vshll.u32 v11, $0x1  }
0x58b: {  	v11 =	vand.u32 $0x7, v11;
	v12 =	vand.u32 $0xFFFFFFF0, v12  }
0x58c: {  	v11 =	vor.u32 v11, v12  }
0x58d: {  	v12 =	vperm.xlane v11, v0;
	_ =	sdelay $0x1  }
0x58e: {  	v11 =	vperm.xlane v11, v2;
	v12 =	vadd.s32 v1, v12;
	_ =	sdelay $0x1  }
0x58f: {  	v11 =	vadd.s32 v1, v11;
	_ =	sdelay $0x2  }
0x590: {  	[tilespmem:s11], [sflag:$0x2] =	stream.indirect_vreg.gather [hbm4b:s0+s1], $0x80, v12, vm0, $0xb8;
	[tilespmem:$0x1F000] =	vst v63  }
0x591: {  	_ = 	snop  }
0x592: {  	[tilespmem:s12], [sflag:$0x2] =	stream.indirect_vreg.gather [hbm4b:s0+s1], $0x80, v11, vm0, $0xb8;
	[tilespmem:$0x1F000] =	vst v63  }
0x593: {  	v11 =	vld [tilespmem:$0xAB0];
	_ =	sdelay $0x4  }
0x594: {  	v12 =	vshll.u32 v11, $0x1  }
0x595: {  	v11 =	vand.u32 $0x7, v11;
	v12 =	vand.u32 $0xFFFFFFF0, v12  }
0x596: {  	v11 =	vor.u32 v11, v12  }
0x597: {  	v12 =	vperm.xlane v11, v0;
	_ =	sdelay $0x1  }
0x598: {  	v11 =	vperm.xlane v11, v2;
	v12 =	vadd.s32 v1, v12;
	_ =	sdelay $0x1  }
0x599: {  	v11 =	vadd.s32 v1, v11;
	_ =	sdelay $0x2  }
0x59a: {  	[tilespmem:s13], [sflag:$0x2] =	stream.indirect_vreg.gather [hbm4b:s0+s1], $0x80, v12, vm0, $0xb8;
	[tilespmem:$0x1F000] =	vst v63  }
0x59b: {  	_ = 	snop  }
0x59c: {  	[tilespmem:s14], [sflag:$0x2] =	stream.indirect_vreg.gather [hbm4b:s0+s1], $0x80, v11, vm0, $0xb8;
	[tilespmem:$0x1F000] =	vst v63  }
0x59d: {  	v11 =	vld [tilespmem:$0xE80];
	_ =	sdelay $0x4  }
0x59e: {  	v12 =	vshll.u32 v11, $0x1  }
0x59f: {  	v11 =	vand.u32 $0x7, v11;
	v12 =	vand.u32 $0xFFFFFFF0, v12  }
0x5a0: {  	v11 =	vor.u32 v11, v12  }
0x5a1: {  	v12 =	vperm.xlane v11, v0;
	_ =	sdelay $0x1  }
0x5a2: {  	v11 =	vperm.xlane v11, v2;
	v12 =	vadd.s32 v1, v12;
	_ =	sdelay $0x1  }
0x5a3: {  	v11 =	vadd.s32 v1, v11;
	_ =	sdelay $0x2  }
0x5a4: {  	[tilespmem:s15], [sflag:$0x4] =	stream.indirect_vreg.gather [hbm4b:s2+s1], $0x80, v12, vm0, $0xb8;
	[tilespmem:$0x1F000] =	vst v63  }
0x5a5: {  	_ = 	snop  }
0x5a6: {  	[tilespmem:s6], [sflag:$0x4] =	stream.indirect_vreg.gather [hbm4b:s2+s1], $0x80, v11, vm0, $0xb8;
	[tilespmem:$0x1F000] =	vst v63  }
0x5a7: {  	v11 =	vld [tilespmem:$0xE90];
	_ =	sdelay $0x4  }
0x5a8: {  	v12 =	vshll.u32 v11, $0x1  }
0x5a9: {  	v11 =	vand.u32 $0x7, v11;
	v12 =	vand.u32 $0xFFFFFFF0, v12  }
0x5aa: {  	v11 =	vor.u32 v11, v12  }
0x5ab: {  	v12 =	vperm.xlane v11, v0;
	_ =	sdelay $0x1  }
0x5ac: {  	v11 =	vperm.xlane v11, v2;
	v12 =	vadd.s32 v1, v12;
	_ =	sdelay $0x1  }
0x5ad: {  	v11 =	vadd.s32 v1, v11;
	_ =	sdelay $0x2  }
0x5ae: {  	[tilespmem:s19], [sflag:$0x4] =	stream.indirect_vreg.gather [hbm4b:s2+s1], $0x80, v12, vm0, $0xb8;
	[tilespmem:$0x1F000] =	vst v63  }
0x5af: {  	_ = 	snop  }
0x5b0: {  	[tilespmem:s20], [sflag:$0x4] =	stream.indirect_vreg.gather [hbm4b:s2+s1], $0x80, v11, vm0, $0xb8;
	[tilespmem:$0x1F000] =	vst v63  }
0x5b1: {  	v11 =	vld [tilespmem:$0xEA0];
	_ =	sdelay $0x4  }
0x5b2: {  	v12 =	vshll.u32 v11, $0x1  }
0x5b3: {  	v11 =	vand.u32 $0x7, v11;
	v12 =	vand.u32 $0xFFFFFFF0, v12  }
0x5b4: {  	v11 =	vor.u32 v11, v12  }
0x5b5: {  	v12 =	vperm.xlane v11, v0;
	_ =	sdelay $0x1  }
0x5b6: {  	v11 =	vperm.xlane v11, v2;
	v12 =	vadd.s32 v1, v12;
	_ =	sdelay $0x1  }
0x5b7: {  	v11 =	vadd.s32 v1, v11;
	_ =	sdelay $0x2  }
0x5b8: {  	[tilespmem:s21], [sflag:$0x4] =	stream.indirect_vreg.gather [hbm4b:s2+s1], $0x80, v12, vm0, $0xb8;
	[tilespmem:$0x1F000] =	vst v63  }
0x5b9: {  	_ = 	snop  }
0x5ba: {  	[tilespmem:s22], [sflag:$0x4] =	stream.indirect_vreg.gather [hbm4b:s2+s1], $0x80, v11, vm0, $0xb8;
	[tilespmem:$0x1F000] =	vst v63  }
0x5bb: {  	v11 =	vld [tilespmem:$0xEB0];
	_ =	sdelay $0x4  }
0x5bc: {  	v12 =	vshll.u32 v11, $0x1  }
0x5bd: {  	v11 =	vand.u32 $0x7, v11;
	v12 =	vand.u32 $0xFFFFFFF0, v12  }
0x5be: {  	v11 =	vor.u32 v11, v12  }
0x5bf: {  	v12 =	vperm.xlane v11, v0;
	_ =	sdelay $0x1  }
0x5c0: {  	v11 =	vperm.xlane v11, v2;
	v12 =	vadd.s32 v1, v12;
	_ =	sdelay $0x1  }
0x5c1: {  	v11 =	vadd.s32 v1, v11;
	_ =	sdelay $0x2  }
0x5c2: {  	[tilespmem:s23], [sflag:$0x4] =	stream.indirect_vreg.gather [hbm4b:s2+s1], $0x80, v12, vm0, $0xb8;
	[tilespmem:$0x1F000] =	vst v63  }
0x5c3: {  	_ = 	snop  }
0x5c4: {  	[tilespmem:s24], [sflag:$0x4] =	stream.indirect_vreg.gather [hbm4b:s2+s1], $0x80, v11, vm0, $0xb8;
	[tilespmem:$0x1F000] =	vst v63  }
0x5c5: {  	_ =	swait.ge [sflag:s25], $0x4000  }
0x5c6: {  	[sflag:s25] =	ssyncset.done $0x0  }
0x5c7: {  	[sflag:s25] =	ssyncadd.s32 $0xFFFFC000  }
0x5c8: {  	_ =	swait.ge [sflag:s26], $0x4000  }
0x5c9: {  	[sflag:s26] =	ssyncset.done $0x0  }
0x5ca: {  	[sflag:s26] =	ssyncadd.s32 $0xFFFFC000  }
0x5cb: {  	v11 =	vld [tilespmem:$0xA00];
	_ =	sdelay $0x2  }
0x5cc: {  	v12 =	vmov s1  }
0x5cd: {  	v13 =	vadd.s32 $0x14, v12  }
0x5ce: {  	v13 =	vbroadcast v13, $0x0;
	v11 =	vmul.u32 $0x28, v11;
	_ =	sdelay $0x1  }
0x5cf: {  	v13 =	vadd.s32 v11, v13  }
0x5d0: {  	s5 =	simm.s32 $0x1  }
0x5d1: {  	v17 =	vmov s5;
	v12 =	vand.u32 $0x1F, v12  }
0x5d2: {  	v14 =	vadd.s32 $0x14, v17;
	v15 =	vbroadcast v12, $0x0  }
0x5d3: {  	v18 =	vbroadcast v14, $0x0  }
0x5d4: {  	v16 =	vor.u32 v3, v15;
	v14 =	vld.idx.msk [tilespmem:v13+s17+$0x0], $0xffff  }
0x5d5: {  	v15 =	vadd.s32 v11, v18;
	_ =	sdelay $0x1  }
0x5d6: {  	s5 =	simm.s32 $0x2  }
0x5d7: {  	v17 =	vand.u32 $0x1F, v17;
	s1 =	simm.s32 $0x3;
	v12 =	vld [tilespmem:$0xE00];
	v13 =	vmov s5  }
.LBB2_66:
0x5d8: {  	p0 =	sne.s32 s1, $0x13;
	v18 =	vadd.s32 $0x14, v13;
	v17 =	vbroadcast v17, $0x0;
	[tilespmem:v16+s18+$0x0] =	vst.idx.msk $0xffff, v14  }
0x5d9: {  	v18 =	vbroadcast v18, $0x0;
	v14 =	vld.idx.msk [tilespmem:v15+s17+$0x0], $0xffff  }
.Ltmp32:
0x5da: {  	v16 =	vor.u32 v3, v17;
	(pc) =	sbr.rel @p0 .LBB2_66-.Ltmp32, $2  }
0x5db: {  	v15 =	vadd.s32 v11, v18;
	_ =	sdelay $0x2  }
0x5dc: {  	v17 =	vand.u32 $0x1F, v13;
	v13 =	vmov s1;
	s1 =	sadd.s32 $0x1, s1  }
0x5dd: {  	_ =	sdelay $0x2  }
0x5de: {  	v18 =	vadd.s32 $0x14, v13;
	v17 =	vbroadcast v17, $0x0  }
0x5df: {  	[tilespmem:v16+s18+$0x0] =	vst.idx.msk $0xffff, v14;
	v14 =	vbroadcast v18, $0x0  }
0x5e0: {  	v15 =	vld.idx.msk [tilespmem:v15+s17+$0x0], $0xffff;
	v63 =	vor.u32 v3, v17  }
0x5e1: {  	v14 =	vadd.s32 v11, v14;
	_ =	sdelay $0x1  }
0x5e2: {  	v11 =	vand.u32 $0x1F, v13  }
0x5e3: {  	v13 =	vbroadcast v11, $0x0  }
0x5e4: {  	v11 =	vmul.u32 $0x28, v12;
	[tilespmem:v63+s18+$0x0] =	vst.idx.msk $0xffff, v15  }
0x5e5: {  	s1 =	simm.s32 $0x0;
	v13 =	vor.u32 v3, v13;
	v12 =	vld.idx.msk [tilespmem:v14+s17+$0x0], $0xffff  }
0x5e6: {  	v14 =	vadd.s32 s1, v11  }
0x5e7: {  	v15 =	vmov s1  }
0x5e8: {  	v15 =	vand.u32 $0x3F, v15  }
0x5e9: {  	v15 =	vbroadcast v15, $0x0  }
0x5ea: {  	[tilespmem:v13+s18+$0x0] =	vst.idx.msk $0xffff, v12  }
0x5eb: {  	s1 =	simm.s32 $0x1;
	v13 =	vor.u32 v4, v15;
	v12 =	vld.idx.msk [tilespmem:v14+s17+$0x0], $0xffff  }
0x5ec: {  	s5 =	simm.s32 $0x2;
	v14 =	vadd.s32 s1, v11  }
.LBB2_68:
0x5ed: {  	p0 =	sne.s32 s5, $0x27  }
0x5ee: {  	v15 =	vmov s1;
	s1 =	smov.u32 s5  }
.Ltmp33:
0x5ef: {  	v15 =	vand.u32 $0x3F, v15;
	(pc) =	sbr.rel @p0 .LBB2_68-.Ltmp33, $4  }
0x5f0: {  	v15 =	vbroadcast v15, $0x0;
	[tilespmem:v13+s18+$0x0] =	vst.idx.msk $0xffff, v12  }
0x5f1: {  	v12 =	vld.idx.msk [tilespmem:v14+s17+$0x0], $0xffff  }
0x5f2: {  	v13 =	vor.u32 v4, v15  }
0x5f3: {  	s5 =	sadd.s32 $0x1, s5;
	v14 =	vadd.s32 s1, v11  }
0x5f4: {  	_ = 	snop  }
0x5f5: {  	v11 =	vmov s1  }
0x5f6: {  	v11 =	vand.u32 $0x3F, v11  }
0x5f7: {  	v11 =	vbroadcast v11, $0x0  }
0x5f8: {  	[tilespmem:v13+s18+$0x0] =	vst.idx.msk $0xffff, v12  }
0x5f9: {  	v12 =	vld.idx.msk [tilespmem:v14+s17+$0x0], $0xffff;
	v11 =	vor.u32 v4, v11;
	_ =	sdelay $0x4  }
0x5fa: {  	[tilespmem:v11+s18+$0x0] =	vst.idx.msk $0xffff, v12  }
0x5fb: {  	v11 =	vld [tilespmem:$0xA10];
	_ =	sdelay $0x1  }
0x5fc: {  	s5 =	simm.s32 $0x0  }
0x5fd: {  	v12 =	vmov s5  }
0x5fe: {  	v13 =	vadd.s32 $0x14, v12  }
0x5ff: {  	v13 =	vbroadcast v13, $0x0;
	v11 =	vmul.u32 $0x28, v11;
	_ =	sdelay $0x1  }
0x600: {  	v13 =	vadd.s32 v11, v13  }
0x601: {  	s5 =	simm.s32 $0x1  }
0x602: {  	v17 =	vmov s5;
	v12 =	vand.u32 $0x1F, v12  }
0x603: {  	v14 =	vadd.s32 $0x14, v17;
	v15 =	vbroadcast v12, $0x0  }
0x604: {  	v18 =	vbroadcast v14, $0x0  }
0x605: {  	v16 =	vor.u32 v5, v15;
	v14 =	vld.idx.msk [tilespmem:v13+s17+$0x0], $0xffff  }
0x606: {  	v15 =	vadd.s32 v11, v18;
	_ =	sdelay $0x1  }
0x607: {  	s5 =	simm.s32 $0x2  }
0x608: {  	s1 =	simm.s32 $0x3;
	v12 =	vld [tilespmem:$0xE10];
	v17 =	vand.u32 $0x1F, v17;
	v13 =	vmov s5  }
.LBB2_70:
0x609: {  	p0 =	sne.s32 s1, $0x13;
	v18 =	vadd.s32 $0x14, v13;
	v17 =	vbroadcast v17, $0x0;
	[tilespmem:v16+s18+$0x0] =	vst.idx.msk $0xffff, v14  }
0x60a: {  	v18 =	vbroadcast v18, $0x0;
	v14 =	vld.idx.msk [tilespmem:v15+s17+$0x0], $0xffff  }
.Ltmp34:
0x60b: {  	v16 =	vor.u32 v5, v17;
	(pc) =	sbr.rel @p0 .LBB2_70-.Ltmp34, $2  }
0x60c: {  	v15 =	vadd.s32 v11, v18;
	_ =	sdelay $0x2  }
0x60d: {  	v17 =	vand.u32 $0x1F, v13;
	v13 =	vmov s1;
	s1 =	sadd.s32 $0x1, s1  }
0x60e: {  	_ =	sdelay $0x2  }
0x60f: {  	v18 =	vadd.s32 $0x14, v13;
	v17 =	vbroadcast v17, $0x0  }
0x610: {  	[tilespmem:v16+s18+$0x0] =	vst.idx.msk $0xffff, v14;
	v14 =	vbroadcast v18, $0x0  }
0x611: {  	v15 =	vld.idx.msk [tilespmem:v15+s17+$0x0], $0xffff;
	v63 =	vor.u32 v5, v17  }
0x612: {  	v14 =	vadd.s32 v11, v14;
	_ =	sdelay $0x1  }
0x613: {  	v11 =	vand.u32 $0x1F, v13  }
0x614: {  	v13 =	vbroadcast v11, $0x0  }
0x615: {  	v11 =	vmul.u32 $0x28, v12;
	[tilespmem:v63+s18+$0x0] =	vst.idx.msk $0xffff, v15  }
0x616: {  	s1 =	simm.s32 $0x0;
	v13 =	vor.u32 v5, v13;
	v12 =	vld.idx.msk [tilespmem:v14+s17+$0x0], $0xffff  }
0x617: {  	v14 =	vadd.s32 s1, v11  }
0x618: {  	v15 =	vmov s1  }
0x619: {  	v15 =	vand.u32 $0x3F, v15  }
0x61a: {  	v15 =	vbroadcast v15, $0x0  }
0x61b: {  	[tilespmem:v13+s18+$0x0] =	vst.idx.msk $0xffff, v12  }
0x61c: {  	s1 =	simm.s32 $0x1;
	v13 =	vor.u32 v6, v15;
	v12 =	vld.idx.msk [tilespmem:v14+s17+$0x0], $0xffff  }
0x61d: {  	s5 =	simm.s32 $0x2;
	v14 =	vadd.s32 s1, v11  }
.LBB2_72:
0x61e: {  	p0 =	sne.s32 s5, $0x27  }
0x61f: {  	v15 =	vmov s1;
	s1 =	smov.u32 s5  }
.Ltmp35:
0x620: {  	v15 =	vand.u32 $0x3F, v15;
	(pc) =	sbr.rel @p0 .LBB2_72-.Ltmp35, $4  }
0x621: {  	v15 =	vbroadcast v15, $0x0;
	[tilespmem:v13+s18+$0x0] =	vst.idx.msk $0xffff, v12  }
0x622: {  	v12 =	vld.idx.msk [tilespmem:v14+s17+$0x0], $0xffff  }
0x623: {  	v13 =	vor.u32 v6, v15  }
0x624: {  	s5 =	sadd.s32 $0x1, s5;
	v14 =	vadd.s32 s1, v11  }
0x625: {  	_ = 	snop  }
0x626: {  	v11 =	vmov s1  }
0x627: {  	v11 =	vand.u32 $0x3F, v11  }
0x628: {  	v11 =	vbroadcast v11, $0x0  }
0x629: {  	[tilespmem:v13+s18+$0x0] =	vst.idx.msk $0xffff, v12  }
0x62a: {  	v12 =	vld.idx.msk [tilespmem:v14+s17+$0x0], $0xffff;
	v11 =	vor.u32 v6, v11;
	_ =	sdelay $0x4  }
0x62b: {  	[tilespmem:v11+s18+$0x0] =	vst.idx.msk $0xffff, v12  }
0x62c: {  	v11 =	vld [tilespmem:$0xA20];
	_ =	sdelay $0x1  }
0x62d: {  	s5 =	simm.s32 $0x0  }
0x62e: {  	v12 =	vmov s5  }
0x62f: {  	v13 =	vadd.s32 $0x14, v12  }
0x630: {  	v13 =	vbroadcast v13, $0x0;
	v11 =	vmul.u32 $0x28, v11;
	_ =	sdelay $0x1  }
0x631: {  	v13 =	vadd.s32 v11, v13  }
0x632: {  	s5 =	simm.s32 $0x1  }
0x633: {  	v17 =	vmov s5;
	v12 =	vand.u32 $0x1F, v12  }
0x634: {  	v14 =	vadd.s32 $0x14, v17;
	v15 =	vbroadcast v12, $0x0  }
0x635: {  	v18 =	vbroadcast v14, $0x0  }
0x636: {  	v16 =	vor.u32 v7, v15;
	v14 =	vld.idx.msk [tilespmem:v13+s17+$0x0], $0xffff  }
0x637: {  	v15 =	vadd.s32 v11, v18;
	_ =	sdelay $0x1  }
0x638: {  	s5 =	simm.s32 $0x2  }
0x639: {  	s1 =	simm.s32 $0x3;
	v12 =	vld [tilespmem:$0xE20];
	v17 =	vand.u32 $0x1F, v17;
	v13 =	vmov s5  }
.LBB2_74:
0x63a: {  	p0 =	sne.s32 s1, $0x13;
	v18 =	vadd.s32 $0x14, v13;
	v17 =	vbroadcast v17, $0x0;
	[tilespmem:v16+s18+$0x0] =	vst.idx.msk $0xffff, v14  }
0x63b: {  	v18 =	vbroadcast v18, $0x0;
	v14 =	vld.idx.msk [tilespmem:v15+s17+$0x0], $0xffff  }
.Ltmp36:
0x63c: {  	v16 =	vor.u32 v7, v17;
	(pc) =	sbr.rel @p0 .LBB2_74-.Ltmp36, $2  }
0x63d: {  	v15 =	vadd.s32 v11, v18;
	_ =	sdelay $0x2  }
0x63e: {  	v17 =	vand.u32 $0x1F, v13;
	v13 =	vmov s1;
	s1 =	sadd.s32 $0x1, s1  }
0x63f: {  	_ =	sdelay $0x2  }
0x640: {  	v18 =	vadd.s32 $0x14, v13;
	v17 =	vbroadcast v17, $0x0  }
0x641: {  	[tilespmem:v16+s18+$0x0] =	vst.idx.msk $0xffff, v14;
	v14 =	vbroadcast v18, $0x0  }
0x642: {  	v15 =	vld.idx.msk [tilespmem:v15+s17+$0x0], $0xffff;
	v63 =	vor.u32 v7, v17  }
0x643: {  	v14 =	vadd.s32 v11, v14;
	_ =	sdelay $0x1  }
0x644: {  	v11 =	vand.u32 $0x1F, v13  }
0x645: {  	v13 =	vbroadcast v11, $0x0  }
0x646: {  	v11 =	vmul.u32 $0x28, v12;
	[tilespmem:v63+s18+$0x0] =	vst.idx.msk $0xffff, v15  }
0x647: {  	s1 =	simm.s32 $0x0;
	v13 =	vor.u32 v7, v13;
	v12 =	vld.idx.msk [tilespmem:v14+s17+$0x0], $0xffff  }
0x648: {  	v14 =	vadd.s32 s1, v11  }
0x649: {  	v15 =	vmov s1  }
0x64a: {  	v15 =	vand.u32 $0x3F, v15  }
0x64b: {  	v15 =	vbroadcast v15, $0x0  }
0x64c: {  	[tilespmem:v13+s18+$0x0] =	vst.idx.msk $0xffff, v12  }
0x64d: {  	s1 =	simm.s32 $0x1;
	v13 =	vor.u32 v8, v15;
	v12 =	vld.idx.msk [tilespmem:v14+s17+$0x0], $0xffff  }
0x64e: {  	s5 =	simm.s32 $0x2;
	v14 =	vadd.s32 s1, v11  }
.LBB2_76:
0x64f: {  	p0 =	sne.s32 s5, $0x27  }
0x650: {  	v15 =	vmov s1;
	s1 =	smov.u32 s5  }
.Ltmp37:
0x651: {  	v15 =	vand.u32 $0x3F, v15;
	(pc) =	sbr.rel @p0 .LBB2_76-.Ltmp37, $4  }
0x652: {  	v15 =	vbroadcast v15, $0x0;
	[tilespmem:v13+s18+$0x0] =	vst.idx.msk $0xffff, v12  }
0x653: {  	v12 =	vld.idx.msk [tilespmem:v14+s17+$0x0], $0xffff  }
0x654: {  	v13 =	vor.u32 v8, v15  }
0x655: {  	s5 =	sadd.s32 $0x1, s5;
	v14 =	vadd.s32 s1, v11  }
0x656: {  	_ = 	snop  }
0x657: {  	v11 =	vmov s1  }
0x658: {  	v11 =	vand.u32 $0x3F, v11  }
0x659: {  	v11 =	vbroadcast v11, $0x0  }
0x65a: {  	[tilespmem:v13+s18+$0x0] =	vst.idx.msk $0xffff, v12  }
0x65b: {  	v12 =	vld.idx.msk [tilespmem:v14+s17+$0x0], $0xffff;
	v11 =	vor.u32 v8, v11;
	_ =	sdelay $0x4  }
0x65c: {  	[tilespmem:v11+s18+$0x0] =	vst.idx.msk $0xffff, v12  }
0x65d: {  	v11 =	vld [tilespmem:$0xA30];
	_ =	sdelay $0x1  }
0x65e: {  	s5 =	simm.s32 $0x0  }
0x65f: {  	v12 =	vmov s5  }
0x660: {  	v13 =	vadd.s32 $0x14, v12  }
0x661: {  	v13 =	vbroadcast v13, $0x0;
	v11 =	vmul.u32 $0x28, v11;
	_ =	sdelay $0x1  }
0x662: {  	v13 =	vadd.s32 v11, v13  }
0x663: {  	s5 =	simm.s32 $0x1  }
0x664: {  	v17 =	vmov s5;
	v12 =	vand.u32 $0x1F, v12  }
0x665: {  	v14 =	vadd.s32 $0x14, v17;
	v15 =	vbroadcast v12, $0x0  }
0x666: {  	v18 =	vbroadcast v14, $0x0  }
0x667: {  	v16 =	vor.u32 v9, v15;
	v14 =	vld.idx.msk [tilespmem:v13+s17+$0x0], $0xffff  }
0x668: {  	v15 =	vadd.s32 v11, v18;
	_ =	sdelay $0x1  }
0x669: {  	s5 =	simm.s32 $0x2  }
0x66a: {  	s1 =	simm.s32 $0x3;
	v12 =	vld [tilespmem:$0xE30];
	v17 =	vand.u32 $0x1F, v17;
	v13 =	vmov s5  }
.LBB2_78:
0x66b: {  	p0 =	sne.s32 s1, $0x13;
	v18 =	vadd.s32 $0x14, v13;
	v17 =	vbroadcast v17, $0x0;
	[tilespmem:v16+s18+$0x0] =	vst.idx.msk $0xffff, v14  }
0x66c: {  	v18 =	vbroadcast v18, $0x0;
	v14 =	vld.idx.msk [tilespmem:v15+s17+$0x0], $0xffff  }
.Ltmp38:
0x66d: {  	v16 =	vor.u32 v9, v17;
	(pc) =	sbr.rel @p0 .LBB2_78-.Ltmp38, $2  }
0x66e: {  	v15 =	vadd.s32 v11, v18;
	_ =	sdelay $0x2  }
0x66f: {  	v17 =	vand.u32 $0x1F, v13;
	v13 =	vmov s1;
	s1 =	sadd.s32 $0x1, s1  }
0x670: {  	_ =	sdelay $0x2  }
0x671: {  	v18 =	vadd.s32 $0x14, v13;
	v17 =	vbroadcast v17, $0x0  }
0x672: {  	[tilespmem:v16+s18+$0x0] =	vst.idx.msk $0xffff, v14;
	v14 =	vbroadcast v18, $0x0  }
0x673: {  	v15 =	vld.idx.msk [tilespmem:v15+s17+$0x0], $0xffff;
	v63 =	vor.u32 v9, v17  }
0x674: {  	v14 =	vadd.s32 v11, v14;
	_ =	sdelay $0x1  }
0x675: {  	v11 =	vand.u32 $0x1F, v13  }
0x676: {  	v13 =	vbroadcast v11, $0x0  }
0x677: {  	v11 =	vmul.u32 $0x28, v12;
	[tilespmem:v63+s18+$0x0] =	vst.idx.msk $0xffff, v15  }
0x678: {  	s1 =	simm.s32 $0x0;
	v13 =	vor.u32 v9, v13;
	v12 =	vld.idx.msk [tilespmem:v14+s17+$0x0], $0xffff  }
0x679: {  	v14 =	vadd.s32 s1, v11  }
0x67a: {  	v15 =	vmov s1  }
0x67b: {  	v15 =	vand.u32 $0x3F, v15  }
0x67c: {  	v15 =	vbroadcast v15, $0x0  }
0x67d: {  	[tilespmem:v13+s18+$0x0] =	vst.idx.msk $0xffff, v12  }
0x67e: {  	s1 =	simm.s32 $0x1;
	v13 =	vor.u32 v10, v15;
	v12 =	vld.idx.msk [tilespmem:v14+s17+$0x0], $0xffff  }
0x67f: {  	s5 =	simm.s32 $0x2;
	v14 =	vadd.s32 s1, v11  }
.LBB2_80:
0x680: {  	p0 =	sne.s32 s5, $0x27  }
0x681: {  	v15 =	vmov s1;
	s1 =	smov.u32 s5  }
.Ltmp39:
0x682: {  	v15 =	vand.u32 $0x3F, v15;
	(pc) =	sbr.rel @p0 .LBB2_80-.Ltmp39, $4  }
0x683: {  	v15 =	vbroadcast v15, $0x0;
	[tilespmem:v13+s18+$0x0] =	vst.idx.msk $0xffff, v12  }
0x684: {  	v12 =	vld.idx.msk [tilespmem:v14+s17+$0x0], $0xffff  }
0x685: {  	v13 =	vor.u32 v10, v15  }
0x686: {  	s5 =	sadd.s32 $0x1, s5;
	v14 =	vadd.s32 s1, v11  }
0x687: {  	_ = 	snop  }
0x688: {  	v11 =	vmov s1  }
0x689: {  	v11 =	vand.u32 $0x3F, v11  }
0x68a: {  	v11 =	vbroadcast v11, $0x0  }
0x68b: {  	[tilespmem:v13+s18+$0x0] =	vst.idx.msk $0xffff, v12  }
0x68c: {  	v12 =	vld.idx.msk [tilespmem:v14+s17+$0x0], $0xffff;
	v11 =	vor.u32 v10, v11;
	_ =	sdelay $0x4  }
0x68d: {  	s1 =	simm.s32 $0x0;
	s5 =	rddreg [dreg:$0xb];
	[tilespmem:v11+s18+$0x0] =	vst.idx.msk $0xffff, v12  }
0x68e: {  	[hbm4b:s5+s1] =	stream.linear.scatter [tilespmem:s18], [sflag:$0x5], $0xA000, $0x38;
	[tilespmem:$0x1F000] =	vst v63  }
0x68f: {  	_ =	swait.ge [sflag:s28], $0xA000  }
0x690: {  	[sflag:s28] =	ssyncset.done $0x0  }
0x691: {  	[sflag:s28] =	ssyncadd.s32 $0xFFFF6000  }
0x692: {  	v11 =	vld [tilespmem:$0xB00];
	_ =	sdelay $0x4  }
0x693: {  	v12 =	vshll.u32 v11, $0x1  }
0x694: {  	v11 =	vand.u32 $0x7, v11;
	v12 =	vand.u32 $0xFFFFFFF0, v12  }
0x695: {  	v11 =	vor.u32 v11, v12  }
0x696: {  	v12 =	vperm.xlane v11, v0;
	_ =	sdelay $0x1  }
0x697: {  	v11 =	vperm.xlane v11, v2;
	v12 =	vadd.s32 v1, v12;
	_ =	sdelay $0x1  }
0x698: {  	v11 =	vadd.s32 v1, v11;
	_ =	sdelay $0x2  }
0x699: {  	[tilespmem:s18], [sflag:$0x1] =	stream.indirect_vreg.gather [hbm4b:s0+s1], $0x80, v12, vm0, $0xb8;
	[tilespmem:$0x1F000] =	vst v63  }
0x69a: {  	s5 =	simm.s32 $0xC400  }
0x69b: {  	[tilespmem:s5], [sflag:$0x1] =	stream.indirect_vreg.gather [hbm4b:s0+s1], $0x80, v11, vm0, $0xb8;
	[tilespmem:$0x1F000] =	vst v63  }
0x69c: {  	v11 =	vld [tilespmem:$0xB10];
	_ =	sdelay $0x4  }
0x69d: {  	v12 =	vshll.u32 v11, $0x1  }
0x69e: {  	v11 =	vand.u32 $0x7, v11;
	v12 =	vand.u32 $0xFFFFFFF0, v12  }
0x69f: {  	v11 =	vor.u32 v11, v12  }
0x6a0: {  	v12 =	vperm.xlane v11, v0;
	_ =	sdelay $0x1  }
0x6a1: {  	v11 =	vperm.xlane v11, v2;
	v12 =	vadd.s32 v1, v12;
	_ =	sdelay $0x1  }
0x6a2: {  	v11 =	vadd.s32 v1, v11;
	_ =	sdelay $0x1  }
0x6a3: {  	s5 =	simm.s32 $0xD800  }
0x6a4: {  	[tilespmem:s5], [sflag:$0x1] =	stream.indirect_vreg.gather [hbm4b:s0+s1], $0x80, v12, vm0, $0xb8;
	[tilespmem:$0x1F000] =	vst v63  }
0x6a5: {  	s5 =	simm.s32 $0xEC00  }
0x6a6: {  	[tilespmem:s5], [sflag:$0x1] =	stream.indirect_vreg.gather [hbm4b:s0+s1], $0x80, v11, vm0, $0xb8;
	[tilespmem:$0x1F000] =	vst v63  }
0x6a7: {  	v11 =	vld [tilespmem:$0xB20];
	_ =	sdelay $0x4  }
0x6a8: {  	v12 =	vshll.u32 v11, $0x1  }
0x6a9: {  	v11 =	vand.u32 $0x7, v11;
	v12 =	vand.u32 $0xFFFFFFF0, v12  }
0x6aa: {  	v11 =	vor.u32 v11, v12  }
0x6ab: {  	v12 =	vperm.xlane v11, v0;
	_ =	sdelay $0x1  }
0x6ac: {  	v11 =	vperm.xlane v11, v2;
	v12 =	vadd.s32 v1, v12;
	_ =	sdelay $0x1  }
0x6ad: {  	v11 =	vadd.s32 v1, v11;
	_ =	sdelay $0x1  }
0x6ae: {  	s5 =	simm.s32 $0x10000  }
0x6af: {  	[tilespmem:s5], [sflag:$0x1] =	stream.indirect_vreg.gather [hbm4b:s0+s1], $0x80, v12, vm0, $0xb8;
	[tilespmem:$0x1F000] =	vst v63  }
0x6b0: {  	s5 =	simm.s32 $0x11400  }
0x6b1: {  	[tilespmem:s5], [sflag:$0x1] =	stream.indirect_vreg.gather [hbm4b:s0+s1], $0x80, v11, vm0, $0xb8;
	[tilespmem:$0x1F000] =	vst v63  }
0x6b2: {  	v11 =	vld [tilespmem:$0xB30];
	_ =	sdelay $0x4  }
0x6b3: {  	v12 =	vshll.u32 v11, $0x1  }
0x6b4: {  	v11 =	vand.u32 $0x7, v11;
	v12 =	vand.u32 $0xFFFFFFF0, v12  }
0x6b5: {  	v11 =	vor.u32 v11, v12  }
0x6b6: {  	v12 =	vperm.xlane v11, v0;
	_ =	sdelay $0x1  }
0x6b7: {  	v11 =	vperm.xlane v11, v2;
	v12 =	vadd.s32 v1, v12;
	_ =	sdelay $0x1  }
0x6b8: {  	v11 =	vadd.s32 v1, v11;
	_ =	sdelay $0x1  }
0x6b9: {  	s5 =	simm.s32 $0x12800  }
0x6ba: {  	[tilespmem:s5], [sflag:$0x1] =	stream.indirect_vreg.gather [hbm4b:s0+s1], $0x80, v12, vm0, $0xb8;
	[tilespmem:$0x1F000] =	vst v63  }
0x6bb: {  	s5 =	simm.s32 $0x13C00  }
0x6bc: {  	[tilespmem:s5], [sflag:$0x1] =	stream.indirect_vreg.gather [hbm4b:s0+s1], $0x80, v11, vm0, $0xb8;
	[tilespmem:$0x1F000] =	vst v63  }
0x6bd: {  	v11 =	vld [tilespmem:$0xF00];
	_ =	sdelay $0x4  }
0x6be: {  	v12 =	vshll.u32 v11, $0x1  }
0x6bf: {  	v11 =	vand.u32 $0x7, v11;
	v12 =	vand.u32 $0xFFFFFFF0, v12  }
0x6c0: {  	v11 =	vor.u32 v11, v12  }
0x6c1: {  	v12 =	vperm.xlane v11, v0;
	_ =	sdelay $0x1  }
0x6c2: {  	v11 =	vperm.xlane v11, v2;
	v12 =	vadd.s32 v1, v12;
	_ =	sdelay $0x1  }
0x6c3: {  	v11 =	vadd.s32 v1, v11;
	_ =	sdelay $0x1  }
0x6c4: {  	s5 =	simm.s32 $0xB800  }
0x6c5: {  	[tilespmem:s5], [sflag:$0x3] =	stream.indirect_vreg.gather [hbm4b:s2+s1], $0x80, v12, vm0, $0xb8;
	[tilespmem:$0x1F000] =	vst v63  }
0x6c6: {  	s5 =	simm.s32 $0xCC00  }
0x6c7: {  	[tilespmem:s5], [sflag:$0x3] =	stream.indirect_vreg.gather [hbm4b:s2+s1], $0x80, v11, vm0, $0xb8;
	[tilespmem:$0x1F000] =	vst v63  }
0x6c8: {  	v11 =	vld [tilespmem:$0xF10];
	_ =	sdelay $0x4  }
0x6c9: {  	v12 =	vshll.u32 v11, $0x1  }
0x6ca: {  	v11 =	vand.u32 $0x7, v11;
	v12 =	vand.u32 $0xFFFFFFF0, v12  }
0x6cb: {  	v11 =	vor.u32 v11, v12  }
0x6cc: {  	v12 =	vperm.xlane v11, v0;
	_ =	sdelay $0x1  }
0x6cd: {  	v11 =	vperm.xlane v11, v2;
	v12 =	vadd.s32 v1, v12;
	_ =	sdelay $0x1  }
0x6ce: {  	v11 =	vadd.s32 v1, v11;
	_ =	sdelay $0x1  }
0x6cf: {  	s5 =	simm.s32 $0xE000  }
0x6d0: {  	[tilespmem:s5], [sflag:$0x3] =	stream.indirect_vreg.gather [hbm4b:s2+s1], $0x80, v12, vm0, $0xb8;
	[tilespmem:$0x1F000] =	vst v63  }
0x6d1: {  	s5 =	simm.s32 $0xF400  }
0x6d2: {  	[tilespmem:s5], [sflag:$0x3] =	stream.indirect_vreg.gather [hbm4b:s2+s1], $0x80, v11, vm0, $0xb8;
	[tilespmem:$0x1F000] =	vst v63  }
0x6d3: {  	v11 =	vld [tilespmem:$0xF20];
	_ =	sdelay $0x4  }
0x6d4: {  	v12 =	vshll.u32 v11, $0x1  }
0x6d5: {  	v11 =	vand.u32 $0x7, v11;
	v12 =	vand.u32 $0xFFFFFFF0, v12  }
0x6d6: {  	v11 =	vor.u32 v11, v12  }
0x6d7: {  	v12 =	vperm.xlane v11, v0;
	_ =	sdelay $0x1  }
0x6d8: {  	v11 =	vperm.xlane v11, v2;
	v12 =	vadd.s32 v1, v12;
	_ =	sdelay $0x1  }
0x6d9: {  	v11 =	vadd.s32 v1, v11;
	_ =	sdelay $0x1  }
0x6da: {  	s5 =	simm.s32 $0x10800  }
0x6db: {  	[tilespmem:s5], [sflag:$0x3] =	stream.indirect_vreg.gather [hbm4b:s2+s1], $0x80, v12, vm0, $0xb8;
	[tilespmem:$0x1F000] =	vst v63  }
0x6dc: {  	s5 =	simm.s32 $0x11C00  }
0x6dd: {  	[tilespmem:s5], [sflag:$0x3] =	stream.indirect_vreg.gather [hbm4b:s2+s1], $0x80, v11, vm0, $0xb8;
	[tilespmem:$0x1F000] =	vst v63  }
0x6de: {  	v11 =	vld [tilespmem:$0xF30];
	_ =	sdelay $0x4  }
0x6df: {  	v12 =	vshll.u32 v11, $0x1  }
0x6e0: {  	v11 =	vand.u32 $0x7, v11;
	v12 =	vand.u32 $0xFFFFFFF0, v12  }
0x6e1: {  	v11 =	vor.u32 v11, v12  }
0x6e2: {  	v12 =	vperm.xlane v11, v0;
	_ =	sdelay $0x1  }
0x6e3: {  	v11 =	vperm.xlane v11, v2;
	v12 =	vadd.s32 v1, v12;
	_ =	sdelay $0x1  }
0x6e4: {  	v11 =	vadd.s32 v1, v11;
	_ =	sdelay $0x1  }
0x6e5: {  	s5 =	simm.s32 $0x13000  }
0x6e6: {  	[tilespmem:s5], [sflag:$0x3] =	stream.indirect_vreg.gather [hbm4b:s2+s1], $0x80, v12, vm0, $0xb8;
	[tilespmem:$0x1F000] =	vst v63  }
0x6e7: {  	s5 =	simm.s32 $0x14400  }
0x6e8: {  	[tilespmem:s5], [sflag:$0x3] =	stream.indirect_vreg.gather [hbm4b:s2+s1], $0x80, v11, vm0, $0xb8;
	[tilespmem:$0x1F000] =	vst v63  }
0x6e9: {  	_ =	swait.ge [sflag:s29], $0x4000  }
0x6ea: {  	[sflag:s29] =	ssyncset.done $0x0  }
0x6eb: {  	[sflag:s29] =	ssyncadd.s32 $0xFFFFC000  }
0x6ec: {  	_ =	swait.ge [sflag:s30], $0x4000  }
0x6ed: {  	[sflag:s30] =	ssyncset.done $0x0  }
0x6ee: {  	[sflag:s30] =	ssyncadd.s32 $0xFFFFC000  }
0x6ef: {  	v11 =	vld [tilespmem:$0xA80];
	_ =	sdelay $0x2  }
0x6f0: {  	v12 =	vmov s1  }
0x6f1: {  	v13 =	vadd.s32 $0x14, v12  }
0x6f2: {  	v13 =	vbroadcast v13, $0x0;
	v11 =	vmul.u32 $0x28, v11;
	_ =	sdelay $0x1  }
0x6f3: {  	v13 =	vadd.s32 v11, v13  }
0x6f4: {  	s5 =	simm.s32 $0x1  }
0x6f5: {  	v12 =	vand.u32 $0x1F, v12;
	v17 =	vmov s5  }
0x6f6: {  	v15 =	vbroadcast v12, $0x0;
	v14 =	vadd.s32 $0x14, v17  }
0x6f7: {  	v18 =	vbroadcast v14, $0x0  }
0x6f8: {  	v16 =	vor.u32 v3, v15;
	v14 =	vld.idx.msk [tilespmem:v13+s17+$0x0], $0xffff  }
0x6f9: {  	v15 =	vadd.s32 v11, v18;
	_ =	sdelay $0x1  }
0x6fa: {  	s5 =	simm.s32 $0x2  }
0x6fb: {  	s1 =	simm.s32 $0x3;
	v17 =	vand.u32 $0x1F, v17;
	v12 =	vld [tilespmem:$0xE80];
	v13 =	vmov s5  }
.LBB2_82:
0x6fc: {  	p0 =	sne.s32 s1, $0x13;
	v18 =	vadd.s32 $0x14, v13;
	v17 =	vbroadcast v17, $0x0;
	[tilespmem:v16+s7+$0x0] =	vst.idx.msk $0xffff, v14  }
0x6fd: {  	v18 =	vbroadcast v18, $0x0;
	v14 =	vld.idx.msk [tilespmem:v15+s17+$0x0], $0xffff  }
.Ltmp40:
0x6fe: {  	v16 =	vor.u32 v3, v17;
	(pc) =	sbr.rel @p0 .LBB2_82-.Ltmp40, $2  }
0x6ff: {  	v15 =	vadd.s32 v11, v18;
	_ =	sdelay $0x2  }
0x700: {  	v17 =	vand.u32 $0x1F, v13;
	v13 =	vmov s1;
	s1 =	sadd.s32 $0x1, s1  }
0x701: {  	_ =	sdelay $0x2  }
0x702: {  	v18 =	vadd.s32 $0x14, v13;
	v17 =	vbroadcast v17, $0x0  }
0x703: {  	[tilespmem:v16+s7+$0x0] =	vst.idx.msk $0xffff, v14;
	v14 =	vbroadcast v18, $0x0  }
0x704: {  	v15 =	vld.idx.msk [tilespmem:v15+s17+$0x0], $0xffff;
	v63 =	vor.u32 v3, v17  }
0x705: {  	v14 =	vadd.s32 v11, v14;
	_ =	sdelay $0x1  }
0x706: {  	v11 =	vand.u32 $0x1F, v13  }
0x707: {  	v13 =	vbroadcast v11, $0x0  }
0x708: {  	v11 =	vmul.u32 $0x28, v12;
	[tilespmem:v63+s7+$0x0] =	vst.idx.msk $0xffff, v15  }
0x709: {  	s1 =	simm.s32 $0x0;
	v13 =	vor.u32 v3, v13;
	v12 =	vld.idx.msk [tilespmem:v14+s17+$0x0], $0xffff  }
0x70a: {  	v14 =	vadd.s32 s1, v11  }
0x70b: {  	v15 =	vmov s1  }
0x70c: {  	v15 =	vand.u32 $0x3F, v15  }
0x70d: {  	v15 =	vbroadcast v15, $0x0  }
0x70e: {  	[tilespmem:v13+s7+$0x0] =	vst.idx.msk $0xffff, v12  }
0x70f: {  	s1 =	simm.s32 $0x1;
	v13 =	vor.u32 v4, v15;
	v12 =	vld.idx.msk [tilespmem:v14+s17+$0x0], $0xffff  }
0x710: {  	s5 =	simm.s32 $0x2;
	v14 =	vadd.s32 s1, v11  }
.LBB2_84:
0x711: {  	p0 =	sne.s32 s5, $0x27  }
0x712: {  	v15 =	vmov s1;
	s1 =	smov.u32 s5  }
.Ltmp41:
0x713: {  	v15 =	vand.u32 $0x3F, v15;
	(pc) =	sbr.rel @p0 .LBB2_84-.Ltmp41, $4  }
0x714: {  	v15 =	vbroadcast v15, $0x0;
	[tilespmem:v13+s7+$0x0] =	vst.idx.msk $0xffff, v12  }
0x715: {  	v12 =	vld.idx.msk [tilespmem:v14+s17+$0x0], $0xffff  }
0x716: {  	v13 =	vor.u32 v4, v15  }
0x717: {  	s5 =	sadd.s32 $0x1, s5;
	v14 =	vadd.s32 s1, v11  }
0x718: {  	_ = 	snop  }
0x719: {  	v11 =	vmov s1  }
0x71a: {  	v11 =	vand.u32 $0x3F, v11  }
0x71b: {  	v11 =	vbroadcast v11, $0x0  }
0x71c: {  	[tilespmem:v13+s7+$0x0] =	vst.idx.msk $0xffff, v12  }
0x71d: {  	v12 =	vld.idx.msk [tilespmem:v14+s17+$0x0], $0xffff;
	v11 =	vor.u32 v4, v11;
	_ =	sdelay $0x4  }
0x71e: {  	[tilespmem:v11+s7+$0x0] =	vst.idx.msk $0xffff, v12  }
0x71f: {  	v11 =	vld [tilespmem:$0xA90];
	_ =	sdelay $0x1  }
0x720: {  	s5 =	simm.s32 $0x0  }
0x721: {  	v12 =	vmov s5  }
0x722: {  	v13 =	vadd.s32 $0x14, v12  }
0x723: {  	v13 =	vbroadcast v13, $0x0;
	v11 =	vmul.u32 $0x28, v11;
	_ =	sdelay $0x1  }
0x724: {  	v13 =	vadd.s32 v11, v13  }
0x725: {  	s5 =	simm.s32 $0x1  }
0x726: {  	v17 =	vmov s5;
	v12 =	vand.u32 $0x1F, v12  }
0x727: {  	v14 =	vadd.s32 $0x14, v17;
	v15 =	vbroadcast v12, $0x0  }
0x728: {  	v18 =	vbroadcast v14, $0x0  }
0x729: {  	v16 =	vor.u32 v5, v15;
	v14 =	vld.idx.msk [tilespmem:v13+s17+$0x0], $0xffff  }
0x72a: {  	v15 =	vadd.s32 v11, v18;
	_ =	sdelay $0x1  }
0x72b: {  	s5 =	simm.s32 $0x2  }
0x72c: {  	s1 =	simm.s32 $0x3;
	v12 =	vld [tilespmem:$0xE90];
	v17 =	vand.u32 $0x1F, v17;
	v13 =	vmov s5  }
.LBB2_86:
0x72d: {  	p0 =	sne.s32 s1, $0x13;
	v18 =	vadd.s32 $0x14, v13;
	v17 =	vbroadcast v17, $0x0;
	[tilespmem:v16+s7+$0x0] =	vst.idx.msk $0xffff, v14  }
0x72e: {  	v18 =	vbroadcast v18, $0x0;
	v14 =	vld.idx.msk [tilespmem:v15+s17+$0x0], $0xffff  }
.Ltmp42:
0x72f: {  	v16 =	vor.u32 v5, v17;
	(pc) =	sbr.rel @p0 .LBB2_86-.Ltmp42, $2  }
0x730: {  	v15 =	vadd.s32 v11, v18;
	_ =	sdelay $0x2  }
0x731: {  	v17 =	vand.u32 $0x1F, v13;
	v13 =	vmov s1;
	s1 =	sadd.s32 $0x1, s1  }
0x732: {  	_ =	sdelay $0x2  }
0x733: {  	v18 =	vadd.s32 $0x14, v13;
	v17 =	vbroadcast v17, $0x0  }
0x734: {  	[tilespmem:v16+s7+$0x0] =	vst.idx.msk $0xffff, v14;
	v14 =	vbroadcast v18, $0x0  }
0x735: {  	v15 =	vld.idx.msk [tilespmem:v15+s17+$0x0], $0xffff;
	v63 =	vor.u32 v5, v17  }
0x736: {  	v14 =	vadd.s32 v11, v14;
	_ =	sdelay $0x1  }
0x737: {  	v11 =	vand.u32 $0x1F, v13  }
0x738: {  	v13 =	vbroadcast v11, $0x0  }
0x739: {  	v11 =	vmul.u32 $0x28, v12;
	[tilespmem:v63+s7+$0x0] =	vst.idx.msk $0xffff, v15  }
0x73a: {  	s1 =	simm.s32 $0x0;
	v13 =	vor.u32 v5, v13;
	v12 =	vld.idx.msk [tilespmem:v14+s17+$0x0], $0xffff  }
0x73b: {  	v14 =	vadd.s32 s1, v11  }
0x73c: {  	v15 =	vmov s1  }
0x73d: {  	v15 =	vand.u32 $0x3F, v15  }
0x73e: {  	v15 =	vbroadcast v15, $0x0  }
0x73f: {  	[tilespmem:v13+s7+$0x0] =	vst.idx.msk $0xffff, v12  }
0x740: {  	s1 =	simm.s32 $0x1;
	v13 =	vor.u32 v6, v15;
	v12 =	vld.idx.msk [tilespmem:v14+s17+$0x0], $0xffff  }
0x741: {  	s5 =	simm.s32 $0x2;
	v14 =	vadd.s32 s1, v11  }
.LBB2_88:
0x742: {  	p0 =	sne.s32 s5, $0x27  }
0x743: {  	v15 =	vmov s1;
	s1 =	smov.u32 s5  }
.Ltmp43:
0x744: {  	v15 =	vand.u32 $0x3F, v15;
	(pc) =	sbr.rel @p0 .LBB2_88-.Ltmp43, $4  }
0x745: {  	v15 =	vbroadcast v15, $0x0;
	[tilespmem:v13+s7+$0x0] =	vst.idx.msk $0xffff, v12  }
0x746: {  	v12 =	vld.idx.msk [tilespmem:v14+s17+$0x0], $0xffff  }
0x747: {  	v13 =	vor.u32 v6, v15  }
0x748: {  	s5 =	sadd.s32 $0x1, s5;
	v14 =	vadd.s32 s1, v11  }
0x749: {  	_ = 	snop  }
0x74a: {  	v11 =	vmov s1  }
0x74b: {  	v11 =	vand.u32 $0x3F, v11  }
0x74c: {  	v11 =	vbroadcast v11, $0x0  }
0x74d: {  	[tilespmem:v13+s7+$0x0] =	vst.idx.msk $0xffff, v12  }
0x74e: {  	v12 =	vld.idx.msk [tilespmem:v14+s17+$0x0], $0xffff;
	v11 =	vor.u32 v6, v11;
	_ =	sdelay $0x4  }
0x74f: {  	[tilespmem:v11+s7+$0x0] =	vst.idx.msk $0xffff, v12  }
0x750: {  	v11 =	vld [tilespmem:$0xAA0];
	_ =	sdelay $0x1  }
0x751: {  	s5 =	simm.s32 $0x0  }
0x752: {  	v12 =	vmov s5  }
0x753: {  	v13 =	vadd.s32 $0x14, v12  }
0x754: {  	v13 =	vbroadcast v13, $0x0;
	v11 =	vmul.u32 $0x28, v11;
	_ =	sdelay $0x1  }
0x755: {  	v13 =	vadd.s32 v11, v13  }
0x756: {  	s5 =	simm.s32 $0x1  }
0x757: {  	v17 =	vmov s5;
	v12 =	vand.u32 $0x1F, v12  }
0x758: {  	v14 =	vadd.s32 $0x14, v17;
	v15 =	vbroadcast v12, $0x0  }
0x759: {  	v18 =	vbroadcast v14, $0x0  }
0x75a: {  	v16 =	vor.u32 v7, v15;
	v14 =	vld.idx.msk [tilespmem:v13+s17+$0x0], $0xffff  }
0x75b: {  	v15 =	vadd.s32 v11, v18;
	_ =	sdelay $0x1  }
0x75c: {  	s5 =	simm.s32 $0x2  }
0x75d: {  	s1 =	simm.s32 $0x3;
	v12 =	vld [tilespmem:$0xEA0];
	v17 =	vand.u32 $0x1F, v17;
	v13 =	vmov s5  }
.LBB2_90:
0x75e: {  	p0 =	sne.s32 s1, $0x13;
	v18 =	vadd.s32 $0x14, v13;
	v17 =	vbroadcast v17, $0x0;
	[tilespmem:v16+s7+$0x0] =	vst.idx.msk $0xffff, v14  }
0x75f: {  	v18 =	vbroadcast v18, $0x0;
	v14 =	vld.idx.msk [tilespmem:v15+s17+$0x0], $0xffff  }
.Ltmp44:
0x760: {  	v16 =	vor.u32 v7, v17;
	(pc) =	sbr.rel @p0 .LBB2_90-.Ltmp44, $2  }
0x761: {  	v15 =	vadd.s32 v11, v18;
	_ =	sdelay $0x2  }
0x762: {  	v17 =	vand.u32 $0x1F, v13;
	v13 =	vmov s1;
	s1 =	sadd.s32 $0x1, s1  }
0x763: {  	_ =	sdelay $0x2  }
0x764: {  	v18 =	vadd.s32 $0x14, v13;
	v17 =	vbroadcast v17, $0x0  }
0x765: {  	[tilespmem:v16+s7+$0x0] =	vst.idx.msk $0xffff, v14;
	v14 =	vbroadcast v18, $0x0  }
0x766: {  	v15 =	vld.idx.msk [tilespmem:v15+s17+$0x0], $0xffff;
	v63 =	vor.u32 v7, v17  }
0x767: {  	v14 =	vadd.s32 v11, v14;
	_ =	sdelay $0x1  }
0x768: {  	v11 =	vand.u32 $0x1F, v13  }
0x769: {  	v13 =	vbroadcast v11, $0x0  }
0x76a: {  	v11 =	vmul.u32 $0x28, v12;
	[tilespmem:v63+s7+$0x0] =	vst.idx.msk $0xffff, v15  }
0x76b: {  	s1 =	simm.s32 $0x0;
	v13 =	vor.u32 v7, v13;
	v12 =	vld.idx.msk [tilespmem:v14+s17+$0x0], $0xffff  }
0x76c: {  	v14 =	vadd.s32 s1, v11  }
0x76d: {  	v15 =	vmov s1  }
0x76e: {  	v15 =	vand.u32 $0x3F, v15  }
0x76f: {  	v15 =	vbroadcast v15, $0x0  }
0x770: {  	[tilespmem:v13+s7+$0x0] =	vst.idx.msk $0xffff, v12  }
0x771: {  	s1 =	simm.s32 $0x1;
	v13 =	vor.u32 v8, v15;
	v12 =	vld.idx.msk [tilespmem:v14+s17+$0x0], $0xffff  }
0x772: {  	s5 =	simm.s32 $0x2;
	v14 =	vadd.s32 s1, v11  }
.LBB2_92:
0x773: {  	p0 =	sne.s32 s5, $0x27  }
0x774: {  	v15 =	vmov s1;
	s1 =	smov.u32 s5  }
.Ltmp45:
0x775: {  	v15 =	vand.u32 $0x3F, v15;
	(pc) =	sbr.rel @p0 .LBB2_92-.Ltmp45, $4  }
0x776: {  	v15 =	vbroadcast v15, $0x0;
	[tilespmem:v13+s7+$0x0] =	vst.idx.msk $0xffff, v12  }
0x777: {  	v12 =	vld.idx.msk [tilespmem:v14+s17+$0x0], $0xffff  }
0x778: {  	v13 =	vor.u32 v8, v15  }
0x779: {  	s5 =	sadd.s32 $0x1, s5;
	v14 =	vadd.s32 s1, v11  }
0x77a: {  	_ = 	snop  }
0x77b: {  	v11 =	vmov s1  }
0x77c: {  	v11 =	vand.u32 $0x3F, v11  }
0x77d: {  	v11 =	vbroadcast v11, $0x0  }
0x77e: {  	[tilespmem:v13+s7+$0x0] =	vst.idx.msk $0xffff, v12  }
0x77f: {  	v12 =	vld.idx.msk [tilespmem:v14+s17+$0x0], $0xffff;
	v11 =	vor.u32 v8, v11;
	_ =	sdelay $0x4  }
0x780: {  	[tilespmem:v11+s7+$0x0] =	vst.idx.msk $0xffff, v12  }
0x781: {  	v11 =	vld [tilespmem:$0xAB0];
	_ =	sdelay $0x1  }
0x782: {  	s5 =	simm.s32 $0x0  }
0x783: {  	v12 =	vmov s5  }
0x784: {  	v13 =	vadd.s32 $0x14, v12  }
0x785: {  	v13 =	vbroadcast v13, $0x0;
	v11 =	vmul.u32 $0x28, v11;
	_ =	sdelay $0x1  }
0x786: {  	v13 =	vadd.s32 v11, v13  }
0x787: {  	s5 =	simm.s32 $0x1  }
0x788: {  	v17 =	vmov s5;
	v12 =	vand.u32 $0x1F, v12  }
0x789: {  	v14 =	vadd.s32 $0x14, v17;
	v15 =	vbroadcast v12, $0x0  }
0x78a: {  	v18 =	vbroadcast v14, $0x0  }
0x78b: {  	v16 =	vor.u32 v9, v15;
	v14 =	vld.idx.msk [tilespmem:v13+s17+$0x0], $0xffff  }
0x78c: {  	v15 =	vadd.s32 v11, v18;
	_ =	sdelay $0x1  }
0x78d: {  	s5 =	simm.s32 $0x2  }
0x78e: {  	s1 =	simm.s32 $0x3;
	v12 =	vld [tilespmem:$0xEB0];
	v17 =	vand.u32 $0x1F, v17;
	v13 =	vmov s5  }
.LBB2_94:
0x78f: {  	p0 =	sne.s32 s1, $0x13;
	v18 =	vadd.s32 $0x14, v13;
	v17 =	vbroadcast v17, $0x0;
	[tilespmem:v16+s7+$0x0] =	vst.idx.msk $0xffff, v14  }
0x790: {  	v18 =	vbroadcast v18, $0x0;
	v14 =	vld.idx.msk [tilespmem:v15+s17+$0x0], $0xffff  }
.Ltmp46:
0x791: {  	v16 =	vor.u32 v9, v17;
	(pc) =	sbr.rel @p0 .LBB2_94-.Ltmp46, $2  }
0x792: {  	v15 =	vadd.s32 v11, v18;
	_ =	sdelay $0x2  }
0x793: {  	v17 =	vand.u32 $0x1F, v13;
	v13 =	vmov s1;
	s1 =	sadd.s32 $0x1, s1  }
0x794: {  	_ =	sdelay $0x2  }
0x795: {  	v18 =	vadd.s32 $0x14, v13;
	v17 =	vbroadcast v17, $0x0  }
0x796: {  	[tilespmem:v16+s7+$0x0] =	vst.idx.msk $0xffff, v14;
	v14 =	vbroadcast v18, $0x0  }
0x797: {  	v15 =	vld.idx.msk [tilespmem:v15+s17+$0x0], $0xffff;
	v63 =	vor.u32 v9, v17  }
0x798: {  	v14 =	vadd.s32 v11, v14;
	_ =	sdelay $0x1  }
0x799: {  	v11 =	vand.u32 $0x1F, v13  }
0x79a: {  	v13 =	vbroadcast v11, $0x0  }
0x79b: {  	v11 =	vmul.u32 $0x28, v12;
	[tilespmem:v63+s7+$0x0] =	vst.idx.msk $0xffff, v15  }
0x79c: {  	s1 =	simm.s32 $0x0;
	v13 =	vor.u32 v9, v13;
	v12 =	vld.idx.msk [tilespmem:v14+s17+$0x0], $0xffff  }
0x79d: {  	v14 =	vadd.s32 s1, v11  }
0x79e: {  	v15 =	vmov s1  }
0x79f: {  	v15 =	vand.u32 $0x3F, v15  }
0x7a0: {  	v15 =	vbroadcast v15, $0x0  }
0x7a1: {  	[tilespmem:v13+s7+$0x0] =	vst.idx.msk $0xffff, v12  }
0x7a2: {  	s1 =	simm.s32 $0x1;
	v13 =	vor.u32 v10, v15;
	v12 =	vld.idx.msk [tilespmem:v14+s17+$0x0], $0xffff  }
0x7a3: {  	s5 =	simm.s32 $0x2;
	v14 =	vadd.s32 s1, v11  }
.LBB2_96:
0x7a4: {  	p0 =	sne.s32 s5, $0x27  }
0x7a5: {  	v15 =	vmov s1;
	s1 =	smov.u32 s5  }
.Ltmp47:
0x7a6: {  	v15 =	vand.u32 $0x3F, v15;
	(pc) =	sbr.rel @p0 .LBB2_96-.Ltmp47, $4  }
0x7a7: {  	v15 =	vbroadcast v15, $0x0;
	[tilespmem:v13+s7+$0x0] =	vst.idx.msk $0xffff, v12  }
0x7a8: {  	v12 =	vld.idx.msk [tilespmem:v14+s17+$0x0], $0xffff  }
0x7a9: {  	v13 =	vor.u32 v10, v15  }
0x7aa: {  	s5 =	sadd.s32 $0x1, s5;
	v14 =	vadd.s32 s1, v11  }
0x7ab: {  	_ = 	snop  }
0x7ac: {  	v11 =	vmov s1  }
0x7ad: {  	v11 =	vand.u32 $0x3F, v11  }
0x7ae: {  	v11 =	vbroadcast v11, $0x0  }
0x7af: {  	[tilespmem:v13+s7+$0x0] =	vst.idx.msk $0xffff, v12  }
0x7b0: {  	v12 =	vld.idx.msk [tilespmem:v14+s17+$0x0], $0xffff;
	v11 =	vor.u32 v10, v11;
	_ =	sdelay $0x4  }
0x7b1: {  	s1 =	simm.s32 $0x0;
	s5 =	rddreg [dreg:$0xc];
	[tilespmem:v11+s7+$0x0] =	vst.idx.msk $0xffff, v12  }
0x7b2: {  	[hbm4b:s5+s1] =	stream.linear.scatter [tilespmem:s7], [sflag:$0x6], $0xA000, $0x38;
	[tilespmem:$0x1F000] =	vst v63  }
0x7b3: {  	_ =	swait.ge [sflag:s31], $0xA000  }
0x7b4: {  	[sflag:s31] =	ssyncset.done $0x0  }
0x7b5: {  	[sflag:s31] =	ssyncadd.s32 $0xFFFF6000  }
0x7b6: {  	v11 =	vld [tilespmem:$0xB80];
	_ =	sdelay $0x4  }
0x7b7: {  	v12 =	vshll.u32 v11, $0x1  }
0x7b8: {  	v11 =	vand.u32 $0x7, v11;
	v12 =	vand.u32 $0xFFFFFFF0, v12  }
0x7b9: {  	v11 =	vor.u32 v11, v12  }
0x7ba: {  	v12 =	vperm.xlane v11, v0;
	_ =	sdelay $0x1  }
0x7bb: {  	v11 =	vperm.xlane v11, v2;
	v12 =	vadd.s32 v1, v12;
	_ =	sdelay $0x1  }
0x7bc: {  	v11 =	vadd.s32 v1, v11;
	_ =	sdelay $0x2  }
0x7bd: {  	[tilespmem:s7], [sflag:$0x2] =	stream.indirect_vreg.gather [hbm4b:s0+s1], $0x80, v12, vm0, $0xb8;
	[tilespmem:$0x1F000] =	vst v63  }
0x7be: {  	_ = 	snop  }
0x7bf: {  	[tilespmem:s8], [sflag:$0x2] =	stream.indirect_vreg.gather [hbm4b:s0+s1], $0x80, v11, vm0, $0xb8;
	[tilespmem:$0x1F000] =	vst v63  }
0x7c0: {  	v11 =	vld [tilespmem:$0xB90];
	_ =	sdelay $0x4  }
0x7c1: {  	v12 =	vshll.u32 v11, $0x1  }
0x7c2: {  	v11 =	vand.u32 $0x7, v11;
	v12 =	vand.u32 $0xFFFFFFF0, v12  }
0x7c3: {  	v11 =	vor.u32 v11, v12  }
0x7c4: {  	v12 =	vperm.xlane v11, v0;
	_ =	sdelay $0x1  }
0x7c5: {  	v11 =	vperm.xlane v11, v2;
	v12 =	vadd.s32 v1, v12;
	_ =	sdelay $0x1  }
0x7c6: {  	v11 =	vadd.s32 v1, v11;
	_ =	sdelay $0x2  }
0x7c7: {  	[tilespmem:s9], [sflag:$0x2] =	stream.indirect_vreg.gather [hbm4b:s0+s1], $0x80, v12, vm0, $0xb8;
	[tilespmem:$0x1F000] =	vst v63  }
0x7c8: {  	_ = 	snop  }
0x7c9: {  	[tilespmem:s10], [sflag:$0x2] =	stream.indirect_vreg.gather [hbm4b:s0+s1], $0x80, v11, vm0, $0xb8;
	[tilespmem:$0x1F000] =	vst v63  }
0x7ca: {  	v11 =	vld [tilespmem:$0xBA0];
	_ =	sdelay $0x4  }
0x7cb: {  	v12 =	vshll.u32 v11, $0x1  }
0x7cc: {  	v11 =	vand.u32 $0x7, v11;
	v12 =	vand.u32 $0xFFFFFFF0, v12  }
0x7cd: {  	v11 =	vor.u32 v11, v12  }
0x7ce: {  	v12 =	vperm.xlane v11, v0;
	_ =	sdelay $0x1  }
0x7cf: {  	v11 =	vperm.xlane v11, v2;
	v12 =	vadd.s32 v1, v12;
	_ =	sdelay $0x1  }
0x7d0: {  	v11 =	vadd.s32 v1, v11;
	_ =	sdelay $0x2  }
0x7d1: {  	[tilespmem:s11], [sflag:$0x2] =	stream.indirect_vreg.gather [hbm4b:s0+s1], $0x80, v12, vm0, $0xb8;
	[tilespmem:$0x1F000] =	vst v63  }
0x7d2: {  	_ = 	snop  }
0x7d3: {  	[tilespmem:s12], [sflag:$0x2] =	stream.indirect_vreg.gather [hbm4b:s0+s1], $0x80, v11, vm0, $0xb8;
	[tilespmem:$0x1F000] =	vst v63  }
0x7d4: {  	v11 =	vld [tilespmem:$0xBB0];
	_ =	sdelay $0x4  }
0x7d5: {  	v12 =	vshll.u32 v11, $0x1  }
0x7d6: {  	v11 =	vand.u32 $0x7, v11;
	v12 =	vand.u32 $0xFFFFFFF0, v12  }
0x7d7: {  	v11 =	vor.u32 v11, v12  }
0x7d8: {  	v12 =	vperm.xlane v11, v0;
	_ =	sdelay $0x1  }
0x7d9: {  	v11 =	vperm.xlane v11, v2;
	v12 =	vadd.s32 v1, v12;
	_ =	sdelay $0x1  }
0x7da: {  	v11 =	vadd.s32 v1, v11;
	_ =	sdelay $0x2  }
0x7db: {  	[tilespmem:s13], [sflag:$0x2] =	stream.indirect_vreg.gather [hbm4b:s0+s1], $0x80, v12, vm0, $0xb8;
	[tilespmem:$0x1F000] =	vst v63  }
0x7dc: {  	_ = 	snop  }
0x7dd: {  	[tilespmem:s14], [sflag:$0x2] =	stream.indirect_vreg.gather [hbm4b:s0+s1], $0x80, v11, vm0, $0xb8;
	[tilespmem:$0x1F000] =	vst v63  }
0x7de: {  	v11 =	vld [tilespmem:$0xF80];
	_ =	sdelay $0x4  }
0x7df: {  	v12 =	vshll.u32 v11, $0x1  }
0x7e0: {  	v11 =	vand.u32 $0x7, v11;
	v12 =	vand.u32 $0xFFFFFFF0, v12  }
0x7e1: {  	v11 =	vor.u32 v11, v12  }
0x7e2: {  	v12 =	vperm.xlane v11, v0;
	_ =	sdelay $0x1  }
0x7e3: {  	v11 =	vperm.xlane v11, v2;
	v12 =	vadd.s32 v1, v12;
	_ =	sdelay $0x1  }
0x7e4: {  	v11 =	vadd.s32 v1, v11;
	_ =	sdelay $0x2  }
0x7e5: {  	[tilespmem:s15], [sflag:$0x4] =	stream.indirect_vreg.gather [hbm4b:s2+s1], $0x80, v12, vm0, $0xb8;
	[tilespmem:$0x1F000] =	vst v63  }
0x7e6: {  	_ = 	snop  }
0x7e7: {  	[tilespmem:s6], [sflag:$0x4] =	stream.indirect_vreg.gather [hbm4b:s2+s1], $0x80, v11, vm0, $0xb8;
	[tilespmem:$0x1F000] =	vst v63  }
0x7e8: {  	v11 =	vld [tilespmem:$0xF90];
	_ =	sdelay $0x4  }
0x7e9: {  	v12 =	vshll.u32 v11, $0x1  }
0x7ea: {  	v11 =	vand.u32 $0x7, v11;
	v12 =	vand.u32 $0xFFFFFFF0, v12  }
0x7eb: {  	v11 =	vor.u32 v11, v12  }
0x7ec: {  	v12 =	vperm.xlane v11, v0;
	_ =	sdelay $0x1  }
0x7ed: {  	v11 =	vperm.xlane v11, v2;
	v12 =	vadd.s32 v1, v12;
	_ =	sdelay $0x1  }
0x7ee: {  	v11 =	vadd.s32 v1, v11;
	_ =	sdelay $0x2  }
0x7ef: {  	[tilespmem:s19], [sflag:$0x4] =	stream.indirect_vreg.gather [hbm4b:s2+s1], $0x80, v12, vm0, $0xb8;
	[tilespmem:$0x1F000] =	vst v63  }
0x7f0: {  	_ = 	snop  }
0x7f1: {  	[tilespmem:s20], [sflag:$0x4] =	stream.indirect_vreg.gather [hbm4b:s2+s1], $0x80, v11, vm0, $0xb8;
	[tilespmem:$0x1F000] =	vst v63  }
0x7f2: {  	v11 =	vld [tilespmem:$0xFA0];
	_ =	sdelay $0x4  }
0x7f3: {  	v12 =	vshll.u32 v11, $0x1  }
0x7f4: {  	v11 =	vand.u32 $0x7, v11;
	v12 =	vand.u32 $0xFFFFFFF0, v12  }
0x7f5: {  	v11 =	vor.u32 v11, v12  }
0x7f6: {  	v12 =	vperm.xlane v11, v0;
	_ =	sdelay $0x1  }
0x7f7: {  	v11 =	vperm.xlane v11, v2;
	v12 =	vadd.s32 v1, v12;
	_ =	sdelay $0x1  }
0x7f8: {  	v11 =	vadd.s32 v1, v11;
	_ =	sdelay $0x2  }
0x7f9: {  	[tilespmem:s21], [sflag:$0x4] =	stream.indirect_vreg.gather [hbm4b:s2+s1], $0x80, v12, vm0, $0xb8;
	[tilespmem:$0x1F000] =	vst v63  }
0x7fa: {  	_ = 	snop  }
0x7fb: {  	[tilespmem:s22], [sflag:$0x4] =	stream.indirect_vreg.gather [hbm4b:s2+s1], $0x80, v11, vm0, $0xb8;
	[tilespmem:$0x1F000] =	vst v63  }
0x7fc: {  	v11 =	vld [tilespmem:$0xFB0];
	_ =	sdelay $0x4  }
0x7fd: {  	v12 =	vshll.u32 v11, $0x1  }
0x7fe: {  	v11 =	vand.u32 $0x7, v11;
	v12 =	vand.u32 $0xFFFFFFF0, v12  }
0x7ff: {  	v11 =	vor.u32 v11, v12  }
0x800: {  	v12 =	vperm.xlane v11, v0;
	_ =	sdelay $0x1  }
0x801: {  	v11 =	vperm.xlane v11, v2;
	v12 =	vadd.s32 v1, v12;
	_ =	sdelay $0x1  }
0x802: {  	v11 =	vadd.s32 v1, v11;
	_ =	sdelay $0x2  }
0x803: {  	[tilespmem:s23], [sflag:$0x4] =	stream.indirect_vreg.gather [hbm4b:s2+s1], $0x80, v12, vm0, $0xb8;
	[tilespmem:$0x1F000] =	vst v63  }
0x804: {  	_ = 	snop  }
0x805: {  	[tilespmem:s24], [sflag:$0x4] =	stream.indirect_vreg.gather [hbm4b:s2+s1], $0x80, v11, vm0, $0xb8;
	[tilespmem:$0x1F000] =	vst v63  }
0x806: {  	_ =	swait.ge [sflag:s25], $0x4000  }
0x807: {  	[sflag:s25] =	ssyncset.done $0x0  }
0x808: {  	[sflag:s25] =	ssyncadd.s32 $0xFFFFC000  }
0x809: {  	_ =	swait.ge [sflag:s26], $0x4000  }
0x80a: {  	[sflag:s26] =	ssyncset.done $0x0  }
0x80b: {  	[sflag:s26] =	ssyncadd.s32 $0xFFFFC000  }
0x80c: {  	v11 =	vld [tilespmem:$0xB00];
	_ =	sdelay $0x2  }
0x80d: {  	v12 =	vmov s1  }
0x80e: {  	v13 =	vadd.s32 $0x14, v12  }
0x80f: {  	v13 =	vbroadcast v13, $0x0;
	v11 =	vmul.u32 $0x28, v11;
	_ =	sdelay $0x1  }
0x810: {  	v13 =	vadd.s32 v11, v13  }
0x811: {  	s5 =	simm.s32 $0x1  }
0x812: {  	v17 =	vmov s5;
	v12 =	vand.u32 $0x1F, v12  }
0x813: {  	v14 =	vadd.s32 $0x14, v17;
	v15 =	vbroadcast v12, $0x0  }
0x814: {  	v18 =	vbroadcast v14, $0x0  }
0x815: {  	v16 =	vor.u32 v3, v15;
	v14 =	vld.idx.msk [tilespmem:v13+s17+$0x0], $0xffff  }
0x816: {  	v15 =	vadd.s32 v11, v18;
	_ =	sdelay $0x1  }
0x817: {  	s5 =	simm.s32 $0x2  }
0x818: {  	v17 =	vand.u32 $0x1F, v17;
	s1 =	simm.s32 $0x3;
	v12 =	vld [tilespmem:$0xF00];
	v13 =	vmov s5  }
.LBB2_98:
0x819: {  	p0 =	sne.s32 s1, $0x13;
	v18 =	vadd.s32 $0x14, v13;
	v17 =	vbroadcast v17, $0x0;
	[tilespmem:v16+s18+$0x0] =	vst.idx.msk $0xffff, v14  }
0x81a: {  	v18 =	vbroadcast v18, $0x0;
	v14 =	vld.idx.msk [tilespmem:v15+s17+$0x0], $0xffff  }
.Ltmp48:
0x81b: {  	v16 =	vor.u32 v3, v17;
	(pc) =	sbr.rel @p0 .LBB2_98-.Ltmp48, $2  }
0x81c: {  	v15 =	vadd.s32 v11, v18;
	_ =	sdelay $0x2  }
0x81d: {  	v17 =	vand.u32 $0x1F, v13;
	v13 =	vmov s1;
	s1 =	sadd.s32 $0x1, s1  }
0x81e: {  	_ =	sdelay $0x2  }
0x81f: {  	v18 =	vadd.s32 $0x14, v13;
	v17 =	vbroadcast v17, $0x0  }
0x820: {  	[tilespmem:v16+s18+$0x0] =	vst.idx.msk $0xffff, v14;
	v14 =	vbroadcast v18, $0x0  }
0x821: {  	v15 =	vld.idx.msk [tilespmem:v15+s17+$0x0], $0xffff;
	v63 =	vor.u32 v3, v17  }
0x822: {  	v14 =	vadd.s32 v11, v14;
	_ =	sdelay $0x1  }
0x823: {  	v11 =	vand.u32 $0x1F, v13  }
0x824: {  	v13 =	vbroadcast v11, $0x0  }
0x825: {  	v11 =	vmul.u32 $0x28, v12;
	[tilespmem:v63+s18+$0x0] =	vst.idx.msk $0xffff, v15  }
0x826: {  	s1 =	simm.s32 $0x0;
	v13 =	vor.u32 v3, v13;
	v12 =	vld.idx.msk [tilespmem:v14+s17+$0x0], $0xffff  }
0x827: {  	v14 =	vadd.s32 s1, v11  }
0x828: {  	v15 =	vmov s1  }
0x829: {  	v15 =	vand.u32 $0x3F, v15  }
0x82a: {  	v15 =	vbroadcast v15, $0x0  }
0x82b: {  	[tilespmem:v13+s18+$0x0] =	vst.idx.msk $0xffff, v12  }
0x82c: {  	s1 =	simm.s32 $0x1;
	v13 =	vor.u32 v4, v15;
	v12 =	vld.idx.msk [tilespmem:v14+s17+$0x0], $0xffff  }
0x82d: {  	s5 =	simm.s32 $0x2;
	v14 =	vadd.s32 s1, v11  }
.LBB2_100:
0x82e: {  	p0 =	sne.s32 s5, $0x27  }
0x82f: {  	v15 =	vmov s1;
	s1 =	smov.u32 s5  }
.Ltmp49:
0x830: {  	v15 =	vand.u32 $0x3F, v15;
	(pc) =	sbr.rel @p0 .LBB2_100-.Ltmp49, $4  }
0x831: {  	v15 =	vbroadcast v15, $0x0;
	[tilespmem:v13+s18+$0x0] =	vst.idx.msk $0xffff, v12  }
0x832: {  	v12 =	vld.idx.msk [tilespmem:v14+s17+$0x0], $0xffff  }
0x833: {  	v13 =	vor.u32 v4, v15  }
0x834: {  	s5 =	sadd.s32 $0x1, s5;
	v14 =	vadd.s32 s1, v11  }
0x835: {  	_ = 	snop  }
0x836: {  	v11 =	vmov s1  }
0x837: {  	v11 =	vand.u32 $0x3F, v11  }
0x838: {  	v11 =	vbroadcast v11, $0x0  }
0x839: {  	[tilespmem:v13+s18+$0x0] =	vst.idx.msk $0xffff, v12  }
0x83a: {  	v12 =	vld.idx.msk [tilespmem:v14+s17+$0x0], $0xffff;
	v11 =	vor.u32 v4, v11;
	_ =	sdelay $0x4  }
0x83b: {  	[tilespmem:v11+s18+$0x0] =	vst.idx.msk $0xffff, v12  }
0x83c: {  	v11 =	vld [tilespmem:$0xB10];
	_ =	sdelay $0x1  }
0x83d: {  	s5 =	simm.s32 $0x0  }
0x83e: {  	v12 =	vmov s5  }
0x83f: {  	v13 =	vadd.s32 $0x14, v12  }
0x840: {  	v13 =	vbroadcast v13, $0x0;
	v11 =	vmul.u32 $0x28, v11;
	_ =	sdelay $0x1  }
0x841: {  	v13 =	vadd.s32 v11, v13  }
0x842: {  	s5 =	simm.s32 $0x1  }
0x843: {  	v17 =	vmov s5;
	v12 =	vand.u32 $0x1F, v12  }
0x844: {  	v14 =	vadd.s32 $0x14, v17;
	v15 =	vbroadcast v12, $0x0  }
0x845: {  	v18 =	vbroadcast v14, $0x0  }
0x846: {  	v16 =	vor.u32 v5, v15;
	v14 =	vld.idx.msk [tilespmem:v13+s17+$0x0], $0xffff  }
0x847: {  	v15 =	vadd.s32 v11, v18;
	_ =	sdelay $0x1  }
0x848: {  	s5 =	simm.s32 $0x2  }
0x849: {  	s1 =	simm.s32 $0x3;
	v12 =	vld [tilespmem:$0xF10];
	v17 =	vand.u32 $0x1F, v17;
	v13 =	vmov s5  }
.LBB2_102:
0x84a: {  	p0 =	sne.s32 s1, $0x13;
	v18 =	vadd.s32 $0x14, v13;
	v17 =	vbroadcast v17, $0x0;
	[tilespmem:v16+s18+$0x0] =	vst.idx.msk $0xffff, v14  }
0x84b: {  	v18 =	vbroadcast v18, $0x0;
	v14 =	vld.idx.msk [tilespmem:v15+s17+$0x0], $0xffff  }
.Ltmp50:
0x84c: {  	v16 =	vor.u32 v5, v17;
	(pc) =	sbr.rel @p0 .LBB2_102-.Ltmp50, $2  }
0x84d: {  	v15 =	vadd.s32 v11, v18;
	_ =	sdelay $0x2  }
0x84e: {  	v17 =	vand.u32 $0x1F, v13;
	v13 =	vmov s1;
	s1 =	sadd.s32 $0x1, s1  }
0x84f: {  	_ =	sdelay $0x2  }
0x850: {  	v18 =	vadd.s32 $0x14, v13;
	v17 =	vbroadcast v17, $0x0  }
0x851: {  	[tilespmem:v16+s18+$0x0] =	vst.idx.msk $0xffff, v14;
	v14 =	vbroadcast v18, $0x0  }
0x852: {  	v15 =	vld.idx.msk [tilespmem:v15+s17+$0x0], $0xffff;
	v63 =	vor.u32 v5, v17  }
0x853: {  	v14 =	vadd.s32 v11, v14;
	_ =	sdelay $0x1  }
0x854: {  	v11 =	vand.u32 $0x1F, v13  }
0x855: {  	v13 =	vbroadcast v11, $0x0  }
0x856: {  	v11 =	vmul.u32 $0x28, v12;
	[tilespmem:v63+s18+$0x0] =	vst.idx.msk $0xffff, v15  }
0x857: {  	s1 =	simm.s32 $0x0;
	v13 =	vor.u32 v5, v13;
	v12 =	vld.idx.msk [tilespmem:v14+s17+$0x0], $0xffff  }
0x858: {  	v14 =	vadd.s32 s1, v11  }
0x859: {  	v15 =	vmov s1  }
0x85a: {  	v15 =	vand.u32 $0x3F, v15  }
0x85b: {  	v15 =	vbroadcast v15, $0x0  }
0x85c: {  	[tilespmem:v13+s18+$0x0] =	vst.idx.msk $0xffff, v12  }
0x85d: {  	s1 =	simm.s32 $0x1;
	v13 =	vor.u32 v6, v15;
	v12 =	vld.idx.msk [tilespmem:v14+s17+$0x0], $0xffff  }
0x85e: {  	s5 =	simm.s32 $0x2;
	v14 =	vadd.s32 s1, v11  }
.LBB2_104:
0x85f: {  	p0 =	sne.s32 s5, $0x27  }
0x860: {  	v15 =	vmov s1;
	s1 =	smov.u32 s5  }
.Ltmp51:
0x861: {  	v15 =	vand.u32 $0x3F, v15;
	(pc) =	sbr.rel @p0 .LBB2_104-.Ltmp51, $4  }
0x862: {  	v15 =	vbroadcast v15, $0x0;
	[tilespmem:v13+s18+$0x0] =	vst.idx.msk $0xffff, v12  }
0x863: {  	v12 =	vld.idx.msk [tilespmem:v14+s17+$0x0], $0xffff  }
0x864: {  	v13 =	vor.u32 v6, v15  }
0x865: {  	s5 =	sadd.s32 $0x1, s5;
	v14 =	vadd.s32 s1, v11  }
0x866: {  	_ = 	snop  }
0x867: {  	v11 =	vmov s1  }
0x868: {  	v11 =	vand.u32 $0x3F, v11  }
0x869: {  	v11 =	vbroadcast v11, $0x0  }
0x86a: {  	[tilespmem:v13+s18+$0x0] =	vst.idx.msk $0xffff, v12  }
0x86b: {  	v12 =	vld.idx.msk [tilespmem:v14+s17+$0x0], $0xffff;
	v11 =	vor.u32 v6, v11;
	_ =	sdelay $0x4  }
0x86c: {  	[tilespmem:v11+s18+$0x0] =	vst.idx.msk $0xffff, v12  }
0x86d: {  	v11 =	vld [tilespmem:$0xB20];
	_ =	sdelay $0x1  }
0x86e: {  	s5 =	simm.s32 $0x0  }
0x86f: {  	v12 =	vmov s5  }
0x870: {  	v13 =	vadd.s32 $0x14, v12  }
0x871: {  	v13 =	vbroadcast v13, $0x0;
	v11 =	vmul.u32 $0x28, v11;
	_ =	sdelay $0x1  }
0x872: {  	v13 =	vadd.s32 v11, v13  }
0x873: {  	s5 =	simm.s32 $0x1  }
0x874: {  	v17 =	vmov s5;
	v12 =	vand.u32 $0x1F, v12  }
0x875: {  	v14 =	vadd.s32 $0x14, v17;
	v15 =	vbroadcast v12, $0x0  }
0x876: {  	v18 =	vbroadcast v14, $0x0  }
0x877: {  	v16 =	vor.u32 v7, v15;
	v14 =	vld.idx.msk [tilespmem:v13+s17+$0x0], $0xffff  }
0x878: {  	v15 =	vadd.s32 v11, v18;
	_ =	sdelay $0x1  }
0x879: {  	s5 =	simm.s32 $0x2  }
0x87a: {  	s1 =	simm.s32 $0x3;
	v12 =	vld [tilespmem:$0xF20];
	v17 =	vand.u32 $0x1F, v17;
	v13 =	vmov s5  }
.LBB2_106:
0x87b: {  	p0 =	sne.s32 s1, $0x13;
	v18 =	vadd.s32 $0x14, v13;
	v17 =	vbroadcast v17, $0x0;
	[tilespmem:v16+s18+$0x0] =	vst.idx.msk $0xffff, v14  }
0x87c: {  	v18 =	vbroadcast v18, $0x0;
	v14 =	vld.idx.msk [tilespmem:v15+s17+$0x0], $0xffff  }
.Ltmp52:
0x87d: {  	v16 =	vor.u32 v7, v17;
	(pc) =	sbr.rel @p0 .LBB2_106-.Ltmp52, $2  }
0x87e: {  	v15 =	vadd.s32 v11, v18;
	_ =	sdelay $0x2  }
0x87f: {  	v17 =	vand.u32 $0x1F, v13;
	v13 =	vmov s1;
	s1 =	sadd.s32 $0x1, s1  }
0x880: {  	_ =	sdelay $0x2  }
0x881: {  	v18 =	vadd.s32 $0x14, v13;
	v17 =	vbroadcast v17, $0x0  }
0x882: {  	[tilespmem:v16+s18+$0x0] =	vst.idx.msk $0xffff, v14;
	v14 =	vbroadcast v18, $0x0  }
0x883: {  	v15 =	vld.idx.msk [tilespmem:v15+s17+$0x0], $0xffff;
	v63 =	vor.u32 v7, v17  }
0x884: {  	v14 =	vadd.s32 v11, v14;
	_ =	sdelay $0x1  }
0x885: {  	v11 =	vand.u32 $0x1F, v13  }
0x886: {  	v13 =	vbroadcast v11, $0x0  }
0x887: {  	v11 =	vmul.u32 $0x28, v12;
	[tilespmem:v63+s18+$0x0] =	vst.idx.msk $0xffff, v15  }
0x888: {  	s1 =	simm.s32 $0x0;
	v13 =	vor.u32 v7, v13;
	v12 =	vld.idx.msk [tilespmem:v14+s17+$0x0], $0xffff  }
0x889: {  	v14 =	vadd.s32 s1, v11  }
0x88a: {  	v15 =	vmov s1  }
0x88b: {  	v15 =	vand.u32 $0x3F, v15  }
0x88c: {  	v15 =	vbroadcast v15, $0x0  }
0x88d: {  	[tilespmem:v13+s18+$0x0] =	vst.idx.msk $0xffff, v12  }
0x88e: {  	s1 =	simm.s32 $0x1;
	v13 =	vor.u32 v8, v15;
	v12 =	vld.idx.msk [tilespmem:v14+s17+$0x0], $0xffff  }
0x88f: {  	s5 =	simm.s32 $0x2;
	v14 =	vadd.s32 s1, v11  }
.LBB2_108:
0x890: {  	p0 =	sne.s32 s5, $0x27  }
0x891: {  	v15 =	vmov s1;
	s1 =	smov.u32 s5  }
.Ltmp53:
0x892: {  	v15 =	vand.u32 $0x3F, v15;
	(pc) =	sbr.rel @p0 .LBB2_108-.Ltmp53, $4  }
0x893: {  	v15 =	vbroadcast v15, $0x0;
	[tilespmem:v13+s18+$0x0] =	vst.idx.msk $0xffff, v12  }
0x894: {  	v12 =	vld.idx.msk [tilespmem:v14+s17+$0x0], $0xffff  }
0x895: {  	v13 =	vor.u32 v8, v15  }
0x896: {  	s5 =	sadd.s32 $0x1, s5;
	v14 =	vadd.s32 s1, v11  }
0x897: {  	_ = 	snop  }
0x898: {  	v11 =	vmov s1  }
0x899: {  	v11 =	vand.u32 $0x3F, v11  }
0x89a: {  	v11 =	vbroadcast v11, $0x0  }
0x89b: {  	[tilespmem:v13+s18+$0x0] =	vst.idx.msk $0xffff, v12  }
0x89c: {  	v12 =	vld.idx.msk [tilespmem:v14+s17+$0x0], $0xffff;
	v11 =	vor.u32 v8, v11;
	_ =	sdelay $0x4  }
0x89d: {  	[tilespmem:v11+s18+$0x0] =	vst.idx.msk $0xffff, v12  }
0x89e: {  	v11 =	vld [tilespmem:$0xB30];
	_ =	sdelay $0x1  }
0x89f: {  	s5 =	simm.s32 $0x0  }
0x8a0: {  	v12 =	vmov s5  }
0x8a1: {  	v13 =	vadd.s32 $0x14, v12  }
0x8a2: {  	v13 =	vbroadcast v13, $0x0;
	v11 =	vmul.u32 $0x28, v11;
	_ =	sdelay $0x1  }
0x8a3: {  	v13 =	vadd.s32 v11, v13  }
0x8a4: {  	s5 =	simm.s32 $0x1  }
0x8a5: {  	v17 =	vmov s5;
	v12 =	vand.u32 $0x1F, v12  }
0x8a6: {  	v14 =	vadd.s32 $0x14, v17;
	v15 =	vbroadcast v12, $0x0  }
0x8a7: {  	v18 =	vbroadcast v14, $0x0  }
0x8a8: {  	v16 =	vor.u32 v9, v15;
	v14 =	vld.idx.msk [tilespmem:v13+s17+$0x0], $0xffff  }
0x8a9: {  	v15 =	vadd.s32 v11, v18;
	_ =	sdelay $0x1  }
0x8aa: {  	s5 =	simm.s32 $0x2  }
0x8ab: {  	s1 =	simm.s32 $0x3;
	v12 =	vld [tilespmem:$0xF30];
	v17 =	vand.u32 $0x1F, v17;
	v13 =	vmov s5  }
.LBB2_110:
0x8ac: {  	p0 =	sne.s32 s1, $0x13;
	v18 =	vadd.s32 $0x14, v13;
	v17 =	vbroadcast v17, $0x0;
	[tilespmem:v16+s18+$0x0] =	vst.idx.msk $0xffff, v14  }
0x8ad: {  	v18 =	vbroadcast v18, $0x0;
	v14 =	vld.idx.msk [tilespmem:v15+s17+$0x0], $0xffff  }
.Ltmp54:
0x8ae: {  	v16 =	vor.u32 v9, v17;
	(pc) =	sbr.rel @p0 .LBB2_110-.Ltmp54, $2  }
0x8af: {  	v15 =	vadd.s32 v11, v18;
	_ =	sdelay $0x2  }
0x8b0: {  	v17 =	vand.u32 $0x1F, v13;
	v13 =	vmov s1;
	s1 =	sadd.s32 $0x1, s1  }
0x8b1: {  	_ =	sdelay $0x2  }
0x8b2: {  	v18 =	vadd.s32 $0x14, v13;
	v17 =	vbroadcast v17, $0x0  }
0x8b3: {  	[tilespmem:v16+s18+$0x0] =	vst.idx.msk $0xffff, v14;
	v14 =	vbroadcast v18, $0x0  }
0x8b4: {  	v15 =	vld.idx.msk [tilespmem:v15+s17+$0x0], $0xffff;
	v63 =	vor.u32 v9, v17  }
0x8b5: {  	v14 =	vadd.s32 v11, v14;
	_ =	sdelay $0x1  }
0x8b6: {  	v11 =	vand.u32 $0x1F, v13  }
0x8b7: {  	v13 =	vbroadcast v11, $0x0  }
0x8b8: {  	v11 =	vmul.u32 $0x28, v12;
	[tilespmem:v63+s18+$0x0] =	vst.idx.msk $0xffff, v15  }
0x8b9: {  	s1 =	simm.s32 $0x0;
	v13 =	vor.u32 v9, v13;
	v12 =	vld.idx.msk [tilespmem:v14+s17+$0x0], $0xffff  }
0x8ba: {  	v14 =	vadd.s32 s1, v11  }
0x8bb: {  	v15 =	vmov s1  }
0x8bc: {  	v15 =	vand.u32 $0x3F, v15  }
0x8bd: {  	v15 =	vbroadcast v15, $0x0  }
0x8be: {  	[tilespmem:v13+s18+$0x0] =	vst.idx.msk $0xffff, v12  }
0x8bf: {  	s1 =	simm.s32 $0x1;
	v13 =	vor.u32 v10, v15;
	v12 =	vld.idx.msk [tilespmem:v14+s17+$0x0], $0xffff  }
0x8c0: {  	s5 =	simm.s32 $0x2;
	v14 =	vadd.s32 s1, v11  }
.LBB2_112:
0x8c1: {  	p0 =	sne.s32 s5, $0x27  }
0x8c2: {  	v15 =	vmov s1;
	s1 =	smov.u32 s5  }
.Ltmp55:
0x8c3: {  	v15 =	vand.u32 $0x3F, v15;
	(pc) =	sbr.rel @p0 .LBB2_112-.Ltmp55, $4  }
0x8c4: {  	v15 =	vbroadcast v15, $0x0;
	[tilespmem:v13+s18+$0x0] =	vst.idx.msk $0xffff, v12  }
0x8c5: {  	v12 =	vld.idx.msk [tilespmem:v14+s17+$0x0], $0xffff  }
0x8c6: {  	v13 =	vor.u32 v10, v15  }
0x8c7: {  	s5 =	sadd.s32 $0x1, s5;
	v14 =	vadd.s32 s1, v11  }
0x8c8: {  	_ = 	snop  }
0x8c9: {  	v11 =	vmov s1  }
0x8ca: {  	v11 =	vand.u32 $0x3F, v11  }
0x8cb: {  	v11 =	vbroadcast v11, $0x0  }
0x8cc: {  	[tilespmem:v13+s18+$0x0] =	vst.idx.msk $0xffff, v12  }
0x8cd: {  	v12 =	vld.idx.msk [tilespmem:v14+s17+$0x0], $0xffff;
	v11 =	vor.u32 v10, v11;
	_ =	sdelay $0x4  }
0x8ce: {  	s1 =	simm.s32 $0x0;
	s5 =	rddreg [dreg:$0xd];
	[tilespmem:v11+s18+$0x0] =	vst.idx.msk $0xffff, v12  }
0x8cf: {  	[hbm4b:s5+s1] =	stream.linear.scatter [tilespmem:s18], [sflag:$0x5], $0xA000, $0x38;
	[tilespmem:$0x1F000] =	vst v63  }
0x8d0: {  	_ =	swait.ge [sflag:s29], $0x4000  }
0x8d1: {  	[sflag:s29] =	ssyncset.done $0x0  }
0x8d2: {  	[sflag:s29] =	ssyncadd.s32 $0xFFFFC000  }
0x8d3: {  	_ =	swait.ge [sflag:s30], $0x4000  }
0x8d4: {  	[sflag:s30] =	ssyncset.done $0x0  }
0x8d5: {  	[sflag:s30] =	ssyncadd.s32 $0xFFFFC000  }
0x8d6: {  	v11 =	vld [tilespmem:$0xB80];
	_ =	sdelay $0x2  }
0x8d7: {  	v12 =	vmov s1  }
0x8d8: {  	v13 =	vadd.s32 $0x14, v12  }
0x8d9: {  	v13 =	vbroadcast v13, $0x0;
	v11 =	vmul.u32 $0x28, v11;
	_ =	sdelay $0x1  }
0x8da: {  	v13 =	vadd.s32 v11, v13  }
0x8db: {  	s5 =	simm.s32 $0x1  }
0x8dc: {  	v12 =	vand.u32 $0x1F, v12;
	v17 =	vmov s5  }
0x8dd: {  	v15 =	vbroadcast v12, $0x0;
	v14 =	vadd.s32 $0x14, v17  }
0x8de: {  	v18 =	vbroadcast v14, $0x0  }
0x8df: {  	v16 =	vor.u32 v3, v15;
	v14 =	vld.idx.msk [tilespmem:v13+s17+$0x0], $0xffff  }
0x8e0: {  	v15 =	vadd.s32 v11, v18;
	_ =	sdelay $0x1  }
0x8e1: {  	s5 =	simm.s32 $0x2  }
0x8e2: {  	s1 =	simm.s32 $0x3;
	v17 =	vand.u32 $0x1F, v17;
	v12 =	vld [tilespmem:$0xF80];
	v13 =	vmov s5  }
.LBB2_114:
0x8e3: {  	p0 =	sne.s32 s1, $0x13;
	v18 =	vadd.s32 $0x14, v13;
	v17 =	vbroadcast v17, $0x0;
	[tilespmem:v16+s7+$0x0] =	vst.idx.msk $0xffff, v14  }
0x8e4: {  	v18 =	vbroadcast v18, $0x0;
	v14 =	vld.idx.msk [tilespmem:v15+s17+$0x0], $0xffff  }
.Ltmp56:
0x8e5: {  	v16 =	vor.u32 v3, v17;
	(pc) =	sbr.rel @p0 .LBB2_114-.Ltmp56, $2  }
0x8e6: {  	v15 =	vadd.s32 v11, v18;
	_ =	sdelay $0x2  }
0x8e7: {  	v17 =	vand.u32 $0x1F, v13;
	v13 =	vmov s1;
	s1 =	sadd.s32 $0x1, s1  }
0x8e8: {  	_ =	sdelay $0x2  }
0x8e9: {  	v18 =	vadd.s32 $0x14, v13;
	v17 =	vbroadcast v17, $0x0  }
0x8ea: {  	[tilespmem:v16+s7+$0x0] =	vst.idx.msk $0xffff, v14;
	v14 =	vbroadcast v18, $0x0  }
0x8eb: {  	v15 =	vld.idx.msk [tilespmem:v15+s17+$0x0], $0xffff;
	v63 =	vor.u32 v3, v17  }
0x8ec: {  	v14 =	vadd.s32 v11, v14;
	_ =	sdelay $0x1  }
0x8ed: {  	v11 =	vand.u32 $0x1F, v13  }
0x8ee: {  	v13 =	vbroadcast v11, $0x0  }
0x8ef: {  	v11 =	vmul.u32 $0x28, v12;
	[tilespmem:v63+s7+$0x0] =	vst.idx.msk $0xffff, v15  }
0x8f0: {  	s1 =	simm.s32 $0x0;
	v13 =	vor.u32 v3, v13;
	v12 =	vld.idx.msk [tilespmem:v14+s17+$0x0], $0xffff  }
0x8f1: {  	v14 =	vadd.s32 s1, v11  }
0x8f2: {  	v15 =	vmov s1  }
0x8f3: {  	v15 =	vand.u32 $0x3F, v15  }
0x8f4: {  	v15 =	vbroadcast v15, $0x0  }
0x8f5: {  	[tilespmem:v13+s7+$0x0] =	vst.idx.msk $0xffff, v12  }
0x8f6: {  	s1 =	simm.s32 $0x1;
	v13 =	vor.u32 v4, v15;
	v12 =	vld.idx.msk [tilespmem:v14+s17+$0x0], $0xffff  }
0x8f7: {  	s5 =	simm.s32 $0x2;
	v14 =	vadd.s32 s1, v11  }
.LBB2_116:
0x8f8: {  	p0 =	sne.s32 s5, $0x27  }
0x8f9: {  	v15 =	vmov s1;
	s1 =	smov.u32 s5  }
.Ltmp57:
0x8fa: {  	v15 =	vand.u32 $0x3F, v15;
	(pc) =	sbr.rel @p0 .LBB2_116-.Ltmp57, $4  }
0x8fb: {  	v15 =	vbroadcast v15, $0x0;
	[tilespmem:v13+s7+$0x0] =	vst.idx.msk $0xffff, v12  }
0x8fc: {  	v12 =	vld.idx.msk [tilespmem:v14+s17+$0x0], $0xffff  }
0x8fd: {  	v13 =	vor.u32 v4, v15  }
0x8fe: {  	s5 =	sadd.s32 $0x1, s5;
	v14 =	vadd.s32 s1, v11  }
0x8ff: {  	_ = 	snop  }
0x900: {  	v11 =	vmov s1  }
0x901: {  	v11 =	vand.u32 $0x3F, v11  }
0x902: {  	v11 =	vbroadcast v11, $0x0  }
0x903: {  	[tilespmem:v13+s7+$0x0] =	vst.idx.msk $0xffff, v12  }
0x904: {  	v12 =	vld.idx.msk [tilespmem:v14+s17+$0x0], $0xffff;
	v11 =	vor.u32 v4, v11;
	_ =	sdelay $0x4  }
0x905: {  	[tilespmem:v11+s7+$0x0] =	vst.idx.msk $0xffff, v12  }
0x906: {  	v11 =	vld [tilespmem:$0xB90];
	_ =	sdelay $0x1  }
0x907: {  	s5 =	simm.s32 $0x0  }
0x908: {  	v12 =	vmov s5  }
0x909: {  	v13 =	vadd.s32 $0x14, v12  }
0x90a: {  	v13 =	vbroadcast v13, $0x0;
	v11 =	vmul.u32 $0x28, v11;
	_ =	sdelay $0x1  }
0x90b: {  	v13 =	vadd.s32 v11, v13  }
0x90c: {  	s5 =	simm.s32 $0x1  }
0x90d: {  	v17 =	vmov s5;
	v12 =	vand.u32 $0x1F, v12  }
0x90e: {  	v14 =	vadd.s32 $0x14, v17;
	v15 =	vbroadcast v12, $0x0  }
0x90f: {  	v18 =	vbroadcast v14, $0x0  }
0x910: {  	v16 =	vor.u32 v5, v15;
	v14 =	vld.idx.msk [tilespmem:v13+s17+$0x0], $0xffff  }
0x911: {  	v15 =	vadd.s32 v11, v18;
	_ =	sdelay $0x1  }
0x912: {  	s5 =	simm.s32 $0x2  }
0x913: {  	s1 =	simm.s32 $0x3;
	v12 =	vld [tilespmem:$0xF90];
	v17 =	vand.u32 $0x1F, v17;
	v13 =	vmov s5  }
.LBB2_118:
0x914: {  	p0 =	sne.s32 s1, $0x13;
	v18 =	vadd.s32 $0x14, v13;
	v17 =	vbroadcast v17, $0x0;
	[tilespmem:v16+s7+$0x0] =	vst.idx.msk $0xffff, v14  }
0x915: {  	v18 =	vbroadcast v18, $0x0;
	v14 =	vld.idx.msk [tilespmem:v15+s17+$0x0], $0xffff  }
.Ltmp58:
0x916: {  	v16 =	vor.u32 v5, v17;
	(pc) =	sbr.rel @p0 .LBB2_118-.Ltmp58, $2  }
0x917: {  	v15 =	vadd.s32 v11, v18;
	_ =	sdelay $0x2  }
0x918: {  	v17 =	vand.u32 $0x1F, v13;
	v13 =	vmov s1;
	s1 =	sadd.s32 $0x1, s1  }
0x919: {  	_ =	sdelay $0x2  }
0x91a: {  	v18 =	vadd.s32 $0x14, v13;
	v17 =	vbroadcast v17, $0x0  }
0x91b: {  	[tilespmem:v16+s7+$0x0] =	vst.idx.msk $0xffff, v14;
	v14 =	vbroadcast v18, $0x0  }
0x91c: {  	v15 =	vld.idx.msk [tilespmem:v15+s17+$0x0], $0xffff;
	v63 =	vor.u32 v5, v17  }
0x91d: {  	v14 =	vadd.s32 v11, v14;
	_ =	sdelay $0x1  }
0x91e: {  	v11 =	vand.u32 $0x1F, v13  }
0x91f: {  	v13 =	vbroadcast v11, $0x0  }
0x920: {  	v11 =	vmul.u32 $0x28, v12;
	[tilespmem:v63+s7+$0x0] =	vst.idx.msk $0xffff, v15  }
0x921: {  	s1 =	simm.s32 $0x0;
	v13 =	vor.u32 v5, v13;
	v12 =	vld.idx.msk [tilespmem:v14+s17+$0x0], $0xffff  }
0x922: {  	v14 =	vadd.s32 s1, v11  }
0x923: {  	v15 =	vmov s1  }
0x924: {  	v15 =	vand.u32 $0x3F, v15  }
0x925: {  	v15 =	vbroadcast v15, $0x0  }
0x926: {  	[tilespmem:v13+s7+$0x0] =	vst.idx.msk $0xffff, v12  }
0x927: {  	s1 =	simm.s32 $0x1;
	v13 =	vor.u32 v6, v15;
	v12 =	vld.idx.msk [tilespmem:v14+s17+$0x0], $0xffff  }
0x928: {  	s5 =	simm.s32 $0x2;
	v14 =	vadd.s32 s1, v11  }
.LBB2_120:
0x929: {  	p0 =	sne.s32 s5, $0x27  }
0x92a: {  	v15 =	vmov s1;
	s1 =	smov.u32 s5  }
.Ltmp59:
0x92b: {  	v15 =	vand.u32 $0x3F, v15;
	(pc) =	sbr.rel @p0 .LBB2_120-.Ltmp59, $4  }
0x92c: {  	v15 =	vbroadcast v15, $0x0;
	[tilespmem:v13+s7+$0x0] =	vst.idx.msk $0xffff, v12  }
0x92d: {  	v12 =	vld.idx.msk [tilespmem:v14+s17+$0x0], $0xffff  }
0x92e: {  	v13 =	vor.u32 v6, v15  }
0x92f: {  	s5 =	sadd.s32 $0x1, s5;
	v14 =	vadd.s32 s1, v11  }
0x930: {  	_ = 	snop  }
0x931: {  	v11 =	vmov s1  }
0x932: {  	v11 =	vand.u32 $0x3F, v11  }
0x933: {  	v11 =	vbroadcast v11, $0x0  }
0x934: {  	[tilespmem:v13+s7+$0x0] =	vst.idx.msk $0xffff, v12  }
0x935: {  	v12 =	vld.idx.msk [tilespmem:v14+s17+$0x0], $0xffff;
	v11 =	vor.u32 v6, v11;
	_ =	sdelay $0x4  }
0x936: {  	[tilespmem:v11+s7+$0x0] =	vst.idx.msk $0xffff, v12  }
0x937: {  	v11 =	vld [tilespmem:$0xBA0];
	_ =	sdelay $0x1  }
0x938: {  	s5 =	simm.s32 $0x0  }
0x939: {  	v12 =	vmov s5  }
0x93a: {  	v13 =	vadd.s32 $0x14, v12  }
0x93b: {  	v13 =	vbroadcast v13, $0x0;
	v11 =	vmul.u32 $0x28, v11;
	_ =	sdelay $0x1  }
0x93c: {  	v13 =	vadd.s32 v11, v13  }
0x93d: {  	s5 =	simm.s32 $0x1  }
0x93e: {  	v17 =	vmov s5;
	v12 =	vand.u32 $0x1F, v12  }
0x93f: {  	v14 =	vadd.s32 $0x14, v17;
	v15 =	vbroadcast v12, $0x0  }
0x940: {  	v18 =	vbroadcast v14, $0x0  }
0x941: {  	v16 =	vor.u32 v7, v15;
	v14 =	vld.idx.msk [tilespmem:v13+s17+$0x0], $0xffff  }
0x942: {  	v15 =	vadd.s32 v11, v18;
	_ =	sdelay $0x1  }
0x943: {  	s5 =	simm.s32 $0x2  }
0x944: {  	s1 =	simm.s32 $0x3;
	v12 =	vld [tilespmem:$0xFA0];
	v17 =	vand.u32 $0x1F, v17;
	v13 =	vmov s5  }
.LBB2_122:
0x945: {  	p0 =	sne.s32 s1, $0x13;
	v18 =	vadd.s32 $0x14, v13;
	v17 =	vbroadcast v17, $0x0;
	[tilespmem:v16+s7+$0x0] =	vst.idx.msk $0xffff, v14  }
0x946: {  	v18 =	vbroadcast v18, $0x0;
	v14 =	vld.idx.msk [tilespmem:v15+s17+$0x0], $0xffff  }
.Ltmp60:
0x947: {  	v16 =	vor.u32 v7, v17;
	(pc) =	sbr.rel @p0 .LBB2_122-.Ltmp60, $2  }
0x948: {  	v15 =	vadd.s32 v11, v18;
	_ =	sdelay $0x2  }
0x949: {  	v17 =	vand.u32 $0x1F, v13;
	v13 =	vmov s1;
	s1 =	sadd.s32 $0x1, s1  }
0x94a: {  	_ =	sdelay $0x2  }
0x94b: {  	v18 =	vadd.s32 $0x14, v13;
	v17 =	vbroadcast v17, $0x0  }
0x94c: {  	[tilespmem:v16+s7+$0x0] =	vst.idx.msk $0xffff, v14;
	v14 =	vbroadcast v18, $0x0  }
0x94d: {  	v15 =	vld.idx.msk [tilespmem:v15+s17+$0x0], $0xffff;
	v63 =	vor.u32 v7, v17  }
0x94e: {  	v14 =	vadd.s32 v11, v14;
	_ =	sdelay $0x1  }
0x94f: {  	v11 =	vand.u32 $0x1F, v13  }
0x950: {  	v13 =	vbroadcast v11, $0x0  }
0x951: {  	v11 =	vmul.u32 $0x28, v12;
	[tilespmem:v63+s7+$0x0] =	vst.idx.msk $0xffff, v15  }
0x952: {  	s1 =	simm.s32 $0x0;
	v13 =	vor.u32 v7, v13;
	v12 =	vld.idx.msk [tilespmem:v14+s17+$0x0], $0xffff  }
0x953: {  	v14 =	vadd.s32 s1, v11  }
0x954: {  	v15 =	vmov s1  }
0x955: {  	v15 =	vand.u32 $0x3F, v15  }
0x956: {  	v15 =	vbroadcast v15, $0x0  }
0x957: {  	[tilespmem:v13+s7+$0x0] =	vst.idx.msk $0xffff, v12  }
0x958: {  	s1 =	simm.s32 $0x1;
	v13 =	vor.u32 v8, v15;
	v12 =	vld.idx.msk [tilespmem:v14+s17+$0x0], $0xffff  }
0x959: {  	s5 =	simm.s32 $0x2;
	v14 =	vadd.s32 s1, v11  }
.LBB2_124:
0x95a: {  	p0 =	sne.s32 s5, $0x27  }
0x95b: {  	v15 =	vmov s1;
	s1 =	smov.u32 s5  }
.Ltmp61:
0x95c: {  	v15 =	vand.u32 $0x3F, v15;
	(pc) =	sbr.rel @p0 .LBB2_124-.Ltmp61, $4  }
0x95d: {  	v15 =	vbroadcast v15, $0x0;
	[tilespmem:v13+s7+$0x0] =	vst.idx.msk $0xffff, v12  }
0x95e: {  	v12 =	vld.idx.msk [tilespmem:v14+s17+$0x0], $0xffff  }
0x95f: {  	v13 =	vor.u32 v8, v15  }
0x960: {  	s5 =	sadd.s32 $0x1, s5;
	v14 =	vadd.s32 s1, v11  }
0x961: {  	_ = 	snop  }
0x962: {  	v11 =	vmov s1  }
0x963: {  	v11 =	vand.u32 $0x3F, v11  }
0x964: {  	v11 =	vbroadcast v11, $0x0  }
0x965: {  	[tilespmem:v13+s7+$0x0] =	vst.idx.msk $0xffff, v12  }
0x966: {  	v12 =	vld.idx.msk [tilespmem:v14+s17+$0x0], $0xffff;
	v11 =	vor.u32 v8, v11;
	_ =	sdelay $0x4  }
0x967: {  	[tilespmem:v11+s7+$0x0] =	vst.idx.msk $0xffff, v12  }
0x968: {  	v11 =	vld [tilespmem:$0xBB0];
	_ =	sdelay $0x1  }
0x969: {  	s5 =	simm.s32 $0x0  }
0x96a: {  	v12 =	vmov s5  }
0x96b: {  	v13 =	vadd.s32 $0x14, v12  }
0x96c: {  	v13 =	vbroadcast v13, $0x0;
	v11 =	vmul.u32 $0x28, v11;
	_ =	sdelay $0x1  }
0x96d: {  	v13 =	vadd.s32 v11, v13  }
0x96e: {  	s5 =	simm.s32 $0x1  }
0x96f: {  	v17 =	vmov s5;
	v12 =	vand.u32 $0x1F, v12  }
0x970: {  	v14 =	vadd.s32 $0x14, v17;
	v15 =	vbroadcast v12, $0x0  }
0x971: {  	v18 =	vbroadcast v14, $0x0  }
0x972: {  	v16 =	vor.u32 v9, v15;
	v14 =	vld.idx.msk [tilespmem:v13+s17+$0x0], $0xffff  }
0x973: {  	v15 =	vadd.s32 v11, v18;
	_ =	sdelay $0x1  }
0x974: {  	s5 =	simm.s32 $0x2  }
0x975: {  	s1 =	simm.s32 $0x3;
	v12 =	vld [tilespmem:$0xFB0];
	v17 =	vand.u32 $0x1F, v17;
	v13 =	vmov s5  }
.LBB2_126:
0x976: {  	p0 =	sne.s32 s1, $0x13;
	v18 =	vadd.s32 $0x14, v13;
	v17 =	vbroadcast v17, $0x0;
	[tilespmem:v16+s7+$0x0] =	vst.idx.msk $0xffff, v14  }
0x977: {  	v18 =	vbroadcast v18, $0x0;
	v14 =	vld.idx.msk [tilespmem:v15+s17+$0x0], $0xffff  }
.Ltmp62:
0x978: {  	v16 =	vor.u32 v9, v17;
	(pc) =	sbr.rel @p0 .LBB2_126-.Ltmp62, $2  }
0x979: {  	v15 =	vadd.s32 v11, v18;
	_ =	sdelay $0x2  }
0x97a: {  	v17 =	vand.u32 $0x1F, v13;
	v13 =	vmov s1;
	s1 =	sadd.s32 $0x1, s1  }
0x97b: {  	_ =	sdelay $0x2  }
0x97c: {  	v18 =	vadd.s32 $0x14, v13;
	v17 =	vbroadcast v17, $0x0  }
0x97d: {  	[tilespmem:v16+s7+$0x0] =	vst.idx.msk $0xffff, v14;
	v14 =	vbroadcast v18, $0x0  }
0x97e: {  	v15 =	vld.idx.msk [tilespmem:v15+s17+$0x0], $0xffff;
	v63 =	vor.u32 v9, v17  }
0x97f: {  	v14 =	vadd.s32 v11, v14;
	_ =	sdelay $0x1  }
0x980: {  	v11 =	vand.u32 $0x1F, v13  }
0x981: {  	v13 =	vbroadcast v11, $0x0  }
0x982: {  	v11 =	vmul.u32 $0x28, v12;
	[tilespmem:v63+s7+$0x0] =	vst.idx.msk $0xffff, v15  }
0x983: {  	s1 =	simm.s32 $0x0;
	v13 =	vor.u32 v9, v13;
	v12 =	vld.idx.msk [tilespmem:v14+s17+$0x0], $0xffff  }
0x984: {  	v14 =	vadd.s32 s1, v11  }
0x985: {  	v15 =	vmov s1  }
0x986: {  	v15 =	vand.u32 $0x3F, v15  }
0x987: {  	v15 =	vbroadcast v15, $0x0  }
0x988: {  	[tilespmem:v13+s7+$0x0] =	vst.idx.msk $0xffff, v12  }
0x989: {  	s1 =	simm.s32 $0x1;
	v13 =	vor.u32 v10, v15;
	v12 =	vld.idx.msk [tilespmem:v14+s17+$0x0], $0xffff  }
0x98a: {  	s5 =	simm.s32 $0x2;
	v14 =	vadd.s32 s1, v11  }
.LBB2_128:
0x98b: {  	p0 =	sne.s32 s5, $0x27  }
0x98c: {  	v15 =	vmov s1;
	s1 =	smov.u32 s5  }
.Ltmp63:
0x98d: {  	v15 =	vand.u32 $0x3F, v15;
	(pc) =	sbr.rel @p0 .LBB2_128-.Ltmp63, $4  }
0x98e: {  	v15 =	vbroadcast v15, $0x0;
	[tilespmem:v13+s7+$0x0] =	vst.idx.msk $0xffff, v12  }
0x98f: {  	v12 =	vld.idx.msk [tilespmem:v14+s17+$0x0], $0xffff  }
0x990: {  	v13 =	vor.u32 v10, v15  }
0x991: {  	s5 =	sadd.s32 $0x1, s5;
	v14 =	vadd.s32 s1, v11  }
0x992: {  	_ = 	snop  }
0x993: {  	v11 =	vmov s1  }
0x994: {  	v11 =	vand.u32 $0x3F, v11  }
0x995: {  	v11 =	vbroadcast v11, $0x0  }
0x996: {  	[tilespmem:v13+s7+$0x0] =	vst.idx.msk $0xffff, v12  }
0x997: {  	v12 =	vld.idx.msk [tilespmem:v14+s17+$0x0], $0xffff;
	v11 =	vor.u32 v10, v11;
	_ =	sdelay $0x4  }
0x998: {  	s5 =	rddreg [dreg:$0xe];
	[tilespmem:v11+s7+$0x0] =	vst.idx.msk $0xffff, v12  }
0x999: {  	[hbm4b:s5+s4] =	stream.linear.scatter [tilespmem:s7], [sflag:$0x6], $0xA000, $0x38;
	[tilespmem:$0x1F000] =	vst v63  }
0x99a: {  	_ =	swait.ge [sflag:s28], $0xA000  }
0x99b: {  	[sflag:s28] =	ssyncset.done $0x0  }
0x99c: {  	[sflag:s28] =	ssyncadd.s32 $0xFFFF6000  }
0x99d: {  	_ =	swait.ge [sflag:s31], $0xA000  }
0x99e: {  	s3 =	sadd.s32 $0x1, s3;
	s5 =	rddreg [dreg:$0xf]  }
0x99f: {  	p0 =	sne.s32 s3, s5  }
.Ltmp64:
0x9a0: {  	_ = 	snop;
	(pc) =	sbr.rel @p0 .LBB2_1-.Ltmp64, $3  }
0x9a1: {  	_ =	sdelay $0x1  }
0x9a2: {  	[sflag:s31] =	ssyncset.done $0x0  }
0x9a3: {  	[sflag:s31] =	ssyncadd.s32 $0xFFFF6000  }
0x9a4: {  	_ =	sfence.sel $0x180000  }
0x9a5: {  	[bflag:$0x0] =	sbarrier.arrive $0xFFFF  }
0x9a6: {  	_ =	strace $0x90000047  }
0x9a7: {  	s0 =	stileid.u32;
	[bflag:$0x2] =	sbarrier.arrive $0xFFFF  }
0x9a8: {  	p0 =	sne.s32 s0, $0x0;
	s0 =	rddreg [dreg:$0x4]  }
0x9a9: {  	s0 =	sadd.s32 @!p0 $0x100000, s0  }
0x9aa: {  	[sflag:s0] =	ssyncadd.tile.s32 @!p0 $0x1;
	_ =	shalt  }
.Lfunc_end2:
_tile_overlayer_lowered:
.L_overlay_start_2:
0x9ab: {  	(tag) =	ssettag $0x2  }
0x9ac: {  	s0 =	rddreg [dreg:$0x0];
	s2 =	stileid.u32  }
0x9ad: {  	s1 =	rddreg [dreg:$0x1];
	p0 =	sne.s32 s2, $0x0  }
0x9ae: {  	s3 =	rddreg [dreg:$0x2];
	[bflag:$0x3] =	sbarrier.arrive $0xFFFF;
	s2 =	simm.s32 @!p0 $0x1C07  }
0x9af: {  	[timem:s3], [sflag:s2] =	dma.local @!p0 [hbm:s0], s1  }
0x9b0: {  	s0 =	simm.s32 @!p0 $0x7  }
0x9b1: {  	_ =	swait.ge @!p0 [sflag:s0], s1  }
0x9b2: {  	s1 =	ssub.s32 @!p0 $0x0, s1;
	[sflag:s0] =	ssyncset.done @!p0 $0x0  }
0x9b3: {  	[sflag:s0] =	ssyncadd.s32 @!p0 s1  }
0x9b4: {  	[bflag:$0x3] =	sbarrier.arrive $0xFFFF  }
0x9b5: {  	_ =	shalt  }

</sc_bundles>
